<compile_context>
chip_gen: v7x
topology: tpu7x:2x2x1
jax: 0.10.2.dev20260603
libtpu: 0.0.44.dev20260713+nightly
codegen_flags: <defaults>
</compile_context>

<pallas_src>
import functools

import jax
import jax.numpy as jnp
from jax import lax
from jax.experimental import pallas as pl
from jax.experimental.pallas import tpu as pltpu
from jax.experimental.pallas import tpu_sc as plsc


def _sc_neighbor_gather(s_flat, e_flat, n_states):
    total = e_flat.shape[0]
    n_workers = 32
    per_tile = total // n_workers
    full, tail = divmod(per_tile, 16)
    pt_pad = (full + (1 if tail else 0)) * 16
    mesh = plsc.VectorSubcoreMesh(core_axis_name="c", subcore_axis_name="s")

    @functools.partial(
        pl.kernel,
        mesh=mesh,
        out_type=jax.ShapeDtypeStruct((total,), jnp.int32),
        compiler_params=pltpu.CompilerParams(needs_layout_passes=False),
        scratch_types=[
            pltpu.VMEM((n_states,), jnp.int32),
            pltpu.VMEM((pt_pad,), jnp.int32),
            pltpu.VMEM((pt_pad,), jnp.int32),
        ],
    )
    def k(s_hbm, e_hbm, out_hbm, s_v, e_v, o_v):
        wid = lax.axis_index("s") * 2 + lax.axis_index("c")
        base = wid * per_tile
        pltpu.sync_copy(s_hbm, s_v)
        pltpu.sync_copy(e_hbm.at[pl.ds(base, per_tile)],
                        e_v.at[pl.ds(0, per_tile)])

        @plsc.parallel_loop(0, full, unroll=8)
        def body(j):
            idx = e_v[pl.ds(j * 16, 16)]
            o_v[pl.ds(j * 16, 16)] = plsc.load_gather(s_v, [idx])

        if tail:
            tmask = lax.iota(jnp.int32, 16) < tail
            idx = jnp.where(tmask, e_v[pl.ds(full * 16, 16)], 0)
            o_v[pl.ds(full * 16, 16)] = plsc.load_gather(s_v, [idx])
        pltpu.sync_copy(o_v.at[pl.ds(0, per_tile)],
                        out_hbm.at[pl.ds(base, per_tile)])

    return k(s_flat, e_flat)


def _potts_body(C, K, N, bn, j_ref, sj_ref, mij_ref, h_ref, mi_ref, s_ref,
                ui_ref, u_ref):
    i = pl.program_id(0)

    sjb = sj_ref[...]
    mijb = mij_ref[...]
    siota = lax.broadcasted_iota(jnp.int32, (C, K, bn), 0)
    W = jnp.where(siota == sjb[None], mijb[None], 0.0)

    CB = 4
    rows = []
    for c0 in range(0, C, CB):
        accs = [jnp.zeros((K, bn), jnp.float32) for _ in range(CB)]
        for s in range(C):
            Ws = W[s]
            for ci in range(CB):
                accs[ci] = accs[ci] + j_ref[0, c0 + ci, s] * Ws
        rows.extend(jnp.sum(a, axis=0) for a in accs)
    Ji = jnp.stack(rows, axis=0)

    mi = mi_ref[0:1, :]
    Ui = h_ref[...] * mi + Ji
    ui_ref[...] = Ui

    srow = s_ref[0:1, :]
    ciota = lax.broadcasted_iota(jnp.int32, (C, bn), 0)
    niota = lax.broadcasted_iota(jnp.int32, (1, bn), 1) + i * bn
    pick = (ciota == srow) & (niota < N)
    contrib = jnp.sum(jnp.where(pick, Ui - 0.5 * Ji, 0.0))

    @pl.when(i == 0)
    def _():
        u_ref[...] = jnp.zeros_like(u_ref)

    u_ref[...] += contrib


def _potts_call(Jt, sj_t, mij_t, ht, mi8, s8, *, C, K, N, bn,
                interpret=False):
    grid = (pl.cdiv(N, bn),)
    body = functools.partial(_potts_body, C, K, N, bn)
    return pl.pallas_call(
        body,
        grid=grid,
        in_specs=[
            pl.BlockSpec((1, C, C, K, bn), lambda i: (0, 0, 0, 0, i)),
            pl.BlockSpec((K, bn), lambda i: (0, i)),
            pl.BlockSpec((K, bn), lambda i: (0, i)),
            pl.BlockSpec((C, bn), lambda i: (0, i)),
            pl.BlockSpec((8, bn), lambda i: (0, i)),
            pl.BlockSpec((8, bn), lambda i: (0, i)),
        ],
        out_specs=[
            pl.BlockSpec((C, bn), lambda i: (0, i)),
            pl.BlockSpec((1, 1), lambda i: (0, 0)),
        ],
        out_shape=[
            jax.ShapeDtypeStruct((C, N), jnp.float32),
            jax.ShapeDtypeStruct((1, 1), jnp.float32),
        ],
        interpret=interpret,
        compiler_params=pltpu.CompilerParams(vmem_limit_bytes=120 * 2**20),
    )(Jt, sj_t, mij_t, ht, mi8, s8)


def kernel(S, h, J, edge_idx, mask_i, mask_ij):
    B, N, K = edge_idx.shape
    C = h.shape[-1]
    total = N * K

    edge_t = jnp.transpose(edge_idx, (0, 2, 1)).reshape(total)
    mij_t = jnp.transpose(mask_ij, (0, 2, 1)).reshape(K, N).astype(jnp.float32)
    Jt = jnp.transpose(J, (0, 3, 4, 2, 1))
    ht = jnp.transpose(h, (0, 2, 1)).reshape(C, N)

    s_flat = S.reshape(B * N).astype(jnp.int32)
    sj_t = _sc_neighbor_gather(s_flat, edge_t.astype(jnp.int32), B * N)
    sj_t = sj_t.reshape(K, N)

    mi8 = jnp.broadcast_to(mask_i.reshape(1, N).astype(jnp.float32), (8, N))
    s8 = jnp.broadcast_to(S.reshape(1, N).astype(jnp.int32), (8, N))

    bn = 512
    Uit, Usum = _potts_call(Jt, sj_t, mij_t, ht, mi8, s8,
                            C=C, K=K, N=N, bn=bn)
    Ui = jnp.transpose(Uit.reshape(1, C, N), (0, 2, 1))
    return (Usum.reshape(B), Ui)

# --- scband reference (transcript-rebuilt; emitter-appended) ---
"""Pipeline reference for scband-graph-potts-2448131358775 (READ-ONLY COPY).

The authoritative reference and input builder live on the scoring server;
editing this copy changes nothing except your own understanding.
"""

import jax, jax.numpy as jnp
import numpy as np


def collect_neighbors(x, edge_idx):
    # x: (B, N, C), edge_idx: (B, N, K) -> (B, N, K, C)
    return jax.vmap(lambda xb, eb: xb[eb])(x, edge_idx)


def setup_inputs(seed: int = 0) -> dict:
    key = jax.random.key(seed)
    ks = jax.random.split(key, 4)
    B, N, K, C = 1, 10000, 16, 20
    S = jax.random.randint(ks[0], (B, N), 0, C)
    h = jax.random.normal(ks[1], (B, N, C), dtype=jnp.float32)
    J = jax.random.normal(ks[2], (B, N, K, C, C), dtype=jnp.float32)
    edge_idx = jax.random.randint(ks[3], (B, N, K), 0, N)
    mask_i = jnp.ones((B, N), dtype=jnp.float32)
    mask_ij = jnp.ones((B, N, K), dtype=jnp.float32)
    return {"S": S, "h": h, "J": J, "edge_idx": edge_idx, "mask_i": mask_i, "mask_ij": mask_ij}


def reference(S, h, J, edge_idx, mask_i, mask_ij):
    # Faithful translation of _compute_potts_energy_reduced
    if mask_i is not None:
        h = h * mask_i[..., None]
    if mask_ij is not None:
        J = J * mask_ij[..., None, None]
    C = h.shape[-1]
    # Gather neighbor states: (B, N, K, 1)
    S_j = collect_neighbors(S[..., None], edge_idx)
    # Expand to (B, N, K, C, 1) for gathering along last state axis of J
    S_j = jnp.broadcast_to(S_j[..., None, :], S_j.shape[:3] + (C, 1))
    # J_ij: coupling row for each node's state vs neighbor's realized state -> (B, N, K, C)
    J_ij = jnp.take_along_axis(J, S_j, axis=-1).squeeze(-1)
    J_i = J_ij.sum(2)  # (B, N, C)
    U_i = h + J_i
    sel = S[..., None]
    U = (jnp.take_along_axis(U_i, sel, axis=-1) - 0.5 * jnp.take_along_axis(J_i, sel, axis=-1)).sum((1, 2))
    return (U, U_i)

if __name__ == "__main__":
    import jax
    _d = setup_inputs()
    print(jax.jit(kernel)(*tuple(_d.values())))

</pallas_src>

<mosaic_0001>
#map = affine_map<(d0, d1) -> (0)>
module attributes {stable_mosaic.version = 14 : i64} {
  func.func @k(%arg0: i32, %arg1: i32, %arg2: memref<10000xi32, #tpu.memory_space<hbm>>, %arg3: memref<160000xi32, #tpu.memory_space<hbm>>, %arg4: memref<160000xi32, #tpu.memory_space<hbm>>, %arg5: memref<10000xi32, #tpu.memory_space<vmem>>, %arg6: memref<5008xi32, #tpu.memory_space<vmem>>, %arg7: memref<5008xi32, #tpu.memory_space<vmem>>) attributes {dimension_semantics = [#tpu.dimension_semantics<core_parallel>, #tpu.dimension_semantics<subcore_parallel>], iteration_bounds = array<i64: 2, 16>, scalar_prefetch = 0 : i64, scratch_operands = 3 : i64, tpu.core_type = #tpu.core_type<sc_vector_subcore>, window_params = [{transform_indices = #map}, {transform_indices = #map}, {transform_indices = #map}]} {
    %mul3A = arith.constant 2 : i32
    %mul3A_0 = arith.muli %arg1, %mul3A : i32
    %add3A = arith.addi %mul3A_0, %arg0 : i32
    %mul3A_1 = arith.constant 5000 : i32
    %mul3A_2 = arith.muli %add3A, %mul3A_1 : i32
    "tpu.region"() ({
      %run_scoped3A = tpu.sem_alloc : memref<!tpu.dma_semaphore, #tpu.memory_space<semaphore_mem>>
      tpu.enqueue_dma source(%arg2 : memref<10000xi32, #tpu.memory_space<hbm>>) target(%arg5 : memref<10000xi32, #tpu.memory_space<vmem>>) target_semaphore(%run_scoped3A : memref<!tpu.dma_semaphore, #tpu.memory_space<semaphore_mem>>)
      tpu.wait_dma2 semaphore(%run_scoped3A : memref<!tpu.dma_semaphore, #tpu.memory_space<semaphore_mem>>) src(%arg2 : memref<10000xi32, #tpu.memory_space<hbm>>) dst(%arg5 : memref<10000xi32, #tpu.memory_space<vmem>>)
      tpu.yield
    }) : () -> ()
    "tpu.region"() ({
      %run_scoped3A = tpu.sem_alloc : memref<!tpu.dma_semaphore, #tpu.memory_space<semaphore_mem>>
      %dma_start3A = arith.constant 0 : i32
      %dma_start3A_9 = tpu.memref_slice %arg6[%dma_start3A] : memref<5008xi32, #tpu.memory_space<vmem>> -> memref<5000xi32, #tpu.memory_space<vmem>>
      %dma_start3A_10 = tpu.memref_slice %arg3[%mul3A_2] : memref<160000xi32, #tpu.memory_space<hbm>> -> memref<5000xi32, #tpu.memory_space<hbm>>
      %dma_start3A_11 = arith.constant 0 : i32
      %dma_start3A_12 = tpu.memref_slice %arg6[%dma_start3A_11] : memref<5008xi32, #tpu.memory_space<vmem>> -> memref<5000xi32, #tpu.memory_space<vmem>>
      %dma_start3A_13 = tpu.memref_slice %arg3[%mul3A_2] : memref<160000xi32, #tpu.memory_space<hbm>> -> memref<5000xi32, #tpu.memory_space<hbm>>
      tpu.enqueue_dma source(%dma_start3A_13 : memref<5000xi32, #tpu.memory_space<hbm>>) target(%dma_start3A_12 : memref<5000xi32, #tpu.memory_space<vmem>>) target_semaphore(%run_scoped3A : memref<!tpu.dma_semaphore, #tpu.memory_space<semaphore_mem>>)
      %dma_wait3A = arith.constant 0 : i32
      %dma_wait3A_14 = tpu.memref_slice %arg6[%dma_wait3A] : memref<5008xi32, #tpu.memory_space<vmem>> -> memref<5000xi32, #tpu.memory_space<vmem>>
      %dma_wait3A_15 = tpu.memref_slice %arg3[%mul3A_2] : memref<160000xi32, #tpu.memory_space<hbm>> -> memref<5000xi32, #tpu.memory_space<hbm>>
      %dma_wait3A_16 = arith.constant 0 : i32
      %dma_wait3A_17 = tpu.memref_slice %arg6[%dma_wait3A_16] : memref<5008xi32, #tpu.memory_space<vmem>> -> memref<5000xi32, #tpu.memory_space<vmem>>
      %dma_wait3A_18 = tpu.memref_slice %arg3[%mul3A_2] : memref<160000xi32, #tpu.memory_space<hbm>> -> memref<5000xi32, #tpu.memory_space<hbm>>
      tpu.wait_dma2 semaphore(%run_scoped3A : memref<!tpu.dma_semaphore, #tpu.memory_space<semaphore_mem>>) src(%dma_wait3A_18 : memref<5000xi32, #tpu.memory_space<hbm>>) dst(%dma_wait3A_17 : memref<5000xi32, #tpu.memory_space<vmem>>)
      tpu.yield
    }) : () -> ()
    %parallel_loop3A = arith.constant 0 : i32
    %parallel_loop3A_3 = arith.constant 312 : i32
    %parallel_loop3A_4 = arith.constant 1 : i32
    scf.for %parallel_loop3A_9 = %parallel_loop3A to %parallel_loop3A_3 step %parallel_loop3A_4  : i32 {
      %parallel_loop3A_10 = arith.constant 16 : i32
      %parallel_loop3A_11 = arith.muli %parallel_loop3A_9, %parallel_loop3A_10 : i32
      %parallel_loop3A_12 = arith.index_cast %parallel_loop3A_11 : i32 to index
      %parallel_loop3A_13 = tpu.vector_load %arg6[%parallel_loop3A_12] {strides = array<i32>} : memref<5008xi32, #tpu.memory_space<vmem>>, vector<16xi32>,
      %parallel_loop3A_14 = tpu.vector_load_idx %arg5[%parallel_loop3A_13] : memref<10000xi32, #tpu.memory_space<vmem>>[vector<16xi32>], vector<16xi32>,
      %parallel_loop3A_15 = arith.constant 16 : i32
      %parallel_loop3A_16 = arith.muli %parallel_loop3A_9, %parallel_loop3A_15 : i32
      %parallel_loop3A_17 = arith.index_cast %parallel_loop3A_16 : i32 to index
      %parallel_loop3A_18 = tpu.vector_load %arg7[%parallel_loop3A_17] {strides = array<i32>} : memref<5008xi32, #tpu.memory_space<vmem>>, vector<16xi32>,
      tpu.vector_store %arg7[%parallel_loop3A_17], %parallel_loop3A_14 {strides = array<i32>} : memref<5008xi32, #tpu.memory_space<vmem>>, vector<16xi32>,
    } {sc.loop_unroll_factor = 8 : i64, sc.parallel_access}
    %iota3A = tpu.iota {dimensions = array<i32: 0>} : vector<16xi32>
    %lt3A = arith.constant 8 : i32
    %lt3A_5 = vector.broadcast %lt3A : i32 to vector<16xi32>
    %lt3A_6 = arith.cmpi slt, %iota3A, %lt3A_5 : vector<16xi32>
    %get3A = arith.constant 4992 : index
    %get3A_7 = tpu.vector_load %arg6[%get3A] {strides = array<i32>} : memref<5008xi32, #tpu.memory_space<vmem>>, vector<16xi32>,
    %jit3A = arith.constant 0 : i32
    %broadcast_in_dim3A = vector.broadcast %jit3A : i32 to vector<16xi32>
    %select_n3A = arith.select %lt3A_6, %get3A_7, %broadcast_in_dim3A : vector<16xi1>, vector<16xi32>
    %gather3A = tpu.vector_load_idx %arg5[%select_n3A] : memref<10000xi32, #tpu.memory_space<vmem>>[vector<16xi32>], vector<16xi32>,
    %swap3A = arith.constant 4992 : index
    %swap3A_8 = tpu.vector_load %arg7[%swap3A] {strides = array<i32>} : memref<5008xi32, #tpu.memory_space<vmem>>, vector<16xi32>,
    tpu.vector_store %arg7[%swap3A], %gather3A {strides = array<i32>} : memref<5008xi32, #tpu.memory_space<vmem>>, vector<16xi32>,
    "tpu.region"() ({
      %run_scoped3A = tpu.sem_alloc : memref<!tpu.dma_semaphore, #tpu.memory_space<semaphore_mem>>
      %dma_start3A = arith.constant 0 : i32
      %dma_start3A_9 = tpu.memref_slice %arg7[%dma_start3A] : memref<5008xi32, #tpu.memory_space<vmem>> -> memref<5000xi32, #tpu.memory_space<vmem>>
      %dma_start3A_10 = tpu.memref_slice %arg4[%mul3A_2] : memref<160000xi32, #tpu.memory_space<hbm>> -> memref<5000xi32, #tpu.memory_space<hbm>>
      %dma_start3A_11 = tpu.memref_slice %arg4[%mul3A_2] : memref<160000xi32, #tpu.memory_space<hbm>> -> memref<5000xi32, #tpu.memory_space<hbm>>
      %dma_start3A_12 = arith.constant 0 : i32
      %dma_start3A_13 = tpu.memref_slice %arg7[%dma_start3A_12] : memref<5008xi32, #tpu.memory_space<vmem>> -> memref<5000xi32, #tpu.memory_space<vmem>>
      tpu.enqueue_dma source(%dma_start3A_13 : memref<5000xi32, #tpu.memory_space<vmem>>) target(%dma_start3A_11 : memref<5000xi32, #tpu.memory_space<hbm>>) target_semaphore(%run_scoped3A : memref<!tpu.dma_semaphore, #tpu.memory_space<semaphore_mem>>)
      %dma_wait3A = arith.constant 0 : i32
      %dma_wait3A_14 = tpu.memref_slice %arg7[%dma_wait3A] : memref<5008xi32, #tpu.memory_space<vmem>> -> memref<5000xi32, #tpu.memory_space<vmem>>
      %dma_wait3A_15 = tpu.memref_slice %arg4[%mul3A_2] : memref<160000xi32, #tpu.memory_space<hbm>> -> memref<5000xi32, #tpu.memory_space<hbm>>
      %dma_wait3A_16 = tpu.memref_slice %arg4[%mul3A_2] : memref<160000xi32, #tpu.memory_space<hbm>> -> memref<5000xi32, #tpu.memory_space<hbm>>
      %dma_wait3A_17 = arith.constant 0 : i32
      %dma_wait3A_18 = tpu.memref_slice %arg7[%dma_wait3A_17] : memref<5008xi32, #tpu.memory_space<vmem>> -> memref<5000xi32, #tpu.memory_space<vmem>>
      tpu.wait_dma2 semaphore(%run_scoped3A : memref<!tpu.dma_semaphore, #tpu.memory_space<semaphore_mem>>) src(%dma_wait3A_18 : memref<5000xi32, #tpu.memory_space<vmem>>) dst(%dma_wait3A_16 : memref<5000xi32, #tpu.memory_space<hbm>>)
      tpu.yield
    }) : () -> ()
    return
  }
}

module attributes {stable_mosaic.version = 14 : i64} {
  func.func @_potts_body(%arg0: i32, %arg1: memref<1x20x20x16x512xf32, #tpu.memory_space<vmem>>, %arg2: memref<16x512xi32, #tpu.memory_space<vmem>>, %arg3: memref<16x512xf32, #tpu.memory_space<vmem>>, %arg4: memref<20x512xf32, #tpu.memory_space<vmem>>, %arg5: memref<8x512xf32, #tpu.memory_space<vmem>>, %arg6: memref<8x512xi32, #tpu.memory_space<vmem>>, %arg7: memref<20x512xf32, #tpu.memory_space<vmem>>, %arg8: memref<1x1xf32, #tpu.memory_space<vmem>>) attributes {dimension_semantics = [#tpu.dimension_semantics<arbitrary>], iteration_bounds = array<i64: 20>, scalar_prefetch = 0 : i64, scratch_operands = 0 : i64, tpu.core_type = #tpu.core_type<tc>, window_params = [{transform_indices = @transform_0, window_bounds = array<i64: 1, 20, 20, 16, 512>}, {transform_indices = @transform_1, window_bounds = array<i64: 16, 512>}, {transform_indices = @transform_2, window_bounds = array<i64: 16, 512>}, {transform_indices = @transform_3, window_bounds = array<i64: 20, 512>}, {transform_indices = @transform_4, window_bounds = array<i64: 8, 512>}, {transform_indices = @transform_5, window_bounds = array<i64: 8, 512>}, {transform_indices = @transform_6, window_bounds = array<i64: 20, 512>}, {pipeline_mode = #tpu.pipeline_mode<synchronous>, transform_indices = @transform_7, window_bounds = array<i64: 1, 1>}]} {
    %get3A = arith.constant 0 : index
    %get3A_0 = arith.constant 0 : index
    %get3A_1 = vector.load %arg2[%get3A, %get3A_0] : memref<16x512xi32, #tpu.memory_space<vmem>>, vector<16x512xi32>
    %get3A_2 = arith.constant 0 : index
    %get3A_3 = arith.constant 0 : index
    %get3A_4 = vector.load %arg3[%get3A_2, %get3A_3] : memref<16x512xf32, #tpu.memory_space<vmem>>, vector<16x512xf32>
    %iota3A = tpu.iota {dimensions = array<i32: 0>} : vector<20x16x512xi32>
    %broadcast_in_dim3A = vector.shape_cast %get3A_1 : vector<16x512xi32> to vector<1x16x512xi32>
    %eq3A = vector.broadcast %broadcast_in_dim3A : vector<1x16x512xi32> to vector<20x16x512xi32>
    %eq3A_5 = arith.cmpi eq, %iota3A, %eq3A : vector<20x16x512xi32>
    %broadcast_in_dim3A_6 = vector.shape_cast %get3A_4 : vector<16x512xf32> to vector<1x16x512xf32>
    %jit3A = arith.constant 0.000000e+00 : f32
    %broadcast_in_dim3A_7 = vector.shape_cast %broadcast_in_dim3A_6 : vector<1x16x512xf32> to vector<1x16x512xf32>
    %broadcast_in_dim3A_8 = vector.broadcast %broadcast_in_dim3A_7 : vector<1x16x512xf32> to vector<20x16x512xf32>
    %broadcast_in_dim3A_9 = vector.broadcast %jit3A : f32 to vector<20x16x512xf32>
    %select_n3A = arith.select %eq3A_5, %broadcast_in_dim3A_8, %broadcast_in_dim3A_9 : vector<20x16x512xi1>, vector<20x16x512xf32>
    %broadcast_in_dim3A_10 = arith.constant 0.000000e+00 : f32
    %broadcast_in_dim3A_11 = vector.broadcast %broadcast_in_dim3A_10 : f32 to vector<16x512xf32>
    %broadcast_in_dim3A_12 = arith.constant 0.000000e+00 : f32
    %broadcast_in_dim3A_13 = vector.broadcast %broadcast_in_dim3A_12 : f32 to vector<16x512xf32>
    %broadcast_in_dim3A_14 = arith.constant 0.000000e+00 : f32
    %broadcast_in_dim3A_15 = vector.broadcast %broadcast_in_dim3A_14 : f32 to vector<16x512xf32>
    %broadcast_in_dim3A_16 = arith.constant 0.000000e+00 : f32
    %broadcast_in_dim3A_17 = vector.broadcast %broadcast_in_dim3A_16 : f32 to vector<16x512xf32>
    %slice3A = vector.extract_strided_slice %select_n3A {offsets = [0, 0, 0], sizes = [1, 16, 512], strides = [1, 1, 1]} : vector<20x16x512xf32> to vector<1x16x512xf32>
    %squeeze3A = vector.shape_cast %slice3A : vector<1x16x512xf32> to vector<16x512xf32>
    %get3A_18 = arith.constant 0 : index
    %get3A_19 = arith.constant 0 : index
    %get3A_20 = arith.constant 0 : index
    %get3A_21 = arith.constant 0 : index
    %get3A_22 = arith.constant 0 : index
    %get3A_23 = vector.load %arg1[%get3A_18, %get3A_19, %get3A_20, %get3A_21, %get3A_22] : memref<1x20x20x16x512xf32, #tpu.memory_space<vmem>>, vector<1x1x1x16x512xf32>
    %get3A_24 = vector.shape_cast %get3A_23 : vector<1x1x1x16x512xf32> to vector<16x512xf32>
    %mul3A = arith.mulf %get3A_24, %squeeze3A : vector<16x512xf32>
    %add3A = arith.addf %broadcast_in_dim3A_11, %mul3A : vector<16x512xf32>
    %get3A_25 = arith.constant 0 : index
    %get3A_26 = arith.constant 1 : index
    %get3A_27 = arith.constant 0 : index
    %get3A_28 = arith.constant 0 : index
    %get3A_29 = arith.constant 0 : index
    %get3A_30 = vector.load %arg1[%get3A_25, %get3A_26, %get3A_27, %get3A_28, %get3A_29] : memref<1x20x20x16x512xf32, #tpu.memory_space<vmem>>, vector<1x1x1x16x512xf32>
    %get3A_31 = vector.shape_cast %get3A_30 : vector<1x1x1x16x512xf32> to vector<16x512xf32>
    %mul3A_32 = arith.mulf %get3A_31, %squeeze3A : vector<16x512xf32>
    %add3A_33 = arith.addf %broadcast_in_dim3A_13, %mul3A_32 : vector<16x512xf32>
    %get3A_34 = arith.constant 0 : index
    %get3A_35 = arith.constant 2 : index
    %get3A_36 = arith.constant 0 : index
    %get3A_37 = arith.constant 0 : index
    %get3A_38 = arith.constant 0 : index
    %get3A_39 = vector.load %arg1[%get3A_34, %get3A_35, %get3A_36, %get3A_37, %get3A_38] : memref<1x20x20x16x512xf32, #tpu.memory_space<vmem>>, vector<1x1x1x16x512xf32>
    %get3A_40 = vector.shape_cast %get3A_39 : vector<1x1x1x16x512xf32> to vector<16x512xf32>
    %mul3A_41 = arith.mulf %get3A_40, %squeeze3A : vector<16x512xf32>
    %add3A_42 = arith.addf %broadcast_in_dim3A_15, %mul3A_41 : vector<16x512xf32>
    %get3A_43 = arith.constant 0 : index
    %get3A_44 = arith.constant 3 : index
    %get3A_45 = arith.constant 0 : index
    %get3A_46 = arith.constant 0 : index
    %get3A_47 = arith.constant 0 : index
    %get3A_48 = vector.load %arg1[%get3A_43, %get3A_44, %get3A_45, %get3A_46, %get3A_47] : memref<1x20x20x16x512xf32, #tpu.memory_space<vmem>>, vector<1x1x1x16x512xf32>
    %get3A_49 = vector.shape_cast %get3A_48 : vector<1x1x1x16x512xf32> to vector<16x512xf32>
    %mul3A_50 = arith.mulf %get3A_49, %squeeze3A : vector<16x512xf32>
    %add3A_51 = arith.addf %broadcast_in_dim3A_17, %mul3A_50 : vector<16x512xf32>
    %slice3A_52 = vector.extract_strided_slice %select_n3A {offsets = [1, 0, 0], sizes = [1, 16, 512], strides = [1, 1, 1]} : vector<20x16x512xf32> to vector<1x16x512xf32>
    %squeeze3A_53 = vector.shape_cast %slice3A_52 : vector<1x16x512xf32> to vector<16x512xf32>
    %get3A_54 = arith.constant 0 : index
    %get3A_55 = arith.constant 0 : index
    %get3A_56 = arith.constant 1 : index
    %get3A_57 = arith.constant 0 : index
    %get3A_58 = arith.constant 0 : index
    %get3A_59 = vector.load %arg1[%get3A_54, %get3A_55, %get3A_56, %get3A_57, %get3A_58] : memref<1x20x20x16x512xf32, #tpu.memory_space<vmem>>, vector<1x1x1x16x512xf32>
    %get3A_60 = vector.shape_cast %get3A_59 : vector<1x1x1x16x512xf32> to vector<16x512xf32>
    %mul3A_61 = arith.mulf %get3A_60, %squeeze3A_53 : vector<16x512xf32>
    %add3A_62 = arith.addf %add3A, %mul3A_61 : vector<16x512xf32>
    %get3A_63 = arith.constant 0 : index
    %get3A_64 = arith.constant 1 : index
    %get3A_65 = arith.constant 1 : index
    %get3A_66 = arith.constant 0 : index
    %get3A_67 = arith.constant 0 : index
    %get3A_68 = vector.load %arg1[%get3A_63, %get3A_64, %get3A_65, %get3A_66, %get3A_67] : memref<1x20x20x16x512xf32, #tpu.memory_space<vmem>>, vector<1x1x1x16x512xf32>
    %get3A_69 = vector.shape_cast %get3A_68 : vector<1x1x1x16x512xf32> to vector<16x512xf32>
    %mul3A_70 = arith.mulf %get3A_69, %squeeze3A_53 : vector<16x512xf32>
    %add3A_71 = arith.addf %add3A_33, %mul3A_70 : vector<16x512xf32>
    %get3A_72 = arith.constant 0 : index
    %get3A_73 = arith.constant 2 : index
    %get3A_74 = arith.constant 1 : index
    %get3A_75 = arith.constant 0 : index
    %get3A_76 = arith.constant 0 : index
    %get3A_77 = vector.load %arg1[%get3A_72, %get3A_73, %get3A_74, %get3A_75, %get3A_76] : memref<1x20x20x16x512xf32, #tpu.memory_space<vmem>>, vector<1x1x1x16x512xf32>
    %get3A_78 = vector.shape_cast %get3A_77 : vector<1x1x1x16x512xf32> to vector<16x512xf32>
    %mul3A_79 = arith.mulf %get3A_78, %squeeze3A_53 : vector<16x512xf32>
    %add3A_80 = arith.addf %add3A_42, %mul3A_79 : vector<16x512xf32>
    %get3A_81 = arith.constant 0 : index
    %get3A_82 = arith.constant 3 : index
    %get3A_83 = arith.constant 1 : index
    %get3A_84 = arith.constant 0 : index
    %get3A_85 = arith.constant 0 : index
    %get3A_86 = vector.load %arg1[%get3A_81, %get3A_82, %get3A_83, %get3A_84, %get3A_85] : memref<1x20x20x16x512xf32, #tpu.memory_space<vmem>>, vector<1x1x1x16x512xf32>
    %get3A_87 = vector.shape_cast %get3A_86 : vector<1x1x1x16x512xf32> to vector<16x512xf32>
    %mul3A_88 = arith.mulf %get3A_87, %squeeze3A_53 : vector<16x512xf32>
    %add3A_89 = arith.addf %add3A_51, %mul3A_88 : vector<16x512xf32>
    %slice3A_90 = vector.extract_strided_slice %select_n3A {offsets = [2, 0, 0], sizes = [1, 16, 512], strides = [1, 1, 1]} : vector<20x16x512xf32> to vector<1x16x512xf32>
    %squeeze3A_91 = vector.shape_cast %slice3A_90 : vector<1x16x512xf32> to vector<16x512xf32>
    %get3A_92 = arith.constant 0 : index
    %get3A_93 = arith.constant 0 : index
    %get3A_94 = arith.constant 2 : index
    %get3A_95 = arith.constant 0 : index
    %get3A_96 = arith.constant 0 : index
    %get3A_97 = vector.load %arg1[%get3A_92, %get3A_93, %get3A_94, %get3A_95, %get3A_96] : memref<1x20x20x16x512xf32, #tpu.memory_space<vmem>>, vector<1x1x1x16x512xf32>
    %get3A_98 = vector.shape_cast %get3A_97 : vector<1x1x1x16x512xf32> to vector<16x512xf32>
    %mul3A_99 = arith.mulf %get3A_98, %squeeze3A_91 : vector<16x512xf32>
    %add3A_100 = arith.addf %add3A_62, %mul3A_99 : vector<16x512xf32>
    %get3A_101 = arith.constant 0 : index
    %get3A_102 = arith.constant 1 : index
    %get3A_103 = arith.constant 2 : index
    %get3A_104 = arith.constant 0 : index
    %get3A_105 = arith.constant 0 : index
    %get3A_106 = vector.load %arg1[%get3A_101, %get3A_102, %get3A_103, %get3A_104, %get3A_105] : memref<1x20x20x16x512xf32, #tpu.memory_space<vmem>>, vector<1x1x1x16x512xf32>
    %get3A_107 = vector.shape_cast %get3A_106 : vector<1x1x1x16x512xf32> to vector<16x512xf32>
    %mul3A_108 = arith.mulf %get3A_107, %squeeze3A_91 : vector<16x512xf32>
    %add3A_109 = arith.addf %add3A_71, %mul3A_108 : vector<16x512xf32>
    %get3A_110 = arith.constant 0 : index
    %get3A_111 = arith.constant 2 : index
    %get3A_112 = arith.constant 2 : index
    %get3A_113 = arith.constant 0 : index
    %get3A_114 = arith.constant 0 : index
    %get3A_115 = vector.load %arg1[%get3A_110, %get3A_111, %get3A_112, %get3A_113, %get3A_114] : memref<1x20x20x16x512xf32, #tpu.memory_space<vmem>>, vector<1x1x1x16x512xf32>
    %get3A_116 = vector.shape_cast %get3A_115 : vector<1x1x1x16x512xf32> to vector<16x512xf32>
    %mul3A_117 = arith.mulf %get3A_116, %squeeze3A_91 : vector<16x512xf32>
    %add3A_118 = arith.addf %add3A_80, %mul3A_117 : vector<16x512xf32>
    %get3A_119 = arith.constant 0 : index
    %get3A_120 = arith.constant 3 : index
    %get3A_121 = arith.constant 2 : index
    %get3A_122 = arith.constant 0 : index
    %get3A_123 = arith.constant 0 : index
    %get3A_124 = vector.load %arg1[%get3A_119, %get3A_120, %get3A_121, %get3A_122, %get3A_123] : memref<1x20x20x16x512xf32, #tpu.memory_space<vmem>>, vector<1x1x1x16x512xf32>
    %get3A_125 = vector.shape_cast %get3A_124 : vector<1x1x1x16x512xf32> to vector<16x512xf32>
    %mul3A_126 = arith.mulf %get3A_125, %squeeze3A_91 : vector<16x512xf32>
    %add3A_127 = arith.addf %add3A_89, %mul3A_126 : vector<16x512xf32>
    %slice3A_128 = vector.extract_strided_slice %select_n3A {offsets = [3, 0, 0], sizes = [1, 16, 512], strides = [1, 1, 1]} : vector<20x16x512xf32> to vector<1x16x512xf32>
    %squeeze3A_129 = vector.shape_cast %slice3A_128 : vector<1x16x512xf32> to vector<16x512xf32>
    %get3A_130 = arith.constant 0 : index
    %get3A_131 = arith.constant 0 : index
    %get3A_132 = arith.constant 3 : index
    %get3A_133 = arith.constant 0 : index
    %get3A_134 = arith.constant 0 : index
    %get3A_135 = vector.load %arg1[%get3A_130, %get3A_131, %get3A_132, %get3A_133, %get3A_134] : memref<1x20x20x16x512xf32, #tpu.memory_space<vmem>>, vector<1x1x1x16x512xf32>
    %get3A_136 = vector.shape_cast %get3A_135 : vector<1x1x1x16x512xf32> to vector<16x512xf32>
    %mul3A_137 = arith.mulf %get3A_136, %squeeze3A_129 : vector<16x512xf32>
    %add3A_138 = arith.addf %add3A_100, %mul3A_137 : vector<16x512xf32>
    %get3A_139 = arith.constant 0 : index
    %get3A_140 = arith.constant 1 : index
    %get3A_141 = arith.constant 3 : index
    %get3A_142 = arith.constant 0 : index
    %get3A_143 = arith.constant 0 : index
    %get3A_144 = vector.load %arg1[%get3A_139, %get3A_140, %get3A_141, %get3A_142, %get3A_143] : memref<1x20x20x16x512xf32, #tpu.memory_space<vmem>>, vector<1x1x1x16x512xf32>
    %get3A_145 = vector.shape_cast %get3A_144 : vector<1x1x1x16x512xf32> to vector<16x512xf32>
    %mul3A_146 = arith.mulf %get3A_145, %squeeze3A_129 : vector<16x512xf32>
    %add3A_147 = arith.addf %add3A_109, %mul3A_146 : vector<16x512xf32>
    %get3A_148 = arith.constant 0 : index
    %get3A_149 = arith.constant 2 : index
    %get3A_150 = arith.constant 3 : index
    %get3A_151 = arith.constant 0 : index
    %get3A_152 = arith.constant 0 : index
    %get3A_153 = vector.load %arg1[%get3A_148, %get3A_149, %get3A_150, %get3A_151, %get3A_152] : memref<1x20x20x16x512xf32, #tpu.memory_space<vmem>>, vector<1x1x1x16x512xf32>
    %get3A_154 = vector.shape_cast %get3A_153 : vector<1x1x1x16x512xf32> to vector<16x512xf32>
    %mul3A_155 = arith.mulf %get3A_154, %squeeze3A_129 : vector<16x512xf32>
    %add3A_156 = arith.addf %add3A_118, %mul3A_155 : vector<16x512xf32>
    %get3A_157 = arith.constant 0 : index
    %get3A_158 = arith.constant 3 : index
    %get3A_159 = arith.constant 3 : index
    %get3A_160 = arith.constant 0 : index
    %get3A_161 = arith.constant 0 : index
    %get3A_162 = vector.load %arg1[%get3A_157, %get3A_158, %get3A_159, %get3A_160, %get3A_161] : memref<1x20x20x16x512xf32, #tpu.memory_space<vmem>>, vector<1x1x1x16x512xf32>
    %get3A_163 = vector.shape_cast %get3A_162 : vector<1x1x1x16x512xf32> to vector<16x512xf32>
    %mul3A_164 = arith.mulf %get3A_163, %squeeze3A_129 : vector<16x512xf32>
    %add3A_165 = arith.addf %add3A_127, %mul3A_164 : vector<16x512xf32>
    %slice3A_166 = vector.extract_strided_slice %select_n3A {offsets = [4, 0, 0], sizes = [1, 16, 512], strides = [1, 1, 1]} : vector<20x16x512xf32> to vector<1x16x512xf32>
    %squeeze3A_167 = vector.shape_cast %slice3A_166 : vector<1x16x512xf32> to vector<16x512xf32>
    %get3A_168 = arith.constant 0 : index
    %get3A_169 = arith.constant 0 : index
    %get3A_170 = arith.constant 4 : index
    %get3A_171 = arith.constant 0 : index
    %get3A_172 = arith.constant 0 : index
    %get3A_173 = vector.load %arg1[%get3A_168, %get3A_169, %get3A_170, %get3A_171, %get3A_172] : memref<1x20x20x16x512xf32, #tpu.memory_space<vmem>>, vector<1x1x1x16x512xf32>
    %get3A_174 = vector.shape_cast %get3A_173 : vector<1x1x1x16x512xf32> to vector<16x512xf32>
    %mul3A_175 = arith.mulf %get3A_174, %squeeze3A_167 : vector<16x512xf32>
    %add3A_176 = arith.addf %add3A_138, %mul3A_175 : vector<16x512xf32>
    %get3A_177 = arith.constant 0 : index
    %get3A_178 = arith.constant 1 : index
    %get3A_179 = arith.constant 4 : index
    %get3A_180 = arith.constant 0 : index
    %get3A_181 = arith.constant 0 : index
    %get3A_182 = vector.load %arg1[%get3A_177, %get3A_178, %get3A_179, %get3A_180, %get3A_181] : memref<1x20x20x16x512xf32, #tpu.memory_space<vmem>>, vector<1x1x1x16x512xf32>
    %get3A_183 = vector.shape_cast %get3A_182 : vector<1x1x1x16x512xf32> to vector<16x512xf32>
    %mul3A_184 = arith.mulf %get3A_183, %squeeze3A_167 : vector<16x512xf32>
    %add3A_185 = arith.addf %add3A_147, %mul3A_184 : vector<16x512xf32>
    %get3A_186 = arith.constant 0 : index
    %get3A_187 = arith.constant 2 : index
    %get3A_188 = arith.constant 4 : index
    %get3A_189 = arith.constant 0 : index
    %get3A_190 = arith.constant 0 : index
    %get3A_191 = vector.load %arg1[%get3A_186, %get3A_187, %get3A_188, %get3A_189, %get3A_190] : memref<1x20x20x16x512xf32, #tpu.memory_space<vmem>>, vector<1x1x1x16x512xf32>
    %get3A_192 = vector.shape_cast %get3A_191 : vector<1x1x1x16x512xf32> to vector<16x512xf32>
    %mul3A_193 = arith.mulf %get3A_192, %squeeze3A_167 : vector<16x512xf32>
    %add3A_194 = arith.addf %add3A_156, %mul3A_193 : vector<16x512xf32>
    %get3A_195 = arith.constant 0 : index
    %get3A_196 = arith.constant 3 : index
    %get3A_197 = arith.constant 4 : index
    %get3A_198 = arith.constant 0 : index
    %get3A_199 = arith.constant 0 : index
    %get3A_200 = vector.load %arg1[%get3A_195, %get3A_196, %get3A_197, %get3A_198, %get3A_199] : memref<1x20x20x16x512xf32, #tpu.memory_space<vmem>>, vector<1x1x1x16x512xf32>
    %get3A_201 = vector.shape_cast %get3A_200 : vector<1x1x1x16x512xf32> to vector<16x512xf32>
    %mul3A_202 = arith.mulf %get3A_201, %squeeze3A_167 : vector<16x512xf32>
    %add3A_203 = arith.addf %add3A_165, %mul3A_202 : vector<16x512xf32>
    %slice3A_204 = vector.extract_strided_slice %select_n3A {offsets = [5, 0, 0], sizes = [1, 16, 512], strides = [1, 1, 1]} : vector<20x16x512xf32> to vector<1x16x512xf32>
    %squeeze3A_205 = vector.shape_cast %slice3A_204 : vector<1x16x512xf32> to vector<16x512xf32>
    %get3A_206 = arith.constant 0 : index
    %get3A_207 = arith.constant 0 : index
    %get3A_208 = arith.constant 5 : index
    %get3A_209 = arith.constant 0 : index
    %get3A_210 = arith.constant 0 : index
    %get3A_211 = vector.load %arg1[%get3A_206, %get3A_207, %get3A_208, %get3A_209, %get3A_210] : memref<1x20x20x16x512xf32, #tpu.memory_space<vmem>>, vector<1x1x1x16x512xf32>
    %get3A_212 = vector.shape_cast %get3A_211 : vector<1x1x1x16x512xf32> to vector<16x512xf32>
    %mul3A_213 = arith.mulf %get3A_212, %squeeze3A_205 : vector<16x512xf32>
    %add3A_214 = arith.addf %add3A_176, %mul3A_213 : vector<16x512xf32>
    %get3A_215 = arith.constant 0 : index
    %get3A_216 = arith.constant 1 : index
    %get3A_217 = arith.constant 5 : index
    %get3A_218 = arith.constant 0 : index
    %get3A_219 = arith.constant 0 : index
    %get3A_220 = vector.load %arg1[%get3A_215, %get3A_216, %get3A_217, %get3A_218, %get3A_219] : memref<1x20x20x16x512xf32, #tpu.memory_space<vmem>>, vector<1x1x1x16x512xf32>
    %get3A_221 = vector.shape_cast %get3A_220 : vector<1x1x1x16x512xf32> to vector<16x512xf32>
    %mul3A_222 = arith.mulf %get3A_221, %squeeze3A_205 : vector<16x512xf32>
    %add3A_223 = arith.addf %add3A_185, %mul3A_222 : vector<16x512xf32>
    %get3A_224 = arith.constant 0 : index
    %get3A_225 = arith.constant 2 : index
    %get3A_226 = arith.constant 5 : index
    %get3A_227 = arith.constant 0 : index
    %get3A_228 = arith.constant 0 : index
    %get3A_229 = vector.load %arg1[%get3A_224, %get3A_225, %get3A_226, %get3A_227, %get3A_228] : memref<1x20x20x16x512xf32, #tpu.memory_space<vmem>>, vector<1x1x1x16x512xf32>
    %get3A_230 = vector.shape_cast %get3A_229 : vector<1x1x1x16x512xf32> to vector<16x512xf32>
    %mul3A_231 = arith.mulf %get3A_230, %squeeze3A_205 : vector<16x512xf32>
    %add3A_232 = arith.addf %add3A_194, %mul3A_231 : vector<16x512xf32>
    %get3A_233 = arith.constant 0 : index
    %get3A_234 = arith.constant 3 : index
    %get3A_235 = arith.constant 5 : index
    %get3A_236 = arith.constant 0 : index
    %get3A_237 = arith.constant 0 : index
    %get3A_238 = vector.load %arg1[%get3A_233, %get3A_234, %get3A_235, %get3A_236, %get3A_237] : memref<1x20x20x16x512xf32, #tpu.memory_space<vmem>>, vector<1x1x1x16x512xf32>
    %get3A_239 = vector.shape_cast %get3A_238 : vector<1x1x1x16x512xf32> to vector<16x512xf32>
    %mul3A_240 = arith.mulf %get3A_239, %squeeze3A_205 : vector<16x512xf32>
    %add3A_241 = arith.addf %add3A_203, %mul3A_240 : vector<16x512xf32>
    %slice3A_242 = vector.extract_strided_slice %select_n3A {offsets = [6, 0, 0], sizes = [1, 16, 512], strides = [1, 1, 1]} : vector<20x16x512xf32> to vector<1x16x512xf32>
    %squeeze3A_243 = vector.shape_cast %slice3A_242 : vector<1x16x512xf32> to vector<16x512xf32>
    %get3A_244 = arith.constant 0 : index
    %get3A_245 = arith.constant 0 : index
    %get3A_246 = arith.constant 6 : index
    %get3A_247 = arith.constant 0 : index
    %get3A_248 = arith.constant 0 : index
    %get3A_249 = vector.load %arg1[%get3A_244, %get3A_245, %get3A_246, %get3A_247, %get3A_248] : memref<1x20x20x16x512xf32, #tpu.memory_space<vmem>>, vector<1x1x1x16x512xf32>
    %get3A_250 = vector.shape_cast %get3A_249 : vector<1x1x1x16x512xf32> to vector<16x512xf32>
    %mul3A_251 = arith.mulf %get3A_250, %squeeze3A_243 : vector<16x512xf32>
    %add3A_252 = arith.addf %add3A_214, %mul3A_251 : vector<16x512xf32>
    %get3A_253 = arith.constant 0 : index
    %get3A_254 = arith.constant 1 : index
    %get3A_255 = arith.constant 6 : index
    %get3A_256 = arith.constant 0 : index
    %get3A_257 = arith.constant 0 : index
    %get3A_258 = vector.load %arg1[%get3A_253, %get3A_254, %get3A_255, %get3A_256, %get3A_257] : memref<1x20x20x16x512xf32, #tpu.memory_space<vmem>>, vector<1x1x1x16x512xf32>
    %get3A_259 = vector.shape_cast %get3A_258 : vector<1x1x1x16x512xf32> to vector<16x512xf32>
    %mul3A_260 = arith.mulf %get3A_259, %squeeze3A_243 : vector<16x512xf32>
    %add3A_261 = arith.addf %add3A_223, %mul3A_260 : vector<16x512xf32>
    %get3A_262 = arith.constant 0 : index
    %get3A_263 = arith.constant 2 : index
    %get3A_264 = arith.constant 6 : index
    %get3A_265 = arith.constant 0 : index
    %get3A_266 = arith.constant 0 : index
    %get3A_267 = vector.load %arg1[%get3A_262, %get3A_263, %get3A_264, %get3A_265, %get3A_266] : memref<1x20x20x16x512xf32, #tpu.memory_space<vmem>>, vector<1x1x1x16x512xf32>
    %get3A_268 = vector.shape_cast %get3A_267 : vector<1x1x1x16x512xf32> to vector<16x512xf32>
    %mul3A_269 = arith.mulf %get3A_268, %squeeze3A_243 : vector<16x512xf32>
    %add3A_270 = arith.addf %add3A_232, %mul3A_269 : vector<16x512xf32>
    %get3A_271 = arith.constant 0 : index
    %get3A_272 = arith.constant 3 : index
    %get3A_273 = arith.constant 6 : index
    %get3A_274 = arith.constant 0 : index
    %get3A_275 = arith.constant 0 : index
    %get3A_276 = vector.load %arg1[%get3A_271, %get3A_272, %get3A_273, %get3A_274, %get3A_275] : memref<1x20x20x16x512xf32, #tpu.memory_space<vmem>>, vector<1x1x1x16x512xf32>
    %get3A_277 = vector.shape_cast %get3A_276 : vector<1x1x1x16x512xf32> to vector<16x512xf32>
    %mul3A_278 = arith.mulf %get3A_277, %squeeze3A_243 : vector<16x512xf32>
    %add3A_279 = arith.addf %add3A_241, %mul3A_278 : vector<16x512xf32>
    %slice3A_280 = vector.extract_strided_slice %select_n3A {offsets = [7, 0, 0], sizes = [1, 16, 512], strides = [1, 1, 1]} : vector<20x16x512xf32> to vector<1x16x512xf32>
    %squeeze3A_281 = vector.shape_cast %slice3A_280 : vector<1x16x512xf32> to vector<16x512xf32>
    %get3A_282 = arith.constant 0 : index
    %get3A_283 = arith.constant 0 : index
    %get3A_284 = arith.constant 7 : index
    %get3A_285 = arith.constant 0 : index
    %get3A_286 = arith.constant 0 : index
    %get3A_287 = vector.load %arg1[%get3A_282, %get3A_283, %get3A_284, %get3A_285, %get3A_286] : memref<1x20x20x16x512xf32, #tpu.memory_space<vmem>>, vector<1x1x1x16x512xf32>
    %get3A_288 = vector.shape_cast %get3A_287 : vector<1x1x1x16x512xf32> to vector<16x512xf32>
    %mul3A_289 = arith.mulf %get3A_288, %squeeze3A_281 : vector<16x512xf32>
    %add3A_290 = arith.addf %add3A_252, %mul3A_289 : vector<16x512xf32>
    %get3A_291 = arith.constant 0 : index
    %get3A_292 = arith.constant 1 : index
    %get3A_293 = arith.constant 7 : index
    %get3A_294 = arith.constant 0 : index
    %get3A_295 = arith.constant 0 : index
    %get3A_296 = vector.load %arg1[%get3A_291, %get3A_292, %get3A_293, %get3A_294, %get3A_295] : memref<1x20x20x16x512xf32, #tpu.memory_space<vmem>>, vector<1x1x1x16x512xf32>
    %get3A_297 = vector.shape_cast %get3A_296 : vector<1x1x1x16x512xf32> to vector<16x512xf32>
    %mul3A_298 = arith.mulf %get3A_297, %squeeze3A_281 : vector<16x512xf32>
    %add3A_299 = arith.addf %add3A_261, %mul3A_298 : vector<16x512xf32>
    %get3A_300 = arith.constant 0 : index
    %get3A_301 = arith.constant 2 : index
    %get3A_302 = arith.constant 7 : index
    %get3A_303 = arith.constant 0 : index
    %get3A_304 = arith.constant 0 : index
    %get3A_305 = vector.load %arg1[%get3A_300, %get3A_301, %get3A_302, %get3A_303, %get3A_304] : memref<1x20x20x16x512xf32, #tpu.memory_space<vmem>>, vector<1x1x1x16x512xf32>
    %get3A_306 = vector.shape_cast %get3A_305 : vector<1x1x1x16x512xf32> to vector<16x512xf32>
    %mul3A_307 = arith.mulf %get3A_306, %squeeze3A_281 : vector<16x512xf32>
    %add3A_308 = arith.addf %add3A_270, %mul3A_307 : vector<16x512xf32>
    %get3A_309 = arith.constant 0 : index
    %get3A_310 = arith.constant 3 : index
    %get3A_311 = arith.constant 7 : index
    %get3A_312 = arith.constant 0 : index
    %get3A_313 = arith.constant 0 : index
    %get3A_314 = vector.load %arg1[%get3A_309, %get3A_310, %get3A_311, %get3A_312, %get3A_313] : memref<1x20x20x16x512xf32, #tpu.memory_space<vmem>>, vector<1x1x1x16x512xf32>
    %get3A_315 = vector.shape_cast %get3A_314 : vector<1x1x1x16x512xf32> to vector<16x512xf32>
    %mul3A_316 = arith.mulf %get3A_315, %squeeze3A_281 : vector<16x512xf32>
    %add3A_317 = arith.addf %add3A_279, %mul3A_316 : vector<16x512xf32>
    %slice3A_318 = vector.extract_strided_slice %select_n3A {offsets = [8, 0, 0], sizes = [1, 16, 512], strides = [1, 1, 1]} : vector<20x16x512xf32> to vector<1x16x512xf32>
    %squeeze3A_319 = vector.shape_cast %slice3A_318 : vector<1x16x512xf32> to vector<16x512xf32>
    %get3A_320 = arith.constant 0 : index
    %get3A_321 = arith.constant 0 : index
    %get3A_322 = arith.constant 8 : index
    %get3A_323 = arith.constant 0 : index
    %get3A_324 = arith.constant 0 : index
    %get3A_325 = vector.load %arg1[%get3A_320, %get3A_321, %get3A_322, %get3A_323, %get3A_324] : memref<1x20x20x16x512xf32, #tpu.memory_space<vmem>>, vector<1x1x1x16x512xf32>
    %get3A_326 = vector.shape_cast %get3A_325 : vector<1x1x1x16x512xf32> to vector<16x512xf32>
    %mul3A_327 = arith.mulf %get3A_326, %squeeze3A_319 : vector<16x512xf32>
    %add3A_328 = arith.addf %add3A_290, %mul3A_327 : vector<16x512xf32>
    %get3A_329 = arith.constant 0 : index
    %get3A_330 = arith.constant 1 : index
    %get3A_331 = arith.constant 8 : index
    %get3A_332 = arith.constant 0 : index
    %get3A_333 = arith.constant 0 : index
    %get3A_334 = vector.load %arg1[%get3A_329, %get3A_330, %get3A_331, %get3A_332, %get3A_333] : memref<1x20x20x16x512xf32, #tpu.memory_space<vmem>>, vector<1x1x1x16x512xf32>
    %get3A_335 = vector.shape_cast %get3A_334 : vector<1x1x1x16x512xf32> to vector<16x512xf32>
    %mul3A_336 = arith.mulf %get3A_335, %squeeze3A_319 : vector<16x512xf32>
    %add3A_337 = arith.addf %add3A_299, %mul3A_336 : vector<16x512xf32>
    %get3A_338 = arith.constant 0 : index
    %get3A_339 = arith.constant 2 : index
    %get3A_340 = arith.constant 8 : index
    %get3A_341 = arith.constant 0 : index
    %get3A_342 = arith.constant 0 : index
    %get3A_343 = vector.load %arg1[%get3A_338, %get3A_339, %get3A_340, %get3A_341, %get3A_342] : memref<1x20x20x16x512xf32, #tpu.memory_space<vmem>>, vector<1x1x1x16x512xf32>
    %get3A_344 = vector.shape_cast %get3A_343 : vector<1x1x1x16x512xf32> to vector<16x512xf32>
    %mul3A_345 = arith.mulf %get3A_344, %squeeze3A_319 : vector<16x512xf32>
    %add3A_346 = arith.addf %add3A_308, %mul3A_345 : vector<16x512xf32>
    %get3A_347 = arith.constant 0 : index
    %get3A_348 = arith.constant 3 : index
    %get3A_349 = arith.constant 8 : index
    %get3A_350 = arith.constant 0 : index
    %get3A_351 = arith.constant 0 : index
    %get3A_352 = vector.load %arg1[%get3A_347, %get3A_348, %get3A_349, %get3A_350, %get3A_351] : memref<1x20x20x16x512xf32, #tpu.memory_space<vmem>>, vector<1x1x1x16x512xf32>
    %get3A_353 = vector.shape_cast %get3A_352 : vector<1x1x1x16x512xf32> to vector<16x512xf32>
    %mul3A_354 = arith.mulf %get3A_353, %squeeze3A_319 : vector<16x512xf32>
    %add3A_355 = arith.addf %add3A_317, %mul3A_354 : vector<16x512xf32>
    %slice3A_356 = vector.extract_strided_slice %select_n3A {offsets = [9, 0, 0], sizes = [1, 16, 512], strides = [1, 1, 1]} : vector<20x16x512xf32> to vector<1x16x512xf32>
    %squeeze3A_357 = vector.shape_cast %slice3A_356 : vector<1x16x512xf32> to vector<16x512xf32>
    %get3A_358 = arith.constant 0 : index
    %get3A_359 = arith.constant 0 : index
    %get3A_360 = arith.constant 9 : index
    %get3A_361 = arith.constant 0 : index
    %get3A_362 = arith.constant 0 : index
    %get3A_363 = vector.load %arg1[%get3A_358, %get3A_359, %get3A_360, %get3A_361, %get3A_362] : memref<1x20x20x16x512xf32, #tpu.memory_space<vmem>>, vector<1x1x1x16x512xf32>
    %get3A_364 = vector.shape_cast %get3A_363 : vector<1x1x1x16x512xf32> to vector<16x512xf32>
    %mul3A_365 = arith.mulf %get3A_364, %squeeze3A_357 : vector<16x512xf32>
    %add3A_366 = arith.addf %add3A_328, %mul3A_365 : vector<16x512xf32>
    %get3A_367 = arith.constant 0 : index
    %get3A_368 = arith.constant 1 : index
    %get3A_369 = arith.constant 9 : index
    %get3A_370 = arith.constant 0 : index
    %get3A_371 = arith.constant 0 : index
    %get3A_372 = vector.load %arg1[%get3A_367, %get3A_368, %get3A_369, %get3A_370, %get3A_371] : memref<1x20x20x16x512xf32, #tpu.memory_space<vmem>>, vector<1x1x1x16x512xf32>
    %get3A_373 = vector.shape_cast %get3A_372 : vector<1x1x1x16x512xf32> to vector<16x512xf32>
    %mul3A_374 = arith.mulf %get3A_373, %squeeze3A_357 : vector<16x512xf32>
    %add3A_375 = arith.addf %add3A_337, %mul3A_374 : vector<16x512xf32>
    %get3A_376 = arith.constant 0 : index
    %get3A_377 = arith.constant 2 : index
    %get3A_378 = arith.constant 9 : index
    %get3A_379 = arith.constant 0 : index
    %get3A_380 = arith.constant 0 : index
    %get3A_381 = vector.load %arg1[%get3A_376, %get3A_377, %get3A_378, %get3A_379, %get3A_380] : memref<1x20x20x16x512xf32, #tpu.memory_space<vmem>>, vector<1x1x1x16x512xf32>
    %get3A_382 = vector.shape_cast %get3A_381 : vector<1x1x1x16x512xf32> to vector<16x512xf32>
    %mul3A_383 = arith.mulf %get3A_382, %squeeze3A_357 : vector<16x512xf32>
    %add3A_384 = arith.addf %add3A_346, %mul3A_383 : vector<16x512xf32>
    %get3A_385 = arith.constant 0 : index
    %get3A_386 = arith.constant 3 : index
    %get3A_387 = arith.constant 9 : index
    %get3A_388 = arith.constant 0 : index
    %get3A_389 = arith.constant 0 : index
    %get3A_390 = vector.load %arg1[%get3A_385, %get3A_386, %get3A_387, %get3A_388, %get3A_389] : memref<1x20x20x16x512xf32, #tpu.memory_space<vmem>>, vector<1x1x1x16x512xf32>
    %get3A_391 = vector.shape_cast %get3A_390 : vector<1x1x1x16x512xf32> to vector<16x512xf32>
    %mul3A_392 = arith.mulf %get3A_391, %squeeze3A_357 : vector<16x512xf32>
    %add3A_393 = arith.addf %add3A_355, %mul3A_392 : vector<16x512xf32>
    %slice3A_394 = vector.extract_strided_slice %select_n3A {offsets = [10, 0, 0], sizes = [1, 16, 512], strides = [1, 1, 1]} : vector<20x16x512xf32> to vector<1x16x512xf32>
    %squeeze3A_395 = vector.shape_cast %slice3A_394 : vector<1x16x512xf32> to vector<16x512xf32>
    %get3A_396 = arith.constant 0 : index
    %get3A_397 = arith.constant 0 : index
    %get3A_398 = arith.constant 10 : index
    %get3A_399 = arith.constant 0 : index
    %get3A_400 = arith.constant 0 : index
    %get3A_401 = vector.load %arg1[%get3A_396, %get3A_397, %get3A_398, %get3A_399, %get3A_400] : memref<1x20x20x16x512xf32, #tpu.memory_space<vmem>>, vector<1x1x1x16x512xf32>
    %get3A_402 = vector.shape_cast %get3A_401 : vector<1x1x1x16x512xf32> to vector<16x512xf32>
    %mul3A_403 = arith.mulf %get3A_402, %squeeze3A_395 : vector<16x512xf32>
    %add3A_404 = arith.addf %add3A_366, %mul3A_403 : vector<16x512xf32>
    %get3A_405 = arith.constant 0 : index
    %get3A_406 = arith.constant 1 : index
    %get3A_407 = arith.constant 10 : index
    %get3A_408 = arith.constant 0 : index
    %get3A_409 = arith.constant 0 : index
    %get3A_410 = vector.load %arg1[%get3A_405, %get3A_406, %get3A_407, %get3A_408, %get3A_409] : memref<1x20x20x16x512xf32, #tpu.memory_space<vmem>>, vector<1x1x1x16x512xf32>
    %get3A_411 = vector.shape_cast %get3A_410 : vector<1x1x1x16x512xf32> to vector<16x512xf32>
    %mul3A_412 = arith.mulf %get3A_411, %squeeze3A_395 : vector<16x512xf32>
    %add3A_413 = arith.addf %add3A_375, %mul3A_412 : vector<16x512xf32>
    %get3A_414 = arith.constant 0 : index
    %get3A_415 = arith.constant 2 : index
    %get3A_416 = arith.constant 10 : index
    %get3A_417 = arith.constant 0 : index
    %get3A_418 = arith.constant 0 : index
    %get3A_419 = vector.load %arg1[%get3A_414, %get3A_415, %get3A_416, %get3A_417, %get3A_418] : memref<1x20x20x16x512xf32, #tpu.memory_space<vmem>>, vector<1x1x1x16x512xf32>
    %get3A_420 = vector.shape_cast %get3A_419 : vector<1x1x1x16x512xf32> to vector<16x512xf32>
    %mul3A_421 = arith.mulf %get3A_420, %squeeze3A_395 : vector<16x512xf32>
    %add3A_422 = arith.addf %add3A_384, %mul3A_421 : vector<16x512xf32>
    %get3A_423 = arith.constant 0 : index
    %get3A_424 = arith.constant 3 : index
    %get3A_425 = arith.constant 10 : index
    %get3A_426 = arith.constant 0 : index
    %get3A_427 = arith.constant 0 : index
    %get3A_428 = vector.load %arg1[%get3A_423, %get3A_424, %get3A_425, %get3A_426, %get3A_427] : memref<1x20x20x16x512xf32, #tpu.memory_space<vmem>>, vector<1x1x1x16x512xf32>
    %get3A_429 = vector.shape_cast %get3A_428 : vector<1x1x1x16x512xf32> to vector<16x512xf32>
    %mul3A_430 = arith.mulf %get3A_429, %squeeze3A_395 : vector<16x512xf32>
    %add3A_431 = arith.addf %add3A_393, %mul3A_430 : vector<16x512xf32>
    %slice3A_432 = vector.extract_strided_slice %select_n3A {offsets = [11, 0, 0], sizes = [1, 16, 512], strides = [1, 1, 1]} : vector<20x16x512xf32> to vector<1x16x512xf32>
    %squeeze3A_433 = vector.shape_cast %slice3A_432 : vector<1x16x512xf32> to vector<16x512xf32>
    %get3A_434 = arith.constant 0 : index
    %get3A_435 = arith.constant 0 : index
    %get3A_436 = arith.constant 11 : index
    %get3A_437 = arith.constant 0 : index
    %get3A_438 = arith.constant 0 : index
    %get3A_439 = vector.load %arg1[%get3A_434, %get3A_435, %get3A_436, %get3A_437, %get3A_438] : memref<1x20x20x16x512xf32, #tpu.memory_space<vmem>>, vector<1x1x1x16x512xf32>
    %get3A_440 = vector.shape_cast %get3A_439 : vector<1x1x1x16x512xf32> to vector<16x512xf32>
    %mul3A_441 = arith.mulf %get3A_440, %squeeze3A_433 : vector<16x512xf32>
    %add3A_442 = arith.addf %add3A_404, %mul3A_441 : vector<16x512xf32>
    %get3A_443 = arith.constant 0 : index
    %get3A_444 = arith.constant 1 : index
    %get3A_445 = arith.constant 11 : index
    %get3A_446 = arith.constant 0 : index
    %get3A_447 = arith.constant 0 : index
    %get3A_448 = vector.load %arg1[%get3A_443, %get3A_444, %get3A_445, %get3A_446, %get3A_447] : memref<1x20x20x16x512xf32, #tpu.memory_space<vmem>>, vector<1x1x1x16x512xf32>
    %get3A_449 = vector.shape_cast %get3A_448 : vector<1x1x1x16x512xf32> to vector<16x512xf32>
    %mul3A_450 = arith.mulf %get3A_449, %squeeze3A_433 : vector<16x512xf32>
    %add3A_451 = arith.addf %add3A_413, %mul3A_450 : vector<16x512xf32>
    %get3A_452 = arith.constant 0 : index
    %get3A_453 = arith.constant 2 : index
    %get3A_454 = arith.constant 11 : index
    %get3A_455 = arith.constant 0 : index
    %get3A_456 = arith.constant 0 : index
    %get3A_457 = vector.load %arg1[%get3A_452, %get3A_453, %get3A_454, %get3A_455, %get3A_456] : memref<1x20x20x16x512xf32, #tpu.memory_space<vmem>>, vector<1x1x1x16x512xf32>
    %get3A_458 = vector.shape_cast %get3A_457 : vector<1x1x1x16x512xf32> to vector<16x512xf32>
    %mul3A_459 = arith.mulf %get3A_458, %squeeze3A_433 : vector<16x512xf32>
    %add3A_460 = arith.addf %add3A_422, %mul3A_459 : vector<16x512xf32>
    %get3A_461 = arith.constant 0 : index
    %get3A_462 = arith.constant 3 : index
    %get3A_463 = arith.constant 11 : index
    %get3A_464 = arith.constant 0 : index
    %get3A_465 = arith.constant 0 : index
    %get3A_466 = vector.load %arg1[%get3A_461, %get3A_462, %get3A_463, %get3A_464, %get3A_465] : memref<1x20x20x16x512xf32, #tpu.memory_space<vmem>>, vector<1x1x1x16x512xf32>
    %get3A_467 = vector.shape_cast %get3A_466 : vector<1x1x1x16x512xf32> to vector<16x512xf32>
    %mul3A_468 = arith.mulf %get3A_467, %squeeze3A_433 : vector<16x512xf32>
    %add3A_469 = arith.addf %add3A_431, %mul3A_468 : vector<16x512xf32>
    %slice3A_470 = vector.extract_strided_slice %select_n3A {offsets = [12, 0, 0], sizes = [1, 16, 512], strides = [1, 1, 1]} : vector<20x16x512xf32> to vector<1x16x512xf32>
    %squeeze3A_471 = vector.shape_cast %slice3A_470 : vector<1x16x512xf32> to vector<16x512xf32>
    %get3A_472 = arith.constant 0 : index
    %get3A_473 = arith.constant 0 : index
    %get3A_474 = arith.constant 12 : index
    %get3A_475 = arith.constant 0 : index
    %get3A_476 = arith.constant 0 : index
    %get3A_477 = vector.load %arg1[%get3A_472, %get3A_473, %get3A_474, %get3A_475, %get3A_476] : memref<1x20x20x16x512xf32, #tpu.memory_space<vmem>>, vector<1x1x1x16x512xf32>
    %get3A_478 = vector.shape_cast %get3A_477 : vector<1x1x1x16x512xf32> to vector<16x512xf32>
    %mul3A_479 = arith.mulf %get3A_478, %squeeze3A_471 : vector<16x512xf32>
    %add3A_480 = arith.addf %add3A_442, %mul3A_479 : vector<16x512xf32>
    %get3A_481 = arith.constant 0 : index
    %get3A_482 = arith.constant 1 : index
    %get3A_483 = arith.constant 12 : index
    %get3A_484 = arith.constant 0 : index
    %get3A_485 = arith.constant 0 : index
    %get3A_486 = vector.load %arg1[%get3A_481, %get3A_482, %get3A_483, %get3A_484, %get3A_485] : memref<1x20x20x16x512xf32, #tpu.memory_space<vmem>>, vector<1x1x1x16x512xf32>
    %get3A_487 = vector.shape_cast %get3A_486 : vector<1x1x1x16x512xf32> to vector<16x512xf32>
    %mul3A_488 = arith.mulf %get3A_487, %squeeze3A_471 : vector<16x512xf32>
    %add3A_489 = arith.addf %add3A_451, %mul3A_488 : vector<16x512xf32>
    %get3A_490 = arith.constant 0 : index
    %get3A_491 = arith.constant 2 : index
    %get3A_492 = arith.constant 12 : index
    %get3A_493 = arith.constant 0 : index
    %get3A_494 = arith.constant 0 : index
    %get3A_495 = vector.load %arg1[%get3A_490, %get3A_491, %get3A_492, %get3A_493, %get3A_494] : memref<1x20x20x16x512xf32, #tpu.memory_space<vmem>>, vector<1x1x1x16x512xf32>
    %get3A_496 = vector.shape_cast %get3A_495 : vector<1x1x1x16x512xf32> to vector<16x512xf32>
    %mul3A_497 = arith.mulf %get3A_496, %squeeze3A_471 : vector<16x512xf32>
    %add3A_498 = arith.addf %add3A_460, %mul3A_497 : vector<16x512xf32>
    %get3A_499 = arith.constant 0 : index
    %get3A_500 = arith.constant 3 : index
    %get3A_501 = arith.constant 12 : index
    %get3A_502 = arith.constant 0 : index
    %get3A_503 = arith.constant 0 : index
    %get3A_504 = vector.load %arg1[%get3A_499, %get3A_500, %get3A_501, %get3A_502, %get3A_503] : memref<1x20x20x16x512xf32, #tpu.memory_space<vmem>>, vector<1x1x1x16x512xf32>
    %get3A_505 = vector.shape_cast %get3A_504 : vector<1x1x1x16x512xf32> to vector<16x512xf32>
    %mul3A_506 = arith.mulf %get3A_505, %squeeze3A_471 : vector<16x512xf32>
    %add3A_507 = arith.addf %add3A_469, %mul3A_506 : vector<16x512xf32>
    %slice3A_508 = vector.extract_strided_slice %select_n3A {offsets = [13, 0, 0], sizes = [1, 16, 512], strides = [1, 1, 1]} : vector<20x16x512xf32> to vector<1x16x512xf32>
    %squeeze3A_509 = vector.shape_cast %slice3A_508 : vector<1x16x512xf32> to vector<16x512xf32>
    %get3A_510 = arith.constant 0 : index
    %get3A_511 = arith.constant 0 : index
    %get3A_512 = arith.constant 13 : index
    %get3A_513 = arith.constant 0 : index
    %get3A_514 = arith.constant 0 : index
    %get3A_515 = vector.load %arg1[%get3A_510, %get3A_511, %get3A_512, %get3A_513, %get3A_514] : memref<1x20x20x16x512xf32, #tpu.memory_space<vmem>>, vector<1x1x1x16x512xf32>
    %get3A_516 = vector.shape_cast %get3A_515 : vector<1x1x1x16x512xf32> to vector<16x512xf32>
    %mul3A_517 = arith.mulf %get3A_516, %squeeze3A_509 : vector<16x512xf32>
    %add3A_518 = arith.addf %add3A_480, %mul3A_517 : vector<16x512xf32>
    %get3A_519 = arith.constant 0 : index
    %get3A_520 = arith.constant 1 : index
    %get3A_521 = arith.constant 13 : index
    %get3A_522 = arith.constant 0 : index
    %get3A_523 = arith.constant 0 : index
    %get3A_524 = vector.load %arg1[%get3A_519, %get3A_520, %get3A_521, %get3A_522, %get3A_523] : memref<1x20x20x16x512xf32, #tpu.memory_space<vmem>>, vector<1x1x1x16x512xf32>
    %get3A_525 = vector.shape_cast %get3A_524 : vector<1x1x1x16x512xf32> to vector<16x512xf32>
    %mul3A_526 = arith.mulf %get3A_525, %squeeze3A_509 : vector<16x512xf32>
    %add3A_527 = arith.addf %add3A_489, %mul3A_526 : vector<16x512xf32>
    %get3A_528 = arith.constant 0 : index
    %get3A_529 = arith.constant 2 : index
    %get3A_530 = arith.constant 13 : index
    %get3A_531 = arith.constant 0 : index
    %get3A_532 = arith.constant 0 : index
    %get3A_533 = vector.load %arg1[%get3A_528, %get3A_529, %get3A_530, %get3A_531, %get3A_532] : memref<1x20x20x16x512xf32, #tpu.memory_space<vmem>>, vector<1x1x1x16x512xf32>
    %get3A_534 = vector.shape_cast %get3A_533 : vector<1x1x1x16x512xf32> to vector<16x512xf32>
    %mul3A_535 = arith.mulf %get3A_534, %squeeze3A_509 : vector<16x512xf32>
    %add3A_536 = arith.addf %add3A_498, %mul3A_535 : vector<16x512xf32>
    %get3A_537 = arith.constant 0 : index
    %get3A_538 = arith.constant 3 : index
    %get3A_539 = arith.constant 13 : index
    %get3A_540 = arith.constant 0 : index
    %get3A_541 = arith.constant 0 : index
    %get3A_542 = vector.load %arg1[%get3A_537, %get3A_538, %get3A_539, %get3A_540, %get3A_541] : memref<1x20x20x16x512xf32, #tpu.memory_space<vmem>>, vector<1x1x1x16x512xf32>
    %get3A_543 = vector.shape_cast %get3A_542 : vector<1x1x1x16x512xf32> to vector<16x512xf32>
    %mul3A_544 = arith.mulf %get3A_543, %squeeze3A_509 : vector<16x512xf32>
    %add3A_545 = arith.addf %add3A_507, %mul3A_544 : vector<16x512xf32>
    %slice3A_546 = vector.extract_strided_slice %select_n3A {offsets = [14, 0, 0], sizes = [1, 16, 512], strides = [1, 1, 1]} : vector<20x16x512xf32> to vector<1x16x512xf32>
    %squeeze3A_547 = vector.shape_cast %slice3A_546 : vector<1x16x512xf32> to vector<16x512xf32>
    %get3A_548 = arith.constant 0 : index
    %get3A_549 = arith.constant 0 : index
    %get3A_550 = arith.constant 14 : index
    %get3A_551 = arith.constant 0 : index
    %get3A_552 = arith.constant 0 : index
    %get3A_553 = vector.load %arg1[%get3A_548, %get3A_549, %get3A_550, %get3A_551, %get3A_552] : memref<1x20x20x16x512xf32, #tpu.memory_space<vmem>>, vector<1x1x1x16x512xf32>
    %get3A_554 = vector.shape_cast %get3A_553 : vector<1x1x1x16x512xf32> to vector<16x512xf32>
    %mul3A_555 = arith.mulf %get3A_554, %squeeze3A_547 : vector<16x512xf32>
    %add3A_556 = arith.addf %add3A_518, %mul3A_555 : vector<16x512xf32>
    %get3A_557 = arith.constant 0 : index
    %get3A_558 = arith.constant 1 : index
    %get3A_559 = arith.constant 14 : index
    %get3A_560 = arith.constant 0 : index
    %get3A_561 = arith.constant 0 : index
    %get3A_562 = vector.load %arg1[%get3A_557, %get3A_558, %get3A_559, %get3A_560, %get3A_561] : memref<1x20x20x16x512xf32, #tpu.memory_space<vmem>>, vector<1x1x1x16x512xf32>
    %get3A_563 = vector.shape_cast %get3A_562 : vector<1x1x1x16x512xf32> to vector<16x512xf32>
    %mul3A_564 = arith.mulf %get3A_563, %squeeze3A_547 : vector<16x512xf32>
    %add3A_565 = arith.addf %add3A_527, %mul3A_564 : vector<16x512xf32>
    %get3A_566 = arith.constant 0 : index
    %get3A_567 = arith.constant 2 : index
    %get3A_568 = arith.constant 14 : index
    %get3A_569 = arith.constant 0 : index
    %get3A_570 = arith.constant 0 : index
    %get3A_571 = vector.load %arg1[%get3A_566, %get3A_567, %get3A_568, %get3A_569, %get3A_570] : memref<1x20x20x16x512xf32, #tpu.memory_space<vmem>>, vector<1x1x1x16x512xf32>
    %get3A_572 = vector.shape_cast %get3A_571 : vector<1x1x1x16x512xf32> to vector<16x512xf32>
    %mul3A_573 = arith.mulf %get3A_572, %squeeze3A_547 : vector<16x512xf32>
    %add3A_574 = arith.addf %add3A_536, %mul3A_573 : vector<16x512xf32>
    %get3A_575 = arith.constant 0 : index
    %get3A_576 = arith.constant 3 : index
    %get3A_577 = arith.constant 14 : index
    %get3A_578 = arith.constant 0 : index
    %get3A_579 = arith.constant 0 : index
    %get3A_580 = vector.load %arg1[%get3A_575, %get3A_576, %get3A_577, %get3A_578, %get3A_579] : memref<1x20x20x16x512xf32, #tpu.memory_space<vmem>>, vector<1x1x1x16x512xf32>
    %get3A_581 = vector.shape_cast %get3A_580 : vector<1x1x1x16x512xf32> to vector<16x512xf32>
    %mul3A_582 = arith.mulf %get3A_581, %squeeze3A_547 : vector<16x512xf32>
    %add3A_583 = arith.addf %add3A_545, %mul3A_582 : vector<16x512xf32>
    %slice3A_584 = vector.extract_strided_slice %select_n3A {offsets = [15, 0, 0], sizes = [1, 16, 512], strides = [1, 1, 1]} : vector<20x16x512xf32> to vector<1x16x512xf32>
    %squeeze3A_585 = vector.shape_cast %slice3A_584 : vector<1x16x512xf32> to vector<16x512xf32>
    %get3A_586 = arith.constant 0 : index
    %get3A_587 = arith.constant 0 : index
    %get3A_588 = arith.constant 15 : index
    %get3A_589 = arith.constant 0 : index
    %get3A_590 = arith.constant 0 : index
    %get3A_591 = vector.load %arg1[%get3A_586, %get3A_587, %get3A_588, %get3A_589, %get3A_590] : memref<1x20x20x16x512xf32, #tpu.memory_space<vmem>>, vector<1x1x1x16x512xf32>
    %get3A_592 = vector.shape_cast %get3A_591 : vector<1x1x1x16x512xf32> to vector<16x512xf32>
    %mul3A_593 = arith.mulf %get3A_592, %squeeze3A_585 : vector<16x512xf32>
    %add3A_594 = arith.addf %add3A_556, %mul3A_593 : vector<16x512xf32>
    %get3A_595 = arith.constant 0 : index
    %get3A_596 = arith.constant 1 : index
    %get3A_597 = arith.constant 15 : index
    %get3A_598 = arith.constant 0 : index
    %get3A_599 = arith.constant 0 : index
    %get3A_600 = vector.load %arg1[%get3A_595, %get3A_596, %get3A_597, %get3A_598, %get3A_599] : memref<1x20x20x16x512xf32, #tpu.memory_space<vmem>>, vector<1x1x1x16x512xf32>
    %get3A_601 = vector.shape_cast %get3A_600 : vector<1x1x1x16x512xf32> to vector<16x512xf32>
    %mul3A_602 = arith.mulf %get3A_601, %squeeze3A_585 : vector<16x512xf32>
    %add3A_603 = arith.addf %add3A_565, %mul3A_602 : vector<16x512xf32>
    %get3A_604 = arith.constant 0 : index
    %get3A_605 = arith.constant 2 : index
    %get3A_606 = arith.constant 15 : index
    %get3A_607 = arith.constant 0 : index
    %get3A_608 = arith.constant 0 : index
    %get3A_609 = vector.load %arg1[%get3A_604, %get3A_605, %get3A_606, %get3A_607, %get3A_608] : memref<1x20x20x16x512xf32, #tpu.memory_space<vmem>>, vector<1x1x1x16x512xf32>
    %get3A_610 = vector.shape_cast %get3A_609 : vector<1x1x1x16x512xf32> to vector<16x512xf32>
    %mul3A_611 = arith.mulf %get3A_610, %squeeze3A_585 : vector<16x512xf32>
    %add3A_612 = arith.addf %add3A_574, %mul3A_611 : vector<16x512xf32>
    %get3A_613 = arith.constant 0 : index
    %get3A_614 = arith.constant 3 : index
    %get3A_615 = arith.constant 15 : index
    %get3A_616 = arith.constant 0 : index
    %get3A_617 = arith.constant 0 : index
    %get3A_618 = vector.load %arg1[%get3A_613, %get3A_614, %get3A_615, %get3A_616, %get3A_617] : memref<1x20x20x16x512xf32, #tpu.memory_space<vmem>>, vector<1x1x1x16x512xf32>
    %get3A_619 = vector.shape_cast %get3A_618 : vector<1x1x1x16x512xf32> to vector<16x512xf32>
    %mul3A_620 = arith.mulf %get3A_619, %squeeze3A_585 : vector<16x512xf32>
    %add3A_621 = arith.addf %add3A_583, %mul3A_620 : vector<16x512xf32>
    %slice3A_622 = vector.extract_strided_slice %select_n3A {offsets = [16, 0, 0], sizes = [1, 16, 512], strides = [1, 1, 1]} : vector<20x16x512xf32> to vector<1x16x512xf32>
    %squeeze3A_623 = vector.shape_cast %slice3A_622 : vector<1x16x512xf32> to vector<16x512xf32>
    %get3A_624 = arith.constant 0 : index
    %get3A_625 = arith.constant 0 : index
    %get3A_626 = arith.constant 16 : index
    %get3A_627 = arith.constant 0 : index
    %get3A_628 = arith.constant 0 : index
    %get3A_629 = vector.load %arg1[%get3A_624, %get3A_625, %get3A_626, %get3A_627, %get3A_628] : memref<1x20x20x16x512xf32, #tpu.memory_space<vmem>>, vector<1x1x1x16x512xf32>
    %get3A_630 = vector.shape_cast %get3A_629 : vector<1x1x1x16x512xf32> to vector<16x512xf32>
    %mul3A_631 = arith.mulf %get3A_630, %squeeze3A_623 : vector<16x512xf32>
    %add3A_632 = arith.addf %add3A_594, %mul3A_631 : vector<16x512xf32>
    %get3A_633 = arith.constant 0 : index
    %get3A_634 = arith.constant 1 : index
    %get3A_635 = arith.constant 16 : index
    %get3A_636 = arith.constant 0 : index
    %get3A_637 = arith.constant 0 : index
    %get3A_638 = vector.load %arg1[%get3A_633, %get3A_634, %get3A_635, %get3A_636, %get3A_637] : memref<1x20x20x16x512xf32, #tpu.memory_space<vmem>>, vector<1x1x1x16x512xf32>
    %get3A_639 = vector.shape_cast %get3A_638 : vector<1x1x1x16x512xf32> to vector<16x512xf32>
    %mul3A_640 = arith.mulf %get3A_639, %squeeze3A_623 : vector<16x512xf32>
    %add3A_641 = arith.addf %add3A_603, %mul3A_640 : vector<16x512xf32>
    %get3A_642 = arith.constant 0 : index
    %get3A_643 = arith.constant 2 : index
    %get3A_644 = arith.constant 16 : index
    %get3A_645 = arith.constant 0 : index
    %get3A_646 = arith.constant 0 : index
    %get3A_647 = vector.load %arg1[%get3A_642, %get3A_643, %get3A_644, %get3A_645, %get3A_646] : memref<1x20x20x16x512xf32, #tpu.memory_space<vmem>>, vector<1x1x1x16x512xf32>
    %get3A_648 = vector.shape_cast %get3A_647 : vector<1x1x1x16x512xf32> to vector<16x512xf32>
    %mul3A_649 = arith.mulf %get3A_648, %squeeze3A_623 : vector<16x512xf32>
    %add3A_650 = arith.addf %add3A_612, %mul3A_649 : vector<16x512xf32>
    %get3A_651 = arith.constant 0 : index
    %get3A_652 = arith.constant 3 : index
    %get3A_653 = arith.constant 16 : index
    %get3A_654 = arith.constant 0 : index
    %get3A_655 = arith.constant 0 : index
    %get3A_656 = vector.load %arg1[%get3A_651, %get3A_652, %get3A_653, %get3A_654, %get3A_655] : memref<1x20x20x16x512xf32, #tpu.memory_space<vmem>>, vector<1x1x1x16x512xf32>
    %get3A_657 = vector.shape_cast %get3A_656 : vector<1x1x1x16x512xf32> to vector<16x512xf32>
    %mul3A_658 = arith.mulf %get3A_657, %squeeze3A_623 : vector<16x512xf32>
    %add3A_659 = arith.addf %add3A_621, %mul3A_658 : vector<16x512xf32>
    %slice3A_660 = vector.extract_strided_slice %select_n3A {offsets = [17, 0, 0], sizes = [1, 16, 512], strides = [1, 1, 1]} : vector<20x16x512xf32> to vector<1x16x512xf32>
    %squeeze3A_661 = vector.shape_cast %slice3A_660 : vector<1x16x512xf32> to vector<16x512xf32>
    %get3A_662 = arith.constant 0 : index
    %get3A_663 = arith.constant 0 : index
    %get3A_664 = arith.constant 17 : index
    %get3A_665 = arith.constant 0 : index
    %get3A_666 = arith.constant 0 : index
    %get3A_667 = vector.load %arg1[%get3A_662, %get3A_663, %get3A_664, %get3A_665, %get3A_666] : memref<1x20x20x16x512xf32, #tpu.memory_space<vmem>>, vector<1x1x1x16x512xf32>
    %get3A_668 = vector.shape_cast %get3A_667 : vector<1x1x1x16x512xf32> to vector<16x512xf32>
    %mul3A_669 = arith.mulf %get3A_668, %squeeze3A_661 : vector<16x512xf32>
    %add3A_670 = arith.addf %add3A_632, %mul3A_669 : vector<16x512xf32>
    %get3A_671 = arith.constant 0 : index
    %get3A_672 = arith.constant 1 : index
    %get3A_673 = arith.constant 17 : index
    %get3A_674 = arith.constant 0 : index
    %get3A_675 = arith.constant 0 : index
    %get3A_676 = vector.load %arg1[%get3A_671, %get3A_672, %get3A_673, %get3A_674, %get3A_675] : memref<1x20x20x16x512xf32, #tpu.memory_space<vmem>>, vector<1x1x1x16x512xf32>
    %get3A_677 = vector.shape_cast %get3A_676 : vector<1x1x1x16x512xf32> to vector<16x512xf32>
    %mul3A_678 = arith.mulf %get3A_677, %squeeze3A_661 : vector<16x512xf32>
    %add3A_679 = arith.addf %add3A_641, %mul3A_678 : vector<16x512xf32>
    %get3A_680 = arith.constant 0 : index
    %get3A_681 = arith.constant 2 : index
    %get3A_682 = arith.constant 17 : index
    %get3A_683 = arith.constant 0 : index
    %get3A_684 = arith.constant 0 : index
    %get3A_685 = vector.load %arg1[%get3A_680, %get3A_681, %get3A_682, %get3A_683, %get3A_684] : memref<1x20x20x16x512xf32, #tpu.memory_space<vmem>>, vector<1x1x1x16x512xf32>
    %get3A_686 = vector.shape_cast %get3A_685 : vector<1x1x1x16x512xf32> to vector<16x512xf32>
    %mul3A_687 = arith.mulf %get3A_686, %squeeze3A_661 : vector<16x512xf32>
    %add3A_688 = arith.addf %add3A_650, %mul3A_687 : vector<16x512xf32>
    %get3A_689 = arith.constant 0 : index
    %get3A_690 = arith.constant 3 : index
    %get3A_691 = arith.constant 17 : index
    %get3A_692 = arith.constant 0 : index
    %get3A_693 = arith.constant 0 : index
    %get3A_694 = vector.load %arg1[%get3A_689, %get3A_690, %get3A_691, %get3A_692, %get3A_693] : memref<1x20x20x16x512xf32, #tpu.memory_space<vmem>>, vector<1x1x1x16x512xf32>
    %get3A_695 = vector.shape_cast %get3A_694 : vector<1x1x1x16x512xf32> to vector<16x512xf32>
    %mul3A_696 = arith.mulf %get3A_695, %squeeze3A_661 : vector<16x512xf32>
    %add3A_697 = arith.addf %add3A_659, %mul3A_696 : vector<16x512xf32>
    %slice3A_698 = vector.extract_strided_slice %select_n3A {offsets = [18, 0, 0], sizes = [1, 16, 512], strides = [1, 1, 1]} : vector<20x16x512xf32> to vector<1x16x512xf32>
    %squeeze3A_699 = vector.shape_cast %slice3A_698 : vector<1x16x512xf32> to vector<16x512xf32>
    %get3A_700 = arith.constant 0 : index
    %get3A_701 = arith.constant 0 : index
    %get3A_702 = arith.constant 18 : index
    %get3A_703 = arith.constant 0 : index
    %get3A_704 = arith.constant 0 : index
    %get3A_705 = vector.load %arg1[%get3A_700, %get3A_701, %get3A_702, %get3A_703, %get3A_704] : memref<1x20x20x16x512xf32, #tpu.memory_space<vmem>>, vector<1x1x1x16x512xf32>
    %get3A_706 = vector.shape_cast %get3A_705 : vector<1x1x1x16x512xf32> to vector<16x512xf32>
    %mul3A_707 = arith.mulf %get3A_706, %squeeze3A_699 : vector<16x512xf32>
    %add3A_708 = arith.addf %add3A_670, %mul3A_707 : vector<16x512xf32>
    %get3A_709 = arith.constant 0 : index
    %get3A_710 = arith.constant 1 : index
    %get3A_711 = arith.constant 18 : index
    %get3A_712 = arith.constant 0 : index
    %get3A_713 = arith.constant 0 : index
    %get3A_714 = vector.load %arg1[%get3A_709, %get3A_710, %get3A_711, %get3A_712, %get3A_713] : memref<1x20x20x16x512xf32, #tpu.memory_space<vmem>>, vector<1x1x1x16x512xf32>
    %get3A_715 = vector.shape_cast %get3A_714 : vector<1x1x1x16x512xf32> to vector<16x512xf32>
    %mul3A_716 = arith.mulf %get3A_715, %squeeze3A_699 : vector<16x512xf32>
    %add3A_717 = arith.addf %add3A_679, %mul3A_716 : vector<16x512xf32>
    %get3A_718 = arith.constant 0 : index
    %get3A_719 = arith.constant 2 : index
    %get3A_720 = arith.constant 18 : index
    %get3A_721 = arith.constant 0 : index
    %get3A_722 = arith.constant 0 : index
    %get3A_723 = vector.load %arg1[%get3A_718, %get3A_719, %get3A_720, %get3A_721, %get3A_722] : memref<1x20x20x16x512xf32, #tpu.memory_space<vmem>>, vector<1x1x1x16x512xf32>
    %get3A_724 = vector.shape_cast %get3A_723 : vector<1x1x1x16x512xf32> to vector<16x512xf32>
    %mul3A_725 = arith.mulf %get3A_724, %squeeze3A_699 : vector<16x512xf32>
    %add3A_726 = arith.addf %add3A_688, %mul3A_725 : vector<16x512xf32>
    %get3A_727 = arith.constant 0 : index
    %get3A_728 = arith.constant 3 : index
    %get3A_729 = arith.constant 18 : index
    %get3A_730 = arith.constant 0 : index
    %get3A_731 = arith.constant 0 : index
    %get3A_732 = vector.load %arg1[%get3A_727, %get3A_728, %get3A_729, %get3A_730, %get3A_731] : memref<1x20x20x16x512xf32, #tpu.memory_space<vmem>>, vector<1x1x1x16x512xf32>
    %get3A_733 = vector.shape_cast %get3A_732 : vector<1x1x1x16x512xf32> to vector<16x512xf32>
    %mul3A_734 = arith.mulf %get3A_733, %squeeze3A_699 : vector<16x512xf32>
    %add3A_735 = arith.addf %add3A_697, %mul3A_734 : vector<16x512xf32>
    %slice3A_736 = vector.extract_strided_slice %select_n3A {offsets = [19, 0, 0], sizes = [1, 16, 512], strides = [1, 1, 1]} : vector<20x16x512xf32> to vector<1x16x512xf32>
    %squeeze3A_737 = vector.shape_cast %slice3A_736 : vector<1x16x512xf32> to vector<16x512xf32>
    %get3A_738 = arith.constant 0 : index
    %get3A_739 = arith.constant 0 : index
    %get3A_740 = arith.constant 19 : index
    %get3A_741 = arith.constant 0 : index
    %get3A_742 = arith.constant 0 : index
    %get3A_743 = vector.load %arg1[%get3A_738, %get3A_739, %get3A_740, %get3A_741, %get3A_742] : memref<1x20x20x16x512xf32, #tpu.memory_space<vmem>>, vector<1x1x1x16x512xf32>
    %get3A_744 = vector.shape_cast %get3A_743 : vector<1x1x1x16x512xf32> to vector<16x512xf32>
    %mul3A_745 = arith.mulf %get3A_744, %squeeze3A_737 : vector<16x512xf32>
    %add3A_746 = arith.addf %add3A_708, %mul3A_745 : vector<16x512xf32>
    %get3A_747 = arith.constant 0 : index
    %get3A_748 = arith.constant 1 : index
    %get3A_749 = arith.constant 19 : index
    %get3A_750 = arith.constant 0 : index
    %get3A_751 = arith.constant 0 : index
    %get3A_752 = vector.load %arg1[%get3A_747, %get3A_748, %get3A_749, %get3A_750, %get3A_751] : memref<1x20x20x16x512xf32, #tpu.memory_space<vmem>>, vector<1x1x1x16x512xf32>
    %get3A_753 = vector.shape_cast %get3A_752 : vector<1x1x1x16x512xf32> to vector<16x512xf32>
    %mul3A_754 = arith.mulf %get3A_753, %squeeze3A_737 : vector<16x512xf32>
    %add3A_755 = arith.addf %add3A_717, %mul3A_754 : vector<16x512xf32>
    %get3A_756 = arith.constant 0 : index
    %get3A_757 = arith.constant 2 : index
    %get3A_758 = arith.constant 19 : index
    %get3A_759 = arith.constant 0 : index
    %get3A_760 = arith.constant 0 : index
    %get3A_761 = vector.load %arg1[%get3A_756, %get3A_757, %get3A_758, %get3A_759, %get3A_760] : memref<1x20x20x16x512xf32, #tpu.memory_space<vmem>>, vector<1x1x1x16x512xf32>
    %get3A_762 = vector.shape_cast %get3A_761 : vector<1x1x1x16x512xf32> to vector<16x512xf32>
    %mul3A_763 = arith.mulf %get3A_762, %squeeze3A_737 : vector<16x512xf32>
    %add3A_764 = arith.addf %add3A_726, %mul3A_763 : vector<16x512xf32>
    %get3A_765 = arith.constant 0 : index
    %get3A_766 = arith.constant 3 : index
    %get3A_767 = arith.constant 19 : index
    %get3A_768 = arith.constant 0 : index
    %get3A_769 = arith.constant 0 : index
    %get3A_770 = vector.load %arg1[%get3A_765, %get3A_766, %get3A_767, %get3A_768, %get3A_769] : memref<1x20x20x16x512xf32, #tpu.memory_space<vmem>>, vector<1x1x1x16x512xf32>
    %get3A_771 = vector.shape_cast %get3A_770 : vector<1x1x1x16x512xf32> to vector<16x512xf32>
    %mul3A_772 = arith.mulf %get3A_771, %squeeze3A_737 : vector<16x512xf32>
    %add3A_773 = arith.addf %add3A_735, %mul3A_772 : vector<16x512xf32>
    %reduce_sum3A = arith.constant dense<0.000000e+00> : vector<512xf32>
    %reduce_sum3A_774 = vector.multi_reduction <add>, %add3A_746, %reduce_sum3A [0] : vector<16x512xf32> to vector<512xf32>
    %reduce_sum3A_775 = arith.constant dense<0.000000e+00> : vector<512xf32>
    %reduce_sum3A_776 = vector.multi_reduction <add>, %add3A_755, %reduce_sum3A_775 [0] : vector<16x512xf32> to vector<512xf32>
    %reduce_sum3A_777 = arith.constant dense<0.000000e+00> : vector<512xf32>
    %reduce_sum3A_778 = vector.multi_reduction <add>, %add3A_764, %reduce_sum3A_777 [0] : vector<16x512xf32> to vector<512xf32>
    %reduce_sum3A_779 = arith.constant dense<0.000000e+00> : vector<512xf32>
    %reduce_sum3A_780 = vector.multi_reduction <add>, %add3A_773, %reduce_sum3A_779 [0] : vector<16x512xf32> to vector<512xf32>
    %broadcast_in_dim3A_781 = arith.constant 0.000000e+00 : f32
    %broadcast_in_dim3A_782 = vector.broadcast %broadcast_in_dim3A_781 : f32 to vector<16x512xf32>
    %broadcast_in_dim3A_783 = arith.constant 0.000000e+00 : f32
    %broadcast_in_dim3A_784 = vector.broadcast %broadcast_in_dim3A_783 : f32 to vector<16x512xf32>
    %broadcast_in_dim3A_785 = arith.constant 0.000000e+00 : f32
    %broadcast_in_dim3A_786 = vector.broadcast %broadcast_in_dim3A_785 : f32 to vector<16x512xf32>
    %broadcast_in_dim3A_787 = arith.constant 0.000000e+00 : f32
    %broadcast_in_dim3A_788 = vector.broadcast %broadcast_in_dim3A_787 : f32 to vector<16x512xf32>
    %slice3A_789 = vector.extract_strided_slice %select_n3A {offsets = [0, 0, 0], sizes = [1, 16, 512], strides = [1, 1, 1]} : vector<20x16x512xf32> to vector<1x16x512xf32>
    %squeeze3A_790 = vector.shape_cast %slice3A_789 : vector<1x16x512xf32> to vector<16x512xf32>
    %get3A_791 = arith.constant 0 : index
    %get3A_792 = arith.constant 4 : index
    %get3A_793 = arith.constant 0 : index
    %get3A_794 = arith.constant 0 : index
    %get3A_795 = arith.constant 0 : index
    %get3A_796 = vector.load %arg1[%get3A_791, %get3A_792, %get3A_793, %get3A_794, %get3A_795] : memref<1x20x20x16x512xf32, #tpu.memory_space<vmem>>, vector<1x1x1x16x512xf32>
    %get3A_797 = vector.shape_cast %get3A_796 : vector<1x1x1x16x512xf32> to vector<16x512xf32>
    %mul3A_798 = arith.mulf %get3A_797, %squeeze3A_790 : vector<16x512xf32>
    %add3A_799 = arith.addf %broadcast_in_dim3A_782, %mul3A_798 : vector<16x512xf32>
    %get3A_800 = arith.constant 0 : index
    %get3A_801 = arith.constant 5 : index
    %get3A_802 = arith.constant 0 : index
    %get3A_803 = arith.constant 0 : index
    %get3A_804 = arith.constant 0 : index
    %get3A_805 = vector.load %arg1[%get3A_800, %get3A_801, %get3A_802, %get3A_803, %get3A_804] : memref<1x20x20x16x512xf32, #tpu.memory_space<vmem>>, vector<1x1x1x16x512xf32>
    %get3A_806 = vector.shape_cast %get3A_805 : vector<1x1x1x16x512xf32> to vector<16x512xf32>
    %mul3A_807 = arith.mulf %get3A_806, %squeeze3A_790 : vector<16x512xf32>
    %add3A_808 = arith.addf %broadcast_in_dim3A_784, %mul3A_807 : vector<16x512xf32>
    %get3A_809 = arith.constant 0 : index
    %get3A_810 = arith.constant 6 : index
    %get3A_811 = arith.constant 0 : index
    %get3A_812 = arith.constant 0 : index
    %get3A_813 = arith.constant 0 : index
    %get3A_814 = vector.load %arg1[%get3A_809, %get3A_810, %get3A_811, %get3A_812, %get3A_813] : memref<1x20x20x16x512xf32, #tpu.memory_space<vmem>>, vector<1x1x1x16x512xf32>
    %get3A_815 = vector.shape_cast %get3A_814 : vector<1x1x1x16x512xf32> to vector<16x512xf32>
    %mul3A_816 = arith.mulf %get3A_815, %squeeze3A_790 : vector<16x512xf32>
    %add3A_817 = arith.addf %broadcast_in_dim3A_786, %mul3A_816 : vector<16x512xf32>
    %get3A_818 = arith.constant 0 : index
    %get3A_819 = arith.constant 7 : index
    %get3A_820 = arith.constant 0 : index
    %get3A_821 = arith.constant 0 : index
    %get3A_822 = arith.constant 0 : index
    %get3A_823 = vector.load %arg1[%get3A_818, %get3A_819, %get3A_820, %get3A_821, %get3A_822] : memref<1x20x20x16x512xf32, #tpu.memory_space<vmem>>, vector<1x1x1x16x512xf32>
    %get3A_824 = vector.shape_cast %get3A_823 : vector<1x1x1x16x512xf32> to vector<16x512xf32>
    %mul3A_825 = arith.mulf %get3A_824, %squeeze3A_790 : vector<16x512xf32>
    %add3A_826 = arith.addf %broadcast_in_dim3A_788, %mul3A_825 : vector<16x512xf32>
    %slice3A_827 = vector.extract_strided_slice %select_n3A {offsets = [1, 0, 0], sizes = [1, 16, 512], strides = [1, 1, 1]} : vector<20x16x512xf32> to vector<1x16x512xf32>
    %squeeze3A_828 = vector.shape_cast %slice3A_827 : vector<1x16x512xf32> to vector<16x512xf32>
    %get3A_829 = arith.constant 0 : index
    %get3A_830 = arith.constant 4 : index
    %get3A_831 = arith.constant 1 : index
    %get3A_832 = arith.constant 0 : index
    %get3A_833 = arith.constant 0 : index
    %get3A_834 = vector.load %arg1[%get3A_829, %get3A_830, %get3A_831, %get3A_832, %get3A_833] : memref<1x20x20x16x512xf32, #tpu.memory_space<vmem>>, vector<1x1x1x16x512xf32>
    %get3A_835 = vector.shape_cast %get3A_834 : vector<1x1x1x16x512xf32> to vector<16x512xf32>
    %mul3A_836 = arith.mulf %get3A_835, %squeeze3A_828 : vector<16x512xf32>
    %add3A_837 = arith.addf %add3A_799, %mul3A_836 : vector<16x512xf32>
    %get3A_838 = arith.constant 0 : index
    %get3A_839 = arith.constant 5 : index
    %get3A_840 = arith.constant 1 : index
    %get3A_841 = arith.constant 0 : index
    %get3A_842 = arith.constant 0 : index
    %get3A_843 = vector.load %arg1[%get3A_838, %get3A_839, %get3A_840, %get3A_841, %get3A_842] : memref<1x20x20x16x512xf32, #tpu.memory_space<vmem>>, vector<1x1x1x16x512xf32>
    %get3A_844 = vector.shape_cast %get3A_843 : vector<1x1x1x16x512xf32> to vector<16x512xf32>
    %mul3A_845 = arith.mulf %get3A_844, %squeeze3A_828 : vector<16x512xf32>
    %add3A_846 = arith.addf %add3A_808, %mul3A_845 : vector<16x512xf32>
    %get3A_847 = arith.constant 0 : index
    %get3A_848 = arith.constant 6 : index
    %get3A_849 = arith.constant 1 : index
    %get3A_850 = arith.constant 0 : index
    %get3A_851 = arith.constant 0 : index
    %get3A_852 = vector.load %arg1[%get3A_847, %get3A_848, %get3A_849, %get3A_850, %get3A_851] : memref<1x20x20x16x512xf32, #tpu.memory_space<vmem>>, vector<1x1x1x16x512xf32>
    %get3A_853 = vector.shape_cast %get3A_852 : vector<1x1x1x16x512xf32> to vector<16x512xf32>
    %mul3A_854 = arith.mulf %get3A_853, %squeeze3A_828 : vector<16x512xf32>
    %add3A_855 = arith.addf %add3A_817, %mul3A_854 : vector<16x512xf32>
    %get3A_856 = arith.constant 0 : index
    %get3A_857 = arith.constant 7 : index
    %get3A_858 = arith.constant 1 : index
    %get3A_859 = arith.constant 0 : index
    %get3A_860 = arith.constant 0 : index
    %get3A_861 = vector.load %arg1[%get3A_856, %get3A_857, %get3A_858, %get3A_859, %get3A_860] : memref<1x20x20x16x512xf32, #tpu.memory_space<vmem>>, vector<1x1x1x16x512xf32>
    %get3A_862 = vector.shape_cast %get3A_861 : vector<1x1x1x16x512xf32> to vector<16x512xf32>
    %mul3A_863 = arith.mulf %get3A_862, %squeeze3A_828 : vector<16x512xf32>
    %add3A_864 = arith.addf %add3A_826, %mul3A_863 : vector<16x512xf32>
    %slice3A_865 = vector.extract_strided_slice %select_n3A {offsets = [2, 0, 0], sizes = [1, 16, 512], strides = [1, 1, 1]} : vector<20x16x512xf32> to vector<1x16x512xf32>
    %squeeze3A_866 = vector.shape_cast %slice3A_865 : vector<1x16x512xf32> to vector<16x512xf32>
    %get3A_867 = arith.constant 0 : index
    %get3A_868 = arith.constant 4 : index
    %get3A_869 = arith.constant 2 : index
    %get3A_870 = arith.constant 0 : index
    %get3A_871 = arith.constant 0 : index
    %get3A_872 = vector.load %arg1[%get3A_867, %get3A_868, %get3A_869, %get3A_870, %get3A_871] : memref<1x20x20x16x512xf32, #tpu.memory_space<vmem>>, vector<1x1x1x16x512xf32>
    %get3A_873 = vector.shape_cast %get3A_872 : vector<1x1x1x16x512xf32> to vector<16x512xf32>
    %mul3A_874 = arith.mulf %get3A_873, %squeeze3A_866 : vector<16x512xf32>
    %add3A_875 = arith.addf %add3A_837, %mul3A_874 : vector<16x512xf32>
    %get3A_876 = arith.constant 0 : index
    %get3A_877 = arith.constant 5 : index
    %get3A_878 = arith.constant 2 : index
    %get3A_879 = arith.constant 0 : index
    %get3A_880 = arith.constant 0 : index
    %get3A_881 = vector.load %arg1[%get3A_876, %get3A_877, %get3A_878, %get3A_879, %get3A_880] : memref<1x20x20x16x512xf32, #tpu.memory_space<vmem>>, vector<1x1x1x16x512xf32>
    %get3A_882 = vector.shape_cast %get3A_881 : vector<1x1x1x16x512xf32> to vector<16x512xf32>
    %mul3A_883 = arith.mulf %get3A_882, %squeeze3A_866 : vector<16x512xf32>
    %add3A_884 = arith.addf %add3A_846, %mul3A_883 : vector<16x512xf32>
    %get3A_885 = arith.constant 0 : index
    %get3A_886 = arith.constant 6 : index
    %get3A_887 = arith.constant 2 : index
    %get3A_888 = arith.constant 0 : index
    %get3A_889 = arith.constant 0 : index
    %get3A_890 = vector.load %arg1[%get3A_885, %get3A_886, %get3A_887, %get3A_888, %get3A_889] : memref<1x20x20x16x512xf32, #tpu.memory_space<vmem>>, vector<1x1x1x16x512xf32>
    %get3A_891 = vector.shape_cast %get3A_890 : vector<1x1x1x16x512xf32> to vector<16x512xf32>
    %mul3A_892 = arith.mulf %get3A_891, %squeeze3A_866 : vector<16x512xf32>
    %add3A_893 = arith.addf %add3A_855, %mul3A_892 : vector<16x512xf32>
    %get3A_894 = arith.constant 0 : index
    %get3A_895 = arith.constant 7 : index
    %get3A_896 = arith.constant 2 : index
    %get3A_897 = arith.constant 0 : index
    %get3A_898 = arith.constant 0 : index
    %get3A_899 = vector.load %arg1[%get3A_894, %get3A_895, %get3A_896, %get3A_897, %get3A_898] : memref<1x20x20x16x512xf32, #tpu.memory_space<vmem>>, vector<1x1x1x16x512xf32>
    %get3A_900 = vector.shape_cast %get3A_899 : vector<1x1x1x16x512xf32> to vector<16x512xf32>
    %mul3A_901 = arith.mulf %get3A_900, %squeeze3A_866 : vector<16x512xf32>
    %add3A_902 = arith.addf %add3A_864, %mul3A_901 : vector<16x512xf32>
    %slice3A_903 = vector.extract_strided_slice %select_n3A {offsets = [3, 0, 0], sizes = [1, 16, 512], strides = [1, 1, 1]} : vector<20x16x512xf32> to vector<1x16x512xf32>
    %squeeze3A_904 = vector.shape_cast %slice3A_903 : vector<1x16x512xf32> to vector<16x512xf32>
    %get3A_905 = arith.constant 0 : index
    %get3A_906 = arith.constant 4 : index
    %get3A_907 = arith.constant 3 : index
    %get3A_908 = arith.constant 0 : index
    %get3A_909 = arith.constant 0 : index
    %get3A_910 = vector.load %arg1[%get3A_905, %get3A_906, %get3A_907, %get3A_908, %get3A_909] : memref<1x20x20x16x512xf32, #tpu.memory_space<vmem>>, vector<1x1x1x16x512xf32>
    %get3A_911 = vector.shape_cast %get3A_910 : vector<1x1x1x16x512xf32> to vector<16x512xf32>
    %mul3A_912 = arith.mulf %get3A_911, %squeeze3A_904 : vector<16x512xf32>
    %add3A_913 = arith.addf %add3A_875, %mul3A_912 : vector<16x512xf32>
    %get3A_914 = arith.constant 0 : index
    %get3A_915 = arith.constant 5 : index
    %get3A_916 = arith.constant 3 : index
    %get3A_917 = arith.constant 0 : index
    %get3A_918 = arith.constant 0 : index
    %get3A_919 = vector.load %arg1[%get3A_914, %get3A_915, %get3A_916, %get3A_917, %get3A_918] : memref<1x20x20x16x512xf32, #tpu.memory_space<vmem>>, vector<1x1x1x16x512xf32>
    %get3A_920 = vector.shape_cast %get3A_919 : vector<1x1x1x16x512xf32> to vector<16x512xf32>
    %mul3A_921 = arith.mulf %get3A_920, %squeeze3A_904 : vector<16x512xf32>
    %add3A_922 = arith.addf %add3A_884, %mul3A_921 : vector<16x512xf32>
    %get3A_923 = arith.constant 0 : index
    %get3A_924 = arith.constant 6 : index
    %get3A_925 = arith.constant 3 : index
    %get3A_926 = arith.constant 0 : index
    %get3A_927 = arith.constant 0 : index
    %get3A_928 = vector.load %arg1[%get3A_923, %get3A_924, %get3A_925, %get3A_926, %get3A_927] : memref<1x20x20x16x512xf32, #tpu.memory_space<vmem>>, vector<1x1x1x16x512xf32>
    %get3A_929 = vector.shape_cast %get3A_928 : vector<1x1x1x16x512xf32> to vector<16x512xf32>
    %mul3A_930 = arith.mulf %get3A_929, %squeeze3A_904 : vector<16x512xf32>
    %add3A_931 = arith.addf %add3A_893, %mul3A_930 : vector<16x512xf32>
    %get3A_932 = arith.constant 0 : index
    %get3A_933 = arith.constant 7 : index
    %get3A_934 = arith.constant 3 : index
    %get3A_935 = arith.constant 0 : index
    %get3A_936 = arith.constant 0 : index
    %get3A_937 = vector.load %arg1[%get3A_932, %get3A_933, %get3A_934, %get3A_935, %get3A_936] : memref<1x20x20x16x512xf32, #tpu.memory_space<vmem>>, vector<1x1x1x16x512xf32>
    %get3A_938 = vector.shape_cast %get3A_937 : vector<1x1x1x16x512xf32> to vector<16x512xf32>
    %mul3A_939 = arith.mulf %get3A_938, %squeeze3A_904 : vector<16x512xf32>
    %add3A_940 = arith.addf %add3A_902, %mul3A_939 : vector<16x512xf32>
    %slice3A_941 = vector.extract_strided_slice %select_n3A {offsets = [4, 0, 0], sizes = [1, 16, 512], strides = [1, 1, 1]} : vector<20x16x512xf32> to vector<1x16x512xf32>
    %squeeze3A_942 = vector.shape_cast %slice3A_941 : vector<1x16x512xf32> to vector<16x512xf32>
    %get3A_943 = arith.constant 0 : index
    %get3A_944 = arith.constant 4 : index
    %get3A_945 = arith.constant 4 : index
    %get3A_946 = arith.constant 0 : index
    %get3A_947 = arith.constant 0 : index
    %get3A_948 = vector.load %arg1[%get3A_943, %get3A_944, %get3A_945, %get3A_946, %get3A_947] : memref<1x20x20x16x512xf32, #tpu.memory_space<vmem>>, vector<1x1x1x16x512xf32>
    %get3A_949 = vector.shape_cast %get3A_948 : vector<1x1x1x16x512xf32> to vector<16x512xf32>
    %mul3A_950 = arith.mulf %get3A_949, %squeeze3A_942 : vector<16x512xf32>
    %add3A_951 = arith.addf %add3A_913, %mul3A_950 : vector<16x512xf32>
    %get3A_952 = arith.constant 0 : index
    %get3A_953 = arith.constant 5 : index
    %get3A_954 = arith.constant 4 : index
    %get3A_955 = arith.constant 0 : index
    %get3A_956 = arith.constant 0 : index
    %get3A_957 = vector.load %arg1[%get3A_952, %get3A_953, %get3A_954, %get3A_955, %get3A_956] : memref<1x20x20x16x512xf32, #tpu.memory_space<vmem>>, vector<1x1x1x16x512xf32>
    %get3A_958 = vector.shape_cast %get3A_957 : vector<1x1x1x16x512xf32> to vector<16x512xf32>
    %mul3A_959 = arith.mulf %get3A_958, %squeeze3A_942 : vector<16x512xf32>
    %add3A_960 = arith.addf %add3A_922, %mul3A_959 : vector<16x512xf32>
    %get3A_961 = arith.constant 0 : index
    %get3A_962 = arith.constant 6 : index
    %get3A_963 = arith.constant 4 : index
    %get3A_964 = arith.constant 0 : index
    %get3A_965 = arith.constant 0 : index
    %get3A_966 = vector.load %arg1[%get3A_961, %get3A_962, %get3A_963, %get3A_964, %get3A_965] : memref<1x20x20x16x512xf32, #tpu.memory_space<vmem>>, vector<1x1x1x16x512xf32>
    %get3A_967 = vector.shape_cast %get3A_966 : vector<1x1x1x16x512xf32> to vector<16x512xf32>
    %mul3A_968 = arith.mulf %get3A_967, %squeeze3A_942 : vector<16x512xf32>
    %add3A_969 = arith.addf %add3A_931, %mul3A_968 : vector<16x512xf32>
    %get3A_970 = arith.constant 0 : index
    %get3A_971 = arith.constant 7 : index
    %get3A_972 = arith.constant 4 : index
    %get3A_973 = arith.constant 0 : index
    %get3A_974 = arith.constant 0 : index
    %get3A_975 = vector.load %arg1[%get3A_970, %get3A_971, %get3A_972, %get3A_973, %get3A_974] : memref<1x20x20x16x512xf32, #tpu.memory_space<vmem>>, vector<1x1x1x16x512xf32>
    %get3A_976 = vector.shape_cast %get3A_975 : vector<1x1x1x16x512xf32> to vector<16x512xf32>
    %mul3A_977 = arith.mulf %get3A_976, %squeeze3A_942 : vector<16x512xf32>
    %add3A_978 = arith.addf %add3A_940, %mul3A_977 : vector<16x512xf32>
    %slice3A_979 = vector.extract_strided_slice %select_n3A {offsets = [5, 0, 0], sizes = [1, 16, 512], strides = [1, 1, 1]} : vector<20x16x512xf32> to vector<1x16x512xf32>
    %squeeze3A_980 = vector.shape_cast %slice3A_979 : vector<1x16x512xf32> to vector<16x512xf32>
    %get3A_981 = arith.constant 0 : index
    %get3A_982 = arith.constant 4 : index
    %get3A_983 = arith.constant 5 : index
    %get3A_984 = arith.constant 0 : index
    %get3A_985 = arith.constant 0 : index
    %get3A_986 = vector.load %arg1[%get3A_981, %get3A_982, %get3A_983, %get3A_984, %get3A_985] : memref<1x20x20x16x512xf32, #tpu.memory_space<vmem>>, vector<1x1x1x16x512xf32>
    %get3A_987 = vector.shape_cast %get3A_986 : vector<1x1x1x16x512xf32> to vector<16x512xf32>
    %mul3A_988 = arith.mulf %get3A_987, %squeeze3A_980 : vector<16x512xf32>
    %add3A_989 = arith.addf %add3A_951, %mul3A_988 : vector<16x512xf32>
    %get3A_990 = arith.constant 0 : index
    %get3A_991 = arith.constant 5 : index
    %get3A_992 = arith.constant 5 : index
    %get3A_993 = arith.constant 0 : index
    %get3A_994 = arith.constant 0 : index
    %get3A_995 = vector.load %arg1[%get3A_990, %get3A_991, %get3A_992, %get3A_993, %get3A_994] : memref<1x20x20x16x512xf32, #tpu.memory_space<vmem>>, vector<1x1x1x16x512xf32>
    %get3A_996 = vector.shape_cast %get3A_995 : vector<1x1x1x16x512xf32> to vector<16x512xf32>
    %mul3A_997 = arith.mulf %get3A_996, %squeeze3A_980 : vector<16x512xf32>
    %add3A_998 = arith.addf %add3A_960, %mul3A_997 : vector<16x512xf32>
    %get3A_999 = arith.constant 0 : index
    %get3A_1000 = arith.constant 6 : index
    %get3A_1001 = arith.constant 5 : index
    %get3A_1002 = arith.constant 0 : index
    %get3A_1003 = arith.constant 0 : index
    %get3A_1004 = vector.load %arg1[%get3A_999, %get3A_1000, %get3A_1001, %get3A_1002, %get3A_1003] : memref<1x20x20x16x512xf32, #tpu.memory_space<vmem>>, vector<1x1x1x16x512xf32>
    %get3A_1005 = vector.shape_cast %get3A_1004 : vector<1x1x1x16x512xf32> to vector<16x512xf32>
    %mul3A_1006 = arith.mulf %get3A_1005, %squeeze3A_980 : vector<16x512xf32>
    %add3A_1007 = arith.addf %add3A_969, %mul3A_1006 : vector<16x512xf32>
    %get3A_1008 = arith.constant 0 : index
    %get3A_1009 = arith.constant 7 : index
    %get3A_1010 = arith.constant 5 : index
    %get3A_1011 = arith.constant 0 : index
    %get3A_1012 = arith.constant 0 : index
    %get3A_1013 = vector.load %arg1[%get3A_1008, %get3A_1009, %get3A_1010, %get3A_1011, %get3A_1012] : memref<1x20x20x16x512xf32, #tpu.memory_space<vmem>>, vector<1x1x1x16x512xf32>
    %get3A_1014 = vector.shape_cast %get3A_1013 : vector<1x1x1x16x512xf32> to vector<16x512xf32>
    %mul3A_1015 = arith.mulf %get3A_1014, %squeeze3A_980 : vector<16x512xf32>
    %add3A_1016 = arith.addf %add3A_978, %mul3A_1015 : vector<16x512xf32>
    %slice3A_1017 = vector.extract_strided_slice %select_n3A {offsets = [6, 0, 0], sizes = [1, 16, 512], strides = [1, 1, 1]} : vector<20x16x512xf32> to vector<1x16x512xf32>
    %squeeze3A_1018 = vector.shape_cast %slice3A_1017 : vector<1x16x512xf32> to vector<16x512xf32>
    %get3A_1019 = arith.constant 0 : index
    %get3A_1020 = arith.constant 4 : index
    %get3A_1021 = arith.constant 6 : index
    %get3A_1022 = arith.constant 0 : index
    %get3A_1023 = arith.constant 0 : index
    %get3A_1024 = vector.load %arg1[%get3A_1019, %get3A_1020, %get3A_1021, %get3A_1022, %get3A_1023] : memref<1x20x20x16x512xf32, #tpu.memory_space<vmem>>, vector<1x1x1x16x512xf32>
    %get3A_1025 = vector.shape_cast %get3A_1024 : vector<1x1x1x16x512xf32> to vector<16x512xf32>
    %mul3A_1026 = arith.mulf %get3A_1025, %squeeze3A_1018 : vector<16x512xf32>
    %add3A_1027 = arith.addf %add3A_989, %mul3A_1026 : vector<16x512xf32>
    %get3A_1028 = arith.constant 0 : index
    %get3A_1029 = arith.constant 5 : index
    %get3A_1030 = arith.constant 6 : index
    %get3A_1031 = arith.constant 0 : index
    %get3A_1032 = arith.constant 0 : index
    %get3A_1033 = vector.load %arg1[%get3A_1028, %get3A_1029, %get3A_1030, %get3A_1031, %get3A_1032] : memref<1x20x20x16x512xf32, #tpu.memory_space<vmem>>, vector<1x1x1x16x512xf32>
    %get3A_1034 = vector.shape_cast %get3A_1033 : vector<1x1x1x16x512xf32> to vector<16x512xf32>
    %mul3A_1035 = arith.mulf %get3A_1034, %squeeze3A_1018 : vector<16x512xf32>
    %add3A_1036 = arith.addf %add3A_998, %mul3A_1035 : vector<16x512xf32>
    %get3A_1037 = arith.constant 0 : index
    %get3A_1038 = arith.constant 6 : index
    %get3A_1039 = arith.constant 6 : index
    %get3A_1040 = arith.constant 0 : index
    %get3A_1041 = arith.constant 0 : index
    %get3A_1042 = vector.load %arg1[%get3A_1037, %get3A_1038, %get3A_1039, %get3A_1040, %get3A_1041] : memref<1x20x20x16x512xf32, #tpu.memory_space<vmem>>, vector<1x1x1x16x512xf32>
    %get3A_1043 = vector.shape_cast %get3A_1042 : vector<1x1x1x16x512xf32> to vector<16x512xf32>
    %mul3A_1044 = arith.mulf %get3A_1043, %squeeze3A_1018 : vector<16x512xf32>
    %add3A_1045 = arith.addf %add3A_1007, %mul3A_1044 : vector<16x512xf32>
    %get3A_1046 = arith.constant 0 : index
    %get3A_1047 = arith.constant 7 : index
    %get3A_1048 = arith.constant 6 : index
    %get3A_1049 = arith.constant 0 : index
    %get3A_1050 = arith.constant 0 : index
    %get3A_1051 = vector.load %arg1[%get3A_1046, %get3A_1047, %get3A_1048, %get3A_1049, %get3A_1050] : memref<1x20x20x16x512xf32, #tpu.memory_space<vmem>>, vector<1x1x1x16x512xf32>
    %get3A_1052 = vector.shape_cast %get3A_1051 : vector<1x1x1x16x512xf32> to vector<16x512xf32>
    %mul3A_1053 = arith.mulf %get3A_1052, %squeeze3A_1018 : vector<16x512xf32>
    %add3A_1054 = arith.addf %add3A_1016, %mul3A_1053 : vector<16x512xf32>
    %slice3A_1055 = vector.extract_strided_slice %select_n3A {offsets = [7, 0, 0], sizes = [1, 16, 512], strides = [1, 1, 1]} : vector<20x16x512xf32> to vector<1x16x512xf32>
    %squeeze3A_1056 = vector.shape_cast %slice3A_1055 : vector<1x16x512xf32> to vector<16x512xf32>
    %get3A_1057 = arith.constant 0 : index
    %get3A_1058 = arith.constant 4 : index
    %get3A_1059 = arith.constant 7 : index
    %get3A_1060 = arith.constant 0 : index
    %get3A_1061 = arith.constant 0 : index
    %get3A_1062 = vector.load %arg1[%get3A_1057, %get3A_1058, %get3A_1059, %get3A_1060, %get3A_1061] : memref<1x20x20x16x512xf32, #tpu.memory_space<vmem>>, vector<1x1x1x16x512xf32>
    %get3A_1063 = vector.shape_cast %get3A_1062 : vector<1x1x1x16x512xf32> to vector<16x512xf32>
    %mul3A_1064 = arith.mulf %get3A_1063, %squeeze3A_1056 : vector<16x512xf32>
    %add3A_1065 = arith.addf %add3A_1027, %mul3A_1064 : vector<16x512xf32>
    %get3A_1066 = arith.constant 0 : index
    %get3A_1067 = arith.constant 5 : index
    %get3A_1068 = arith.constant 7 : index
    %get3A_1069 = arith.constant 0 : index
    %get3A_1070 = arith.constant 0 : index
    %get3A_1071 = vector.load %arg1[%get3A_1066, %get3A_1067, %get3A_1068, %get3A_1069, %get3A_1070] : memref<1x20x20x16x512xf32, #tpu.memory_space<vmem>>, vector<1x1x1x16x512xf32>
    %get3A_1072 = vector.shape_cast %get3A_1071 : vector<1x1x1x16x512xf32> to vector<16x512xf32>
    %mul3A_1073 = arith.mulf %get3A_1072, %squeeze3A_1056 : vector<16x512xf32>
    %add3A_1074 = arith.addf %add3A_1036, %mul3A_1073 : vector<16x512xf32>
    %get3A_1075 = arith.constant 0 : index
    %get3A_1076 = arith.constant 6 : index
    %get3A_1077 = arith.constant 7 : index
    %get3A_1078 = arith.constant 0 : index
    %get3A_1079 = arith.constant 0 : index
    %get3A_1080 = vector.load %arg1[%get3A_1075, %get3A_1076, %get3A_1077, %get3A_1078, %get3A_1079] : memref<1x20x20x16x512xf32, #tpu.memory_space<vmem>>, vector<1x1x1x16x512xf32>
    %get3A_1081 = vector.shape_cast %get3A_1080 : vector<1x1x1x16x512xf32> to vector<16x512xf32>
    %mul3A_1082 = arith.mulf %get3A_1081, %squeeze3A_1056 : vector<16x512xf32>
    %add3A_1083 = arith.addf %add3A_1045, %mul3A_1082 : vector<16x512xf32>
    %get3A_1084 = arith.constant 0 : index
    %get3A_1085 = arith.constant 7 : index
    %get3A_1086 = arith.constant 7 : index
    %get3A_1087 = arith.constant 0 : index
    %get3A_1088 = arith.constant 0 : index
    %get3A_1089 = vector.load %arg1[%get3A_1084, %get3A_1085, %get3A_1086, %get3A_1087, %get3A_1088] : memref<1x20x20x16x512xf32, #tpu.memory_space<vmem>>, vector<1x1x1x16x512xf32>
    %get3A_1090 = vector.shape_cast %get3A_1089 : vector<1x1x1x16x512xf32> to vector<16x512xf32>
    %mul3A_1091 = arith.mulf %get3A_1090, %squeeze3A_1056 : vector<16x512xf32>
    %add3A_1092 = arith.addf %add3A_1054, %mul3A_1091 : vector<16x512xf32>
    %slice3A_1093 = vector.extract_strided_slice %select_n3A {offsets = [8, 0, 0], sizes = [1, 16, 512], strides = [1, 1, 1]} : vector<20x16x512xf32> to vector<1x16x512xf32>
    %squeeze3A_1094 = vector.shape_cast %slice3A_1093 : vector<1x16x512xf32> to vector<16x512xf32>
    %get3A_1095 = arith.constant 0 : index
    %get3A_1096 = arith.constant 4 : index
    %get3A_1097 = arith.constant 8 : index
    %get3A_1098 = arith.constant 0 : index
    %get3A_1099 = arith.constant 0 : index
    %get3A_1100 = vector.load %arg1[%get3A_1095, %get3A_1096, %get3A_1097, %get3A_1098, %get3A_1099] : memref<1x20x20x16x512xf32, #tpu.memory_space<vmem>>, vector<1x1x1x16x512xf32>
    %get3A_1101 = vector.shape_cast %get3A_1100 : vector<1x1x1x16x512xf32> to vector<16x512xf32>
    %mul3A_1102 = arith.mulf %get3A_1101, %squeeze3A_1094 : vector<16x512xf32>
    %add3A_1103 = arith.addf %add3A_1065, %mul3A_1102 : vector<16x512xf32>
    %get3A_1104 = arith.constant 0 : index
    %get3A_1105 = arith.constant 5 : index
    %get3A_1106 = arith.constant 8 : index
    %get3A_1107 = arith.constant 0 : index
    %get3A_1108 = arith.constant 0 : index
    %get3A_1109 = vector.load %arg1[%get3A_1104, %get3A_1105, %get3A_1106, %get3A_1107, %get3A_1108] : memref<1x20x20x16x512xf32, #tpu.memory_space<vmem>>, vector<1x1x1x16x512xf32>
    %get3A_1110 = vector.shape_cast %get3A_1109 : vector<1x1x1x16x512xf32> to vector<16x512xf32>
    %mul3A_1111 = arith.mulf %get3A_1110, %squeeze3A_1094 : vector<16x512xf32>
    %add3A_1112 = arith.addf %add3A_1074, %mul3A_1111 : vector<16x512xf32>
    %get3A_1113 = arith.constant 0 : index
    %get3A_1114 = arith.constant 6 : index
    %get3A_1115 = arith.constant 8 : index
    %get3A_1116 = arith.constant 0 : index
    %get3A_1117 = arith.constant 0 : index
    %get3A_1118 = vector.load %arg1[%get3A_1113, %get3A_1114, %get3A_1115, %get3A_1116, %get3A_1117] : memref<1x20x20x16x512xf32, #tpu.memory_space<vmem>>, vector<1x1x1x16x512xf32>
    %get3A_1119 = vector.shape_cast %get3A_1118 : vector<1x1x1x16x512xf32> to vector<16x512xf32>
    %mul3A_1120 = arith.mulf %get3A_1119, %squeeze3A_1094 : vector<16x512xf32>
    %add3A_1121 = arith.addf %add3A_1083, %mul3A_1120 : vector<16x512xf32>
    %get3A_1122 = arith.constant 0 : index
    %get3A_1123 = arith.constant 7 : index
    %get3A_1124 = arith.constant 8 : index
    %get3A_1125 = arith.constant 0 : index
    %get3A_1126 = arith.constant 0 : index
    %get3A_1127 = vector.load %arg1[%get3A_1122, %get3A_1123, %get3A_1124, %get3A_1125, %get3A_1126] : memref<1x20x20x16x512xf32, #tpu.memory_space<vmem>>, vector<1x1x1x16x512xf32>
    %get3A_1128 = vector.shape_cast %get3A_1127 : vector<1x1x1x16x512xf32> to vector<16x512xf32>
    %mul3A_1129 = arith.mulf %get3A_1128, %squeeze3A_1094 : vector<16x512xf32>
    %add3A_1130 = arith.addf %add3A_1092, %mul3A_1129 : vector<16x512xf32>
    %slice3A_1131 = vector.extract_strided_slice %select_n3A {offsets = [9, 0, 0], sizes = [1, 16, 512], strides = [1, 1, 1]} : vector<20x16x512xf32> to vector<1x16x512xf32>
    %squeeze3A_1132 = vector.shape_cast %slice3A_1131 : vector<1x16x512xf32> to vector<16x512xf32>
    %get3A_1133 = arith.constant 0 : index
    %get3A_1134 = arith.constant 4 : index
    %get3A_1135 = arith.constant 9 : index
    %get3A_1136 = arith.constant 0 : index
    %get3A_1137 = arith.constant 0 : index
    %get3A_1138 = vector.load %arg1[%get3A_1133, %get3A_1134, %get3A_1135, %get3A_1136, %get3A_1137] : memref<1x20x20x16x512xf32, #tpu.memory_space<vmem>>, vector<1x1x1x16x512xf32>
    %get3A_1139 = vector.shape_cast %get3A_1138 : vector<1x1x1x16x512xf32> to vector<16x512xf32>
    %mul3A_1140 = arith.mulf %get3A_1139, %squeeze3A_1132 : vector<16x512xf32>
    %add3A_1141 = arith.addf %add3A_1103, %mul3A_1140 : vector<16x512xf32>
    %get3A_1142 = arith.constant 0 : index
    %get3A_1143 = arith.constant 5 : index
    %get3A_1144 = arith.constant 9 : index
    %get3A_1145 = arith.constant 0 : index
    %get3A_1146 = arith.constant 0 : index
    %get3A_1147 = vector.load %arg1[%get3A_1142, %get3A_1143, %get3A_1144, %get3A_1145, %get3A_1146] : memref<1x20x20x16x512xf32, #tpu.memory_space<vmem>>, vector<1x1x1x16x512xf32>
    %get3A_1148 = vector.shape_cast %get3A_1147 : vector<1x1x1x16x512xf32> to vector<16x512xf32>
    %mul3A_1149 = arith.mulf %get3A_1148, %squeeze3A_1132 : vector<16x512xf32>
    %add3A_1150 = arith.addf %add3A_1112, %mul3A_1149 : vector<16x512xf32>
    %get3A_1151 = arith.constant 0 : index
    %get3A_1152 = arith.constant 6 : index
    %get3A_1153 = arith.constant 9 : index
    %get3A_1154 = arith.constant 0 : index
    %get3A_1155 = arith.constant 0 : index
    %get3A_1156 = vector.load %arg1[%get3A_1151, %get3A_1152, %get3A_1153, %get3A_1154, %get3A_1155] : memref<1x20x20x16x512xf32, #tpu.memory_space<vmem>>, vector<1x1x1x16x512xf32>
    %get3A_1157 = vector.shape_cast %get3A_1156 : vector<1x1x1x16x512xf32> to vector<16x512xf32>
    %mul3A_1158 = arith.mulf %get3A_1157, %squeeze3A_1132 : vector<16x512xf32>
    %add3A_1159 = arith.addf %add3A_1121, %mul3A_1158 : vector<16x512xf32>
    %get3A_1160 = arith.constant 0 : index
    %get3A_1161 = arith.constant 7 : index
    %get3A_1162 = arith.constant 9 : index
    %get3A_1163 = arith.constant 0 : index
    %get3A_1164 = arith.constant 0 : index
    %get3A_1165 = vector.load %arg1[%get3A_1160, %get3A_1161, %get3A_1162, %get3A_1163, %get3A_1164] : memref<1x20x20x16x512xf32, #tpu.memory_space<vmem>>, vector<1x1x1x16x512xf32>
    %get3A_1166 = vector.shape_cast %get3A_1165 : vector<1x1x1x16x512xf32> to vector<16x512xf32>
    %mul3A_1167 = arith.mulf %get3A_1166, %squeeze3A_1132 : vector<16x512xf32>
    %add3A_1168 = arith.addf %add3A_1130, %mul3A_1167 : vector<16x512xf32>
    %slice3A_1169 = vector.extract_strided_slice %select_n3A {offsets = [10, 0, 0], sizes = [1, 16, 512], strides = [1, 1, 1]} : vector<20x16x512xf32> to vector<1x16x512xf32>
    %squeeze3A_1170 = vector.shape_cast %slice3A_1169 : vector<1x16x512xf32> to vector<16x512xf32>
    %get3A_1171 = arith.constant 0 : index
    %get3A_1172 = arith.constant 4 : index
    %get3A_1173 = arith.constant 10 : index
    %get3A_1174 = arith.constant 0 : index
    %get3A_1175 = arith.constant 0 : index
    %get3A_1176 = vector.load %arg1[%get3A_1171, %get3A_1172, %get3A_1173, %get3A_1174, %get3A_1175] : memref<1x20x20x16x512xf32, #tpu.memory_space<vmem>>, vector<1x1x1x16x512xf32>
    %get3A_1177 = vector.shape_cast %get3A_1176 : vector<1x1x1x16x512xf32> to vector<16x512xf32>
    %mul3A_1178 = arith.mulf %get3A_1177, %squeeze3A_1170 : vector<16x512xf32>
    %add3A_1179 = arith.addf %add3A_1141, %mul3A_1178 : vector<16x512xf32>
    %get3A_1180 = arith.constant 0 : index
    %get3A_1181 = arith.constant 5 : index
    %get3A_1182 = arith.constant 10 : index
    %get3A_1183 = arith.constant 0 : index
    %get3A_1184 = arith.constant 0 : index
    %get3A_1185 = vector.load %arg1[%get3A_1180, %get3A_1181, %get3A_1182, %get3A_1183, %get3A_1184] : memref<1x20x20x16x512xf32, #tpu.memory_space<vmem>>, vector<1x1x1x16x512xf32>
    %get3A_1186 = vector.shape_cast %get3A_1185 : vector<1x1x1x16x512xf32> to vector<16x512xf32>
    %mul3A_1187 = arith.mulf %get3A_1186, %squeeze3A_1170 : vector<16x512xf32>
    %add3A_1188 = arith.addf %add3A_1150, %mul3A_1187 : vector<16x512xf32>
    %get3A_1189 = arith.constant 0 : index
    %get3A_1190 = arith.constant 6 : index
    %get3A_1191 = arith.constant 10 : index
    %get3A_1192 = arith.constant 0 : index
    %get3A_1193 = arith.constant 0 : index
    %get3A_1194 = vector.load %arg1[%get3A_1189, %get3A_1190, %get3A_1191, %get3A_1192, %get3A_1193] : memref<1x20x20x16x512xf32, #tpu.memory_space<vmem>>, vector<1x1x1x16x512xf32>
    %get3A_1195 = vector.shape_cast %get3A_1194 : vector<1x1x1x16x512xf32> to vector<16x512xf32>
    %mul3A_1196 = arith.mulf %get3A_1195, %squeeze3A_1170 : vector<16x512xf32>
    %add3A_1197 = arith.addf %add3A_1159, %mul3A_1196 : vector<16x512xf32>
    %get3A_1198 = arith.constant 0 : index
    %get3A_1199 = arith.constant 7 : index
    %get3A_1200 = arith.constant 10 : index
    %get3A_1201 = arith.constant 0 : index
    %get3A_1202 = arith.constant 0 : index
    %get3A_1203 = vector.load %arg1[%get3A_1198, %get3A_1199, %get3A_1200, %get3A_1201, %get3A_1202] : memref<1x20x20x16x512xf32, #tpu.memory_space<vmem>>, vector<1x1x1x16x512xf32>
    %get3A_1204 = vector.shape_cast %get3A_1203 : vector<1x1x1x16x512xf32> to vector<16x512xf32>
    %mul3A_1205 = arith.mulf %get3A_1204, %squeeze3A_1170 : vector<16x512xf32>
    %add3A_1206 = arith.addf %add3A_1168, %mul3A_1205 : vector<16x512xf32>
    %slice3A_1207 = vector.extract_strided_slice %select_n3A {offsets = [11, 0, 0], sizes = [1, 16, 512], strides = [1, 1, 1]} : vector<20x16x512xf32> to vector<1x16x512xf32>
    %squeeze3A_1208 = vector.shape_cast %slice3A_1207 : vector<1x16x512xf32> to vector<16x512xf32>
    %get3A_1209 = arith.constant 0 : index
    %get3A_1210 = arith.constant 4 : index
    %get3A_1211 = arith.constant 11 : index
    %get3A_1212 = arith.constant 0 : index
    %get3A_1213 = arith.constant 0 : index
    %get3A_1214 = vector.load %arg1[%get3A_1209, %get3A_1210, %get3A_1211, %get3A_1212, %get3A_1213] : memref<1x20x20x16x512xf32, #tpu.memory_space<vmem>>, vector<1x1x1x16x512xf32>
    %get3A_1215 = vector.shape_cast %get3A_1214 : vector<1x1x1x16x512xf32> to vector<16x512xf32>
    %mul3A_1216 = arith.mulf %get3A_1215, %squeeze3A_1208 : vector<16x512xf32>
    %add3A_1217 = arith.addf %add3A_1179, %mul3A_1216 : vector<16x512xf32>
    %get3A_1218 = arith.constant 0 : index
    %get3A_1219 = arith.constant 5 : index
    %get3A_1220 = arith.constant 11 : index
    %get3A_1221 = arith.constant 0 : index
    %get3A_1222 = arith.constant 0 : index
    %get3A_1223 = vector.load %arg1[%get3A_1218, %get3A_1219, %get3A_1220, %get3A_1221, %get3A_1222] : memref<1x20x20x16x512xf32, #tpu.memory_space<vmem>>, vector<1x1x1x16x512xf32>
    %get3A_1224 = vector.shape_cast %get3A_1223 : vector<1x1x1x16x512xf32> to vector<16x512xf32>
    %mul3A_1225 = arith.mulf %get3A_1224, %squeeze3A_1208 : vector<16x512xf32>
    %add3A_1226 = arith.addf %add3A_1188, %mul3A_1225 : vector<16x512xf32>
    %get3A_1227 = arith.constant 0 : index
    %get3A_1228 = arith.constant 6 : index
    %get3A_1229 = arith.constant 11 : index
    %get3A_1230 = arith.constant 0 : index
    %get3A_1231 = arith.constant 0 : index
    %get3A_1232 = vector.load %arg1[%get3A_1227, %get3A_1228, %get3A_1229, %get3A_1230, %get3A_1231] : memref<1x20x20x16x512xf32, #tpu.memory_space<vmem>>, vector<1x1x1x16x512xf32>
    %get3A_1233 = vector.shape_cast %get3A_1232 : vector<1x1x1x16x512xf32> to vector<16x512xf32>
    %mul3A_1234 = arith.mulf %get3A_1233, %squeeze3A_1208 : vector<16x512xf32>
    %add3A_1235 = arith.addf %add3A_1197, %mul3A_1234 : vector<16x512xf32>
    %get3A_1236 = arith.constant 0 : index
    %get3A_1237 = arith.constant 7 : index
    %get3A_1238 = arith.constant 11 : index
    %get3A_1239 = arith.constant 0 : index
    %get3A_1240 = arith.constant 0 : index
    %get3A_1241 = vector.load %arg1[%get3A_1236, %get3A_1237, %get3A_1238, %get3A_1239, %get3A_1240] : memref<1x20x20x16x512xf32, #tpu.memory_space<vmem>>, vector<1x1x1x16x512xf32>
    %get3A_1242 = vector.shape_cast %get3A_1241 : vector<1x1x1x16x512xf32> to vector<16x512xf32>
    %mul3A_1243 = arith.mulf %get3A_1242, %squeeze3A_1208 : vector<16x512xf32>
    %add3A_1244 = arith.addf %add3A_1206, %mul3A_1243 : vector<16x512xf32>
    %slice3A_1245 = vector.extract_strided_slice %select_n3A {offsets = [12, 0, 0], sizes = [1, 16, 512], strides = [1, 1, 1]} : vector<20x16x512xf32> to vector<1x16x512xf32>
    %squeeze3A_1246 = vector.shape_cast %slice3A_1245 : vector<1x16x512xf32> to vector<16x512xf32>
    %get3A_1247 = arith.constant 0 : index
    %get3A_1248 = arith.constant 4 : index
    %get3A_1249 = arith.constant 12 : index
    %get3A_1250 = arith.constant 0 : index
    %get3A_1251 = arith.constant 0 : index
    %get3A_1252 = vector.load %arg1[%get3A_1247, %get3A_1248, %get3A_1249, %get3A_1250, %get3A_1251] : memref<1x20x20x16x512xf32, #tpu.memory_space<vmem>>, vector<1x1x1x16x512xf32>
    %get3A_1253 = vector.shape_cast %get3A_1252 : vector<1x1x1x16x512xf32> to vector<16x512xf32>
    %mul3A_1254 = arith.mulf %get3A_1253, %squeeze3A_1246 : vector<16x512xf32>
    %add3A_1255 = arith.addf %add3A_1217, %mul3A_1254 : vector<16x512xf32>
    %get3A_1256 = arith.constant 0 : index
    %get3A_1257 = arith.constant 5 : index
    %get3A_1258 = arith.constant 12 : index
    %get3A_1259 = arith.constant 0 : index
    %get3A_1260 = arith.constant 0 : index
    %get3A_1261 = vector.load %arg1[%get3A_1256, %get3A_1257, %get3A_1258, %get3A_1259, %get3A_1260] : memref<1x20x20x16x512xf32, #tpu.memory_space<vmem>>, vector<1x1x1x16x512xf32>
    %get3A_1262 = vector.shape_cast %get3A_1261 : vector<1x1x1x16x512xf32> to vector<16x512xf32>
    %mul3A_1263 = arith.mulf %get3A_1262, %squeeze3A_1246 : vector<16x512xf32>
    %add3A_1264 = arith.addf %add3A_1226, %mul3A_1263 : vector<16x512xf32>
    %get3A_1265 = arith.constant 0 : index
    %get3A_1266 = arith.constant 6 : index
    %get3A_1267 = arith.constant 12 : index
    %get3A_1268 = arith.constant 0 : index
    %get3A_1269 = arith.constant 0 : index
    %get3A_1270 = vector.load %arg1[%get3A_1265, %get3A_1266, %get3A_1267, %get3A_1268, %get3A_1269] : memref<1x20x20x16x512xf32, #tpu.memory_space<vmem>>, vector<1x1x1x16x512xf32>
    %get3A_1271 = vector.shape_cast %get3A_1270 : vector<1x1x1x16x512xf32> to vector<16x512xf32>
    %mul3A_1272 = arith.mulf %get3A_1271, %squeeze3A_1246 : vector<16x512xf32>
    %add3A_1273 = arith.addf %add3A_1235, %mul3A_1272 : vector<16x512xf32>
    %get3A_1274 = arith.constant 0 : index
    %get3A_1275 = arith.constant 7 : index
    %get3A_1276 = arith.constant 12 : index
    %get3A_1277 = arith.constant 0 : index
    %get3A_1278 = arith.constant 0 : index
    %get3A_1279 = vector.load %arg1[%get3A_1274, %get3A_1275, %get3A_1276, %get3A_1277, %get3A_1278] : memref<1x20x20x16x512xf32, #tpu.memory_space<vmem>>, vector<1x1x1x16x512xf32>
    %get3A_1280 = vector.shape_cast %get3A_1279 : vector<1x1x1x16x512xf32> to vector<16x512xf32>
    %mul3A_1281 = arith.mulf %get3A_1280, %squeeze3A_1246 : vector<16x512xf32>
    %add3A_1282 = arith.addf %add3A_1244, %mul3A_1281 : vector<16x512xf32>
    %slice3A_1283 = vector.extract_strided_slice %select_n3A {offsets = [13, 0, 0], sizes = [1, 16, 512], strides = [1, 1, 1]} : vector<20x16x512xf32> to vector<1x16x512xf32>
    %squeeze3A_1284 = vector.shape_cast %slice3A_1283 : vector<1x16x512xf32> to vector<16x512xf32>
    %get3A_1285 = arith.constant 0 : index
    %get3A_1286 = arith.constant 4 : index
    %get3A_1287 = arith.constant 13 : index
    %get3A_1288 = arith.constant 0 : index
    %get3A_1289 = arith.constant 0 : index
    %get3A_1290 = vector.load %arg1[%get3A_1285, %get3A_1286, %get3A_1287, %get3A_1288, %get3A_1289] : memref<1x20x20x16x512xf32, #tpu.memory_space<vmem>>, vector<1x1x1x16x512xf32>
    %get3A_1291 = vector.shape_cast %get3A_1290 : vector<1x1x1x16x512xf32> to vector<16x512xf32>
    %mul3A_1292 = arith.mulf %get3A_1291, %squeeze3A_1284 : vector<16x512xf32>
    %add3A_1293 = arith.addf %add3A_1255, %mul3A_1292 : vector<16x512xf32>
    %get3A_1294 = arith.constant 0 : index
    %get3A_1295 = arith.constant 5 : index
    %get3A_1296 = arith.constant 13 : index
    %get3A_1297 = arith.constant 0 : index
    %get3A_1298 = arith.constant 0 : index
    %get3A_1299 = vector.load %arg1[%get3A_1294, %get3A_1295, %get3A_1296, %get3A_1297, %get3A_1298] : memref<1x20x20x16x512xf32, #tpu.memory_space<vmem>>, vector<1x1x1x16x512xf32>
    %get3A_1300 = vector.shape_cast %get3A_1299 : vector<1x1x1x16x512xf32> to vector<16x512xf32>
    %mul3A_1301 = arith.mulf %get3A_1300, %squeeze3A_1284 : vector<16x512xf32>
    %add3A_1302 = arith.addf %add3A_1264, %mul3A_1301 : vector<16x512xf32>
    %get3A_1303 = arith.constant 0 : index
    %get3A_1304 = arith.constant 6 : index
    %get3A_1305 = arith.constant 13 : index
    %get3A_1306 = arith.constant 0 : index
    %get3A_1307 = arith.constant 0 : index
    %get3A_1308 = vector.load %arg1[%get3A_1303, %get3A_1304, %get3A_1305, %get3A_1306, %get3A_1307] : memref<1x20x20x16x512xf32, #tpu.memory_space<vmem>>, vector<1x1x1x16x512xf32>
    %get3A_1309 = vector.shape_cast %get3A_1308 : vector<1x1x1x16x512xf32> to vector<16x512xf32>
    %mul3A_1310 = arith.mulf %get3A_1309, %squeeze3A_1284 : vector<16x512xf32>
    %add3A_1311 = arith.addf %add3A_1273, %mul3A_1310 : vector<16x512xf32>
    %get3A_1312 = arith.constant 0 : index
    %get3A_1313 = arith.constant 7 : index
    %get3A_1314 = arith.constant 13 : index
    %get3A_1315 = arith.constant 0 : index
    %get3A_1316 = arith.constant 0 : index
    %get3A_1317 = vector.load %arg1[%get3A_1312, %get3A_1313, %get3A_1314, %get3A_1315, %get3A_1316] : memref<1x20x20x16x512xf32, #tpu.memory_space<vmem>>, vector<1x1x1x16x512xf32>
    %get3A_1318 = vector.shape_cast %get3A_1317 : vector<1x1x1x16x512xf32> to vector<16x512xf32>
    %mul3A_1319 = arith.mulf %get3A_1318, %squeeze3A_1284 : vector<16x512xf32>
    %add3A_1320 = arith.addf %add3A_1282, %mul3A_1319 : vector<16x512xf32>
    %slice3A_1321 = vector.extract_strided_slice %select_n3A {offsets = [14, 0, 0], sizes = [1, 16, 512], strides = [1, 1, 1]} : vector<20x16x512xf32> to vector<1x16x512xf32>
    %squeeze3A_1322 = vector.shape_cast %slice3A_1321 : vector<1x16x512xf32> to vector<16x512xf32>
    %get3A_1323 = arith.constant 0 : index
    %get3A_1324 = arith.constant 4 : index
    %get3A_1325 = arith.constant 14 : index
    %get3A_1326 = arith.constant 0 : index
    %get3A_1327 = arith.constant 0 : index
    %get3A_1328 = vector.load %arg1[%get3A_1323, %get3A_1324, %get3A_1325, %get3A_1326, %get3A_1327] : memref<1x20x20x16x512xf32, #tpu.memory_space<vmem>>, vector<1x1x1x16x512xf32>
    %get3A_1329 = vector.shape_cast %get3A_1328 : vector<1x1x1x16x512xf32> to vector<16x512xf32>
    %mul3A_1330 = arith.mulf %get3A_1329, %squeeze3A_1322 : vector<16x512xf32>
    %add3A_1331 = arith.addf %add3A_1293, %mul3A_1330 : vector<16x512xf32>
    %get3A_1332 = arith.constant 0 : index
    %get3A_1333 = arith.constant 5 : index
    %get3A_1334 = arith.constant 14 : index
    %get3A_1335 = arith.constant 0 : index
    %get3A_1336 = arith.constant 0 : index
    %get3A_1337 = vector.load %arg1[%get3A_1332, %get3A_1333, %get3A_1334, %get3A_1335, %get3A_1336] : memref<1x20x20x16x512xf32, #tpu.memory_space<vmem>>, vector<1x1x1x16x512xf32>
    %get3A_1338 = vector.shape_cast %get3A_1337 : vector<1x1x1x16x512xf32> to vector<16x512xf32>
    %mul3A_1339 = arith.mulf %get3A_1338, %squeeze3A_1322 : vector<16x512xf32>
    %add3A_1340 = arith.addf %add3A_1302, %mul3A_1339 : vector<16x512xf32>
    %get3A_1341 = arith.constant 0 : index
    %get3A_1342 = arith.constant 6 : index
    %get3A_1343 = arith.constant 14 : index
    %get3A_1344 = arith.constant 0 : index
    %get3A_1345 = arith.constant 0 : index
    %get3A_1346 = vector.load %arg1[%get3A_1341, %get3A_1342, %get3A_1343, %get3A_1344, %get3A_1345] : memref<1x20x20x16x512xf32, #tpu.memory_space<vmem>>, vector<1x1x1x16x512xf32>
    %get3A_1347 = vector.shape_cast %get3A_1346 : vector<1x1x1x16x512xf32> to vector<16x512xf32>
    %mul3A_1348 = arith.mulf %get3A_1347, %squeeze3A_1322 : vector<16x512xf32>
    %add3A_1349 = arith.addf %add3A_1311, %mul3A_1348 : vector<16x512xf32>
    %get3A_1350 = arith.constant 0 : index
    %get3A_1351 = arith.constant 7 : index
    %get3A_1352 = arith.constant 14 : index
    %get3A_1353 = arith.constant 0 : index
    %get3A_1354 = arith.constant 0 : index
    %get3A_1355 = vector.load %arg1[%get3A_1350, %get3A_1351, %get3A_1352, %get3A_1353, %get3A_1354] : memref<1x20x20x16x512xf32, #tpu.memory_space<vmem>>, vector<1x1x1x16x512xf32>
    %get3A_1356 = vector.shape_cast %get3A_1355 : vector<1x1x1x16x512xf32> to vector<16x512xf32>
    %mul3A_1357 = arith.mulf %get3A_1356, %squeeze3A_1322 : vector<16x512xf32>
    %add3A_1358 = arith.addf %add3A_1320, %mul3A_1357 : vector<16x512xf32>
    %slice3A_1359 = vector.extract_strided_slice %select_n3A {offsets = [15, 0, 0], sizes = [1, 16, 512], strides = [1, 1, 1]} : vector<20x16x512xf32> to vector<1x16x512xf32>
    %squeeze3A_1360 = vector.shape_cast %slice3A_1359 : vector<1x16x512xf32> to vector<16x512xf32>
    %get3A_1361 = arith.constant 0 : index
    %get3A_1362 = arith.constant 4 : index
    %get3A_1363 = arith.constant 15 : index
    %get3A_1364 = arith.constant 0 : index
    %get3A_1365 = arith.constant 0 : index
    %get3A_1366 = vector.load %arg1[%get3A_1361, %get3A_1362, %get3A_1363, %get3A_1364, %get3A_1365] : memref<1x20x20x16x512xf32, #tpu.memory_space<vmem>>, vector<1x1x1x16x512xf32>
    %get3A_1367 = vector.shape_cast %get3A_1366 : vector<1x1x1x16x512xf32> to vector<16x512xf32>
    %mul3A_1368 = arith.mulf %get3A_1367, %squeeze3A_1360 : vector<16x512xf32>
    %add3A_1369 = arith.addf %add3A_1331, %mul3A_1368 : vector<16x512xf32>
    %get3A_1370 = arith.constant 0 : index
    %get3A_1371 = arith.constant 5 : index
    %get3A_1372 = arith.constant 15 : index
    %get3A_1373 = arith.constant 0 : index
    %get3A_1374 = arith.constant 0 : index
    %get3A_1375 = vector.load %arg1[%get3A_1370, %get3A_1371, %get3A_1372, %get3A_1373, %get3A_1374] : memref<1x20x20x16x512xf32, #tpu.memory_space<vmem>>, vector<1x1x1x16x512xf32>
    %get3A_1376 = vector.shape_cast %get3A_1375 : vector<1x1x1x16x512xf32> to vector<16x512xf32>
    %mul3A_1377 = arith.mulf %get3A_1376, %squeeze3A_1360 : vector<16x512xf32>
    %add3A_1378 = arith.addf %add3A_1340, %mul3A_1377 : vector<16x512xf32>
    %get3A_1379 = arith.constant 0 : index
    %get3A_1380 = arith.constant 6 : index
    %get3A_1381 = arith.constant 15 : index
    %get3A_1382 = arith.constant 0 : index
    %get3A_1383 = arith.constant 0 : index
    %get3A_1384 = vector.load %arg1[%get3A_1379, %get3A_1380, %get3A_1381, %get3A_1382, %get3A_1383] : memref<1x20x20x16x512xf32, #tpu.memory_space<vmem>>, vector<1x1x1x16x512xf32>
    %get3A_1385 = vector.shape_cast %get3A_1384 : vector<1x1x1x16x512xf32> to vector<16x512xf32>
    %mul3A_1386 = arith.mulf %get3A_1385, %squeeze3A_1360 : vector<16x512xf32>
    %add3A_1387 = arith.addf %add3A_1349, %mul3A_1386 : vector<16x512xf32>
    %get3A_1388 = arith.constant 0 : index
    %get3A_1389 = arith.constant 7 : index
    %get3A_1390 = arith.constant 15 : index
    %get3A_1391 = arith.constant 0 : index
    %get3A_1392 = arith.constant 0 : index
    %get3A_1393 = vector.load %arg1[%get3A_1388, %get3A_1389, %get3A_1390, %get3A_1391, %get3A_1392] : memref<1x20x20x16x512xf32, #tpu.memory_space<vmem>>, vector<1x1x1x16x512xf32>
    %get3A_1394 = vector.shape_cast %get3A_1393 : vector<1x1x1x16x512xf32> to vector<16x512xf32>
    %mul3A_1395 = arith.mulf %get3A_1394, %squeeze3A_1360 : vector<16x512xf32>
    %add3A_1396 = arith.addf %add3A_1358, %mul3A_1395 : vector<16x512xf32>
    %slice3A_1397 = vector.extract_strided_slice %select_n3A {offsets = [16, 0, 0], sizes = [1, 16, 512], strides = [1, 1, 1]} : vector<20x16x512xf32> to vector<1x16x512xf32>
    %squeeze3A_1398 = vector.shape_cast %slice3A_1397 : vector<1x16x512xf32> to vector<16x512xf32>
    %get3A_1399 = arith.constant 0 : index
    %get3A_1400 = arith.constant 4 : index
    %get3A_1401 = arith.constant 16 : index
    %get3A_1402 = arith.constant 0 : index
    %get3A_1403 = arith.constant 0 : index
    %get3A_1404 = vector.load %arg1[%get3A_1399, %get3A_1400, %get3A_1401, %get3A_1402, %get3A_1403] : memref<1x20x20x16x512xf32, #tpu.memory_space<vmem>>, vector<1x1x1x16x512xf32>
    %get3A_1405 = vector.shape_cast %get3A_1404 : vector<1x1x1x16x512xf32> to vector<16x512xf32>
    %mul3A_1406 = arith.mulf %get3A_1405, %squeeze3A_1398 : vector<16x512xf32>
    %add3A_1407 = arith.addf %add3A_1369, %mul3A_1406 : vector<16x512xf32>
    %get3A_1408 = arith.constant 0 : index
    %get3A_1409 = arith.constant 5 : index
    %get3A_1410 = arith.constant 16 : index
    %get3A_1411 = arith.constant 0 : index
    %get3A_1412 = arith.constant 0 : index
    %get3A_1413 = vector.load %arg1[%get3A_1408, %get3A_1409, %get3A_1410, %get3A_1411, %get3A_1412] : memref<1x20x20x16x512xf32, #tpu.memory_space<vmem>>, vector<1x1x1x16x512xf32>
    %get3A_1414 = vector.shape_cast %get3A_1413 : vector<1x1x1x16x512xf32> to vector<16x512xf32>
    %mul3A_1415 = arith.mulf %get3A_1414, %squeeze3A_1398 : vector<16x512xf32>
    %add3A_1416 = arith.addf %add3A_1378, %mul3A_1415 : vector<16x512xf32>
    %get3A_1417 = arith.constant 0 : index
    %get3A_1418 = arith.constant 6 : index
    %get3A_1419 = arith.constant 16 : index
    %get3A_1420 = arith.constant 0 : index
    %get3A_1421 = arith.constant 0 : index
    %get3A_1422 = vector.load %arg1[%get3A_1417, %get3A_1418, %get3A_1419, %get3A_1420, %get3A_1421] : memref<1x20x20x16x512xf32, #tpu.memory_space<vmem>>, vector<1x1x1x16x512xf32>
    %get3A_1423 = vector.shape_cast %get3A_1422 : vector<1x1x1x16x512xf32> to vector<16x512xf32>
    %mul3A_1424 = arith.mulf %get3A_1423, %squeeze3A_1398 : vector<16x512xf32>
    %add3A_1425 = arith.addf %add3A_1387, %mul3A_1424 : vector<16x512xf32>
    %get3A_1426 = arith.constant 0 : index
    %get3A_1427 = arith.constant 7 : index
    %get3A_1428 = arith.constant 16 : index
    %get3A_1429 = arith.constant 0 : index
    %get3A_1430 = arith.constant 0 : index
    %get3A_1431 = vector.load %arg1[%get3A_1426, %get3A_1427, %get3A_1428, %get3A_1429, %get3A_1430] : memref<1x20x20x16x512xf32, #tpu.memory_space<vmem>>, vector<1x1x1x16x512xf32>
    %get3A_1432 = vector.shape_cast %get3A_1431 : vector<1x1x1x16x512xf32> to vector<16x512xf32>
    %mul3A_1433 = arith.mulf %get3A_1432, %squeeze3A_1398 : vector<16x512xf32>
    %add3A_1434 = arith.addf %add3A_1396, %mul3A_1433 : vector<16x512xf32>
    %slice3A_1435 = vector.extract_strided_slice %select_n3A {offsets = [17, 0, 0], sizes = [1, 16, 512], strides = [1, 1, 1]} : vector<20x16x512xf32> to vector<1x16x512xf32>
    %squeeze3A_1436 = vector.shape_cast %slice3A_1435 : vector<1x16x512xf32> to vector<16x512xf32>
    %get3A_1437 = arith.constant 0 : index
    %get3A_1438 = arith.constant 4 : index
    %get3A_1439 = arith.constant 17 : index
    %get3A_1440 = arith.constant 0 : index
    %get3A_1441 = arith.constant 0 : index
    %get3A_1442 = vector.load %arg1[%get3A_1437, %get3A_1438, %get3A_1439, %get3A_1440, %get3A_1441] : memref<1x20x20x16x512xf32, #tpu.memory_space<vmem>>, vector<1x1x1x16x512xf32>
    %get3A_1443 = vector.shape_cast %get3A_1442 : vector<1x1x1x16x512xf32> to vector<16x512xf32>
    %mul3A_1444 = arith.mulf %get3A_1443, %squeeze3A_1436 : vector<16x512xf32>
    %add3A_1445 = arith.addf %add3A_1407, %mul3A_1444 : vector<16x512xf32>
    %get3A_1446 = arith.constant 0 : index
    %get3A_1447 = arith.constant 5 : index
    %get3A_1448 = arith.constant 17 : index
    %get3A_1449 = arith.constant 0 : index
    %get3A_1450 = arith.constant 0 : index
    %get3A_1451 = vector.load %arg1[%get3A_1446, %get3A_1447, %get3A_1448, %get3A_1449, %get3A_1450] : memref<1x20x20x16x512xf32, #tpu.memory_space<vmem>>, vector<1x1x1x16x512xf32>
    %get3A_1452 = vector.shape_cast %get3A_1451 : vector<1x1x1x16x512xf32> to vector<16x512xf32>
    %mul3A_1453 = arith.mulf %get3A_1452, %squeeze3A_1436 : vector<16x512xf32>
    %add3A_1454 = arith.addf %add3A_1416, %mul3A_1453 : vector<16x512xf32>
    %get3A_1455 = arith.constant 0 : index
    %get3A_1456 = arith.constant 6 : index
    %get3A_1457 = arith.constant 17 : index
    %get3A_1458 = arith.constant 0 : index
    %get3A_1459 = arith.constant 0 : index
    %get3A_1460 = vector.load %arg1[%get3A_1455, %get3A_1456, %get3A_1457, %get3A_1458, %get3A_1459] : memref<1x20x20x16x512xf32, #tpu.memory_space<vmem>>, vector<1x1x1x16x512xf32>
    %get3A_1461 = vector.shape_cast %get3A_1460 : vector<1x1x1x16x512xf32> to vector<16x512xf32>
    %mul3A_1462 = arith.mulf %get3A_1461, %squeeze3A_1436 : vector<16x512xf32>
    %add3A_1463 = arith.addf %add3A_1425, %mul3A_1462 : vector<16x512xf32>
    %get3A_1464 = arith.constant 0 : index
    %get3A_1465 = arith.constant 7 : index
    %get3A_1466 = arith.constant 17 : index
    %get3A_1467 = arith.constant 0 : index
    %get3A_1468 = arith.constant 0 : index
    %get3A_1469 = vector.load %arg1[%get3A_1464, %get3A_1465, %get3A_1466, %get3A_1467, %get3A_1468] : memref<1x20x20x16x512xf32, #tpu.memory_space<vmem>>, vector<1x1x1x16x512xf32>
    %get3A_1470 = vector.shape_cast %get3A_1469 : vector<1x1x1x16x512xf32> to vector<16x512xf32>
    %mul3A_1471 = arith.mulf %get3A_1470, %squeeze3A_1436 : vector<16x512xf32>
    %add3A_1472 = arith.addf %add3A_1434, %mul3A_1471 : vector<16x512xf32>
    %slice3A_1473 = vector.extract_strided_slice %select_n3A {offsets = [18, 0, 0], sizes = [1, 16, 512], strides = [1, 1, 1]} : vector<20x16x512xf32> to vector<1x16x512xf32>
    %squeeze3A_1474 = vector.shape_cast %slice3A_1473 : vector<1x16x512xf32> to vector<16x512xf32>
    %get3A_1475 = arith.constant 0 : index
    %get3A_1476 = arith.constant 4 : index
    %get3A_1477 = arith.constant 18 : index
    %get3A_1478 = arith.constant 0 : index
    %get3A_1479 = arith.constant 0 : index
    %get3A_1480 = vector.load %arg1[%get3A_1475, %get3A_1476, %get3A_1477, %get3A_1478, %get3A_1479] : memref<1x20x20x16x512xf32, #tpu.memory_space<vmem>>, vector<1x1x1x16x512xf32>
    %get3A_1481 = vector.shape_cast %get3A_1480 : vector<1x1x1x16x512xf32> to vector<16x512xf32>
    %mul3A_1482 = arith.mulf %get3A_1481, %squeeze3A_1474 : vector<16x512xf32>
    %add3A_1483 = arith.addf %add3A_1445, %mul3A_1482 : vector<16x512xf32>
    %get3A_1484 = arith.constant 0 : index
    %get3A_1485 = arith.constant 5 : index
    %get3A_1486 = arith.constant 18 : index
    %get3A_1487 = arith.constant 0 : index
    %get3A_1488 = arith.constant 0 : index
    %get3A_1489 = vector.load %arg1[%get3A_1484, %get3A_1485, %get3A_1486, %get3A_1487, %get3A_1488] : memref<1x20x20x16x512xf32, #tpu.memory_space<vmem>>, vector<1x1x1x16x512xf32>
    %get3A_1490 = vector.shape_cast %get3A_1489 : vector<1x1x1x16x512xf32> to vector<16x512xf32>
    %mul3A_1491 = arith.mulf %get3A_1490, %squeeze3A_1474 : vector<16x512xf32>
    %add3A_1492 = arith.addf %add3A_1454, %mul3A_1491 : vector<16x512xf32>
    %get3A_1493 = arith.constant 0 : index
    %get3A_1494 = arith.constant 6 : index
    %get3A_1495 = arith.constant 18 : index
    %get3A_1496 = arith.constant 0 : index
    %get3A_1497 = arith.constant 0 : index
    %get3A_1498 = vector.load %arg1[%get3A_1493, %get3A_1494, %get3A_1495, %get3A_1496, %get3A_1497] : memref<1x20x20x16x512xf32, #tpu.memory_space<vmem>>, vector<1x1x1x16x512xf32>
    %get3A_1499 = vector.shape_cast %get3A_1498 : vector<1x1x1x16x512xf32> to vector<16x512xf32>
    %mul3A_1500 = arith.mulf %get3A_1499, %squeeze3A_1474 : vector<16x512xf32>
    %add3A_1501 = arith.addf %add3A_1463, %mul3A_1500 : vector<16x512xf32>
    %get3A_1502 = arith.constant 0 : index
    %get3A_1503 = arith.constant 7 : index
    %get3A_1504 = arith.constant 18 : index
    %get3A_1505 = arith.constant 0 : index
    %get3A_1506 = arith.constant 0 : index
    %get3A_1507 = vector.load %arg1[%get3A_1502, %get3A_1503, %get3A_1504, %get3A_1505, %get3A_1506] : memref<1x20x20x16x512xf32, #tpu.memory_space<vmem>>, vector<1x1x1x16x512xf32>
    %get3A_1508 = vector.shape_cast %get3A_1507 : vector<1x1x1x16x512xf32> to vector<16x512xf32>
    %mul3A_1509 = arith.mulf %get3A_1508, %squeeze3A_1474 : vector<16x512xf32>
    %add3A_1510 = arith.addf %add3A_1472, %mul3A_1509 : vector<16x512xf32>
    %slice3A_1511 = vector.extract_strided_slice %select_n3A {offsets = [19, 0, 0], sizes = [1, 16, 512], strides = [1, 1, 1]} : vector<20x16x512xf32> to vector<1x16x512xf32>
    %squeeze3A_1512 = vector.shape_cast %slice3A_1511 : vector<1x16x512xf32> to vector<16x512xf32>
    %get3A_1513 = arith.constant 0 : index
    %get3A_1514 = arith.constant 4 : index
    %get3A_1515 = arith.constant 19 : index
    %get3A_1516 = arith.constant 0 : index
    %get3A_1517 = arith.constant 0 : index
    %get3A_1518 = vector.load %arg1[%get3A_1513, %get3A_1514, %get3A_1515, %get3A_1516, %get3A_1517] : memref<1x20x20x16x512xf32, #tpu.memory_space<vmem>>, vector<1x1x1x16x512xf32>
    %get3A_1519 = vector.shape_cast %get3A_1518 : vector<1x1x1x16x512xf32> to vector<16x512xf32>
    %mul3A_1520 = arith.mulf %get3A_1519, %squeeze3A_1512 : vector<16x512xf32>
    %add3A_1521 = arith.addf %add3A_1483, %mul3A_1520 : vector<16x512xf32>
    %get3A_1522 = arith.constant 0 : index
    %get3A_1523 = arith.constant 5 : index
    %get3A_1524 = arith.constant 19 : index
    %get3A_1525 = arith.constant 0 : index
    %get3A_1526 = arith.constant 0 : index
    %get3A_1527 = vector.load %arg1[%get3A_1522, %get3A_1523, %get3A_1524, %get3A_1525, %get3A_1526] : memref<1x20x20x16x512xf32, #tpu.memory_space<vmem>>, vector<1x1x1x16x512xf32>
    %get3A_1528 = vector.shape_cast %get3A_1527 : vector<1x1x1x16x512xf32> to vector<16x512xf32>
    %mul3A_1529 = arith.mulf %get3A_1528, %squeeze3A_1512 : vector<16x512xf32>
    %add3A_1530 = arith.addf %add3A_1492, %mul3A_1529 : vector<16x512xf32>
    %get3A_1531 = arith.constant 0 : index
    %get3A_1532 = arith.constant 6 : index
    %get3A_1533 = arith.constant 19 : index
    %get3A_1534 = arith.constant 0 : index
    %get3A_1535 = arith.constant 0 : index
    %get3A_1536 = vector.load %arg1[%get3A_1531, %get3A_1532, %get3A_1533, %get3A_1534, %get3A_1535] : memref<1x20x20x16x512xf32, #tpu.memory_space<vmem>>, vector<1x1x1x16x512xf32>
    %get3A_1537 = vector.shape_cast %get3A_1536 : vector<1x1x1x16x512xf32> to vector<16x512xf32>
    %mul3A_1538 = arith.mulf %get3A_1537, %squeeze3A_1512 : vector<16x512xf32>
    %add3A_1539 = arith.addf %add3A_1501, %mul3A_1538 : vector<16x512xf32>
    %get3A_1540 = arith.constant 0 : index
    %get3A_1541 = arith.constant 7 : index
    %get3A_1542 = arith.constant 19 : index
    %get3A_1543 = arith.constant 0 : index
    %get3A_1544 = arith.constant 0 : index
    %get3A_1545 = vector.load %arg1[%get3A_1540, %get3A_1541, %get3A_1542, %get3A_1543, %get3A_1544] : memref<1x20x20x16x512xf32, #tpu.memory_space<vmem>>, vector<1x1x1x16x512xf32>
    %get3A_1546 = vector.shape_cast %get3A_1545 : vector<1x1x1x16x512xf32> to vector<16x512xf32>
    %mul3A_1547 = arith.mulf %get3A_1546, %squeeze3A_1512 : vector<16x512xf32>
    %add3A_1548 = arith.addf %add3A_1510, %mul3A_1547 : vector<16x512xf32>
    %reduce_sum3A_1549 = arith.constant dense<0.000000e+00> : vector<512xf32>
    %reduce_sum3A_1550 = vector.multi_reduction <add>, %add3A_1521, %reduce_sum3A_1549 [0] : vector<16x512xf32> to vector<512xf32>
    %reduce_sum3A_1551 = arith.constant dense<0.000000e+00> : vector<512xf32>
    %reduce_sum3A_1552 = vector.multi_reduction <add>, %add3A_1530, %reduce_sum3A_1551 [0] : vector<16x512xf32> to vector<512xf32>
    %reduce_sum3A_1553 = arith.constant dense<0.000000e+00> : vector<512xf32>
    %reduce_sum3A_1554 = vector.multi_reduction <add>, %add3A_1539, %reduce_sum3A_1553 [0] : vector<16x512xf32> to vector<512xf32>
    %reduce_sum3A_1555 = arith.constant dense<0.000000e+00> : vector<512xf32>
    %reduce_sum3A_1556 = vector.multi_reduction <add>, %add3A_1548, %reduce_sum3A_1555 [0] : vector<16x512xf32> to vector<512xf32>
    %broadcast_in_dim3A_1557 = arith.constant 0.000000e+00 : f32
    %broadcast_in_dim3A_1558 = vector.broadcast %broadcast_in_dim3A_1557 : f32 to vector<16x512xf32>
    %broadcast_in_dim3A_1559 = arith.constant 0.000000e+00 : f32
    %broadcast_in_dim3A_1560 = vector.broadcast %broadcast_in_dim3A_1559 : f32 to vector<16x512xf32>
    %broadcast_in_dim3A_1561 = arith.constant 0.000000e+00 : f32
    %broadcast_in_dim3A_1562 = vector.broadcast %broadcast_in_dim3A_1561 : f32 to vector<16x512xf32>
    %broadcast_in_dim3A_1563 = arith.constant 0.000000e+00 : f32
    %broadcast_in_dim3A_1564 = vector.broadcast %broadcast_in_dim3A_1563 : f32 to vector<16x512xf32>
    %slice3A_1565 = vector.extract_strided_slice %select_n3A {offsets = [0, 0, 0], sizes = [1, 16, 512], strides = [1, 1, 1]} : vector<20x16x512xf32> to vector<1x16x512xf32>
    %squeeze3A_1566 = vector.shape_cast %slice3A_1565 : vector<1x16x512xf32> to vector<16x512xf32>
    %get3A_1567 = arith.constant 0 : index
    %get3A_1568 = arith.constant 8 : index
    %get3A_1569 = arith.constant 0 : index
    %get3A_1570 = arith.constant 0 : index
    %get3A_1571 = arith.constant 0 : index
    %get3A_1572 = vector.load %arg1[%get3A_1567, %get3A_1568, %get3A_1569, %get3A_1570, %get3A_1571] : memref<1x20x20x16x512xf32, #tpu.memory_space<vmem>>, vector<1x1x1x16x512xf32>
    %get3A_1573 = vector.shape_cast %get3A_1572 : vector<1x1x1x16x512xf32> to vector<16x512xf32>
    %mul3A_1574 = arith.mulf %get3A_1573, %squeeze3A_1566 : vector<16x512xf32>
    %add3A_1575 = arith.addf %broadcast_in_dim3A_1558, %mul3A_1574 : vector<16x512xf32>
    %get3A_1576 = arith.constant 0 : index
    %get3A_1577 = arith.constant 9 : index
    %get3A_1578 = arith.constant 0 : index
    %get3A_1579 = arith.constant 0 : index
    %get3A_1580 = arith.constant 0 : index
    %get3A_1581 = vector.load %arg1[%get3A_1576, %get3A_1577, %get3A_1578, %get3A_1579, %get3A_1580] : memref<1x20x20x16x512xf32, #tpu.memory_space<vmem>>, vector<1x1x1x16x512xf32>
    %get3A_1582 = vector.shape_cast %get3A_1581 : vector<1x1x1x16x512xf32> to vector<16x512xf32>
    %mul3A_1583 = arith.mulf %get3A_1582, %squeeze3A_1566 : vector<16x512xf32>
    %add3A_1584 = arith.addf %broadcast_in_dim3A_1560, %mul3A_1583 : vector<16x512xf32>
    %get3A_1585 = arith.constant 0 : index
    %get3A_1586 = arith.constant 10 : index
    %get3A_1587 = arith.constant 0 : index
    %get3A_1588 = arith.constant 0 : index
    %get3A_1589 = arith.constant 0 : index
    %get3A_1590 = vector.load %arg1[%get3A_1585, %get3A_1586, %get3A_1587, %get3A_1588, %get3A_1589] : memref<1x20x20x16x512xf32, #tpu.memory_space<vmem>>, vector<1x1x1x16x512xf32>
    %get3A_1591 = vector.shape_cast %get3A_1590 : vector<1x1x1x16x512xf32> to vector<16x512xf32>
    %mul3A_1592 = arith.mulf %get3A_1591, %squeeze3A_1566 : vector<16x512xf32>
    %add3A_1593 = arith.addf %broadcast_in_dim3A_1562, %mul3A_1592 : vector<16x512xf32>
    %get3A_1594 = arith.constant 0 : index
    %get3A_1595 = arith.constant 11 : index
    %get3A_1596 = arith.constant 0 : index
    %get3A_1597 = arith.constant 0 : index
    %get3A_1598 = arith.constant 0 : index
    %get3A_1599 = vector.load %arg1[%get3A_1594, %get3A_1595, %get3A_1596, %get3A_1597, %get3A_1598] : memref<1x20x20x16x512xf32, #tpu.memory_space<vmem>>, vector<1x1x1x16x512xf32>
    %get3A_1600 = vector.shape_cast %get3A_1599 : vector<1x1x1x16x512xf32> to vector<16x512xf32>
    %mul3A_1601 = arith.mulf %get3A_1600, %squeeze3A_1566 : vector<16x512xf32>
    %add3A_1602 = arith.addf %broadcast_in_dim3A_1564, %mul3A_1601 : vector<16x512xf32>
    %slice3A_1603 = vector.extract_strided_slice %select_n3A {offsets = [1, 0, 0], sizes = [1, 16, 512], strides = [1, 1, 1]} : vector<20x16x512xf32> to vector<1x16x512xf32>
    %squeeze3A_1604 = vector.shape_cast %slice3A_1603 : vector<1x16x512xf32> to vector<16x512xf32>
    %get3A_1605 = arith.constant 0 : index
    %get3A_1606 = arith.constant 8 : index
    %get3A_1607 = arith.constant 1 : index
    %get3A_1608 = arith.constant 0 : index
    %get3A_1609 = arith.constant 0 : index
    %get3A_1610 = vector.load %arg1[%get3A_1605, %get3A_1606, %get3A_1607, %get3A_1608, %get3A_1609] : memref<1x20x20x16x512xf32, #tpu.memory_space<vmem>>, vector<1x1x1x16x512xf32>
    %get3A_1611 = vector.shape_cast %get3A_1610 : vector<1x1x1x16x512xf32> to vector<16x512xf32>
    %mul3A_1612 = arith.mulf %get3A_1611, %squeeze3A_1604 : vector<16x512xf32>
    %add3A_1613 = arith.addf %add3A_1575, %mul3A_1612 : vector<16x512xf32>
    %get3A_1614 = arith.constant 0 : index
    %get3A_1615 = arith.constant 9 : index
    %get3A_1616 = arith.constant 1 : index
    %get3A_1617 = arith.constant 0 : index
    %get3A_1618 = arith.constant 0 : index
    %get3A_1619 = vector.load %arg1[%get3A_1614, %get3A_1615, %get3A_1616, %get3A_1617, %get3A_1618] : memref<1x20x20x16x512xf32, #tpu.memory_space<vmem>>, vector<1x1x1x16x512xf32>
    %get3A_1620 = vector.shape_cast %get3A_1619 : vector<1x1x1x16x512xf32> to vector<16x512xf32>
    %mul3A_1621 = arith.mulf %get3A_1620, %squeeze3A_1604 : vector<16x512xf32>
    %add3A_1622 = arith.addf %add3A_1584, %mul3A_1621 : vector<16x512xf32>
    %get3A_1623 = arith.constant 0 : index
    %get3A_1624 = arith.constant 10 : index
    %get3A_1625 = arith.constant 1 : index
    %get3A_1626 = arith.constant 0 : index
    %get3A_1627 = arith.constant 0 : index
    %get3A_1628 = vector.load %arg1[%get3A_1623, %get3A_1624, %get3A_1625, %get3A_1626, %get3A_1627] : memref<1x20x20x16x512xf32, #tpu.memory_space<vmem>>, vector<1x1x1x16x512xf32>
    %get3A_1629 = vector.shape_cast %get3A_1628 : vector<1x1x1x16x512xf32> to vector<16x512xf32>
    %mul3A_1630 = arith.mulf %get3A_1629, %squeeze3A_1604 : vector<16x512xf32>
    %add3A_1631 = arith.addf %add3A_1593, %mul3A_1630 : vector<16x512xf32>
    %get3A_1632 = arith.constant 0 : index
    %get3A_1633 = arith.constant 11 : index
    %get3A_1634 = arith.constant 1 : index
    %get3A_1635 = arith.constant 0 : index
    %get3A_1636 = arith.constant 0 : index
    %get3A_1637 = vector.load %arg1[%get3A_1632, %get3A_1633, %get3A_1634, %get3A_1635, %get3A_1636] : memref<1x20x20x16x512xf32, #tpu.memory_space<vmem>>, vector<1x1x1x16x512xf32>
    %get3A_1638 = vector.shape_cast %get3A_1637 : vector<1x1x1x16x512xf32> to vector<16x512xf32>
    %mul3A_1639 = arith.mulf %get3A_1638, %squeeze3A_1604 : vector<16x512xf32>
    %add3A_1640 = arith.addf %add3A_1602, %mul3A_1639 : vector<16x512xf32>
    %slice3A_1641 = vector.extract_strided_slice %select_n3A {offsets = [2, 0, 0], sizes = [1, 16, 512], strides = [1, 1, 1]} : vector<20x16x512xf32> to vector<1x16x512xf32>
    %squeeze3A_1642 = vector.shape_cast %slice3A_1641 : vector<1x16x512xf32> to vector<16x512xf32>
    %get3A_1643 = arith.constant 0 : index
    %get3A_1644 = arith.constant 8 : index
    %get3A_1645 = arith.constant 2 : index
    %get3A_1646 = arith.constant 0 : index
    %get3A_1647 = arith.constant 0 : index
    %get3A_1648 = vector.load %arg1[%get3A_1643, %get3A_1644, %get3A_1645, %get3A_1646, %get3A_1647] : memref<1x20x20x16x512xf32, #tpu.memory_space<vmem>>, vector<1x1x1x16x512xf32>
    %get3A_1649 = vector.shape_cast %get3A_1648 : vector<1x1x1x16x512xf32> to vector<16x512xf32>
    %mul3A_1650 = arith.mulf %get3A_1649, %squeeze3A_1642 : vector<16x512xf32>
    %add3A_1651 = arith.addf %add3A_1613, %mul3A_1650 : vector<16x512xf32>
    %get3A_1652 = arith.constant 0 : index
    %get3A_1653 = arith.constant 9 : index
    %get3A_1654 = arith.constant 2 : index
    %get3A_1655 = arith.constant 0 : index
    %get3A_1656 = arith.constant 0 : index
    %get3A_1657 = vector.load %arg1[%get3A_1652, %get3A_1653, %get3A_1654, %get3A_1655, %get3A_1656] : memref<1x20x20x16x512xf32, #tpu.memory_space<vmem>>, vector<1x1x1x16x512xf32>
    %get3A_1658 = vector.shape_cast %get3A_1657 : vector<1x1x1x16x512xf32> to vector<16x512xf32>
    %mul3A_1659 = arith.mulf %get3A_1658, %squeeze3A_1642 : vector<16x512xf32>
    %add3A_1660 = arith.addf %add3A_1622, %mul3A_1659 : vector<16x512xf32>
    %get3A_1661 = arith.constant 0 : index
    %get3A_1662 = arith.constant 10 : index
    %get3A_1663 = arith.constant 2 : index
    %get3A_1664 = arith.constant 0 : index
    %get3A_1665 = arith.constant 0 : index
    %get3A_1666 = vector.load %arg1[%get3A_1661, %get3A_1662, %get3A_1663, %get3A_1664, %get3A_1665] : memref<1x20x20x16x512xf32, #tpu.memory_space<vmem>>, vector<1x1x1x16x512xf32>
    %get3A_1667 = vector.shape_cast %get3A_1666 : vector<1x1x1x16x512xf32> to vector<16x512xf32>
    %mul3A_1668 = arith.mulf %get3A_1667, %squeeze3A_1642 : vector<16x512xf32>
    %add3A_1669 = arith.addf %add3A_1631, %mul3A_1668 : vector<16x512xf32>
    %get3A_1670 = arith.constant 0 : index
    %get3A_1671 = arith.constant 11 : index
    %get3A_1672 = arith.constant 2 : index
    %get3A_1673 = arith.constant 0 : index
    %get3A_1674 = arith.constant 0 : index
    %get3A_1675 = vector.load %arg1[%get3A_1670, %get3A_1671, %get3A_1672, %get3A_1673, %get3A_1674] : memref<1x20x20x16x512xf32, #tpu.memory_space<vmem>>, vector<1x1x1x16x512xf32>
    %get3A_1676 = vector.shape_cast %get3A_1675 : vector<1x1x1x16x512xf32> to vector<16x512xf32>
    %mul3A_1677 = arith.mulf %get3A_1676, %squeeze3A_1642 : vector<16x512xf32>
    %add3A_1678 = arith.addf %add3A_1640, %mul3A_1677 : vector<16x512xf32>
    %slice3A_1679 = vector.extract_strided_slice %select_n3A {offsets = [3, 0, 0], sizes = [1, 16, 512], strides = [1, 1, 1]} : vector<20x16x512xf32> to vector<1x16x512xf32>
    %squeeze3A_1680 = vector.shape_cast %slice3A_1679 : vector<1x16x512xf32> to vector<16x512xf32>
    %get3A_1681 = arith.constant 0 : index
    %get3A_1682 = arith.constant 8 : index
    %get3A_1683 = arith.constant 3 : index
    %get3A_1684 = arith.constant 0 : index
    %get3A_1685 = arith.constant 0 : index
    %get3A_1686 = vector.load %arg1[%get3A_1681, %get3A_1682, %get3A_1683, %get3A_1684, %get3A_1685] : memref<1x20x20x16x512xf32, #tpu.memory_space<vmem>>, vector<1x1x1x16x512xf32>
    %get3A_1687 = vector.shape_cast %get3A_1686 : vector<1x1x1x16x512xf32> to vector<16x512xf32>
    %mul3A_1688 = arith.mulf %get3A_1687, %squeeze3A_1680 : vector<16x512xf32>
    %add3A_1689 = arith.addf %add3A_1651, %mul3A_1688 : vector<16x512xf32>
    %get3A_1690 = arith.constant 0 : index
    %get3A_1691 = arith.constant 9 : index
    %get3A_1692 = arith.constant 3 : index
    %get3A_1693 = arith.constant 0 : index
    %get3A_1694 = arith.constant 0 : index
    %get3A_1695 = vector.load %arg1[%get3A_1690, %get3A_1691, %get3A_1692, %get3A_1693, %get3A_1694] : memref<1x20x20x16x512xf32, #tpu.memory_space<vmem>>, vector<1x1x1x16x512xf32>
    %get3A_1696 = vector.shape_cast %get3A_1695 : vector<1x1x1x16x512xf32> to vector<16x512xf32>
    %mul3A_1697 = arith.mulf %get3A_1696, %squeeze3A_1680 : vector<16x512xf32>
    %add3A_1698 = arith.addf %add3A_1660, %mul3A_1697 : vector<16x512xf32>
    %get3A_1699 = arith.constant 0 : index
    %get3A_1700 = arith.constant 10 : index
    %get3A_1701 = arith.constant 3 : index
    %get3A_1702 = arith.constant 0 : index
    %get3A_1703 = arith.constant 0 : index
    %get3A_1704 = vector.load %arg1[%get3A_1699, %get3A_1700, %get3A_1701, %get3A_1702, %get3A_1703] : memref<1x20x20x16x512xf32, #tpu.memory_space<vmem>>, vector<1x1x1x16x512xf32>
    %get3A_1705 = vector.shape_cast %get3A_1704 : vector<1x1x1x16x512xf32> to vector<16x512xf32>
    %mul3A_1706 = arith.mulf %get3A_1705, %squeeze3A_1680 : vector<16x512xf32>
    %add3A_1707 = arith.addf %add3A_1669, %mul3A_1706 : vector<16x512xf32>
    %get3A_1708 = arith.constant 0 : index
    %get3A_1709 = arith.constant 11 : index
    %get3A_1710 = arith.constant 3 : index
    %get3A_1711 = arith.constant 0 : index
    %get3A_1712 = arith.constant 0 : index
    %get3A_1713 = vector.load %arg1[%get3A_1708, %get3A_1709, %get3A_1710, %get3A_1711, %get3A_1712] : memref<1x20x20x16x512xf32, #tpu.memory_space<vmem>>, vector<1x1x1x16x512xf32>
    %get3A_1714 = vector.shape_cast %get3A_1713 : vector<1x1x1x16x512xf32> to vector<16x512xf32>
    %mul3A_1715 = arith.mulf %get3A_1714, %squeeze3A_1680 : vector<16x512xf32>
    %add3A_1716 = arith.addf %add3A_1678, %mul3A_1715 : vector<16x512xf32>
    %slice3A_1717 = vector.extract_strided_slice %select_n3A {offsets = [4, 0, 0], sizes = [1, 16, 512], strides = [1, 1, 1]} : vector<20x16x512xf32> to vector<1x16x512xf32>
    %squeeze3A_1718 = vector.shape_cast %slice3A_1717 : vector<1x16x512xf32> to vector<16x512xf32>
    %get3A_1719 = arith.constant 0 : index
    %get3A_1720 = arith.constant 8 : index
    %get3A_1721 = arith.constant 4 : index
    %get3A_1722 = arith.constant 0 : index
    %get3A_1723 = arith.constant 0 : index
    %get3A_1724 = vector.load %arg1[%get3A_1719, %get3A_1720, %get3A_1721, %get3A_1722, %get3A_1723] : memref<1x20x20x16x512xf32, #tpu.memory_space<vmem>>, vector<1x1x1x16x512xf32>
    %get3A_1725 = vector.shape_cast %get3A_1724 : vector<1x1x1x16x512xf32> to vector<16x512xf32>
    %mul3A_1726 = arith.mulf %get3A_1725, %squeeze3A_1718 : vector<16x512xf32>
    %add3A_1727 = arith.addf %add3A_1689, %mul3A_1726 : vector<16x512xf32>
    %get3A_1728 = arith.constant 0 : index
    %get3A_1729 = arith.constant 9 : index
    %get3A_1730 = arith.constant 4 : index
    %get3A_1731 = arith.constant 0 : index
    %get3A_1732 = arith.constant 0 : index
    %get3A_1733 = vector.load %arg1[%get3A_1728, %get3A_1729, %get3A_1730, %get3A_1731, %get3A_1732] : memref<1x20x20x16x512xf32, #tpu.memory_space<vmem>>, vector<1x1x1x16x512xf32>
    %get3A_1734 = vector.shape_cast %get3A_1733 : vector<1x1x1x16x512xf32> to vector<16x512xf32>
    %mul3A_1735 = arith.mulf %get3A_1734, %squeeze3A_1718 : vector<16x512xf32>
    %add3A_1736 = arith.addf %add3A_1698, %mul3A_1735 : vector<16x512xf32>
    %get3A_1737 = arith.constant 0 : index
    %get3A_1738 = arith.constant 10 : index
    %get3A_1739 = arith.constant 4 : index
    %get3A_1740 = arith.constant 0 : index
    %get3A_1741 = arith.constant 0 : index
    %get3A_1742 = vector.load %arg1[%get3A_1737, %get3A_1738, %get3A_1739, %get3A_1740, %get3A_1741] : memref<1x20x20x16x512xf32, #tpu.memory_space<vmem>>, vector<1x1x1x16x512xf32>
    %get3A_1743 = vector.shape_cast %get3A_1742 : vector<1x1x1x16x512xf32> to vector<16x512xf32>
    %mul3A_1744 = arith.mulf %get3A_1743, %squeeze3A_1718 : vector<16x512xf32>
    %add3A_1745 = arith.addf %add3A_1707, %mul3A_1744 : vector<16x512xf32>
    %get3A_1746 = arith.constant 0 : index
    %get3A_1747 = arith.constant 11 : index
    %get3A_1748 = arith.constant 4 : index
    %get3A_1749 = arith.constant 0 : index
    %get3A_1750 = arith.constant 0 : index
    %get3A_1751 = vector.load %arg1[%get3A_1746, %get3A_1747, %get3A_1748, %get3A_1749, %get3A_1750] : memref<1x20x20x16x512xf32, #tpu.memory_space<vmem>>, vector<1x1x1x16x512xf32>
    %get3A_1752 = vector.shape_cast %get3A_1751 : vector<1x1x1x16x512xf32> to vector<16x512xf32>
    %mul3A_1753 = arith.mulf %get3A_1752, %squeeze3A_1718 : vector<16x512xf32>
    %add3A_1754 = arith.addf %add3A_1716, %mul3A_1753 : vector<16x512xf32>
    %slice3A_1755 = vector.extract_strided_slice %select_n3A {offsets = [5, 0, 0], sizes = [1, 16, 512], strides = [1, 1, 1]} : vector<20x16x512xf32> to vector<1x16x512xf32>
    %squeeze3A_1756 = vector.shape_cast %slice3A_1755 : vector<1x16x512xf32> to vector<16x512xf32>
    %get3A_1757 = arith.constant 0 : index
    %get3A_1758 = arith.constant 8 : index
    %get3A_1759 = arith.constant 5 : index
    %get3A_1760 = arith.constant 0 : index
    %get3A_1761 = arith.constant 0 : index
    %get3A_1762 = vector.load %arg1[%get3A_1757, %get3A_1758, %get3A_1759, %get3A_1760, %get3A_1761] : memref<1x20x20x16x512xf32, #tpu.memory_space<vmem>>, vector<1x1x1x16x512xf32>
    %get3A_1763 = vector.shape_cast %get3A_1762 : vector<1x1x1x16x512xf32> to vector<16x512xf32>
    %mul3A_1764 = arith.mulf %get3A_1763, %squeeze3A_1756 : vector<16x512xf32>
    %add3A_1765 = arith.addf %add3A_1727, %mul3A_1764 : vector<16x512xf32>
    %get3A_1766 = arith.constant 0 : index
    %get3A_1767 = arith.constant 9 : index
    %get3A_1768 = arith.constant 5 : index
    %get3A_1769 = arith.constant 0 : index
    %get3A_1770 = arith.constant 0 : index
    %get3A_1771 = vector.load %arg1[%get3A_1766, %get3A_1767, %get3A_1768, %get3A_1769, %get3A_1770] : memref<1x20x20x16x512xf32, #tpu.memory_space<vmem>>, vector<1x1x1x16x512xf32>
    %get3A_1772 = vector.shape_cast %get3A_1771 : vector<1x1x1x16x512xf32> to vector<16x512xf32>
    %mul3A_1773 = arith.mulf %get3A_1772, %squeeze3A_1756 : vector<16x512xf32>
    %add3A_1774 = arith.addf %add3A_1736, %mul3A_1773 : vector<16x512xf32>
    %get3A_1775 = arith.constant 0 : index
    %get3A_1776 = arith.constant 10 : index
    %get3A_1777 = arith.constant 5 : index
    %get3A_1778 = arith.constant 0 : index
    %get3A_1779 = arith.constant 0 : index
    %get3A_1780 = vector.load %arg1[%get3A_1775, %get3A_1776, %get3A_1777, %get3A_1778, %get3A_1779] : memref<1x20x20x16x512xf32, #tpu.memory_space<vmem>>, vector<1x1x1x16x512xf32>
    %get3A_1781 = vector.shape_cast %get3A_1780 : vector<1x1x1x16x512xf32> to vector<16x512xf32>
    %mul3A_1782 = arith.mulf %get3A_1781, %squeeze3A_1756 : vector<16x512xf32>
    %add3A_1783 = arith.addf %add3A_1745, %mul3A_1782 : vector<16x512xf32>
    %get3A_1784 = arith.constant 0 : index
    %get3A_1785 = arith.constant 11 : index
    %get3A_1786 = arith.constant 5 : index
    %get3A_1787 = arith.constant 0 : index
    %get3A_1788 = arith.constant 0 : index
    %get3A_1789 = vector.load %arg1[%get3A_1784, %get3A_1785, %get3A_1786, %get3A_1787, %get3A_1788] : memref<1x20x20x16x512xf32, #tpu.memory_space<vmem>>, vector<1x1x1x16x512xf32>
    %get3A_1790 = vector.shape_cast %get3A_1789 : vector<1x1x1x16x512xf32> to vector<16x512xf32>
    %mul3A_1791 = arith.mulf %get3A_1790, %squeeze3A_1756 : vector<16x512xf32>
    %add3A_1792 = arith.addf %add3A_1754, %mul3A_1791 : vector<16x512xf32>
    %slice3A_1793 = vector.extract_strided_slice %select_n3A {offsets = [6, 0, 0], sizes = [1, 16, 512], strides = [1, 1, 1]} : vector<20x16x512xf32> to vector<1x16x512xf32>
    %squeeze3A_1794 = vector.shape_cast %slice3A_1793 : vector<1x16x512xf32> to vector<16x512xf32>
    %get3A_1795 = arith.constant 0 : index
    %get3A_1796 = arith.constant 8 : index
    %get3A_1797 = arith.constant 6 : index
    %get3A_1798 = arith.constant 0 : index
    %get3A_1799 = arith.constant 0 : index
    %get3A_1800 = vector.load %arg1[%get3A_1795, %get3A_1796, %get3A_1797, %get3A_1798, %get3A_1799] : memref<1x20x20x16x512xf32, #tpu.memory_space<vmem>>, vector<1x1x1x16x512xf32>
    %get3A_1801 = vector.shape_cast %get3A_1800 : vector<1x1x1x16x512xf32> to vector<16x512xf32>
    %mul3A_1802 = arith.mulf %get3A_1801, %squeeze3A_1794 : vector<16x512xf32>
    %add3A_1803 = arith.addf %add3A_1765, %mul3A_1802 : vector<16x512xf32>
    %get3A_1804 = arith.constant 0 : index
    %get3A_1805 = arith.constant 9 : index
    %get3A_1806 = arith.constant 6 : index
    %get3A_1807 = arith.constant 0 : index
    %get3A_1808 = arith.constant 0 : index
    %get3A_1809 = vector.load %arg1[%get3A_1804, %get3A_1805, %get3A_1806, %get3A_1807, %get3A_1808] : memref<1x20x20x16x512xf32, #tpu.memory_space<vmem>>, vector<1x1x1x16x512xf32>
    %get3A_1810 = vector.shape_cast %get3A_1809 : vector<1x1x1x16x512xf32> to vector<16x512xf32>
    %mul3A_1811 = arith.mulf %get3A_1810, %squeeze3A_1794 : vector<16x512xf32>
    %add3A_1812 = arith.addf %add3A_1774, %mul3A_1811 : vector<16x512xf32>
    %get3A_1813 = arith.constant 0 : index
    %get3A_1814 = arith.constant 10 : index
    %get3A_1815 = arith.constant 6 : index
    %get3A_1816 = arith.constant 0 : index
    %get3A_1817 = arith.constant 0 : index
    %get3A_1818 = vector.load %arg1[%get3A_1813, %get3A_1814, %get3A_1815, %get3A_1816, %get3A_1817] : memref<1x20x20x16x512xf32, #tpu.memory_space<vmem>>, vector<1x1x1x16x512xf32>
    %get3A_1819 = vector.shape_cast %get3A_1818 : vector<1x1x1x16x512xf32> to vector<16x512xf32>
    %mul3A_1820 = arith.mulf %get3A_1819, %squeeze3A_1794 : vector<16x512xf32>
    %add3A_1821 = arith.addf %add3A_1783, %mul3A_1820 : vector<16x512xf32>
    %get3A_1822 = arith.constant 0 : index
    %get3A_1823 = arith.constant 11 : index
    %get3A_1824 = arith.constant 6 : index
    %get3A_1825 = arith.constant 0 : index
    %get3A_1826 = arith.constant 0 : index
    %get3A_1827 = vector.load %arg1[%get3A_1822, %get3A_1823, %get3A_1824, %get3A_1825, %get3A_1826] : memref<1x20x20x16x512xf32, #tpu.memory_space<vmem>>, vector<1x1x1x16x512xf32>
    %get3A_1828 = vector.shape_cast %get3A_1827 : vector<1x1x1x16x512xf32> to vector<16x512xf32>
    %mul3A_1829 = arith.mulf %get3A_1828, %squeeze3A_1794 : vector<16x512xf32>
    %add3A_1830 = arith.addf %add3A_1792, %mul3A_1829 : vector<16x512xf32>
    %slice3A_1831 = vector.extract_strided_slice %select_n3A {offsets = [7, 0, 0], sizes = [1, 16, 512], strides = [1, 1, 1]} : vector<20x16x512xf32> to vector<1x16x512xf32>
    %squeeze3A_1832 = vector.shape_cast %slice3A_1831 : vector<1x16x512xf32> to vector<16x512xf32>
    %get3A_1833 = arith.constant 0 : index
    %get3A_1834 = arith.constant 8 : index
    %get3A_1835 = arith.constant 7 : index
    %get3A_1836 = arith.constant 0 : index
    %get3A_1837 = arith.constant 0 : index
    %get3A_1838 = vector.load %arg1[%get3A_1833, %get3A_1834, %get3A_1835, %get3A_1836, %get3A_1837] : memref<1x20x20x16x512xf32, #tpu.memory_space<vmem>>, vector<1x1x1x16x512xf32>
    %get3A_1839 = vector.shape_cast %get3A_1838 : vector<1x1x1x16x512xf32> to vector<16x512xf32>
    %mul3A_1840 = arith.mulf %get3A_1839, %squeeze3A_1832 : vector<16x512xf32>
    %add3A_1841 = arith.addf %add3A_1803, %mul3A_1840 : vector<16x512xf32>
    %get3A_1842 = arith.constant 0 : index
    %get3A_1843 = arith.constant 9 : index
    %get3A_1844 = arith.constant 7 : index
    %get3A_1845 = arith.constant 0 : index
    %get3A_1846 = arith.constant 0 : index
    %get3A_1847 = vector.load %arg1[%get3A_1842, %get3A_1843, %get3A_1844, %get3A_1845, %get3A_1846] : memref<1x20x20x16x512xf32, #tpu.memory_space<vmem>>, vector<1x1x1x16x512xf32>
    %get3A_1848 = vector.shape_cast %get3A_1847 : vector<1x1x1x16x512xf32> to vector<16x512xf32>
    %mul3A_1849 = arith.mulf %get3A_1848, %squeeze3A_1832 : vector<16x512xf32>
    %add3A_1850 = arith.addf %add3A_1812, %mul3A_1849 : vector<16x512xf32>
    %get3A_1851 = arith.constant 0 : index
    %get3A_1852 = arith.constant 10 : index
    %get3A_1853 = arith.constant 7 : index
    %get3A_1854 = arith.constant 0 : index
    %get3A_1855 = arith.constant 0 : index
    %get3A_1856 = vector.load %arg1[%get3A_1851, %get3A_1852, %get3A_1853, %get3A_1854, %get3A_1855] : memref<1x20x20x16x512xf32, #tpu.memory_space<vmem>>, vector<1x1x1x16x512xf32>
    %get3A_1857 = vector.shape_cast %get3A_1856 : vector<1x1x1x16x512xf32> to vector<16x512xf32>
    %mul3A_1858 = arith.mulf %get3A_1857, %squeeze3A_1832 : vector<16x512xf32>
    %add3A_1859 = arith.addf %add3A_1821, %mul3A_1858 : vector<16x512xf32>
    %get3A_1860 = arith.constant 0 : index
    %get3A_1861 = arith.constant 11 : index
    %get3A_1862 = arith.constant 7 : index
    %get3A_1863 = arith.constant 0 : index
    %get3A_1864 = arith.constant 0 : index
    %get3A_1865 = vector.load %arg1[%get3A_1860, %get3A_1861, %get3A_1862, %get3A_1863, %get3A_1864] : memref<1x20x20x16x512xf32, #tpu.memory_space<vmem>>, vector<1x1x1x16x512xf32>
    %get3A_1866 = vector.shape_cast %get3A_1865 : vector<1x1x1x16x512xf32> to vector<16x512xf32>
    %mul3A_1867 = arith.mulf %get3A_1866, %squeeze3A_1832 : vector<16x512xf32>
    %add3A_1868 = arith.addf %add3A_1830, %mul3A_1867 : vector<16x512xf32>
    %slice3A_1869 = vector.extract_strided_slice %select_n3A {offsets = [8, 0, 0], sizes = [1, 16, 512], strides = [1, 1, 1]} : vector<20x16x512xf32> to vector<1x16x512xf32>
    %squeeze3A_1870 = vector.shape_cast %slice3A_1869 : vector<1x16x512xf32> to vector<16x512xf32>
    %get3A_1871 = arith.constant 0 : index
    %get3A_1872 = arith.constant 8 : index
    %get3A_1873 = arith.constant 8 : index
    %get3A_1874 = arith.constant 0 : index
    %get3A_1875 = arith.constant 0 : index
    %get3A_1876 = vector.load %arg1[%get3A_1871, %get3A_1872, %get3A_1873, %get3A_1874, %get3A_1875] : memref<1x20x20x16x512xf32, #tpu.memory_space<vmem>>, vector<1x1x1x16x512xf32>
    %get3A_1877 = vector.shape_cast %get3A_1876 : vector<1x1x1x16x512xf32> to vector<16x512xf32>
    %mul3A_1878 = arith.mulf %get3A_1877, %squeeze3A_1870 : vector<16x512xf32>
    %add3A_1879 = arith.addf %add3A_1841, %mul3A_1878 : vector<16x512xf32>
    %get3A_1880 = arith.constant 0 : index
    %get3A_1881 = arith.constant 9 : index
    %get3A_1882 = arith.constant 8 : index
    %get3A_1883 = arith.constant 0 : index
    %get3A_1884 = arith.constant 0 : index
    %get3A_1885 = vector.load %arg1[%get3A_1880, %get3A_1881, %get3A_1882, %get3A_1883, %get3A_1884] : memref<1x20x20x16x512xf32, #tpu.memory_space<vmem>>, vector<1x1x1x16x512xf32>
    %get3A_1886 = vector.shape_cast %get3A_1885 : vector<1x1x1x16x512xf32> to vector<16x512xf32>
    %mul3A_1887 = arith.mulf %get3A_1886, %squeeze3A_1870 : vector<16x512xf32>
    %add3A_1888 = arith.addf %add3A_1850, %mul3A_1887 : vector<16x512xf32>
    %get3A_1889 = arith.constant 0 : index
    %get3A_1890 = arith.constant 10 : index
    %get3A_1891 = arith.constant 8 : index
    %get3A_1892 = arith.constant 0 : index
    %get3A_1893 = arith.constant 0 : index
    %get3A_1894 = vector.load %arg1[%get3A_1889, %get3A_1890, %get3A_1891, %get3A_1892, %get3A_1893] : memref<1x20x20x16x512xf32, #tpu.memory_space<vmem>>, vector<1x1x1x16x512xf32>
    %get3A_1895 = vector.shape_cast %get3A_1894 : vector<1x1x1x16x512xf32> to vector<16x512xf32>
    %mul3A_1896 = arith.mulf %get3A_1895, %squeeze3A_1870 : vector<16x512xf32>
    %add3A_1897 = arith.addf %add3A_1859, %mul3A_1896 : vector<16x512xf32>
    %get3A_1898 = arith.constant 0 : index
    %get3A_1899 = arith.constant 11 : index
    %get3A_1900 = arith.constant 8 : index
    %get3A_1901 = arith.constant 0 : index
    %get3A_1902 = arith.constant 0 : index
    %get3A_1903 = vector.load %arg1[%get3A_1898, %get3A_1899, %get3A_1900, %get3A_1901, %get3A_1902] : memref<1x20x20x16x512xf32, #tpu.memory_space<vmem>>, vector<1x1x1x16x512xf32>
    %get3A_1904 = vector.shape_cast %get3A_1903 : vector<1x1x1x16x512xf32> to vector<16x512xf32>
    %mul3A_1905 = arith.mulf %get3A_1904, %squeeze3A_1870 : vector<16x512xf32>
    %add3A_1906 = arith.addf %add3A_1868, %mul3A_1905 : vector<16x512xf32>
    %slice3A_1907 = vector.extract_strided_slice %select_n3A {offsets = [9, 0, 0], sizes = [1, 16, 512], strides = [1, 1, 1]} : vector<20x16x512xf32> to vector<1x16x512xf32>
    %squeeze3A_1908 = vector.shape_cast %slice3A_1907 : vector<1x16x512xf32> to vector<16x512xf32>
    %get3A_1909 = arith.constant 0 : index
    %get3A_1910 = arith.constant 8 : index
    %get3A_1911 = arith.constant 9 : index
    %get3A_1912 = arith.constant 0 : index
    %get3A_1913 = arith.constant 0 : index
    %get3A_1914 = vector.load %arg1[%get3A_1909, %get3A_1910, %get3A_1911, %get3A_1912, %get3A_1913] : memref<1x20x20x16x512xf32, #tpu.memory_space<vmem>>, vector<1x1x1x16x512xf32>
    %get3A_1915 = vector.shape_cast %get3A_1914 : vector<1x1x1x16x512xf32> to vector<16x512xf32>
    %mul3A_1916 = arith.mulf %get3A_1915, %squeeze3A_1908 : vector<16x512xf32>
    %add3A_1917 = arith.addf %add3A_1879, %mul3A_1916 : vector<16x512xf32>
    %get3A_1918 = arith.constant 0 : index
    %get3A_1919 = arith.constant 9 : index
    %get3A_1920 = arith.constant 9 : index
    %get3A_1921 = arith.constant 0 : index
    %get3A_1922 = arith.constant 0 : index
    %get3A_1923 = vector.load %arg1[%get3A_1918, %get3A_1919, %get3A_1920, %get3A_1921, %get3A_1922] : memref<1x20x20x16x512xf32, #tpu.memory_space<vmem>>, vector<1x1x1x16x512xf32>
    %get3A_1924 = vector.shape_cast %get3A_1923 : vector<1x1x1x16x512xf32> to vector<16x512xf32>
    %mul3A_1925 = arith.mulf %get3A_1924, %squeeze3A_1908 : vector<16x512xf32>
    %add3A_1926 = arith.addf %add3A_1888, %mul3A_1925 : vector<16x512xf32>
    %get3A_1927 = arith.constant 0 : index
    %get3A_1928 = arith.constant 10 : index
    %get3A_1929 = arith.constant 9 : index
    %get3A_1930 = arith.constant 0 : index
    %get3A_1931 = arith.constant 0 : index
    %get3A_1932 = vector.load %arg1[%get3A_1927, %get3A_1928, %get3A_1929, %get3A_1930, %get3A_1931] : memref<1x20x20x16x512xf32, #tpu.memory_space<vmem>>, vector<1x1x1x16x512xf32>
    %get3A_1933 = vector.shape_cast %get3A_1932 : vector<1x1x1x16x512xf32> to vector<16x512xf32>
    %mul3A_1934 = arith.mulf %get3A_1933, %squeeze3A_1908 : vector<16x512xf32>
    %add3A_1935 = arith.addf %add3A_1897, %mul3A_1934 : vector<16x512xf32>
    %get3A_1936 = arith.constant 0 : index
    %get3A_1937 = arith.constant 11 : index
    %get3A_1938 = arith.constant 9 : index
    %get3A_1939 = arith.constant 0 : index
    %get3A_1940 = arith.constant 0 : index
    %get3A_1941 = vector.load %arg1[%get3A_1936, %get3A_1937, %get3A_1938, %get3A_1939, %get3A_1940] : memref<1x20x20x16x512xf32, #tpu.memory_space<vmem>>, vector<1x1x1x16x512xf32>
    %get3A_1942 = vector.shape_cast %get3A_1941 : vector<1x1x1x16x512xf32> to vector<16x512xf32>
    %mul3A_1943 = arith.mulf %get3A_1942, %squeeze3A_1908 : vector<16x512xf32>
    %add3A_1944 = arith.addf %add3A_1906, %mul3A_1943 : vector<16x512xf32>
    %slice3A_1945 = vector.extract_strided_slice %select_n3A {offsets = [10, 0, 0], sizes = [1, 16, 512], strides = [1, 1, 1]} : vector<20x16x512xf32> to vector<1x16x512xf32>
    %squeeze3A_1946 = vector.shape_cast %slice3A_1945 : vector<1x16x512xf32> to vector<16x512xf32>
    %get3A_1947 = arith.constant 0 : index
    %get3A_1948 = arith.constant 8 : index
    %get3A_1949 = arith.constant 10 : index
    %get3A_1950 = arith.constant 0 : index
    %get3A_1951 = arith.constant 0 : index
    %get3A_1952 = vector.load %arg1[%get3A_1947, %get3A_1948, %get3A_1949, %get3A_1950, %get3A_1951] : memref<1x20x20x16x512xf32, #tpu.memory_space<vmem>>, vector<1x1x1x16x512xf32>
    %get3A_1953 = vector.shape_cast %get3A_1952 : vector<1x1x1x16x512xf32> to vector<16x512xf32>
    %mul3A_1954 = arith.mulf %get3A_1953, %squeeze3A_1946 : vector<16x512xf32>
    %add3A_1955 = arith.addf %add3A_1917, %mul3A_1954 : vector<16x512xf32>
    %get3A_1956 = arith.constant 0 : index
    %get3A_1957 = arith.constant 9 : index
    %get3A_1958 = arith.constant 10 : index
    %get3A_1959 = arith.constant 0 : index
    %get3A_1960 = arith.constant 0 : index
    %get3A_1961 = vector.load %arg1[%get3A_1956, %get3A_1957, %get3A_1958, %get3A_1959, %get3A_1960] : memref<1x20x20x16x512xf32, #tpu.memory_space<vmem>>, vector<1x1x1x16x512xf32>
    %get3A_1962 = vector.shape_cast %get3A_1961 : vector<1x1x1x16x512xf32> to vector<16x512xf32>
    %mul3A_1963 = arith.mulf %get3A_1962, %squeeze3A_1946 : vector<16x512xf32>
    %add3A_1964 = arith.addf %add3A_1926, %mul3A_1963 : vector<16x512xf32>
    %get3A_1965 = arith.constant 0 : index
    %get3A_1966 = arith.constant 10 : index
    %get3A_1967 = arith.constant 10 : index
    %get3A_1968 = arith.constant 0 : index
    %get3A_1969 = arith.constant 0 : index
    %get3A_1970 = vector.load %arg1[%get3A_1965, %get3A_1966, %get3A_1967, %get3A_1968, %get3A_1969] : memref<1x20x20x16x512xf32, #tpu.memory_space<vmem>>, vector<1x1x1x16x512xf32>
    %get3A_1971 = vector.shape_cast %get3A_1970 : vector<1x1x1x16x512xf32> to vector<16x512xf32>
    %mul3A_1972 = arith.mulf %get3A_1971, %squeeze3A_1946 : vector<16x512xf32>
    %add3A_1973 = arith.addf %add3A_1935, %mul3A_1972 : vector<16x512xf32>
    %get3A_1974 = arith.constant 0 : index
    %get3A_1975 = arith.constant 11 : index
    %get3A_1976 = arith.constant 10 : index
    %get3A_1977 = arith.constant 0 : index
    %get3A_1978 = arith.constant 0 : index
    %get3A_1979 = vector.load %arg1[%get3A_1974, %get3A_1975, %get3A_1976, %get3A_1977, %get3A_1978] : memref<1x20x20x16x512xf32, #tpu.memory_space<vmem>>, vector<1x1x1x16x512xf32>
    %get3A_1980 = vector.shape_cast %get3A_1979 : vector<1x1x1x16x512xf32> to vector<16x512xf32>
    %mul3A_1981 = arith.mulf %get3A_1980, %squeeze3A_1946 : vector<16x512xf32>
    %add3A_1982 = arith.addf %add3A_1944, %mul3A_1981 : vector<16x512xf32>
    %slice3A_1983 = vector.extract_strided_slice %select_n3A {offsets = [11, 0, 0], sizes = [1, 16, 512], strides = [1, 1, 1]} : vector<20x16x512xf32> to vector<1x16x512xf32>
    %squeeze3A_1984 = vector.shape_cast %slice3A_1983 : vector<1x16x512xf32> to vector<16x512xf32>
    %get3A_1985 = arith.constant 0 : index
    %get3A_1986 = arith.constant 8 : index
    %get3A_1987 = arith.constant 11 : index
    %get3A_1988 = arith.constant 0 : index
    %get3A_1989 = arith.constant 0 : index
    %get3A_1990 = vector.load %arg1[%get3A_1985, %get3A_1986, %get3A_1987, %get3A_1988, %get3A_1989] : memref<1x20x20x16x512xf32, #tpu.memory_space<vmem>>, vector<1x1x1x16x512xf32>
    %get3A_1991 = vector.shape_cast %get3A_1990 : vector<1x1x1x16x512xf32> to vector<16x512xf32>
    %mul3A_1992 = arith.mulf %get3A_1991, %squeeze3A_1984 : vector<16x512xf32>
    %add3A_1993 = arith.addf %add3A_1955, %mul3A_1992 : vector<16x512xf32>
    %get3A_1994 = arith.constant 0 : index
    %get3A_1995 = arith.constant 9 : index
    %get3A_1996 = arith.constant 11 : index
    %get3A_1997 = arith.constant 0 : index
    %get3A_1998 = arith.constant 0 : index
    %get3A_1999 = vector.load %arg1[%get3A_1994, %get3A_1995, %get3A_1996, %get3A_1997, %get3A_1998] : memref<1x20x20x16x512xf32, #tpu.memory_space<vmem>>, vector<1x1x1x16x512xf32>
    %get3A_2000 = vector.shape_cast %get3A_1999 : vector<1x1x1x16x512xf32> to vector<16x512xf32>
    %mul3A_2001 = arith.mulf %get3A_2000, %squeeze3A_1984 : vector<16x512xf32>
    %add3A_2002 = arith.addf %add3A_1964, %mul3A_2001 : vector<16x512xf32>
    %get3A_2003 = arith.constant 0 : index
    %get3A_2004 = arith.constant 10 : index
    %get3A_2005 = arith.constant 11 : index
    %get3A_2006 = arith.constant 0 : index
    %get3A_2007 = arith.constant 0 : index
    %get3A_2008 = vector.load %arg1[%get3A_2003, %get3A_2004, %get3A_2005, %get3A_2006, %get3A_2007] : memref<1x20x20x16x512xf32, #tpu.memory_space<vmem>>, vector<1x1x1x16x512xf32>
    %get3A_2009 = vector.shape_cast %get3A_2008 : vector<1x1x1x16x512xf32> to vector<16x512xf32>
    %mul3A_2010 = arith.mulf %get3A_2009, %squeeze3A_1984 : vector<16x512xf32>
    %add3A_2011 = arith.addf %add3A_1973, %mul3A_2010 : vector<16x512xf32>
    %get3A_2012 = arith.constant 0 : index
    %get3A_2013 = arith.constant 11 : index
    %get3A_2014 = arith.constant 11 : index
    %get3A_2015 = arith.constant 0 : index
    %get3A_2016 = arith.constant 0 : index
    %get3A_2017 = vector.load %arg1[%get3A_2012, %get3A_2013, %get3A_2014, %get3A_2015, %get3A_2016] : memref<1x20x20x16x512xf32, #tpu.memory_space<vmem>>, vector<1x1x1x16x512xf32>
    %get3A_2018 = vector.shape_cast %get3A_2017 : vector<1x1x1x16x512xf32> to vector<16x512xf32>
    %mul3A_2019 = arith.mulf %get3A_2018, %squeeze3A_1984 : vector<16x512xf32>
    %add3A_2020 = arith.addf %add3A_1982, %mul3A_2019 : vector<16x512xf32>
    %slice3A_2021 = vector.extract_strided_slice %select_n3A {offsets = [12, 0, 0], sizes = [1, 16, 512], strides = [1, 1, 1]} : vector<20x16x512xf32> to vector<1x16x512xf32>
    %squeeze3A_2022 = vector.shape_cast %slice3A_2021 : vector<1x16x512xf32> to vector<16x512xf32>
    %get3A_2023 = arith.constant 0 : index
    %get3A_2024 = arith.constant 8 : index
    %get3A_2025 = arith.constant 12 : index
    %get3A_2026 = arith.constant 0 : index
    %get3A_2027 = arith.constant 0 : index
    %get3A_2028 = vector.load %arg1[%get3A_2023, %get3A_2024, %get3A_2025, %get3A_2026, %get3A_2027] : memref<1x20x20x16x512xf32, #tpu.memory_space<vmem>>, vector<1x1x1x16x512xf32>
    %get3A_2029 = vector.shape_cast %get3A_2028 : vector<1x1x1x16x512xf32> to vector<16x512xf32>
    %mul3A_2030 = arith.mulf %get3A_2029, %squeeze3A_2022 : vector<16x512xf32>
    %add3A_2031 = arith.addf %add3A_1993, %mul3A_2030 : vector<16x512xf32>
    %get3A_2032 = arith.constant 0 : index
    %get3A_2033 = arith.constant 9 : index
    %get3A_2034 = arith.constant 12 : index
    %get3A_2035 = arith.constant 0 : index
    %get3A_2036 = arith.constant 0 : index
    %get3A_2037 = vector.load %arg1[%get3A_2032, %get3A_2033, %get3A_2034, %get3A_2035, %get3A_2036] : memref<1x20x20x16x512xf32, #tpu.memory_space<vmem>>, vector<1x1x1x16x512xf32>
    %get3A_2038 = vector.shape_cast %get3A_2037 : vector<1x1x1x16x512xf32> to vector<16x512xf32>
    %mul3A_2039 = arith.mulf %get3A_2038, %squeeze3A_2022 : vector<16x512xf32>
    %add3A_2040 = arith.addf %add3A_2002, %mul3A_2039 : vector<16x512xf32>
    %get3A_2041 = arith.constant 0 : index
    %get3A_2042 = arith.constant 10 : index
    %get3A_2043 = arith.constant 12 : index
    %get3A_2044 = arith.constant 0 : index
    %get3A_2045 = arith.constant 0 : index
    %get3A_2046 = vector.load %arg1[%get3A_2041, %get3A_2042, %get3A_2043, %get3A_2044, %get3A_2045] : memref<1x20x20x16x512xf32, #tpu.memory_space<vmem>>, vector<1x1x1x16x512xf32>
    %get3A_2047 = vector.shape_cast %get3A_2046 : vector<1x1x1x16x512xf32> to vector<16x512xf32>
    %mul3A_2048 = arith.mulf %get3A_2047, %squeeze3A_2022 : vector<16x512xf32>
    %add3A_2049 = arith.addf %add3A_2011, %mul3A_2048 : vector<16x512xf32>
    %get3A_2050 = arith.constant 0 : index
    %get3A_2051 = arith.constant 11 : index
    %get3A_2052 = arith.constant 12 : index
    %get3A_2053 = arith.constant 0 : index
    %get3A_2054 = arith.constant 0 : index
    %get3A_2055 = vector.load %arg1[%get3A_2050, %get3A_2051, %get3A_2052, %get3A_2053, %get3A_2054] : memref<1x20x20x16x512xf32, #tpu.memory_space<vmem>>, vector<1x1x1x16x512xf32>
    %get3A_2056 = vector.shape_cast %get3A_2055 : vector<1x1x1x16x512xf32> to vector<16x512xf32>
    %mul3A_2057 = arith.mulf %get3A_2056, %squeeze3A_2022 : vector<16x512xf32>
    %add3A_2058 = arith.addf %add3A_2020, %mul3A_2057 : vector<16x512xf32>
    %slice3A_2059 = vector.extract_strided_slice %select_n3A {offsets = [13, 0, 0], sizes = [1, 16, 512], strides = [1, 1, 1]} : vector<20x16x512xf32> to vector<1x16x512xf32>
    %squeeze3A_2060 = vector.shape_cast %slice3A_2059 : vector<1x16x512xf32> to vector<16x512xf32>
    %get3A_2061 = arith.constant 0 : index
    %get3A_2062 = arith.constant 8 : index
    %get3A_2063 = arith.constant 13 : index
    %get3A_2064 = arith.constant 0 : index
    %get3A_2065 = arith.constant 0 : index
    %get3A_2066 = vector.load %arg1[%get3A_2061, %get3A_2062, %get3A_2063, %get3A_2064, %get3A_2065] : memref<1x20x20x16x512xf32, #tpu.memory_space<vmem>>, vector<1x1x1x16x512xf32>
    %get3A_2067 = vector.shape_cast %get3A_2066 : vector<1x1x1x16x512xf32> to vector<16x512xf32>
    %mul3A_2068 = arith.mulf %get3A_2067, %squeeze3A_2060 : vector<16x512xf32>
    %add3A_2069 = arith.addf %add3A_2031, %mul3A_2068 : vector<16x512xf32>
    %get3A_2070 = arith.constant 0 : index
    %get3A_2071 = arith.constant 9 : index
    %get3A_2072 = arith.constant 13 : index
    %get3A_2073 = arith.constant 0 : index
    %get3A_2074 = arith.constant 0 : index
    %get3A_2075 = vector.load %arg1[%get3A_2070, %get3A_2071, %get3A_2072, %get3A_2073, %get3A_2074] : memref<1x20x20x16x512xf32, #tpu.memory_space<vmem>>, vector<1x1x1x16x512xf32>
    %get3A_2076 = vector.shape_cast %get3A_2075 : vector<1x1x1x16x512xf32> to vector<16x512xf32>
    %mul3A_2077 = arith.mulf %get3A_2076, %squeeze3A_2060 : vector<16x512xf32>
    %add3A_2078 = arith.addf %add3A_2040, %mul3A_2077 : vector<16x512xf32>
    %get3A_2079 = arith.constant 0 : index
    %get3A_2080 = arith.constant 10 : index
    %get3A_2081 = arith.constant 13 : index
    %get3A_2082 = arith.constant 0 : index
    %get3A_2083 = arith.constant 0 : index
    %get3A_2084 = vector.load %arg1[%get3A_2079, %get3A_2080, %get3A_2081, %get3A_2082, %get3A_2083] : memref<1x20x20x16x512xf32, #tpu.memory_space<vmem>>, vector<1x1x1x16x512xf32>
    %get3A_2085 = vector.shape_cast %get3A_2084 : vector<1x1x1x16x512xf32> to vector<16x512xf32>
    %mul3A_2086 = arith.mulf %get3A_2085, %squeeze3A_2060 : vector<16x512xf32>
    %add3A_2087 = arith.addf %add3A_2049, %mul3A_2086 : vector<16x512xf32>
    %get3A_2088 = arith.constant 0 : index
    %get3A_2089 = arith.constant 11 : index
    %get3A_2090 = arith.constant 13 : index
    %get3A_2091 = arith.constant 0 : index
    %get3A_2092 = arith.constant 0 : index
    %get3A_2093 = vector.load %arg1[%get3A_2088, %get3A_2089, %get3A_2090, %get3A_2091, %get3A_2092] : memref<1x20x20x16x512xf32, #tpu.memory_space<vmem>>, vector<1x1x1x16x512xf32>
    %get3A_2094 = vector.shape_cast %get3A_2093 : vector<1x1x1x16x512xf32> to vector<16x512xf32>
    %mul3A_2095 = arith.mulf %get3A_2094, %squeeze3A_2060 : vector<16x512xf32>
    %add3A_2096 = arith.addf %add3A_2058, %mul3A_2095 : vector<16x512xf32>
    %slice3A_2097 = vector.extract_strided_slice %select_n3A {offsets = [14, 0, 0], sizes = [1, 16, 512], strides = [1, 1, 1]} : vector<20x16x512xf32> to vector<1x16x512xf32>
    %squeeze3A_2098 = vector.shape_cast %slice3A_2097 : vector<1x16x512xf32> to vector<16x512xf32>
    %get3A_2099 = arith.constant 0 : index
    %get3A_2100 = arith.constant 8 : index
    %get3A_2101 = arith.constant 14 : index
    %get3A_2102 = arith.constant 0 : index
    %get3A_2103 = arith.constant 0 : index
    %get3A_2104 = vector.load %arg1[%get3A_2099, %get3A_2100, %get3A_2101, %get3A_2102, %get3A_2103] : memref<1x20x20x16x512xf32, #tpu.memory_space<vmem>>, vector<1x1x1x16x512xf32>
    %get3A_2105 = vector.shape_cast %get3A_2104 : vector<1x1x1x16x512xf32> to vector<16x512xf32>
    %mul3A_2106 = arith.mulf %get3A_2105, %squeeze3A_2098 : vector<16x512xf32>
    %add3A_2107 = arith.addf %add3A_2069, %mul3A_2106 : vector<16x512xf32>
    %get3A_2108 = arith.constant 0 : index
    %get3A_2109 = arith.constant 9 : index
    %get3A_2110 = arith.constant 14 : index
    %get3A_2111 = arith.constant 0 : index
    %get3A_2112 = arith.constant 0 : index
    %get3A_2113 = vector.load %arg1[%get3A_2108, %get3A_2109, %get3A_2110, %get3A_2111, %get3A_2112] : memref<1x20x20x16x512xf32, #tpu.memory_space<vmem>>, vector<1x1x1x16x512xf32>
    %get3A_2114 = vector.shape_cast %get3A_2113 : vector<1x1x1x16x512xf32> to vector<16x512xf32>
    %mul3A_2115 = arith.mulf %get3A_2114, %squeeze3A_2098 : vector<16x512xf32>
    %add3A_2116 = arith.addf %add3A_2078, %mul3A_2115 : vector<16x512xf32>
    %get3A_2117 = arith.constant 0 : index
    %get3A_2118 = arith.constant 10 : index
    %get3A_2119 = arith.constant 14 : index
    %get3A_2120 = arith.constant 0 : index
    %get3A_2121 = arith.constant 0 : index
    %get3A_2122 = vector.load %arg1[%get3A_2117, %get3A_2118, %get3A_2119, %get3A_2120, %get3A_2121] : memref<1x20x20x16x512xf32, #tpu.memory_space<vmem>>, vector<1x1x1x16x512xf32>
    %get3A_2123 = vector.shape_cast %get3A_2122 : vector<1x1x1x16x512xf32> to vector<16x512xf32>
    %mul3A_2124 = arith.mulf %get3A_2123, %squeeze3A_2098 : vector<16x512xf32>
    %add3A_2125 = arith.addf %add3A_2087, %mul3A_2124 : vector<16x512xf32>
    %get3A_2126 = arith.constant 0 : index
    %get3A_2127 = arith.constant 11 : index
    %get3A_2128 = arith.constant 14 : index
    %get3A_2129 = arith.constant 0 : index
    %get3A_2130 = arith.constant 0 : index
    %get3A_2131 = vector.load %arg1[%get3A_2126, %get3A_2127, %get3A_2128, %get3A_2129, %get3A_2130] : memref<1x20x20x16x512xf32, #tpu.memory_space<vmem>>, vector<1x1x1x16x512xf32>
    %get3A_2132 = vector.shape_cast %get3A_2131 : vector<1x1x1x16x512xf32> to vector<16x512xf32>
    %mul3A_2133 = arith.mulf %get3A_2132, %squeeze3A_2098 : vector<16x512xf32>
    %add3A_2134 = arith.addf %add3A_2096, %mul3A_2133 : vector<16x512xf32>
    %slice3A_2135 = vector.extract_strided_slice %select_n3A {offsets = [15, 0, 0], sizes = [1, 16, 512], strides = [1, 1, 1]} : vector<20x16x512xf32> to vector<1x16x512xf32>
    %squeeze3A_2136 = vector.shape_cast %slice3A_2135 : vector<1x16x512xf32> to vector<16x512xf32>
    %get3A_2137 = arith.constant 0 : index
    %get3A_2138 = arith.constant 8 : index
    %get3A_2139 = arith.constant 15 : index
    %get3A_2140 = arith.constant 0 : index
    %get3A_2141 = arith.constant 0 : index
    %get3A_2142 = vector.load %arg1[%get3A_2137, %get3A_2138, %get3A_2139, %get3A_2140, %get3A_2141] : memref<1x20x20x16x512xf32, #tpu.memory_space<vmem>>, vector<1x1x1x16x512xf32>
    %get3A_2143 = vector.shape_cast %get3A_2142 : vector<1x1x1x16x512xf32> to vector<16x512xf32>
    %mul3A_2144 = arith.mulf %get3A_2143, %squeeze3A_2136 : vector<16x512xf32>
    %add3A_2145 = arith.addf %add3A_2107, %mul3A_2144 : vector<16x512xf32>
    %get3A_2146 = arith.constant 0 : index
    %get3A_2147 = arith.constant 9 : index
    %get3A_2148 = arith.constant 15 : index
    %get3A_2149 = arith.constant 0 : index
    %get3A_2150 = arith.constant 0 : index
    %get3A_2151 = vector.load %arg1[%get3A_2146, %get3A_2147, %get3A_2148, %get3A_2149, %get3A_2150] : memref<1x20x20x16x512xf32, #tpu.memory_space<vmem>>, vector<1x1x1x16x512xf32>
    %get3A_2152 = vector.shape_cast %get3A_2151 : vector<1x1x1x16x512xf32> to vector<16x512xf32>
    %mul3A_2153 = arith.mulf %get3A_2152, %squeeze3A_2136 : vector<16x512xf32>
    %add3A_2154 = arith.addf %add3A_2116, %mul3A_2153 : vector<16x512xf32>
    %get3A_2155 = arith.constant 0 : index
    %get3A_2156 = arith.constant 10 : index
    %get3A_2157 = arith.constant 15 : index
    %get3A_2158 = arith.constant 0 : index
    %get3A_2159 = arith.constant 0 : index
    %get3A_2160 = vector.load %arg1[%get3A_2155, %get3A_2156, %get3A_2157, %get3A_2158, %get3A_2159] : memref<1x20x20x16x512xf32, #tpu.memory_space<vmem>>, vector<1x1x1x16x512xf32>
    %get3A_2161 = vector.shape_cast %get3A_2160 : vector<1x1x1x16x512xf32> to vector<16x512xf32>
    %mul3A_2162 = arith.mulf %get3A_2161, %squeeze3A_2136 : vector<16x512xf32>
    %add3A_2163 = arith.addf %add3A_2125, %mul3A_2162 : vector<16x512xf32>
    %get3A_2164 = arith.constant 0 : index
    %get3A_2165 = arith.constant 11 : index
    %get3A_2166 = arith.constant 15 : index
    %get3A_2167 = arith.constant 0 : index
    %get3A_2168 = arith.constant 0 : index
    %get3A_2169 = vector.load %arg1[%get3A_2164, %get3A_2165, %get3A_2166, %get3A_2167, %get3A_2168] : memref<1x20x20x16x512xf32, #tpu.memory_space<vmem>>, vector<1x1x1x16x512xf32>
    %get3A_2170 = vector.shape_cast %get3A_2169 : vector<1x1x1x16x512xf32> to vector<16x512xf32>
    %mul3A_2171 = arith.mulf %get3A_2170, %squeeze3A_2136 : vector<16x512xf32>
    %add3A_2172 = arith.addf %add3A_2134, %mul3A_2171 : vector<16x512xf32>
    %slice3A_2173 = vector.extract_strided_slice %select_n3A {offsets = [16, 0, 0], sizes = [1, 16, 512], strides = [1, 1, 1]} : vector<20x16x512xf32> to vector<1x16x512xf32>
    %squeeze3A_2174 = vector.shape_cast %slice3A_2173 : vector<1x16x512xf32> to vector<16x512xf32>
    %get3A_2175 = arith.constant 0 : index
    %get3A_2176 = arith.constant 8 : index
    %get3A_2177 = arith.constant 16 : index
    %get3A_2178 = arith.constant 0 : index
    %get3A_2179 = arith.constant 0 : index
    %get3A_2180 = vector.load %arg1[%get3A_2175, %get3A_2176, %get3A_2177, %get3A_2178, %get3A_2179] : memref<1x20x20x16x512xf32, #tpu.memory_space<vmem>>, vector<1x1x1x16x512xf32>
    %get3A_2181 = vector.shape_cast %get3A_2180 : vector<1x1x1x16x512xf32> to vector<16x512xf32>
    %mul3A_2182 = arith.mulf %get3A_2181, %squeeze3A_2174 : vector<16x512xf32>
    %add3A_2183 = arith.addf %add3A_2145, %mul3A_2182 : vector<16x512xf32>
    %get3A_2184 = arith.constant 0 : index
    %get3A_2185 = arith.constant 9 : index
    %get3A_2186 = arith.constant 16 : index
    %get3A_2187 = arith.constant 0 : index
    %get3A_2188 = arith.constant 0 : index
    %get3A_2189 = vector.load %arg1[%get3A_2184, %get3A_2185, %get3A_2186, %get3A_2187, %get3A_2188] : memref<1x20x20x16x512xf32, #tpu.memory_space<vmem>>, vector<1x1x1x16x512xf32>
    %get3A_2190 = vector.shape_cast %get3A_2189 : vector<1x1x1x16x512xf32> to vector<16x512xf32>
    %mul3A_2191 = arith.mulf %get3A_2190, %squeeze3A_2174 : vector<16x512xf32>
    %add3A_2192 = arith.addf %add3A_2154, %mul3A_2191 : vector<16x512xf32>
    %get3A_2193 = arith.constant 0 : index
    %get3A_2194 = arith.constant 10 : index
    %get3A_2195 = arith.constant 16 : index
    %get3A_2196 = arith.constant 0 : index
    %get3A_2197 = arith.constant 0 : index
    %get3A_2198 = vector.load %arg1[%get3A_2193, %get3A_2194, %get3A_2195, %get3A_2196, %get3A_2197] : memref<1x20x20x16x512xf32, #tpu.memory_space<vmem>>, vector<1x1x1x16x512xf32>
    %get3A_2199 = vector.shape_cast %get3A_2198 : vector<1x1x1x16x512xf32> to vector<16x512xf32>
    %mul3A_2200 = arith.mulf %get3A_2199, %squeeze3A_2174 : vector<16x512xf32>
    %add3A_2201 = arith.addf %add3A_2163, %mul3A_2200 : vector<16x512xf32>
    %get3A_2202 = arith.constant 0 : index
    %get3A_2203 = arith.constant 11 : index
    %get3A_2204 = arith.constant 16 : index
    %get3A_2205 = arith.constant 0 : index
    %get3A_2206 = arith.constant 0 : index
    %get3A_2207 = vector.load %arg1[%get3A_2202, %get3A_2203, %get3A_2204, %get3A_2205, %get3A_2206] : memref<1x20x20x16x512xf32, #tpu.memory_space<vmem>>, vector<1x1x1x16x512xf32>
    %get3A_2208 = vector.shape_cast %get3A_2207 : vector<1x1x1x16x512xf32> to vector<16x512xf32>
    %mul3A_2209 = arith.mulf %get3A_2208, %squeeze3A_2174 : vector<16x512xf32>
    %add3A_2210 = arith.addf %add3A_2172, %mul3A_2209 : vector<16x512xf32>
    %slice3A_2211 = vector.extract_strided_slice %select_n3A {offsets = [17, 0, 0], sizes = [1, 16, 512], strides = [1, 1, 1]} : vector<20x16x512xf32> to vector<1x16x512xf32>
    %squeeze3A_2212 = vector.shape_cast %slice3A_2211 : vector<1x16x512xf32> to vector<16x512xf32>
    %get3A_2213 = arith.constant 0 : index
    %get3A_2214 = arith.constant 8 : index
    %get3A_2215 = arith.constant 17 : index
    %get3A_2216 = arith.constant 0 : index
    %get3A_2217 = arith.constant 0 : index
    %get3A_2218 = vector.load %arg1[%get3A_2213, %get3A_2214, %get3A_2215, %get3A_2216, %get3A_2217] : memref<1x20x20x16x512xf32, #tpu.memory_space<vmem>>, vector<1x1x1x16x512xf32>
    %get3A_2219 = vector.shape_cast %get3A_2218 : vector<1x1x1x16x512xf32> to vector<16x512xf32>
    %mul3A_2220 = arith.mulf %get3A_2219, %squeeze3A_2212 : vector<16x512xf32>
    %add3A_2221 = arith.addf %add3A_2183, %mul3A_2220 : vector<16x512xf32>
    %get3A_2222 = arith.constant 0 : index
    %get3A_2223 = arith.constant 9 : index
    %get3A_2224 = arith.constant 17 : index
    %get3A_2225 = arith.constant 0 : index
    %get3A_2226 = arith.constant 0 : index
    %get3A_2227 = vector.load %arg1[%get3A_2222, %get3A_2223, %get3A_2224, %get3A_2225, %get3A_2226] : memref<1x20x20x16x512xf32, #tpu.memory_space<vmem>>, vector<1x1x1x16x512xf32>
    %get3A_2228 = vector.shape_cast %get3A_2227 : vector<1x1x1x16x512xf32> to vector<16x512xf32>
    %mul3A_2229 = arith.mulf %get3A_2228, %squeeze3A_2212 : vector<16x512xf32>
    %add3A_2230 = arith.addf %add3A_2192, %mul3A_2229 : vector<16x512xf32>
    %get3A_2231 = arith.constant 0 : index
    %get3A_2232 = arith.constant 10 : index
    %get3A_2233 = arith.constant 17 : index
    %get3A_2234 = arith.constant 0 : index
    %get3A_2235 = arith.constant 0 : index
    %get3A_2236 = vector.load %arg1[%get3A_2231, %get3A_2232, %get3A_2233, %get3A_2234, %get3A_2235] : memref<1x20x20x16x512xf32, #tpu.memory_space<vmem>>, vector<1x1x1x16x512xf32>
    %get3A_2237 = vector.shape_cast %get3A_2236 : vector<1x1x1x16x512xf32> to vector<16x512xf32>
    %mul3A_2238 = arith.mulf %get3A_2237, %squeeze3A_2212 : vector<16x512xf32>
    %add3A_2239 = arith.addf %add3A_2201, %mul3A_2238 : vector<16x512xf32>
    %get3A_2240 = arith.constant 0 : index
    %get3A_2241 = arith.constant 11 : index
    %get3A_2242 = arith.constant 17 : index
    %get3A_2243 = arith.constant 0 : index
    %get3A_2244 = arith.constant 0 : index
    %get3A_2245 = vector.load %arg1[%get3A_2240, %get3A_2241, %get3A_2242, %get3A_2243, %get3A_2244] : memref<1x20x20x16x512xf32, #tpu.memory_space<vmem>>, vector<1x1x1x16x512xf32>
    %get3A_2246 = vector.shape_cast %get3A_2245 : vector<1x1x1x16x512xf32> to vector<16x512xf32>
    %mul3A_2247 = arith.mulf %get3A_2246, %squeeze3A_2212 : vector<16x512xf32>
    %add3A_2248 = arith.addf %add3A_2210, %mul3A_2247 : vector<16x512xf32>
    %slice3A_2249 = vector.extract_strided_slice %select_n3A {offsets = [18, 0, 0], sizes = [1, 16, 512], strides = [1, 1, 1]} : vector<20x16x512xf32> to vector<1x16x512xf32>
    %squeeze3A_2250 = vector.shape_cast %slice3A_2249 : vector<1x16x512xf32> to vector<16x512xf32>
    %get3A_2251 = arith.constant 0 : index
    %get3A_2252 = arith.constant 8 : index
    %get3A_2253 = arith.constant 18 : index
    %get3A_2254 = arith.constant 0 : index
    %get3A_2255 = arith.constant 0 : index
    %get3A_2256 = vector.load %arg1[%get3A_2251, %get3A_2252, %get3A_2253, %get3A_2254, %get3A_2255] : memref<1x20x20x16x512xf32, #tpu.memory_space<vmem>>, vector<1x1x1x16x512xf32>
    %get3A_2257 = vector.shape_cast %get3A_2256 : vector<1x1x1x16x512xf32> to vector<16x512xf32>
    %mul3A_2258 = arith.mulf %get3A_2257, %squeeze3A_2250 : vector<16x512xf32>
    %add3A_2259 = arith.addf %add3A_2221, %mul3A_2258 : vector<16x512xf32>
    %get3A_2260 = arith.constant 0 : index
    %get3A_2261 = arith.constant 9 : index
    %get3A_2262 = arith.constant 18 : index
    %get3A_2263 = arith.constant 0 : index
    %get3A_2264 = arith.constant 0 : index
    %get3A_2265 = vector.load %arg1[%get3A_2260, %get3A_2261, %get3A_2262, %get3A_2263, %get3A_2264] : memref<1x20x20x16x512xf32, #tpu.memory_space<vmem>>, vector<1x1x1x16x512xf32>
    %get3A_2266 = vector.shape_cast %get3A_2265 : vector<1x1x1x16x512xf32> to vector<16x512xf32>
    %mul3A_2267 = arith.mulf %get3A_2266, %squeeze3A_2250 : vector<16x512xf32>
    %add3A_2268 = arith.addf %add3A_2230, %mul3A_2267 : vector<16x512xf32>
    %get3A_2269 = arith.constant 0 : index
    %get3A_2270 = arith.constant 10 : index
    %get3A_2271 = arith.constant 18 : index
    %get3A_2272 = arith.constant 0 : index
    %get3A_2273 = arith.constant 0 : index
    %get3A_2274 = vector.load %arg1[%get3A_2269, %get3A_2270, %get3A_2271, %get3A_2272, %get3A_2273] : memref<1x20x20x16x512xf32, #tpu.memory_space<vmem>>, vector<1x1x1x16x512xf32>
    %get3A_2275 = vector.shape_cast %get3A_2274 : vector<1x1x1x16x512xf32> to vector<16x512xf32>
    %mul3A_2276 = arith.mulf %get3A_2275, %squeeze3A_2250 : vector<16x512xf32>
    %add3A_2277 = arith.addf %add3A_2239, %mul3A_2276 : vector<16x512xf32>
    %get3A_2278 = arith.constant 0 : index
    %get3A_2279 = arith.constant 11 : index
    %get3A_2280 = arith.constant 18 : index
    %get3A_2281 = arith.constant 0 : index
    %get3A_2282 = arith.constant 0 : index
    %get3A_2283 = vector.load %arg1[%get3A_2278, %get3A_2279, %get3A_2280, %get3A_2281, %get3A_2282] : memref<1x20x20x16x512xf32, #tpu.memory_space<vmem>>, vector<1x1x1x16x512xf32>
    %get3A_2284 = vector.shape_cast %get3A_2283 : vector<1x1x1x16x512xf32> to vector<16x512xf32>
    %mul3A_2285 = arith.mulf %get3A_2284, %squeeze3A_2250 : vector<16x512xf32>
    %add3A_2286 = arith.addf %add3A_2248, %mul3A_2285 : vector<16x512xf32>
    %slice3A_2287 = vector.extract_strided_slice %select_n3A {offsets = [19, 0, 0], sizes = [1, 16, 512], strides = [1, 1, 1]} : vector<20x16x512xf32> to vector<1x16x512xf32>
    %squeeze3A_2288 = vector.shape_cast %slice3A_2287 : vector<1x16x512xf32> to vector<16x512xf32>
    %get3A_2289 = arith.constant 0 : index
    %get3A_2290 = arith.constant 8 : index
    %get3A_2291 = arith.constant 19 : index
    %get3A_2292 = arith.constant 0 : index
    %get3A_2293 = arith.constant 0 : index
    %get3A_2294 = vector.load %arg1[%get3A_2289, %get3A_2290, %get3A_2291, %get3A_2292, %get3A_2293] : memref<1x20x20x16x512xf32, #tpu.memory_space<vmem>>, vector<1x1x1x16x512xf32>
    %get3A_2295 = vector.shape_cast %get3A_2294 : vector<1x1x1x16x512xf32> to vector<16x512xf32>
    %mul3A_2296 = arith.mulf %get3A_2295, %squeeze3A_2288 : vector<16x512xf32>
    %add3A_2297 = arith.addf %add3A_2259, %mul3A_2296 : vector<16x512xf32>
    %get3A_2298 = arith.constant 0 : index
    %get3A_2299 = arith.constant 9 : index
    %get3A_2300 = arith.constant 19 : index
    %get3A_2301 = arith.constant 0 : index
    %get3A_2302 = arith.constant 0 : index
    %get3A_2303 = vector.load %arg1[%get3A_2298, %get3A_2299, %get3A_2300, %get3A_2301, %get3A_2302] : memref<1x20x20x16x512xf32, #tpu.memory_space<vmem>>, vector<1x1x1x16x512xf32>
    %get3A_2304 = vector.shape_cast %get3A_2303 : vector<1x1x1x16x512xf32> to vector<16x512xf32>
    %mul3A_2305 = arith.mulf %get3A_2304, %squeeze3A_2288 : vector<16x512xf32>
    %add3A_2306 = arith.addf %add3A_2268, %mul3A_2305 : vector<16x512xf32>
    %get3A_2307 = arith.constant 0 : index
    %get3A_2308 = arith.constant 10 : index
    %get3A_2309 = arith.constant 19 : index
    %get3A_2310 = arith.constant 0 : index
    %get3A_2311 = arith.constant 0 : index
    %get3A_2312 = vector.load %arg1[%get3A_2307, %get3A_2308, %get3A_2309, %get3A_2310, %get3A_2311] : memref<1x20x20x16x512xf32, #tpu.memory_space<vmem>>, vector<1x1x1x16x512xf32>
    %get3A_2313 = vector.shape_cast %get3A_2312 : vector<1x1x1x16x512xf32> to vector<16x512xf32>
    %mul3A_2314 = arith.mulf %get3A_2313, %squeeze3A_2288 : vector<16x512xf32>
    %add3A_2315 = arith.addf %add3A_2277, %mul3A_2314 : vector<16x512xf32>
    %get3A_2316 = arith.constant 0 : index
    %get3A_2317 = arith.constant 11 : index
    %get3A_2318 = arith.constant 19 : index
    %get3A_2319 = arith.constant 0 : index
    %get3A_2320 = arith.constant 0 : index
    %get3A_2321 = vector.load %arg1[%get3A_2316, %get3A_2317, %get3A_2318, %get3A_2319, %get3A_2320] : memref<1x20x20x16x512xf32, #tpu.memory_space<vmem>>, vector<1x1x1x16x512xf32>
    %get3A_2322 = vector.shape_cast %get3A_2321 : vector<1x1x1x16x512xf32> to vector<16x512xf32>
    %mul3A_2323 = arith.mulf %get3A_2322, %squeeze3A_2288 : vector<16x512xf32>
    %add3A_2324 = arith.addf %add3A_2286, %mul3A_2323 : vector<16x512xf32>
    %reduce_sum3A_2325 = arith.constant dense<0.000000e+00> : vector<512xf32>
    %reduce_sum3A_2326 = vector.multi_reduction <add>, %add3A_2297, %reduce_sum3A_2325 [0] : vector<16x512xf32> to vector<512xf32>
    %reduce_sum3A_2327 = arith.constant dense<0.000000e+00> : vector<512xf32>
    %reduce_sum3A_2328 = vector.multi_reduction <add>, %add3A_2306, %reduce_sum3A_2327 [0] : vector<16x512xf32> to vector<512xf32>
    %reduce_sum3A_2329 = arith.constant dense<0.000000e+00> : vector<512xf32>
    %reduce_sum3A_2330 = vector.multi_reduction <add>, %add3A_2315, %reduce_sum3A_2329 [0] : vector<16x512xf32> to vector<512xf32>
    %reduce_sum3A_2331 = arith.constant dense<0.000000e+00> : vector<512xf32>
    %reduce_sum3A_2332 = vector.multi_reduction <add>, %add3A_2324, %reduce_sum3A_2331 [0] : vector<16x512xf32> to vector<512xf32>
    %broadcast_in_dim3A_2333 = arith.constant 0.000000e+00 : f32
    %broadcast_in_dim3A_2334 = vector.broadcast %broadcast_in_dim3A_2333 : f32 to vector<16x512xf32>
    %broadcast_in_dim3A_2335 = arith.constant 0.000000e+00 : f32
    %broadcast_in_dim3A_2336 = vector.broadcast %broadcast_in_dim3A_2335 : f32 to vector<16x512xf32>
    %broadcast_in_dim3A_2337 = arith.constant 0.000000e+00 : f32
    %broadcast_in_dim3A_2338 = vector.broadcast %broadcast_in_dim3A_2337 : f32 to vector<16x512xf32>
    %broadcast_in_dim3A_2339 = arith.constant 0.000000e+00 : f32
    %broadcast_in_dim3A_2340 = vector.broadcast %broadcast_in_dim3A_2339 : f32 to vector<16x512xf32>
    %slice3A_2341 = vector.extract_strided_slice %select_n3A {offsets = [0, 0, 0], sizes = [1, 16, 512], strides = [1, 1, 1]} : vector<20x16x512xf32> to vector<1x16x512xf32>
    %squeeze3A_2342 = vector.shape_cast %slice3A_2341 : vector<1x16x512xf32> to vector<16x512xf32>
    %get3A_2343 = arith.constant 0 : index
    %get3A_2344 = arith.constant 12 : index
    %get3A_2345 = arith.constant 0 : index
    %get3A_2346 = arith.constant 0 : index
    %get3A_2347 = arith.constant 0 : index
    %get3A_2348 = vector.load %arg1[%get3A_2343, %get3A_2344, %get3A_2345, %get3A_2346, %get3A_2347] : memref<1x20x20x16x512xf32, #tpu.memory_space<vmem>>, vector<1x1x1x16x512xf32>
    %get3A_2349 = vector.shape_cast %get3A_2348 : vector<1x1x1x16x512xf32> to vector<16x512xf32>
    %mul3A_2350 = arith.mulf %get3A_2349, %squeeze3A_2342 : vector<16x512xf32>
    %add3A_2351 = arith.addf %broadcast_in_dim3A_2334, %mul3A_2350 : vector<16x512xf32>
    %get3A_2352 = arith.constant 0 : index
    %get3A_2353 = arith.constant 13 : index
    %get3A_2354 = arith.constant 0 : index
    %get3A_2355 = arith.constant 0 : index
    %get3A_2356 = arith.constant 0 : index
    %get3A_2357 = vector.load %arg1[%get3A_2352, %get3A_2353, %get3A_2354, %get3A_2355, %get3A_2356] : memref<1x20x20x16x512xf32, #tpu.memory_space<vmem>>, vector<1x1x1x16x512xf32>
    %get3A_2358 = vector.shape_cast %get3A_2357 : vector<1x1x1x16x512xf32> to vector<16x512xf32>
    %mul3A_2359 = arith.mulf %get3A_2358, %squeeze3A_2342 : vector<16x512xf32>
    %add3A_2360 = arith.addf %broadcast_in_dim3A_2336, %mul3A_2359 : vector<16x512xf32>
    %get3A_2361 = arith.constant 0 : index
    %get3A_2362 = arith.constant 14 : index
    %get3A_2363 = arith.constant 0 : index
    %get3A_2364 = arith.constant 0 : index
    %get3A_2365 = arith.constant 0 : index
    %get3A_2366 = vector.load %arg1[%get3A_2361, %get3A_2362, %get3A_2363, %get3A_2364, %get3A_2365] : memref<1x20x20x16x512xf32, #tpu.memory_space<vmem>>, vector<1x1x1x16x512xf32>
    %get3A_2367 = vector.shape_cast %get3A_2366 : vector<1x1x1x16x512xf32> to vector<16x512xf32>
    %mul3A_2368 = arith.mulf %get3A_2367, %squeeze3A_2342 : vector<16x512xf32>
    %add3A_2369 = arith.addf %broadcast_in_dim3A_2338, %mul3A_2368 : vector<16x512xf32>
    %get3A_2370 = arith.constant 0 : index
    %get3A_2371 = arith.constant 15 : index
    %get3A_2372 = arith.constant 0 : index
    %get3A_2373 = arith.constant 0 : index
    %get3A_2374 = arith.constant 0 : index
    %get3A_2375 = vector.load %arg1[%get3A_2370, %get3A_2371, %get3A_2372, %get3A_2373, %get3A_2374] : memref<1x20x20x16x512xf32, #tpu.memory_space<vmem>>, vector<1x1x1x16x512xf32>
    %get3A_2376 = vector.shape_cast %get3A_2375 : vector<1x1x1x16x512xf32> to vector<16x512xf32>
    %mul3A_2377 = arith.mulf %get3A_2376, %squeeze3A_2342 : vector<16x512xf32>
    %add3A_2378 = arith.addf %broadcast_in_dim3A_2340, %mul3A_2377 : vector<16x512xf32>
    %slice3A_2379 = vector.extract_strided_slice %select_n3A {offsets = [1, 0, 0], sizes = [1, 16, 512], strides = [1, 1, 1]} : vector<20x16x512xf32> to vector<1x16x512xf32>
    %squeeze3A_2380 = vector.shape_cast %slice3A_2379 : vector<1x16x512xf32> to vector<16x512xf32>
    %get3A_2381 = arith.constant 0 : index
    %get3A_2382 = arith.constant 12 : index
    %get3A_2383 = arith.constant 1 : index
    %get3A_2384 = arith.constant 0 : index
    %get3A_2385 = arith.constant 0 : index
    %get3A_2386 = vector.load %arg1[%get3A_2381, %get3A_2382, %get3A_2383, %get3A_2384, %get3A_2385] : memref<1x20x20x16x512xf32, #tpu.memory_space<vmem>>, vector<1x1x1x16x512xf32>
    %get3A_2387 = vector.shape_cast %get3A_2386 : vector<1x1x1x16x512xf32> to vector<16x512xf32>
    %mul3A_2388 = arith.mulf %get3A_2387, %squeeze3A_2380 : vector<16x512xf32>
    %add3A_2389 = arith.addf %add3A_2351, %mul3A_2388 : vector<16x512xf32>
    %get3A_2390 = arith.constant 0 : index
    %get3A_2391 = arith.constant 13 : index
    %get3A_2392 = arith.constant 1 : index
    %get3A_2393 = arith.constant 0 : index
    %get3A_2394 = arith.constant 0 : index
    %get3A_2395 = vector.load %arg1[%get3A_2390, %get3A_2391, %get3A_2392, %get3A_2393, %get3A_2394] : memref<1x20x20x16x512xf32, #tpu.memory_space<vmem>>, vector<1x1x1x16x512xf32>
    %get3A_2396 = vector.shape_cast %get3A_2395 : vector<1x1x1x16x512xf32> to vector<16x512xf32>
    %mul3A_2397 = arith.mulf %get3A_2396, %squeeze3A_2380 : vector<16x512xf32>
    %add3A_2398 = arith.addf %add3A_2360, %mul3A_2397 : vector<16x512xf32>
    %get3A_2399 = arith.constant 0 : index
    %get3A_2400 = arith.constant 14 : index
    %get3A_2401 = arith.constant 1 : index
    %get3A_2402 = arith.constant 0 : index
    %get3A_2403 = arith.constant 0 : index
    %get3A_2404 = vector.load %arg1[%get3A_2399, %get3A_2400, %get3A_2401, %get3A_2402, %get3A_2403] : memref<1x20x20x16x512xf32, #tpu.memory_space<vmem>>, vector<1x1x1x16x512xf32>
    %get3A_2405 = vector.shape_cast %get3A_2404 : vector<1x1x1x16x512xf32> to vector<16x512xf32>
    %mul3A_2406 = arith.mulf %get3A_2405, %squeeze3A_2380 : vector<16x512xf32>
    %add3A_2407 = arith.addf %add3A_2369, %mul3A_2406 : vector<16x512xf32>
    %get3A_2408 = arith.constant 0 : index
    %get3A_2409 = arith.constant 15 : index
    %get3A_2410 = arith.constant 1 : index
    %get3A_2411 = arith.constant 0 : index
    %get3A_2412 = arith.constant 0 : index
    %get3A_2413 = vector.load %arg1[%get3A_2408, %get3A_2409, %get3A_2410, %get3A_2411, %get3A_2412] : memref<1x20x20x16x512xf32, #tpu.memory_space<vmem>>, vector<1x1x1x16x512xf32>
    %get3A_2414 = vector.shape_cast %get3A_2413 : vector<1x1x1x16x512xf32> to vector<16x512xf32>
    %mul3A_2415 = arith.mulf %get3A_2414, %squeeze3A_2380 : vector<16x512xf32>
    %add3A_2416 = arith.addf %add3A_2378, %mul3A_2415 : vector<16x512xf32>
    %slice3A_2417 = vector.extract_strided_slice %select_n3A {offsets = [2, 0, 0], sizes = [1, 16, 512], strides = [1, 1, 1]} : vector<20x16x512xf32> to vector<1x16x512xf32>
    %squeeze3A_2418 = vector.shape_cast %slice3A_2417 : vector<1x16x512xf32> to vector<16x512xf32>
    %get3A_2419 = arith.constant 0 : index
    %get3A_2420 = arith.constant 12 : index
    %get3A_2421 = arith.constant 2 : index
    %get3A_2422 = arith.constant 0 : index
    %get3A_2423 = arith.constant 0 : index
    %get3A_2424 = vector.load %arg1[%get3A_2419, %get3A_2420, %get3A_2421, %get3A_2422, %get3A_2423] : memref<1x20x20x16x512xf32, #tpu.memory_space<vmem>>, vector<1x1x1x16x512xf32>
    %get3A_2425 = vector.shape_cast %get3A_2424 : vector<1x1x1x16x512xf32> to vector<16x512xf32>
    %mul3A_2426 = arith.mulf %get3A_2425, %squeeze3A_2418 : vector<16x512xf32>
    %add3A_2427 = arith.addf %add3A_2389, %mul3A_2426 : vector<16x512xf32>
    %get3A_2428 = arith.constant 0 : index
    %get3A_2429 = arith.constant 13 : index
    %get3A_2430 = arith.constant 2 : index
    %get3A_2431 = arith.constant 0 : index
    %get3A_2432 = arith.constant 0 : index
    %get3A_2433 = vector.load %arg1[%get3A_2428, %get3A_2429, %get3A_2430, %get3A_2431, %get3A_2432] : memref<1x20x20x16x512xf32, #tpu.memory_space<vmem>>, vector<1x1x1x16x512xf32>
    %get3A_2434 = vector.shape_cast %get3A_2433 : vector<1x1x1x16x512xf32> to vector<16x512xf32>
    %mul3A_2435 = arith.mulf %get3A_2434, %squeeze3A_2418 : vector<16x512xf32>
    %add3A_2436 = arith.addf %add3A_2398, %mul3A_2435 : vector<16x512xf32>
    %get3A_2437 = arith.constant 0 : index
    %get3A_2438 = arith.constant 14 : index
    %get3A_2439 = arith.constant 2 : index
    %get3A_2440 = arith.constant 0 : index
    %get3A_2441 = arith.constant 0 : index
    %get3A_2442 = vector.load %arg1[%get3A_2437, %get3A_2438, %get3A_2439, %get3A_2440, %get3A_2441] : memref<1x20x20x16x512xf32, #tpu.memory_space<vmem>>, vector<1x1x1x16x512xf32>
    %get3A_2443 = vector.shape_cast %get3A_2442 : vector<1x1x1x16x512xf32> to vector<16x512xf32>
    %mul3A_2444 = arith.mulf %get3A_2443, %squeeze3A_2418 : vector<16x512xf32>
    %add3A_2445 = arith.addf %add3A_2407, %mul3A_2444 : vector<16x512xf32>
    %get3A_2446 = arith.constant 0 : index
    %get3A_2447 = arith.constant 15 : index
    %get3A_2448 = arith.constant 2 : index
    %get3A_2449 = arith.constant 0 : index
    %get3A_2450 = arith.constant 0 : index
    %get3A_2451 = vector.load %arg1[%get3A_2446, %get3A_2447, %get3A_2448, %get3A_2449, %get3A_2450] : memref<1x20x20x16x512xf32, #tpu.memory_space<vmem>>, vector<1x1x1x16x512xf32>
    %get3A_2452 = vector.shape_cast %get3A_2451 : vector<1x1x1x16x512xf32> to vector<16x512xf32>
    %mul3A_2453 = arith.mulf %get3A_2452, %squeeze3A_2418 : vector<16x512xf32>
    %add3A_2454 = arith.addf %add3A_2416, %mul3A_2453 : vector<16x512xf32>
    %slice3A_2455 = vector.extract_strided_slice %select_n3A {offsets = [3, 0, 0], sizes = [1, 16, 512], strides = [1, 1, 1]} : vector<20x16x512xf32> to vector<1x16x512xf32>
    %squeeze3A_2456 = vector.shape_cast %slice3A_2455 : vector<1x16x512xf32> to vector<16x512xf32>
    %get3A_2457 = arith.constant 0 : index
    %get3A_2458 = arith.constant 12 : index
    %get3A_2459 = arith.constant 3 : index
    %get3A_2460 = arith.constant 0 : index
    %get3A_2461 = arith.constant 0 : index
    %get3A_2462 = vector.load %arg1[%get3A_2457, %get3A_2458, %get3A_2459, %get3A_2460, %get3A_2461] : memref<1x20x20x16x512xf32, #tpu.memory_space<vmem>>, vector<1x1x1x16x512xf32>
    %get3A_2463 = vector.shape_cast %get3A_2462 : vector<1x1x1x16x512xf32> to vector<16x512xf32>
    %mul3A_2464 = arith.mulf %get3A_2463, %squeeze3A_2456 : vector<16x512xf32>
    %add3A_2465 = arith.addf %add3A_2427, %mul3A_2464 : vector<16x512xf32>
    %get3A_2466 = arith.constant 0 : index
    %get3A_2467 = arith.constant 13 : index
    %get3A_2468 = arith.constant 3 : index
    %get3A_2469 = arith.constant 0 : index
    %get3A_2470 = arith.constant 0 : index
    %get3A_2471 = vector.load %arg1[%get3A_2466, %get3A_2467, %get3A_2468, %get3A_2469, %get3A_2470] : memref<1x20x20x16x512xf32, #tpu.memory_space<vmem>>, vector<1x1x1x16x512xf32>
    %get3A_2472 = vector.shape_cast %get3A_2471 : vector<1x1x1x16x512xf32> to vector<16x512xf32>
    %mul3A_2473 = arith.mulf %get3A_2472, %squeeze3A_2456 : vector<16x512xf32>
    %add3A_2474 = arith.addf %add3A_2436, %mul3A_2473 : vector<16x512xf32>
    %get3A_2475 = arith.constant 0 : index
    %get3A_2476 = arith.constant 14 : index
    %get3A_2477 = arith.constant 3 : index
    %get3A_2478 = arith.constant 0 : index
    %get3A_2479 = arith.constant 0 : index
    %get3A_2480 = vector.load %arg1[%get3A_2475, %get3A_2476, %get3A_2477, %get3A_2478, %get3A_2479] : memref<1x20x20x16x512xf32, #tpu.memory_space<vmem>>, vector<1x1x1x16x512xf32>
    %get3A_2481 = vector.shape_cast %get3A_2480 : vector<1x1x1x16x512xf32> to vector<16x512xf32>
    %mul3A_2482 = arith.mulf %get3A_2481, %squeeze3A_2456 : vector<16x512xf32>
    %add3A_2483 = arith.addf %add3A_2445, %mul3A_2482 : vector<16x512xf32>
    %get3A_2484 = arith.constant 0 : index
    %get3A_2485 = arith.constant 15 : index
    %get3A_2486 = arith.constant 3 : index
    %get3A_2487 = arith.constant 0 : index
    %get3A_2488 = arith.constant 0 : index
    %get3A_2489 = vector.load %arg1[%get3A_2484, %get3A_2485, %get3A_2486, %get3A_2487, %get3A_2488] : memref<1x20x20x16x512xf32, #tpu.memory_space<vmem>>, vector<1x1x1x16x512xf32>
    %get3A_2490 = vector.shape_cast %get3A_2489 : vector<1x1x1x16x512xf32> to vector<16x512xf32>
    %mul3A_2491 = arith.mulf %get3A_2490, %squeeze3A_2456 : vector<16x512xf32>
    %add3A_2492 = arith.addf %add3A_2454, %mul3A_2491 : vector<16x512xf32>
    %slice3A_2493 = vector.extract_strided_slice %select_n3A {offsets = [4, 0, 0], sizes = [1, 16, 512], strides = [1, 1, 1]} : vector<20x16x512xf32> to vector<1x16x512xf32>
    %squeeze3A_2494 = vector.shape_cast %slice3A_2493 : vector<1x16x512xf32> to vector<16x512xf32>
    %get3A_2495 = arith.constant 0 : index
    %get3A_2496 = arith.constant 12 : index
    %get3A_2497 = arith.constant 4 : index
    %get3A_2498 = arith.constant 0 : index
    %get3A_2499 = arith.constant 0 : index
    %get3A_2500 = vector.load %arg1[%get3A_2495, %get3A_2496, %get3A_2497, %get3A_2498, %get3A_2499] : memref<1x20x20x16x512xf32, #tpu.memory_space<vmem>>, vector<1x1x1x16x512xf32>
    %get3A_2501 = vector.shape_cast %get3A_2500 : vector<1x1x1x16x512xf32> to vector<16x512xf32>
    %mul3A_2502 = arith.mulf %get3A_2501, %squeeze3A_2494 : vector<16x512xf32>
    %add3A_2503 = arith.addf %add3A_2465, %mul3A_2502 : vector<16x512xf32>
    %get3A_2504 = arith.constant 0 : index
    %get3A_2505 = arith.constant 13 : index
    %get3A_2506 = arith.constant 4 : index
    %get3A_2507 = arith.constant 0 : index
    %get3A_2508 = arith.constant 0 : index
    %get3A_2509 = vector.load %arg1[%get3A_2504, %get3A_2505, %get3A_2506, %get3A_2507, %get3A_2508] : memref<1x20x20x16x512xf32, #tpu.memory_space<vmem>>, vector<1x1x1x16x512xf32>
    %get3A_2510 = vector.shape_cast %get3A_2509 : vector<1x1x1x16x512xf32> to vector<16x512xf32>
    %mul3A_2511 = arith.mulf %get3A_2510, %squeeze3A_2494 : vector<16x512xf32>
    %add3A_2512 = arith.addf %add3A_2474, %mul3A_2511 : vector<16x512xf32>
    %get3A_2513 = arith.constant 0 : index
    %get3A_2514 = arith.constant 14 : index
    %get3A_2515 = arith.constant 4 : index
    %get3A_2516 = arith.constant 0 : index
    %get3A_2517 = arith.constant 0 : index
    %get3A_2518 = vector.load %arg1[%get3A_2513, %get3A_2514, %get3A_2515, %get3A_2516, %get3A_2517] : memref<1x20x20x16x512xf32, #tpu.memory_space<vmem>>, vector<1x1x1x16x512xf32>
    %get3A_2519 = vector.shape_cast %get3A_2518 : vector<1x1x1x16x512xf32> to vector<16x512xf32>
    %mul3A_2520 = arith.mulf %get3A_2519, %squeeze3A_2494 : vector<16x512xf32>
    %add3A_2521 = arith.addf %add3A_2483, %mul3A_2520 : vector<16x512xf32>
    %get3A_2522 = arith.constant 0 : index
    %get3A_2523 = arith.constant 15 : index
    %get3A_2524 = arith.constant 4 : index
    %get3A_2525 = arith.constant 0 : index
    %get3A_2526 = arith.constant 0 : index
    %get3A_2527 = vector.load %arg1[%get3A_2522, %get3A_2523, %get3A_2524, %get3A_2525, %get3A_2526] : memref<1x20x20x16x512xf32, #tpu.memory_space<vmem>>, vector<1x1x1x16x512xf32>
    %get3A_2528 = vector.shape_cast %get3A_2527 : vector<1x1x1x16x512xf32> to vector<16x512xf32>
    %mul3A_2529 = arith.mulf %get3A_2528, %squeeze3A_2494 : vector<16x512xf32>
    %add3A_2530 = arith.addf %add3A_2492, %mul3A_2529 : vector<16x512xf32>
    %slice3A_2531 = vector.extract_strided_slice %select_n3A {offsets = [5, 0, 0], sizes = [1, 16, 512], strides = [1, 1, 1]} : vector<20x16x512xf32> to vector<1x16x512xf32>
    %squeeze3A_2532 = vector.shape_cast %slice3A_2531 : vector<1x16x512xf32> to vector<16x512xf32>
    %get3A_2533 = arith.constant 0 : index
    %get3A_2534 = arith.constant 12 : index
    %get3A_2535 = arith.constant 5 : index
    %get3A_2536 = arith.constant 0 : index
    %get3A_2537 = arith.constant 0 : index
    %get3A_2538 = vector.load %arg1[%get3A_2533, %get3A_2534, %get3A_2535, %get3A_2536, %get3A_2537] : memref<1x20x20x16x512xf32, #tpu.memory_space<vmem>>, vector<1x1x1x16x512xf32>
    %get3A_2539 = vector.shape_cast %get3A_2538 : vector<1x1x1x16x512xf32> to vector<16x512xf32>
    %mul3A_2540 = arith.mulf %get3A_2539, %squeeze3A_2532 : vector<16x512xf32>
    %add3A_2541 = arith.addf %add3A_2503, %mul3A_2540 : vector<16x512xf32>
    %get3A_2542 = arith.constant 0 : index
    %get3A_2543 = arith.constant 13 : index
    %get3A_2544 = arith.constant 5 : index
    %get3A_2545 = arith.constant 0 : index
    %get3A_2546 = arith.constant 0 : index
    %get3A_2547 = vector.load %arg1[%get3A_2542, %get3A_2543, %get3A_2544, %get3A_2545, %get3A_2546] : memref<1x20x20x16x512xf32, #tpu.memory_space<vmem>>, vector<1x1x1x16x512xf32>
    %get3A_2548 = vector.shape_cast %get3A_2547 : vector<1x1x1x16x512xf32> to vector<16x512xf32>
    %mul3A_2549 = arith.mulf %get3A_2548, %squeeze3A_2532 : vector<16x512xf32>
    %add3A_2550 = arith.addf %add3A_2512, %mul3A_2549 : vector<16x512xf32>
    %get3A_2551 = arith.constant 0 : index
    %get3A_2552 = arith.constant 14 : index
    %get3A_2553 = arith.constant 5 : index
    %get3A_2554 = arith.constant 0 : index
    %get3A_2555 = arith.constant 0 : index
    %get3A_2556 = vector.load %arg1[%get3A_2551, %get3A_2552, %get3A_2553, %get3A_2554, %get3A_2555] : memref<1x20x20x16x512xf32, #tpu.memory_space<vmem>>, vector<1x1x1x16x512xf32>
    %get3A_2557 = vector.shape_cast %get3A_2556 : vector<1x1x1x16x512xf32> to vector<16x512xf32>
    %mul3A_2558 = arith.mulf %get3A_2557, %squeeze3A_2532 : vector<16x512xf32>
    %add3A_2559 = arith.addf %add3A_2521, %mul3A_2558 : vector<16x512xf32>
    %get3A_2560 = arith.constant 0 : index
    %get3A_2561 = arith.constant 15 : index
    %get3A_2562 = arith.constant 5 : index
    %get3A_2563 = arith.constant 0 : index
    %get3A_2564 = arith.constant 0 : index
    %get3A_2565 = vector.load %arg1[%get3A_2560, %get3A_2561, %get3A_2562, %get3A_2563, %get3A_2564] : memref<1x20x20x16x512xf32, #tpu.memory_space<vmem>>, vector<1x1x1x16x512xf32>
    %get3A_2566 = vector.shape_cast %get3A_2565 : vector<1x1x1x16x512xf32> to vector<16x512xf32>
    %mul3A_2567 = arith.mulf %get3A_2566, %squeeze3A_2532 : vector<16x512xf32>
    %add3A_2568 = arith.addf %add3A_2530, %mul3A_2567 : vector<16x512xf32>
    %slice3A_2569 = vector.extract_strided_slice %select_n3A {offsets = [6, 0, 0], sizes = [1, 16, 512], strides = [1, 1, 1]} : vector<20x16x512xf32> to vector<1x16x512xf32>
    %squeeze3A_2570 = vector.shape_cast %slice3A_2569 : vector<1x16x512xf32> to vector<16x512xf32>
    %get3A_2571 = arith.constant 0 : index
    %get3A_2572 = arith.constant 12 : index
    %get3A_2573 = arith.constant 6 : index
    %get3A_2574 = arith.constant 0 : index
    %get3A_2575 = arith.constant 0 : index
    %get3A_2576 = vector.load %arg1[%get3A_2571, %get3A_2572, %get3A_2573, %get3A_2574, %get3A_2575] : memref<1x20x20x16x512xf32, #tpu.memory_space<vmem>>, vector<1x1x1x16x512xf32>
    %get3A_2577 = vector.shape_cast %get3A_2576 : vector<1x1x1x16x512xf32> to vector<16x512xf32>
    %mul3A_2578 = arith.mulf %get3A_2577, %squeeze3A_2570 : vector<16x512xf32>
    %add3A_2579 = arith.addf %add3A_2541, %mul3A_2578 : vector<16x512xf32>
    %get3A_2580 = arith.constant 0 : index
    %get3A_2581 = arith.constant 13 : index
    %get3A_2582 = arith.constant 6 : index
    %get3A_2583 = arith.constant 0 : index
    %get3A_2584 = arith.constant 0 : index
    %get3A_2585 = vector.load %arg1[%get3A_2580, %get3A_2581, %get3A_2582, %get3A_2583, %get3A_2584] : memref<1x20x20x16x512xf32, #tpu.memory_space<vmem>>, vector<1x1x1x16x512xf32>
    %get3A_2586 = vector.shape_cast %get3A_2585 : vector<1x1x1x16x512xf32> to vector<16x512xf32>
    %mul3A_2587 = arith.mulf %get3A_2586, %squeeze3A_2570 : vector<16x512xf32>
    %add3A_2588 = arith.addf %add3A_2550, %mul3A_2587 : vector<16x512xf32>
    %get3A_2589 = arith.constant 0 : index
    %get3A_2590 = arith.constant 14 : index
    %get3A_2591 = arith.constant 6 : index
    %get3A_2592 = arith.constant 0 : index
    %get3A_2593 = arith.constant 0 : index
    %get3A_2594 = vector.load %arg1[%get3A_2589, %get3A_2590, %get3A_2591, %get3A_2592, %get3A_2593] : memref<1x20x20x16x512xf32, #tpu.memory_space<vmem>>, vector<1x1x1x16x512xf32>
    %get3A_2595 = vector.shape_cast %get3A_2594 : vector<1x1x1x16x512xf32> to vector<16x512xf32>
    %mul3A_2596 = arith.mulf %get3A_2595, %squeeze3A_2570 : vector<16x512xf32>
    %add3A_2597 = arith.addf %add3A_2559, %mul3A_2596 : vector<16x512xf32>
    %get3A_2598 = arith.constant 0 : index
    %get3A_2599 = arith.constant 15 : index
    %get3A_2600 = arith.constant 6 : index
    %get3A_2601 = arith.constant 0 : index
    %get3A_2602 = arith.constant 0 : index
    %get3A_2603 = vector.load %arg1[%get3A_2598, %get3A_2599, %get3A_2600, %get3A_2601, %get3A_2602] : memref<1x20x20x16x512xf32, #tpu.memory_space<vmem>>, vector<1x1x1x16x512xf32>
    %get3A_2604 = vector.shape_cast %get3A_2603 : vector<1x1x1x16x512xf32> to vector<16x512xf32>
    %mul3A_2605 = arith.mulf %get3A_2604, %squeeze3A_2570 : vector<16x512xf32>
    %add3A_2606 = arith.addf %add3A_2568, %mul3A_2605 : vector<16x512xf32>
    %slice3A_2607 = vector.extract_strided_slice %select_n3A {offsets = [7, 0, 0], sizes = [1, 16, 512], strides = [1, 1, 1]} : vector<20x16x512xf32> to vector<1x16x512xf32>
    %squeeze3A_2608 = vector.shape_cast %slice3A_2607 : vector<1x16x512xf32> to vector<16x512xf32>
    %get3A_2609 = arith.constant 0 : index
    %get3A_2610 = arith.constant 12 : index
    %get3A_2611 = arith.constant 7 : index
    %get3A_2612 = arith.constant 0 : index
    %get3A_2613 = arith.constant 0 : index
    %get3A_2614 = vector.load %arg1[%get3A_2609, %get3A_2610, %get3A_2611, %get3A_2612, %get3A_2613] : memref<1x20x20x16x512xf32, #tpu.memory_space<vmem>>, vector<1x1x1x16x512xf32>
    %get3A_2615 = vector.shape_cast %get3A_2614 : vector<1x1x1x16x512xf32> to vector<16x512xf32>
    %mul3A_2616 = arith.mulf %get3A_2615, %squeeze3A_2608 : vector<16x512xf32>
    %add3A_2617 = arith.addf %add3A_2579, %mul3A_2616 : vector<16x512xf32>
    %get3A_2618 = arith.constant 0 : index
    %get3A_2619 = arith.constant 13 : index
    %get3A_2620 = arith.constant 7 : index
    %get3A_2621 = arith.constant 0 : index
    %get3A_2622 = arith.constant 0 : index
    %get3A_2623 = vector.load %arg1[%get3A_2618, %get3A_2619, %get3A_2620, %get3A_2621, %get3A_2622] : memref<1x20x20x16x512xf32, #tpu.memory_space<vmem>>, vector<1x1x1x16x512xf32>
    %get3A_2624 = vector.shape_cast %get3A_2623 : vector<1x1x1x16x512xf32> to vector<16x512xf32>
    %mul3A_2625 = arith.mulf %get3A_2624, %squeeze3A_2608 : vector<16x512xf32>
    %add3A_2626 = arith.addf %add3A_2588, %mul3A_2625 : vector<16x512xf32>
    %get3A_2627 = arith.constant 0 : index
    %get3A_2628 = arith.constant 14 : index
    %get3A_2629 = arith.constant 7 : index
    %get3A_2630 = arith.constant 0 : index
    %get3A_2631 = arith.constant 0 : index
    %get3A_2632 = vector.load %arg1[%get3A_2627, %get3A_2628, %get3A_2629, %get3A_2630, %get3A_2631] : memref<1x20x20x16x512xf32, #tpu.memory_space<vmem>>, vector<1x1x1x16x512xf32>
    %get3A_2633 = vector.shape_cast %get3A_2632 : vector<1x1x1x16x512xf32> to vector<16x512xf32>
    %mul3A_2634 = arith.mulf %get3A_2633, %squeeze3A_2608 : vector<16x512xf32>
    %add3A_2635 = arith.addf %add3A_2597, %mul3A_2634 : vector<16x512xf32>
    %get3A_2636 = arith.constant 0 : index
    %get3A_2637 = arith.constant 15 : index
    %get3A_2638 = arith.constant 7 : index
    %get3A_2639 = arith.constant 0 : index
    %get3A_2640 = arith.constant 0 : index
    %get3A_2641 = vector.load %arg1[%get3A_2636, %get3A_2637, %get3A_2638, %get3A_2639, %get3A_2640] : memref<1x20x20x16x512xf32, #tpu.memory_space<vmem>>, vector<1x1x1x16x512xf32>
    %get3A_2642 = vector.shape_cast %get3A_2641 : vector<1x1x1x16x512xf32> to vector<16x512xf32>
    %mul3A_2643 = arith.mulf %get3A_2642, %squeeze3A_2608 : vector<16x512xf32>
    %add3A_2644 = arith.addf %add3A_2606, %mul3A_2643 : vector<16x512xf32>
    %slice3A_2645 = vector.extract_strided_slice %select_n3A {offsets = [8, 0, 0], sizes = [1, 16, 512], strides = [1, 1, 1]} : vector<20x16x512xf32> to vector<1x16x512xf32>
    %squeeze3A_2646 = vector.shape_cast %slice3A_2645 : vector<1x16x512xf32> to vector<16x512xf32>
    %get3A_2647 = arith.constant 0 : index
    %get3A_2648 = arith.constant 12 : index
    %get3A_2649 = arith.constant 8 : index
    %get3A_2650 = arith.constant 0 : index
    %get3A_2651 = arith.constant 0 : index
    %get3A_2652 = vector.load %arg1[%get3A_2647, %get3A_2648, %get3A_2649, %get3A_2650, %get3A_2651] : memref<1x20x20x16x512xf32, #tpu.memory_space<vmem>>, vector<1x1x1x16x512xf32>
    %get3A_2653 = vector.shape_cast %get3A_2652 : vector<1x1x1x16x512xf32> to vector<16x512xf32>
    %mul3A_2654 = arith.mulf %get3A_2653, %squeeze3A_2646 : vector<16x512xf32>
    %add3A_2655 = arith.addf %add3A_2617, %mul3A_2654 : vector<16x512xf32>
    %get3A_2656 = arith.constant 0 : index
    %get3A_2657 = arith.constant 13 : index
    %get3A_2658 = arith.constant 8 : index
    %get3A_2659 = arith.constant 0 : index
    %get3A_2660 = arith.constant 0 : index
    %get3A_2661 = vector.load %arg1[%get3A_2656, %get3A_2657, %get3A_2658, %get3A_2659, %get3A_2660] : memref<1x20x20x16x512xf32, #tpu.memory_space<vmem>>, vector<1x1x1x16x512xf32>
    %get3A_2662 = vector.shape_cast %get3A_2661 : vector<1x1x1x16x512xf32> to vector<16x512xf32>
    %mul3A_2663 = arith.mulf %get3A_2662, %squeeze3A_2646 : vector<16x512xf32>
    %add3A_2664 = arith.addf %add3A_2626, %mul3A_2663 : vector<16x512xf32>
    %get3A_2665 = arith.constant 0 : index
    %get3A_2666 = arith.constant 14 : index
    %get3A_2667 = arith.constant 8 : index
    %get3A_2668 = arith.constant 0 : index
    %get3A_2669 = arith.constant 0 : index
    %get3A_2670 = vector.load %arg1[%get3A_2665, %get3A_2666, %get3A_2667, %get3A_2668, %get3A_2669] : memref<1x20x20x16x512xf32, #tpu.memory_space<vmem>>, vector<1x1x1x16x512xf32>
    %get3A_2671 = vector.shape_cast %get3A_2670 : vector<1x1x1x16x512xf32> to vector<16x512xf32>
    %mul3A_2672 = arith.mulf %get3A_2671, %squeeze3A_2646 : vector<16x512xf32>
    %add3A_2673 = arith.addf %add3A_2635, %mul3A_2672 : vector<16x512xf32>
    %get3A_2674 = arith.constant 0 : index
    %get3A_2675 = arith.constant 15 : index
    %get3A_2676 = arith.constant 8 : index
    %get3A_2677 = arith.constant 0 : index
    %get3A_2678 = arith.constant 0 : index
    %get3A_2679 = vector.load %arg1[%get3A_2674, %get3A_2675, %get3A_2676, %get3A_2677, %get3A_2678] : memref<1x20x20x16x512xf32, #tpu.memory_space<vmem>>, vector<1x1x1x16x512xf32>
    %get3A_2680 = vector.shape_cast %get3A_2679 : vector<1x1x1x16x512xf32> to vector<16x512xf32>
    %mul3A_2681 = arith.mulf %get3A_2680, %squeeze3A_2646 : vector<16x512xf32>
    %add3A_2682 = arith.addf %add3A_2644, %mul3A_2681 : vector<16x512xf32>
    %slice3A_2683 = vector.extract_strided_slice %select_n3A {offsets = [9, 0, 0], sizes = [1, 16, 512], strides = [1, 1, 1]} : vector<20x16x512xf32> to vector<1x16x512xf32>
    %squeeze3A_2684 = vector.shape_cast %slice3A_2683 : vector<1x16x512xf32> to vector<16x512xf32>
    %get3A_2685 = arith.constant 0 : index
    %get3A_2686 = arith.constant 12 : index
    %get3A_2687 = arith.constant 9 : index
    %get3A_2688 = arith.constant 0 : index
    %get3A_2689 = arith.constant 0 : index
    %get3A_2690 = vector.load %arg1[%get3A_2685, %get3A_2686, %get3A_2687, %get3A_2688, %get3A_2689] : memref<1x20x20x16x512xf32, #tpu.memory_space<vmem>>, vector<1x1x1x16x512xf32>
    %get3A_2691 = vector.shape_cast %get3A_2690 : vector<1x1x1x16x512xf32> to vector<16x512xf32>
    %mul3A_2692 = arith.mulf %get3A_2691, %squeeze3A_2684 : vector<16x512xf32>
    %add3A_2693 = arith.addf %add3A_2655, %mul3A_2692 : vector<16x512xf32>
    %get3A_2694 = arith.constant 0 : index
    %get3A_2695 = arith.constant 13 : index
    %get3A_2696 = arith.constant 9 : index
    %get3A_2697 = arith.constant 0 : index
    %get3A_2698 = arith.constant 0 : index
    %get3A_2699 = vector.load %arg1[%get3A_2694, %get3A_2695, %get3A_2696, %get3A_2697, %get3A_2698] : memref<1x20x20x16x512xf32, #tpu.memory_space<vmem>>, vector<1x1x1x16x512xf32>
    %get3A_2700 = vector.shape_cast %get3A_2699 : vector<1x1x1x16x512xf32> to vector<16x512xf32>
    %mul3A_2701 = arith.mulf %get3A_2700, %squeeze3A_2684 : vector<16x512xf32>
    %add3A_2702 = arith.addf %add3A_2664, %mul3A_2701 : vector<16x512xf32>
    %get3A_2703 = arith.constant 0 : index
    %get3A_2704 = arith.constant 14 : index
    %get3A_2705 = arith.constant 9 : index
    %get3A_2706 = arith.constant 0 : index
    %get3A_2707 = arith.constant 0 : index
    %get3A_2708 = vector.load %arg1[%get3A_2703, %get3A_2704, %get3A_2705, %get3A_2706, %get3A_2707] : memref<1x20x20x16x512xf32, #tpu.memory_space<vmem>>, vector<1x1x1x16x512xf32>
    %get3A_2709 = vector.shape_cast %get3A_2708 : vector<1x1x1x16x512xf32> to vector<16x512xf32>
    %mul3A_2710 = arith.mulf %get3A_2709, %squeeze3A_2684 : vector<16x512xf32>
    %add3A_2711 = arith.addf %add3A_2673, %mul3A_2710 : vector<16x512xf32>
    %get3A_2712 = arith.constant 0 : index
    %get3A_2713 = arith.constant 15 : index
    %get3A_2714 = arith.constant 9 : index
    %get3A_2715 = arith.constant 0 : index
    %get3A_2716 = arith.constant 0 : index
    %get3A_2717 = vector.load %arg1[%get3A_2712, %get3A_2713, %get3A_2714, %get3A_2715, %get3A_2716] : memref<1x20x20x16x512xf32, #tpu.memory_space<vmem>>, vector<1x1x1x16x512xf32>
    %get3A_2718 = vector.shape_cast %get3A_2717 : vector<1x1x1x16x512xf32> to vector<16x512xf32>
    %mul3A_2719 = arith.mulf %get3A_2718, %squeeze3A_2684 : vector<16x512xf32>
    %add3A_2720 = arith.addf %add3A_2682, %mul3A_2719 : vector<16x512xf32>
    %slice3A_2721 = vector.extract_strided_slice %select_n3A {offsets = [10, 0, 0], sizes = [1, 16, 512], strides = [1, 1, 1]} : vector<20x16x512xf32> to vector<1x16x512xf32>
    %squeeze3A_2722 = vector.shape_cast %slice3A_2721 : vector<1x16x512xf32> to vector<16x512xf32>
    %get3A_2723 = arith.constant 0 : index
    %get3A_2724 = arith.constant 12 : index
    %get3A_2725 = arith.constant 10 : index
    %get3A_2726 = arith.constant 0 : index
    %get3A_2727 = arith.constant 0 : index
    %get3A_2728 = vector.load %arg1[%get3A_2723, %get3A_2724, %get3A_2725, %get3A_2726, %get3A_2727] : memref<1x20x20x16x512xf32, #tpu.memory_space<vmem>>, vector<1x1x1x16x512xf32>
    %get3A_2729 = vector.shape_cast %get3A_2728 : vector<1x1x1x16x512xf32> to vector<16x512xf32>
    %mul3A_2730 = arith.mulf %get3A_2729, %squeeze3A_2722 : vector<16x512xf32>
    %add3A_2731 = arith.addf %add3A_2693, %mul3A_2730 : vector<16x512xf32>
    %get3A_2732 = arith.constant 0 : index
    %get3A_2733 = arith.constant 13 : index
    %get3A_2734 = arith.constant 10 : index
    %get3A_2735 = arith.constant 0 : index
    %get3A_2736 = arith.constant 0 : index
    %get3A_2737 = vector.load %arg1[%get3A_2732, %get3A_2733, %get3A_2734, %get3A_2735, %get3A_2736] : memref<1x20x20x16x512xf32, #tpu.memory_space<vmem>>, vector<1x1x1x16x512xf32>
    %get3A_2738 = vector.shape_cast %get3A_2737 : vector<1x1x1x16x512xf32> to vector<16x512xf32>
    %mul3A_2739 = arith.mulf %get3A_2738, %squeeze3A_2722 : vector<16x512xf32>
    %add3A_2740 = arith.addf %add3A_2702, %mul3A_2739 : vector<16x512xf32>
    %get3A_2741 = arith.constant 0 : index
    %get3A_2742 = arith.constant 14 : index
    %get3A_2743 = arith.constant 10 : index
    %get3A_2744 = arith.constant 0 : index
    %get3A_2745 = arith.constant 0 : index
    %get3A_2746 = vector.load %arg1[%get3A_2741, %get3A_2742, %get3A_2743, %get3A_2744, %get3A_2745] : memref<1x20x20x16x512xf32, #tpu.memory_space<vmem>>, vector<1x1x1x16x512xf32>
    %get3A_2747 = vector.shape_cast %get3A_2746 : vector<1x1x1x16x512xf32> to vector<16x512xf32>
    %mul3A_2748 = arith.mulf %get3A_2747, %squeeze3A_2722 : vector<16x512xf32>
    %add3A_2749 = arith.addf %add3A_2711, %mul3A_2748 : vector<16x512xf32>
    %get3A_2750 = arith.constant 0 : index
    %get3A_2751 = arith.constant 15 : index
    %get3A_2752 = arith.constant 10 : index
    %get3A_2753 = arith.constant 0 : index
    %get3A_2754 = arith.constant 0 : index
    %get3A_2755 = vector.load %arg1[%get3A_2750, %get3A_2751, %get3A_2752, %get3A_2753, %get3A_2754] : memref<1x20x20x16x512xf32, #tpu.memory_space<vmem>>, vector<1x1x1x16x512xf32>
    %get3A_2756 = vector.shape_cast %get3A_2755 : vector<1x1x1x16x512xf32> to vector<16x512xf32>
    %mul3A_2757 = arith.mulf %get3A_2756, %squeeze3A_2722 : vector<16x512xf32>
    %add3A_2758 = arith.addf %add3A_2720, %mul3A_2757 : vector<16x512xf32>
    %slice3A_2759 = vector.extract_strided_slice %select_n3A {offsets = [11, 0, 0], sizes = [1, 16, 512], strides = [1, 1, 1]} : vector<20x16x512xf32> to vector<1x16x512xf32>
    %squeeze3A_2760 = vector.shape_cast %slice3A_2759 : vector<1x16x512xf32> to vector<16x512xf32>
    %get3A_2761 = arith.constant 0 : index
    %get3A_2762 = arith.constant 12 : index
    %get3A_2763 = arith.constant 11 : index
    %get3A_2764 = arith.constant 0 : index
    %get3A_2765 = arith.constant 0 : index
    %get3A_2766 = vector.load %arg1[%get3A_2761, %get3A_2762, %get3A_2763, %get3A_2764, %get3A_2765] : memref<1x20x20x16x512xf32, #tpu.memory_space<vmem>>, vector<1x1x1x16x512xf32>
    %get3A_2767 = vector.shape_cast %get3A_2766 : vector<1x1x1x16x512xf32> to vector<16x512xf32>
    %mul3A_2768 = arith.mulf %get3A_2767, %squeeze3A_2760 : vector<16x512xf32>
    %add3A_2769 = arith.addf %add3A_2731, %mul3A_2768 : vector<16x512xf32>
    %get3A_2770 = arith.constant 0 : index
    %get3A_2771 = arith.constant 13 : index
    %get3A_2772 = arith.constant 11 : index
    %get3A_2773 = arith.constant 0 : index
    %get3A_2774 = arith.constant 0 : index
    %get3A_2775 = vector.load %arg1[%get3A_2770, %get3A_2771, %get3A_2772, %get3A_2773, %get3A_2774] : memref<1x20x20x16x512xf32, #tpu.memory_space<vmem>>, vector<1x1x1x16x512xf32>
    %get3A_2776 = vector.shape_cast %get3A_2775 : vector<1x1x1x16x512xf32> to vector<16x512xf32>
    %mul3A_2777 = arith.mulf %get3A_2776, %squeeze3A_2760 : vector<16x512xf32>
    %add3A_2778 = arith.addf %add3A_2740, %mul3A_2777 : vector<16x512xf32>
    %get3A_2779 = arith.constant 0 : index
    %get3A_2780 = arith.constant 14 : index
    %get3A_2781 = arith.constant 11 : index
    %get3A_2782 = arith.constant 0 : index
    %get3A_2783 = arith.constant 0 : index
    %get3A_2784 = vector.load %arg1[%get3A_2779, %get3A_2780, %get3A_2781, %get3A_2782, %get3A_2783] : memref<1x20x20x16x512xf32, #tpu.memory_space<vmem>>, vector<1x1x1x16x512xf32>
    %get3A_2785 = vector.shape_cast %get3A_2784 : vector<1x1x1x16x512xf32> to vector<16x512xf32>
    %mul3A_2786 = arith.mulf %get3A_2785, %squeeze3A_2760 : vector<16x512xf32>
    %add3A_2787 = arith.addf %add3A_2749, %mul3A_2786 : vector<16x512xf32>
    %get3A_2788 = arith.constant 0 : index
    %get3A_2789 = arith.constant 15 : index
    %get3A_2790 = arith.constant 11 : index
    %get3A_2791 = arith.constant 0 : index
    %get3A_2792 = arith.constant 0 : index
    %get3A_2793 = vector.load %arg1[%get3A_2788, %get3A_2789, %get3A_2790, %get3A_2791, %get3A_2792] : memref<1x20x20x16x512xf32, #tpu.memory_space<vmem>>, vector<1x1x1x16x512xf32>
    %get3A_2794 = vector.shape_cast %get3A_2793 : vector<1x1x1x16x512xf32> to vector<16x512xf32>
    %mul3A_2795 = arith.mulf %get3A_2794, %squeeze3A_2760 : vector<16x512xf32>
    %add3A_2796 = arith.addf %add3A_2758, %mul3A_2795 : vector<16x512xf32>
    %slice3A_2797 = vector.extract_strided_slice %select_n3A {offsets = [12, 0, 0], sizes = [1, 16, 512], strides = [1, 1, 1]} : vector<20x16x512xf32> to vector<1x16x512xf32>
    %squeeze3A_2798 = vector.shape_cast %slice3A_2797 : vector<1x16x512xf32> to vector<16x512xf32>
    %get3A_2799 = arith.constant 0 : index
    %get3A_2800 = arith.constant 12 : index
    %get3A_2801 = arith.constant 12 : index
    %get3A_2802 = arith.constant 0 : index
    %get3A_2803 = arith.constant 0 : index
    %get3A_2804 = vector.load %arg1[%get3A_2799, %get3A_2800, %get3A_2801, %get3A_2802, %get3A_2803] : memref<1x20x20x16x512xf32, #tpu.memory_space<vmem>>, vector<1x1x1x16x512xf32>
    %get3A_2805 = vector.shape_cast %get3A_2804 : vector<1x1x1x16x512xf32> to vector<16x512xf32>
    %mul3A_2806 = arith.mulf %get3A_2805, %squeeze3A_2798 : vector<16x512xf32>
    %add3A_2807 = arith.addf %add3A_2769, %mul3A_2806 : vector<16x512xf32>
    %get3A_2808 = arith.constant 0 : index
    %get3A_2809 = arith.constant 13 : index
    %get3A_2810 = arith.constant 12 : index
    %get3A_2811 = arith.constant 0 : index
    %get3A_2812 = arith.constant 0 : index
    %get3A_2813 = vector.load %arg1[%get3A_2808, %get3A_2809, %get3A_2810, %get3A_2811, %get3A_2812] : memref<1x20x20x16x512xf32, #tpu.memory_space<vmem>>, vector<1x1x1x16x512xf32>
    %get3A_2814 = vector.shape_cast %get3A_2813 : vector<1x1x1x16x512xf32> to vector<16x512xf32>
    %mul3A_2815 = arith.mulf %get3A_2814, %squeeze3A_2798 : vector<16x512xf32>
    %add3A_2816 = arith.addf %add3A_2778, %mul3A_2815 : vector<16x512xf32>
    %get3A_2817 = arith.constant 0 : index
    %get3A_2818 = arith.constant 14 : index
    %get3A_2819 = arith.constant 12 : index
    %get3A_2820 = arith.constant 0 : index
    %get3A_2821 = arith.constant 0 : index
    %get3A_2822 = vector.load %arg1[%get3A_2817, %get3A_2818, %get3A_2819, %get3A_2820, %get3A_2821] : memref<1x20x20x16x512xf32, #tpu.memory_space<vmem>>, vector<1x1x1x16x512xf32>
    %get3A_2823 = vector.shape_cast %get3A_2822 : vector<1x1x1x16x512xf32> to vector<16x512xf32>
    %mul3A_2824 = arith.mulf %get3A_2823, %squeeze3A_2798 : vector<16x512xf32>
    %add3A_2825 = arith.addf %add3A_2787, %mul3A_2824 : vector<16x512xf32>
    %get3A_2826 = arith.constant 0 : index
    %get3A_2827 = arith.constant 15 : index
    %get3A_2828 = arith.constant 12 : index
    %get3A_2829 = arith.constant 0 : index
    %get3A_2830 = arith.constant 0 : index
    %get3A_2831 = vector.load %arg1[%get3A_2826, %get3A_2827, %get3A_2828, %get3A_2829, %get3A_2830] : memref<1x20x20x16x512xf32, #tpu.memory_space<vmem>>, vector<1x1x1x16x512xf32>
    %get3A_2832 = vector.shape_cast %get3A_2831 : vector<1x1x1x16x512xf32> to vector<16x512xf32>
    %mul3A_2833 = arith.mulf %get3A_2832, %squeeze3A_2798 : vector<16x512xf32>
    %add3A_2834 = arith.addf %add3A_2796, %mul3A_2833 : vector<16x512xf32>
    %slice3A_2835 = vector.extract_strided_slice %select_n3A {offsets = [13, 0, 0], sizes = [1, 16, 512], strides = [1, 1, 1]} : vector<20x16x512xf32> to vector<1x16x512xf32>
    %squeeze3A_2836 = vector.shape_cast %slice3A_2835 : vector<1x16x512xf32> to vector<16x512xf32>
    %get3A_2837 = arith.constant 0 : index
    %get3A_2838 = arith.constant 12 : index
    %get3A_2839 = arith.constant 13 : index
    %get3A_2840 = arith.constant 0 : index
    %get3A_2841 = arith.constant 0 : index
    %get3A_2842 = vector.load %arg1[%get3A_2837, %get3A_2838, %get3A_2839, %get3A_2840, %get3A_2841] : memref<1x20x20x16x512xf32, #tpu.memory_space<vmem>>, vector<1x1x1x16x512xf32>
    %get3A_2843 = vector.shape_cast %get3A_2842 : vector<1x1x1x16x512xf32> to vector<16x512xf32>
    %mul3A_2844 = arith.mulf %get3A_2843, %squeeze3A_2836 : vector<16x512xf32>
    %add3A_2845 = arith.addf %add3A_2807, %mul3A_2844 : vector<16x512xf32>
    %get3A_2846 = arith.constant 0 : index
    %get3A_2847 = arith.constant 13 : index
    %get3A_2848 = arith.constant 13 : index
    %get3A_2849 = arith.constant 0 : index
    %get3A_2850 = arith.constant 0 : index
    %get3A_2851 = vector.load %arg1[%get3A_2846, %get3A_2847, %get3A_2848, %get3A_2849, %get3A_2850] : memref<1x20x20x16x512xf32, #tpu.memory_space<vmem>>, vector<1x1x1x16x512xf32>
    %get3A_2852 = vector.shape_cast %get3A_2851 : vector<1x1x1x16x512xf32> to vector<16x512xf32>
    %mul3A_2853 = arith.mulf %get3A_2852, %squeeze3A_2836 : vector<16x512xf32>
    %add3A_2854 = arith.addf %add3A_2816, %mul3A_2853 : vector<16x512xf32>
    %get3A_2855 = arith.constant 0 : index
    %get3A_2856 = arith.constant 14 : index
    %get3A_2857 = arith.constant 13 : index
    %get3A_2858 = arith.constant 0 : index
    %get3A_2859 = arith.constant 0 : index
    %get3A_2860 = vector.load %arg1[%get3A_2855, %get3A_2856, %get3A_2857, %get3A_2858, %get3A_2859] : memref<1x20x20x16x512xf32, #tpu.memory_space<vmem>>, vector<1x1x1x16x512xf32>
    %get3A_2861 = vector.shape_cast %get3A_2860 : vector<1x1x1x16x512xf32> to vector<16x512xf32>
    %mul3A_2862 = arith.mulf %get3A_2861, %squeeze3A_2836 : vector<16x512xf32>
    %add3A_2863 = arith.addf %add3A_2825, %mul3A_2862 : vector<16x512xf32>
    %get3A_2864 = arith.constant 0 : index
    %get3A_2865 = arith.constant 15 : index
    %get3A_2866 = arith.constant 13 : index
    %get3A_2867 = arith.constant 0 : index
    %get3A_2868 = arith.constant 0 : index
    %get3A_2869 = vector.load %arg1[%get3A_2864, %get3A_2865, %get3A_2866, %get3A_2867, %get3A_2868] : memref<1x20x20x16x512xf32, #tpu.memory_space<vmem>>, vector<1x1x1x16x512xf32>
    %get3A_2870 = vector.shape_cast %get3A_2869 : vector<1x1x1x16x512xf32> to vector<16x512xf32>
    %mul3A_2871 = arith.mulf %get3A_2870, %squeeze3A_2836 : vector<16x512xf32>
    %add3A_2872 = arith.addf %add3A_2834, %mul3A_2871 : vector<16x512xf32>
    %slice3A_2873 = vector.extract_strided_slice %select_n3A {offsets = [14, 0, 0], sizes = [1, 16, 512], strides = [1, 1, 1]} : vector<20x16x512xf32> to vector<1x16x512xf32>
    %squeeze3A_2874 = vector.shape_cast %slice3A_2873 : vector<1x16x512xf32> to vector<16x512xf32>
    %get3A_2875 = arith.constant 0 : index
    %get3A_2876 = arith.constant 12 : index
    %get3A_2877 = arith.constant 14 : index
    %get3A_2878 = arith.constant 0 : index
    %get3A_2879 = arith.constant 0 : index
    %get3A_2880 = vector.load %arg1[%get3A_2875, %get3A_2876, %get3A_2877, %get3A_2878, %get3A_2879] : memref<1x20x20x16x512xf32, #tpu.memory_space<vmem>>, vector<1x1x1x16x512xf32>
    %get3A_2881 = vector.shape_cast %get3A_2880 : vector<1x1x1x16x512xf32> to vector<16x512xf32>
    %mul3A_2882 = arith.mulf %get3A_2881, %squeeze3A_2874 : vector<16x512xf32>
    %add3A_2883 = arith.addf %add3A_2845, %mul3A_2882 : vector<16x512xf32>
    %get3A_2884 = arith.constant 0 : index
    %get3A_2885 = arith.constant 13 : index
    %get3A_2886 = arith.constant 14 : index
    %get3A_2887 = arith.constant 0 : index
    %get3A_2888 = arith.constant 0 : index
    %get3A_2889 = vector.load %arg1[%get3A_2884, %get3A_2885, %get3A_2886, %get3A_2887, %get3A_2888] : memref<1x20x20x16x512xf32, #tpu.memory_space<vmem>>, vector<1x1x1x16x512xf32>
    %get3A_2890 = vector.shape_cast %get3A_2889 : vector<1x1x1x16x512xf32> to vector<16x512xf32>
    %mul3A_2891 = arith.mulf %get3A_2890, %squeeze3A_2874 : vector<16x512xf32>
    %add3A_2892 = arith.addf %add3A_2854, %mul3A_2891 : vector<16x512xf32>
    %get3A_2893 = arith.constant 0 : index
    %get3A_2894 = arith.constant 14 : index
    %get3A_2895 = arith.constant 14 : index
    %get3A_2896 = arith.constant 0 : index
    %get3A_2897 = arith.constant 0 : index
    %get3A_2898 = vector.load %arg1[%get3A_2893, %get3A_2894, %get3A_2895, %get3A_2896, %get3A_2897] : memref<1x20x20x16x512xf32, #tpu.memory_space<vmem>>, vector<1x1x1x16x512xf32>
    %get3A_2899 = vector.shape_cast %get3A_2898 : vector<1x1x1x16x512xf32> to vector<16x512xf32>
    %mul3A_2900 = arith.mulf %get3A_2899, %squeeze3A_2874 : vector<16x512xf32>
    %add3A_2901 = arith.addf %add3A_2863, %mul3A_2900 : vector<16x512xf32>
    %get3A_2902 = arith.constant 0 : index
    %get3A_2903 = arith.constant 15 : index
    %get3A_2904 = arith.constant 14 : index
    %get3A_2905 = arith.constant 0 : index
    %get3A_2906 = arith.constant 0 : index
    %get3A_2907 = vector.load %arg1[%get3A_2902, %get3A_2903, %get3A_2904, %get3A_2905, %get3A_2906] : memref<1x20x20x16x512xf32, #tpu.memory_space<vmem>>, vector<1x1x1x16x512xf32>
    %get3A_2908 = vector.shape_cast %get3A_2907 : vector<1x1x1x16x512xf32> to vector<16x512xf32>
    %mul3A_2909 = arith.mulf %get3A_2908, %squeeze3A_2874 : vector<16x512xf32>
    %add3A_2910 = arith.addf %add3A_2872, %mul3A_2909 : vector<16x512xf32>
    %slice3A_2911 = vector.extract_strided_slice %select_n3A {offsets = [15, 0, 0], sizes = [1, 16, 512], strides = [1, 1, 1]} : vector<20x16x512xf32> to vector<1x16x512xf32>
    %squeeze3A_2912 = vector.shape_cast %slice3A_2911 : vector<1x16x512xf32> to vector<16x512xf32>
    %get3A_2913 = arith.constant 0 : index
    %get3A_2914 = arith.constant 12 : index
    %get3A_2915 = arith.constant 15 : index
    %get3A_2916 = arith.constant 0 : index
    %get3A_2917 = arith.constant 0 : index
    %get3A_2918 = vector.load %arg1[%get3A_2913, %get3A_2914, %get3A_2915, %get3A_2916, %get3A_2917] : memref<1x20x20x16x512xf32, #tpu.memory_space<vmem>>, vector<1x1x1x16x512xf32>
    %get3A_2919 = vector.shape_cast %get3A_2918 : vector<1x1x1x16x512xf32> to vector<16x512xf32>
    %mul3A_2920 = arith.mulf %get3A_2919, %squeeze3A_2912 : vector<16x512xf32>
    %add3A_2921 = arith.addf %add3A_2883, %mul3A_2920 : vector<16x512xf32>
    %get3A_2922 = arith.constant 0 : index
    %get3A_2923 = arith.constant 13 : index
    %get3A_2924 = arith.constant 15 : index
    %get3A_2925 = arith.constant 0 : index
    %get3A_2926 = arith.constant 0 : index
    %get3A_2927 = vector.load %arg1[%get3A_2922, %get3A_2923, %get3A_2924, %get3A_2925, %get3A_2926] : memref<1x20x20x16x512xf32, #tpu.memory_space<vmem>>, vector<1x1x1x16x512xf32>
    %get3A_2928 = vector.shape_cast %get3A_2927 : vector<1x1x1x16x512xf32> to vector<16x512xf32>
    %mul3A_2929 = arith.mulf %get3A_2928, %squeeze3A_2912 : vector<16x512xf32>
    %add3A_2930 = arith.addf %add3A_2892, %mul3A_2929 : vector<16x512xf32>
    %get3A_2931 = arith.constant 0 : index
    %get3A_2932 = arith.constant 14 : index
    %get3A_2933 = arith.constant 15 : index
    %get3A_2934 = arith.constant 0 : index
    %get3A_2935 = arith.constant 0 : index
    %get3A_2936 = vector.load %arg1[%get3A_2931, %get3A_2932, %get3A_2933, %get3A_2934, %get3A_2935] : memref<1x20x20x16x512xf32, #tpu.memory_space<vmem>>, vector<1x1x1x16x512xf32>
    %get3A_2937 = vector.shape_cast %get3A_2936 : vector<1x1x1x16x512xf32> to vector<16x512xf32>
    %mul3A_2938 = arith.mulf %get3A_2937, %squeeze3A_2912 : vector<16x512xf32>
    %add3A_2939 = arith.addf %add3A_2901, %mul3A_2938 : vector<16x512xf32>
    %get3A_2940 = arith.constant 0 : index
    %get3A_2941 = arith.constant 15 : index
    %get3A_2942 = arith.constant 15 : index
    %get3A_2943 = arith.constant 0 : index
    %get3A_2944 = arith.constant 0 : index
    %get3A_2945 = vector.load %arg1[%get3A_2940, %get3A_2941, %get3A_2942, %get3A_2943, %get3A_2944] : memref<1x20x20x16x512xf32, #tpu.memory_space<vmem>>, vector<1x1x1x16x512xf32>
    %get3A_2946 = vector.shape_cast %get3A_2945 : vector<1x1x1x16x512xf32> to vector<16x512xf32>
    %mul3A_2947 = arith.mulf %get3A_2946, %squeeze3A_2912 : vector<16x512xf32>
    %add3A_2948 = arith.addf %add3A_2910, %mul3A_2947 : vector<16x512xf32>
    %slice3A_2949 = vector.extract_strided_slice %select_n3A {offsets = [16, 0, 0], sizes = [1, 16, 512], strides = [1, 1, 1]} : vector<20x16x512xf32> to vector<1x16x512xf32>
    %squeeze3A_2950 = vector.shape_cast %slice3A_2949 : vector<1x16x512xf32> to vector<16x512xf32>
    %get3A_2951 = arith.constant 0 : index
    %get3A_2952 = arith.constant 12 : index
    %get3A_2953 = arith.constant 16 : index
    %get3A_2954 = arith.constant 0 : index
    %get3A_2955 = arith.constant 0 : index
    %get3A_2956 = vector.load %arg1[%get3A_2951, %get3A_2952, %get3A_2953, %get3A_2954, %get3A_2955] : memref<1x20x20x16x512xf32, #tpu.memory_space<vmem>>, vector<1x1x1x16x512xf32>
    %get3A_2957 = vector.shape_cast %get3A_2956 : vector<1x1x1x16x512xf32> to vector<16x512xf32>
    %mul3A_2958 = arith.mulf %get3A_2957, %squeeze3A_2950 : vector<16x512xf32>
    %add3A_2959 = arith.addf %add3A_2921, %mul3A_2958 : vector<16x512xf32>
    %get3A_2960 = arith.constant 0 : index
    %get3A_2961 = arith.constant 13 : index
    %get3A_2962 = arith.constant 16 : index
    %get3A_2963 = arith.constant 0 : index
    %get3A_2964 = arith.constant 0 : index
    %get3A_2965 = vector.load %arg1[%get3A_2960, %get3A_2961, %get3A_2962, %get3A_2963, %get3A_2964] : memref<1x20x20x16x512xf32, #tpu.memory_space<vmem>>, vector<1x1x1x16x512xf32>
    %get3A_2966 = vector.shape_cast %get3A_2965 : vector<1x1x1x16x512xf32> to vector<16x512xf32>
    %mul3A_2967 = arith.mulf %get3A_2966, %squeeze3A_2950 : vector<16x512xf32>
    %add3A_2968 = arith.addf %add3A_2930, %mul3A_2967 : vector<16x512xf32>
    %get3A_2969 = arith.constant 0 : index
    %get3A_2970 = arith.constant 14 : index
    %get3A_2971 = arith.constant 16 : index
    %get3A_2972 = arith.constant 0 : index
    %get3A_2973 = arith.constant 0 : index
    %get3A_2974 = vector.load %arg1[%get3A_2969, %get3A_2970, %get3A_2971, %get3A_2972, %get3A_2973] : memref<1x20x20x16x512xf32, #tpu.memory_space<vmem>>, vector<1x1x1x16x512xf32>
    %get3A_2975 = vector.shape_cast %get3A_2974 : vector<1x1x1x16x512xf32> to vector<16x512xf32>
    %mul3A_2976 = arith.mulf %get3A_2975, %squeeze3A_2950 : vector<16x512xf32>
    %add3A_2977 = arith.addf %add3A_2939, %mul3A_2976 : vector<16x512xf32>
    %get3A_2978 = arith.constant 0 : index
    %get3A_2979 = arith.constant 15 : index
    %get3A_2980 = arith.constant 16 : index
    %get3A_2981 = arith.constant 0 : index
    %get3A_2982 = arith.constant 0 : index
    %get3A_2983 = vector.load %arg1[%get3A_2978, %get3A_2979, %get3A_2980, %get3A_2981, %get3A_2982] : memref<1x20x20x16x512xf32, #tpu.memory_space<vmem>>, vector<1x1x1x16x512xf32>
    %get3A_2984 = vector.shape_cast %get3A_2983 : vector<1x1x1x16x512xf32> to vector<16x512xf32>
    %mul3A_2985 = arith.mulf %get3A_2984, %squeeze3A_2950 : vector<16x512xf32>
    %add3A_2986 = arith.addf %add3A_2948, %mul3A_2985 : vector<16x512xf32>
    %slice3A_2987 = vector.extract_strided_slice %select_n3A {offsets = [17, 0, 0], sizes = [1, 16, 512], strides = [1, 1, 1]} : vector<20x16x512xf32> to vector<1x16x512xf32>
    %squeeze3A_2988 = vector.shape_cast %slice3A_2987 : vector<1x16x512xf32> to vector<16x512xf32>
    %get3A_2989 = arith.constant 0 : index
    %get3A_2990 = arith.constant 12 : index
    %get3A_2991 = arith.constant 17 : index
    %get3A_2992 = arith.constant 0 : index
    %get3A_2993 = arith.constant 0 : index
    %get3A_2994 = vector.load %arg1[%get3A_2989, %get3A_2990, %get3A_2991, %get3A_2992, %get3A_2993] : memref<1x20x20x16x512xf32, #tpu.memory_space<vmem>>, vector<1x1x1x16x512xf32>
    %get3A_2995 = vector.shape_cast %get3A_2994 : vector<1x1x1x16x512xf32> to vector<16x512xf32>
    %mul3A_2996 = arith.mulf %get3A_2995, %squeeze3A_2988 : vector<16x512xf32>
    %add3A_2997 = arith.addf %add3A_2959, %mul3A_2996 : vector<16x512xf32>
    %get3A_2998 = arith.constant 0 : index
    %get3A_2999 = arith.constant 13 : index
    %get3A_3000 = arith.constant 17 : index
    %get3A_3001 = arith.constant 0 : index
    %get3A_3002 = arith.constant 0 : index
    %get3A_3003 = vector.load %arg1[%get3A_2998, %get3A_2999, %get3A_3000, %get3A_3001, %get3A_3002] : memref<1x20x20x16x512xf32, #tpu.memory_space<vmem>>, vector<1x1x1x16x512xf32>
    %get3A_3004 = vector.shape_cast %get3A_3003 : vector<1x1x1x16x512xf32> to vector<16x512xf32>
    %mul3A_3005 = arith.mulf %get3A_3004, %squeeze3A_2988 : vector<16x512xf32>
    %add3A_3006 = arith.addf %add3A_2968, %mul3A_3005 : vector<16x512xf32>
    %get3A_3007 = arith.constant 0 : index
    %get3A_3008 = arith.constant 14 : index
    %get3A_3009 = arith.constant 17 : index
    %get3A_3010 = arith.constant 0 : index
    %get3A_3011 = arith.constant 0 : index
    %get3A_3012 = vector.load %arg1[%get3A_3007, %get3A_3008, %get3A_3009, %get3A_3010, %get3A_3011] : memref<1x20x20x16x512xf32, #tpu.memory_space<vmem>>, vector<1x1x1x16x512xf32>
    %get3A_3013 = vector.shape_cast %get3A_3012 : vector<1x1x1x16x512xf32> to vector<16x512xf32>
    %mul3A_3014 = arith.mulf %get3A_3013, %squeeze3A_2988 : vector<16x512xf32>
    %add3A_3015 = arith.addf %add3A_2977, %mul3A_3014 : vector<16x512xf32>
    %get3A_3016 = arith.constant 0 : index
    %get3A_3017 = arith.constant 15 : index
    %get3A_3018 = arith.constant 17 : index
    %get3A_3019 = arith.constant 0 : index
    %get3A_3020 = arith.constant 0 : index
    %get3A_3021 = vector.load %arg1[%get3A_3016, %get3A_3017, %get3A_3018, %get3A_3019, %get3A_3020] : memref<1x20x20x16x512xf32, #tpu.memory_space<vmem>>, vector<1x1x1x16x512xf32>
    %get3A_3022 = vector.shape_cast %get3A_3021 : vector<1x1x1x16x512xf32> to vector<16x512xf32>
    %mul3A_3023 = arith.mulf %get3A_3022, %squeeze3A_2988 : vector<16x512xf32>
    %add3A_3024 = arith.addf %add3A_2986, %mul3A_3023 : vector<16x512xf32>
    %slice3A_3025 = vector.extract_strided_slice %select_n3A {offsets = [18, 0, 0], sizes = [1, 16, 512], strides = [1, 1, 1]} : vector<20x16x512xf32> to vector<1x16x512xf32>
    %squeeze3A_3026 = vector.shape_cast %slice3A_3025 : vector<1x16x512xf32> to vector<16x512xf32>
    %get3A_3027 = arith.constant 0 : index
    %get3A_3028 = arith.constant 12 : index
    %get3A_3029 = arith.constant 18 : index
    %get3A_3030 = arith.constant 0 : index
    %get3A_3031 = arith.constant 0 : index
    %get3A_3032 = vector.load %arg1[%get3A_3027, %get3A_3028, %get3A_3029, %get3A_3030, %get3A_3031] : memref<1x20x20x16x512xf32, #tpu.memory_space<vmem>>, vector<1x1x1x16x512xf32>
    %get3A_3033 = vector.shape_cast %get3A_3032 : vector<1x1x1x16x512xf32> to vector<16x512xf32>
    %mul3A_3034 = arith.mulf %get3A_3033, %squeeze3A_3026 : vector<16x512xf32>
    %add3A_3035 = arith.addf %add3A_2997, %mul3A_3034 : vector<16x512xf32>
    %get3A_3036 = arith.constant 0 : index
    %get3A_3037 = arith.constant 13 : index
    %get3A_3038 = arith.constant 18 : index
    %get3A_3039 = arith.constant 0 : index
    %get3A_3040 = arith.constant 0 : index
    %get3A_3041 = vector.load %arg1[%get3A_3036, %get3A_3037, %get3A_3038, %get3A_3039, %get3A_3040] : memref<1x20x20x16x512xf32, #tpu.memory_space<vmem>>, vector<1x1x1x16x512xf32>
    %get3A_3042 = vector.shape_cast %get3A_3041 : vector<1x1x1x16x512xf32> to vector<16x512xf32>
    %mul3A_3043 = arith.mulf %get3A_3042, %squeeze3A_3026 : vector<16x512xf32>
    %add3A_3044 = arith.addf %add3A_3006, %mul3A_3043 : vector<16x512xf32>
    %get3A_3045 = arith.constant 0 : index
    %get3A_3046 = arith.constant 14 : index
    %get3A_3047 = arith.constant 18 : index
    %get3A_3048 = arith.constant 0 : index
    %get3A_3049 = arith.constant 0 : index
    %get3A_3050 = vector.load %arg1[%get3A_3045, %get3A_3046, %get3A_3047, %get3A_3048, %get3A_3049] : memref<1x20x20x16x512xf32, #tpu.memory_space<vmem>>, vector<1x1x1x16x512xf32>
    %get3A_3051 = vector.shape_cast %get3A_3050 : vector<1x1x1x16x512xf32> to vector<16x512xf32>
    %mul3A_3052 = arith.mulf %get3A_3051, %squeeze3A_3026 : vector<16x512xf32>
    %add3A_3053 = arith.addf %add3A_3015, %mul3A_3052 : vector<16x512xf32>
    %get3A_3054 = arith.constant 0 : index
    %get3A_3055 = arith.constant 15 : index
    %get3A_3056 = arith.constant 18 : index
    %get3A_3057 = arith.constant 0 : index
    %get3A_3058 = arith.constant 0 : index
    %get3A_3059 = vector.load %arg1[%get3A_3054, %get3A_3055, %get3A_3056, %get3A_3057, %get3A_3058] : memref<1x20x20x16x512xf32, #tpu.memory_space<vmem>>, vector<1x1x1x16x512xf32>
    %get3A_3060 = vector.shape_cast %get3A_3059 : vector<1x1x1x16x512xf32> to vector<16x512xf32>
    %mul3A_3061 = arith.mulf %get3A_3060, %squeeze3A_3026 : vector<16x512xf32>
    %add3A_3062 = arith.addf %add3A_3024, %mul3A_3061 : vector<16x512xf32>
    %slice3A_3063 = vector.extract_strided_slice %select_n3A {offsets = [19, 0, 0], sizes = [1, 16, 512], strides = [1, 1, 1]} : vector<20x16x512xf32> to vector<1x16x512xf32>
    %squeeze3A_3064 = vector.shape_cast %slice3A_3063 : vector<1x16x512xf32> to vector<16x512xf32>
    %get3A_3065 = arith.constant 0 : index
    %get3A_3066 = arith.constant 12 : index
    %get3A_3067 = arith.constant 19 : index
    %get3A_3068 = arith.constant 0 : index
    %get3A_3069 = arith.constant 0 : index
    %get3A_3070 = vector.load %arg1[%get3A_3065, %get3A_3066, %get3A_3067, %get3A_3068, %get3A_3069] : memref<1x20x20x16x512xf32, #tpu.memory_space<vmem>>, vector<1x1x1x16x512xf32>
    %get3A_3071 = vector.shape_cast %get3A_3070 : vector<1x1x1x16x512xf32> to vector<16x512xf32>
    %mul3A_3072 = arith.mulf %get3A_3071, %squeeze3A_3064 : vector<16x512xf32>
    %add3A_3073 = arith.addf %add3A_3035, %mul3A_3072 : vector<16x512xf32>
    %get3A_3074 = arith.constant 0 : index
    %get3A_3075 = arith.constant 13 : index
    %get3A_3076 = arith.constant 19 : index
    %get3A_3077 = arith.constant 0 : index
    %get3A_3078 = arith.constant 0 : index
    %get3A_3079 = vector.load %arg1[%get3A_3074, %get3A_3075, %get3A_3076, %get3A_3077, %get3A_3078] : memref<1x20x20x16x512xf32, #tpu.memory_space<vmem>>, vector<1x1x1x16x512xf32>
    %get3A_3080 = vector.shape_cast %get3A_3079 : vector<1x1x1x16x512xf32> to vector<16x512xf32>
    %mul3A_3081 = arith.mulf %get3A_3080, %squeeze3A_3064 : vector<16x512xf32>
    %add3A_3082 = arith.addf %add3A_3044, %mul3A_3081 : vector<16x512xf32>
    %get3A_3083 = arith.constant 0 : index
    %get3A_3084 = arith.constant 14 : index
    %get3A_3085 = arith.constant 19 : index
    %get3A_3086 = arith.constant 0 : index
    %get3A_3087 = arith.constant 0 : index
    %get3A_3088 = vector.load %arg1[%get3A_3083, %get3A_3084, %get3A_3085, %get3A_3086, %get3A_3087] : memref<1x20x20x16x512xf32, #tpu.memory_space<vmem>>, vector<1x1x1x16x512xf32>
    %get3A_3089 = vector.shape_cast %get3A_3088 : vector<1x1x1x16x512xf32> to vector<16x512xf32>
    %mul3A_3090 = arith.mulf %get3A_3089, %squeeze3A_3064 : vector<16x512xf32>
    %add3A_3091 = arith.addf %add3A_3053, %mul3A_3090 : vector<16x512xf32>
    %get3A_3092 = arith.constant 0 : index
    %get3A_3093 = arith.constant 15 : index
    %get3A_3094 = arith.constant 19 : index
    %get3A_3095 = arith.constant 0 : index
    %get3A_3096 = arith.constant 0 : index
    %get3A_3097 = vector.load %arg1[%get3A_3092, %get3A_3093, %get3A_3094, %get3A_3095, %get3A_3096] : memref<1x20x20x16x512xf32, #tpu.memory_space<vmem>>, vector<1x1x1x16x512xf32>
    %get3A_3098 = vector.shape_cast %get3A_3097 : vector<1x1x1x16x512xf32> to vector<16x512xf32>
    %mul3A_3099 = arith.mulf %get3A_3098, %squeeze3A_3064 : vector<16x512xf32>
    %add3A_3100 = arith.addf %add3A_3062, %mul3A_3099 : vector<16x512xf32>
    %reduce_sum3A_3101 = arith.constant dense<0.000000e+00> : vector<512xf32>
    %reduce_sum3A_3102 = vector.multi_reduction <add>, %add3A_3073, %reduce_sum3A_3101 [0] : vector<16x512xf32> to vector<512xf32>
    %reduce_sum3A_3103 = arith.constant dense<0.000000e+00> : vector<512xf32>
    %reduce_sum3A_3104 = vector.multi_reduction <add>, %add3A_3082, %reduce_sum3A_3103 [0] : vector<16x512xf32> to vector<512xf32>
    %reduce_sum3A_3105 = arith.constant dense<0.000000e+00> : vector<512xf32>
    %reduce_sum3A_3106 = vector.multi_reduction <add>, %add3A_3091, %reduce_sum3A_3105 [0] : vector<16x512xf32> to vector<512xf32>
    %reduce_sum3A_3107 = arith.constant dense<0.000000e+00> : vector<512xf32>
    %reduce_sum3A_3108 = vector.multi_reduction <add>, %add3A_3100, %reduce_sum3A_3107 [0] : vector<16x512xf32> to vector<512xf32>
    %broadcast_in_dim3A_3109 = arith.constant 0.000000e+00 : f32
    %broadcast_in_dim3A_3110 = vector.broadcast %broadcast_in_dim3A_3109 : f32 to vector<16x512xf32>
    %broadcast_in_dim3A_3111 = arith.constant 0.000000e+00 : f32
    %broadcast_in_dim3A_3112 = vector.broadcast %broadcast_in_dim3A_3111 : f32 to vector<16x512xf32>
    %broadcast_in_dim3A_3113 = arith.constant 0.000000e+00 : f32
    %broadcast_in_dim3A_3114 = vector.broadcast %broadcast_in_dim3A_3113 : f32 to vector<16x512xf32>
    %broadcast_in_dim3A_3115 = arith.constant 0.000000e+00 : f32
    %broadcast_in_dim3A_3116 = vector.broadcast %broadcast_in_dim3A_3115 : f32 to vector<16x512xf32>
    %slice3A_3117 = vector.extract_strided_slice %select_n3A {offsets = [0, 0, 0], sizes = [1, 16, 512], strides = [1, 1, 1]} : vector<20x16x512xf32> to vector<1x16x512xf32>
    %squeeze3A_3118 = vector.shape_cast %slice3A_3117 : vector<1x16x512xf32> to vector<16x512xf32>
    %get3A_3119 = arith.constant 0 : index
    %get3A_3120 = arith.constant 16 : index
    %get3A_3121 = arith.constant 0 : index
    %get3A_3122 = arith.constant 0 : index
    %get3A_3123 = arith.constant 0 : index
    %get3A_3124 = vector.load %arg1[%get3A_3119, %get3A_3120, %get3A_3121, %get3A_3122, %get3A_3123] : memref<1x20x20x16x512xf32, #tpu.memory_space<vmem>>, vector<1x1x1x16x512xf32>
    %get3A_3125 = vector.shape_cast %get3A_3124 : vector<1x1x1x16x512xf32> to vector<16x512xf32>
    %mul3A_3126 = arith.mulf %get3A_3125, %squeeze3A_3118 : vector<16x512xf32>
    %add3A_3127 = arith.addf %broadcast_in_dim3A_3110, %mul3A_3126 : vector<16x512xf32>
    %get3A_3128 = arith.constant 0 : index
    %get3A_3129 = arith.constant 17 : index
    %get3A_3130 = arith.constant 0 : index
    %get3A_3131 = arith.constant 0 : index
    %get3A_3132 = arith.constant 0 : index
    %get3A_3133 = vector.load %arg1[%get3A_3128, %get3A_3129, %get3A_3130, %get3A_3131, %get3A_3132] : memref<1x20x20x16x512xf32, #tpu.memory_space<vmem>>, vector<1x1x1x16x512xf32>
    %get3A_3134 = vector.shape_cast %get3A_3133 : vector<1x1x1x16x512xf32> to vector<16x512xf32>
    %mul3A_3135 = arith.mulf %get3A_3134, %squeeze3A_3118 : vector<16x512xf32>
    %add3A_3136 = arith.addf %broadcast_in_dim3A_3112, %mul3A_3135 : vector<16x512xf32>
    %get3A_3137 = arith.constant 0 : index
    %get3A_3138 = arith.constant 18 : index
    %get3A_3139 = arith.constant 0 : index
    %get3A_3140 = arith.constant 0 : index
    %get3A_3141 = arith.constant 0 : index
    %get3A_3142 = vector.load %arg1[%get3A_3137, %get3A_3138, %get3A_3139, %get3A_3140, %get3A_3141] : memref<1x20x20x16x512xf32, #tpu.memory_space<vmem>>, vector<1x1x1x16x512xf32>
    %get3A_3143 = vector.shape_cast %get3A_3142 : vector<1x1x1x16x512xf32> to vector<16x512xf32>
    %mul3A_3144 = arith.mulf %get3A_3143, %squeeze3A_3118 : vector<16x512xf32>
    %add3A_3145 = arith.addf %broadcast_in_dim3A_3114, %mul3A_3144 : vector<16x512xf32>
    %get3A_3146 = arith.constant 0 : index
    %get3A_3147 = arith.constant 19 : index
    %get3A_3148 = arith.constant 0 : index
    %get3A_3149 = arith.constant 0 : index
    %get3A_3150 = arith.constant 0 : index
    %get3A_3151 = vector.load %arg1[%get3A_3146, %get3A_3147, %get3A_3148, %get3A_3149, %get3A_3150] : memref<1x20x20x16x512xf32, #tpu.memory_space<vmem>>, vector<1x1x1x16x512xf32>
    %get3A_3152 = vector.shape_cast %get3A_3151 : vector<1x1x1x16x512xf32> to vector<16x512xf32>
    %mul3A_3153 = arith.mulf %get3A_3152, %squeeze3A_3118 : vector<16x512xf32>
    %add3A_3154 = arith.addf %broadcast_in_dim3A_3116, %mul3A_3153 : vector<16x512xf32>
    %slice3A_3155 = vector.extract_strided_slice %select_n3A {offsets = [1, 0, 0], sizes = [1, 16, 512], strides = [1, 1, 1]} : vector<20x16x512xf32> to vector<1x16x512xf32>
    %squeeze3A_3156 = vector.shape_cast %slice3A_3155 : vector<1x16x512xf32> to vector<16x512xf32>
    %get3A_3157 = arith.constant 0 : index
    %get3A_3158 = arith.constant 16 : index
    %get3A_3159 = arith.constant 1 : index
    %get3A_3160 = arith.constant 0 : index
    %get3A_3161 = arith.constant 0 : index
    %get3A_3162 = vector.load %arg1[%get3A_3157, %get3A_3158, %get3A_3159, %get3A_3160, %get3A_3161] : memref<1x20x20x16x512xf32, #tpu.memory_space<vmem>>, vector<1x1x1x16x512xf32>
    %get3A_3163 = vector.shape_cast %get3A_3162 : vector<1x1x1x16x512xf32> to vector<16x512xf32>
    %mul3A_3164 = arith.mulf %get3A_3163, %squeeze3A_3156 : vector<16x512xf32>
    %add3A_3165 = arith.addf %add3A_3127, %mul3A_3164 : vector<16x512xf32>
    %get3A_3166 = arith.constant 0 : index
    %get3A_3167 = arith.constant 17 : index
    %get3A_3168 = arith.constant 1 : index
    %get3A_3169 = arith.constant 0 : index
    %get3A_3170 = arith.constant 0 : index
    %get3A_3171 = vector.load %arg1[%get3A_3166, %get3A_3167, %get3A_3168, %get3A_3169, %get3A_3170] : memref<1x20x20x16x512xf32, #tpu.memory_space<vmem>>, vector<1x1x1x16x512xf32>
    %get3A_3172 = vector.shape_cast %get3A_3171 : vector<1x1x1x16x512xf32> to vector<16x512xf32>
    %mul3A_3173 = arith.mulf %get3A_3172, %squeeze3A_3156 : vector<16x512xf32>
    %add3A_3174 = arith.addf %add3A_3136, %mul3A_3173 : vector<16x512xf32>
    %get3A_3175 = arith.constant 0 : index
    %get3A_3176 = arith.constant 18 : index
    %get3A_3177 = arith.constant 1 : index
    %get3A_3178 = arith.constant 0 : index
    %get3A_3179 = arith.constant 0 : index
    %get3A_3180 = vector.load %arg1[%get3A_3175, %get3A_3176, %get3A_3177, %get3A_3178, %get3A_3179] : memref<1x20x20x16x512xf32, #tpu.memory_space<vmem>>, vector<1x1x1x16x512xf32>
    %get3A_3181 = vector.shape_cast %get3A_3180 : vector<1x1x1x16x512xf32> to vector<16x512xf32>
    %mul3A_3182 = arith.mulf %get3A_3181, %squeeze3A_3156 : vector<16x512xf32>
    %add3A_3183 = arith.addf %add3A_3145, %mul3A_3182 : vector<16x512xf32>
    %get3A_3184 = arith.constant 0 : index
    %get3A_3185 = arith.constant 19 : index
    %get3A_3186 = arith.constant 1 : index
    %get3A_3187 = arith.constant 0 : index
    %get3A_3188 = arith.constant 0 : index
    %get3A_3189 = vector.load %arg1[%get3A_3184, %get3A_3185, %get3A_3186, %get3A_3187, %get3A_3188] : memref<1x20x20x16x512xf32, #tpu.memory_space<vmem>>, vector<1x1x1x16x512xf32>
    %get3A_3190 = vector.shape_cast %get3A_3189 : vector<1x1x1x16x512xf32> to vector<16x512xf32>
    %mul3A_3191 = arith.mulf %get3A_3190, %squeeze3A_3156 : vector<16x512xf32>
    %add3A_3192 = arith.addf %add3A_3154, %mul3A_3191 : vector<16x512xf32>
    %slice3A_3193 = vector.extract_strided_slice %select_n3A {offsets = [2, 0, 0], sizes = [1, 16, 512], strides = [1, 1, 1]} : vector<20x16x512xf32> to vector<1x16x512xf32>
    %squeeze3A_3194 = vector.shape_cast %slice3A_3193 : vector<1x16x512xf32> to vector<16x512xf32>
    %get3A_3195 = arith.constant 0 : index
    %get3A_3196 = arith.constant 16 : index
    %get3A_3197 = arith.constant 2 : index
    %get3A_3198 = arith.constant 0 : index
    %get3A_3199 = arith.constant 0 : index
    %get3A_3200 = vector.load %arg1[%get3A_3195, %get3A_3196, %get3A_3197, %get3A_3198, %get3A_3199] : memref<1x20x20x16x512xf32, #tpu.memory_space<vmem>>, vector<1x1x1x16x512xf32>
    %get3A_3201 = vector.shape_cast %get3A_3200 : vector<1x1x1x16x512xf32> to vector<16x512xf32>
    %mul3A_3202 = arith.mulf %get3A_3201, %squeeze3A_3194 : vector<16x512xf32>
    %add3A_3203 = arith.addf %add3A_3165, %mul3A_3202 : vector<16x512xf32>
    %get3A_3204 = arith.constant 0 : index
    %get3A_3205 = arith.constant 17 : index
    %get3A_3206 = arith.constant 2 : index
    %get3A_3207 = arith.constant 0 : index
    %get3A_3208 = arith.constant 0 : index
    %get3A_3209 = vector.load %arg1[%get3A_3204, %get3A_3205, %get3A_3206, %get3A_3207, %get3A_3208] : memref<1x20x20x16x512xf32, #tpu.memory_space<vmem>>, vector<1x1x1x16x512xf32>
    %get3A_3210 = vector.shape_cast %get3A_3209 : vector<1x1x1x16x512xf32> to vector<16x512xf32>
    %mul3A_3211 = arith.mulf %get3A_3210, %squeeze3A_3194 : vector<16x512xf32>
    %add3A_3212 = arith.addf %add3A_3174, %mul3A_3211 : vector<16x512xf32>
    %get3A_3213 = arith.constant 0 : index
    %get3A_3214 = arith.constant 18 : index
    %get3A_3215 = arith.constant 2 : index
    %get3A_3216 = arith.constant 0 : index
    %get3A_3217 = arith.constant 0 : index
    %get3A_3218 = vector.load %arg1[%get3A_3213, %get3A_3214, %get3A_3215, %get3A_3216, %get3A_3217] : memref<1x20x20x16x512xf32, #tpu.memory_space<vmem>>, vector<1x1x1x16x512xf32>
    %get3A_3219 = vector.shape_cast %get3A_3218 : vector<1x1x1x16x512xf32> to vector<16x512xf32>
    %mul3A_3220 = arith.mulf %get3A_3219, %squeeze3A_3194 : vector<16x512xf32>
    %add3A_3221 = arith.addf %add3A_3183, %mul3A_3220 : vector<16x512xf32>
    %get3A_3222 = arith.constant 0 : index
    %get3A_3223 = arith.constant 19 : index
    %get3A_3224 = arith.constant 2 : index
    %get3A_3225 = arith.constant 0 : index
    %get3A_3226 = arith.constant 0 : index
    %get3A_3227 = vector.load %arg1[%get3A_3222, %get3A_3223, %get3A_3224, %get3A_3225, %get3A_3226] : memref<1x20x20x16x512xf32, #tpu.memory_space<vmem>>, vector<1x1x1x16x512xf32>
    %get3A_3228 = vector.shape_cast %get3A_3227 : vector<1x1x1x16x512xf32> to vector<16x512xf32>
    %mul3A_3229 = arith.mulf %get3A_3228, %squeeze3A_3194 : vector<16x512xf32>
    %add3A_3230 = arith.addf %add3A_3192, %mul3A_3229 : vector<16x512xf32>
    %slice3A_3231 = vector.extract_strided_slice %select_n3A {offsets = [3, 0, 0], sizes = [1, 16, 512], strides = [1, 1, 1]} : vector<20x16x512xf32> to vector<1x16x512xf32>
    %squeeze3A_3232 = vector.shape_cast %slice3A_3231 : vector<1x16x512xf32> to vector<16x512xf32>
    %get3A_3233 = arith.constant 0 : index
    %get3A_3234 = arith.constant 16 : index
    %get3A_3235 = arith.constant 3 : index
    %get3A_3236 = arith.constant 0 : index
    %get3A_3237 = arith.constant 0 : index
    %get3A_3238 = vector.load %arg1[%get3A_3233, %get3A_3234, %get3A_3235, %get3A_3236, %get3A_3237] : memref<1x20x20x16x512xf32, #tpu.memory_space<vmem>>, vector<1x1x1x16x512xf32>
    %get3A_3239 = vector.shape_cast %get3A_3238 : vector<1x1x1x16x512xf32> to vector<16x512xf32>
    %mul3A_3240 = arith.mulf %get3A_3239, %squeeze3A_3232 : vector<16x512xf32>
    %add3A_3241 = arith.addf %add3A_3203, %mul3A_3240 : vector<16x512xf32>
    %get3A_3242 = arith.constant 0 : index
    %get3A_3243 = arith.constant 17 : index
    %get3A_3244 = arith.constant 3 : index
    %get3A_3245 = arith.constant 0 : index
    %get3A_3246 = arith.constant 0 : index
    %get3A_3247 = vector.load %arg1[%get3A_3242, %get3A_3243, %get3A_3244, %get3A_3245, %get3A_3246] : memref<1x20x20x16x512xf32, #tpu.memory_space<vmem>>, vector<1x1x1x16x512xf32>
    %get3A_3248 = vector.shape_cast %get3A_3247 : vector<1x1x1x16x512xf32> to vector<16x512xf32>
    %mul3A_3249 = arith.mulf %get3A_3248, %squeeze3A_3232 : vector<16x512xf32>
    %add3A_3250 = arith.addf %add3A_3212, %mul3A_3249 : vector<16x512xf32>
    %get3A_3251 = arith.constant 0 : index
    %get3A_3252 = arith.constant 18 : index
    %get3A_3253 = arith.constant 3 : index
    %get3A_3254 = arith.constant 0 : index
    %get3A_3255 = arith.constant 0 : index
    %get3A_3256 = vector.load %arg1[%get3A_3251, %get3A_3252, %get3A_3253, %get3A_3254, %get3A_3255] : memref<1x20x20x16x512xf32, #tpu.memory_space<vmem>>, vector<1x1x1x16x512xf32>
    %get3A_3257 = vector.shape_cast %get3A_3256 : vector<1x1x1x16x512xf32> to vector<16x512xf32>
    %mul3A_3258 = arith.mulf %get3A_3257, %squeeze3A_3232 : vector<16x512xf32>
    %add3A_3259 = arith.addf %add3A_3221, %mul3A_3258 : vector<16x512xf32>
    %get3A_3260 = arith.constant 0 : index
    %get3A_3261 = arith.constant 19 : index
    %get3A_3262 = arith.constant 3 : index
    %get3A_3263 = arith.constant 0 : index
    %get3A_3264 = arith.constant 0 : index
    %get3A_3265 = vector.load %arg1[%get3A_3260, %get3A_3261, %get3A_3262, %get3A_3263, %get3A_3264] : memref<1x20x20x16x512xf32, #tpu.memory_space<vmem>>, vector<1x1x1x16x512xf32>
    %get3A_3266 = vector.shape_cast %get3A_3265 : vector<1x1x1x16x512xf32> to vector<16x512xf32>
    %mul3A_3267 = arith.mulf %get3A_3266, %squeeze3A_3232 : vector<16x512xf32>
    %add3A_3268 = arith.addf %add3A_3230, %mul3A_3267 : vector<16x512xf32>
    %slice3A_3269 = vector.extract_strided_slice %select_n3A {offsets = [4, 0, 0], sizes = [1, 16, 512], strides = [1, 1, 1]} : vector<20x16x512xf32> to vector<1x16x512xf32>
    %squeeze3A_3270 = vector.shape_cast %slice3A_3269 : vector<1x16x512xf32> to vector<16x512xf32>
    %get3A_3271 = arith.constant 0 : index
    %get3A_3272 = arith.constant 16 : index
    %get3A_3273 = arith.constant 4 : index
    %get3A_3274 = arith.constant 0 : index
    %get3A_3275 = arith.constant 0 : index
    %get3A_3276 = vector.load %arg1[%get3A_3271, %get3A_3272, %get3A_3273, %get3A_3274, %get3A_3275] : memref<1x20x20x16x512xf32, #tpu.memory_space<vmem>>, vector<1x1x1x16x512xf32>
    %get3A_3277 = vector.shape_cast %get3A_3276 : vector<1x1x1x16x512xf32> to vector<16x512xf32>
    %mul3A_3278 = arith.mulf %get3A_3277, %squeeze3A_3270 : vector<16x512xf32>
    %add3A_3279 = arith.addf %add3A_3241, %mul3A_3278 : vector<16x512xf32>
    %get3A_3280 = arith.constant 0 : index
    %get3A_3281 = arith.constant 17 : index
    %get3A_3282 = arith.constant 4 : index
    %get3A_3283 = arith.constant 0 : index
    %get3A_3284 = arith.constant 0 : index
    %get3A_3285 = vector.load %arg1[%get3A_3280, %get3A_3281, %get3A_3282, %get3A_3283, %get3A_3284] : memref<1x20x20x16x512xf32, #tpu.memory_space<vmem>>, vector<1x1x1x16x512xf32>
    %get3A_3286 = vector.shape_cast %get3A_3285 : vector<1x1x1x16x512xf32> to vector<16x512xf32>
    %mul3A_3287 = arith.mulf %get3A_3286, %squeeze3A_3270 : vector<16x512xf32>
    %add3A_3288 = arith.addf %add3A_3250, %mul3A_3287 : vector<16x512xf32>
    %get3A_3289 = arith.constant 0 : index
    %get3A_3290 = arith.constant 18 : index
    %get3A_3291 = arith.constant 4 : index
    %get3A_3292 = arith.constant 0 : index
    %get3A_3293 = arith.constant 0 : index
    %get3A_3294 = vector.load %arg1[%get3A_3289, %get3A_3290, %get3A_3291, %get3A_3292, %get3A_3293] : memref<1x20x20x16x512xf32, #tpu.memory_space<vmem>>, vector<1x1x1x16x512xf32>
    %get3A_3295 = vector.shape_cast %get3A_3294 : vector<1x1x1x16x512xf32> to vector<16x512xf32>
    %mul3A_3296 = arith.mulf %get3A_3295, %squeeze3A_3270 : vector<16x512xf32>
    %add3A_3297 = arith.addf %add3A_3259, %mul3A_3296 : vector<16x512xf32>
    %get3A_3298 = arith.constant 0 : index
    %get3A_3299 = arith.constant 19 : index
    %get3A_3300 = arith.constant 4 : index
    %get3A_3301 = arith.constant 0 : index
    %get3A_3302 = arith.constant 0 : index
    %get3A_3303 = vector.load %arg1[%get3A_3298, %get3A_3299, %get3A_3300, %get3A_3301, %get3A_3302] : memref<1x20x20x16x512xf32, #tpu.memory_space<vmem>>, vector<1x1x1x16x512xf32>
    %get3A_3304 = vector.shape_cast %get3A_3303 : vector<1x1x1x16x512xf32> to vector<16x512xf32>
    %mul3A_3305 = arith.mulf %get3A_3304, %squeeze3A_3270 : vector<16x512xf32>
    %add3A_3306 = arith.addf %add3A_3268, %mul3A_3305 : vector<16x512xf32>
    %slice3A_3307 = vector.extract_strided_slice %select_n3A {offsets = [5, 0, 0], sizes = [1, 16, 512], strides = [1, 1, 1]} : vector<20x16x512xf32> to vector<1x16x512xf32>
    %squeeze3A_3308 = vector.shape_cast %slice3A_3307 : vector<1x16x512xf32> to vector<16x512xf32>
    %get3A_3309 = arith.constant 0 : index
    %get3A_3310 = arith.constant 16 : index
    %get3A_3311 = arith.constant 5 : index
    %get3A_3312 = arith.constant 0 : index
    %get3A_3313 = arith.constant 0 : index
    %get3A_3314 = vector.load %arg1[%get3A_3309, %get3A_3310, %get3A_3311, %get3A_3312, %get3A_3313] : memref<1x20x20x16x512xf32, #tpu.memory_space<vmem>>, vector<1x1x1x16x512xf32>
    %get3A_3315 = vector.shape_cast %get3A_3314 : vector<1x1x1x16x512xf32> to vector<16x512xf32>
    %mul3A_3316 = arith.mulf %get3A_3315, %squeeze3A_3308 : vector<16x512xf32>
    %add3A_3317 = arith.addf %add3A_3279, %mul3A_3316 : vector<16x512xf32>
    %get3A_3318 = arith.constant 0 : index
    %get3A_3319 = arith.constant 17 : index
    %get3A_3320 = arith.constant 5 : index
    %get3A_3321 = arith.constant 0 : index
    %get3A_3322 = arith.constant 0 : index
    %get3A_3323 = vector.load %arg1[%get3A_3318, %get3A_3319, %get3A_3320, %get3A_3321, %get3A_3322] : memref<1x20x20x16x512xf32, #tpu.memory_space<vmem>>, vector<1x1x1x16x512xf32>
    %get3A_3324 = vector.shape_cast %get3A_3323 : vector<1x1x1x16x512xf32> to vector<16x512xf32>
    %mul3A_3325 = arith.mulf %get3A_3324, %squeeze3A_3308 : vector<16x512xf32>
    %add3A_3326 = arith.addf %add3A_3288, %mul3A_3325 : vector<16x512xf32>
    %get3A_3327 = arith.constant 0 : index
    %get3A_3328 = arith.constant 18 : index
    %get3A_3329 = arith.constant 5 : index
    %get3A_3330 = arith.constant 0 : index
    %get3A_3331 = arith.constant 0 : index
    %get3A_3332 = vector.load %arg1[%get3A_3327, %get3A_3328, %get3A_3329, %get3A_3330, %get3A_3331] : memref<1x20x20x16x512xf32, #tpu.memory_space<vmem>>, vector<1x1x1x16x512xf32>
    %get3A_3333 = vector.shape_cast %get3A_3332 : vector<1x1x1x16x512xf32> to vector<16x512xf32>
    %mul3A_3334 = arith.mulf %get3A_3333, %squeeze3A_3308 : vector<16x512xf32>
    %add3A_3335 = arith.addf %add3A_3297, %mul3A_3334 : vector<16x512xf32>
    %get3A_3336 = arith.constant 0 : index
    %get3A_3337 = arith.constant 19 : index
    %get3A_3338 = arith.constant 5 : index
    %get3A_3339 = arith.constant 0 : index
    %get3A_3340 = arith.constant 0 : index
    %get3A_3341 = vector.load %arg1[%get3A_3336, %get3A_3337, %get3A_3338, %get3A_3339, %get3A_3340] : memref<1x20x20x16x512xf32, #tpu.memory_space<vmem>>, vector<1x1x1x16x512xf32>
    %get3A_3342 = vector.shape_cast %get3A_3341 : vector<1x1x1x16x512xf32> to vector<16x512xf32>
    %mul3A_3343 = arith.mulf %get3A_3342, %squeeze3A_3308 : vector<16x512xf32>
    %add3A_3344 = arith.addf %add3A_3306, %mul3A_3343 : vector<16x512xf32>
    %slice3A_3345 = vector.extract_strided_slice %select_n3A {offsets = [6, 0, 0], sizes = [1, 16, 512], strides = [1, 1, 1]} : vector<20x16x512xf32> to vector<1x16x512xf32>
    %squeeze3A_3346 = vector.shape_cast %slice3A_3345 : vector<1x16x512xf32> to vector<16x512xf32>
    %get3A_3347 = arith.constant 0 : index
    %get3A_3348 = arith.constant 16 : index
    %get3A_3349 = arith.constant 6 : index
    %get3A_3350 = arith.constant 0 : index
    %get3A_3351 = arith.constant 0 : index
    %get3A_3352 = vector.load %arg1[%get3A_3347, %get3A_3348, %get3A_3349, %get3A_3350, %get3A_3351] : memref<1x20x20x16x512xf32, #tpu.memory_space<vmem>>, vector<1x1x1x16x512xf32>
    %get3A_3353 = vector.shape_cast %get3A_3352 : vector<1x1x1x16x512xf32> to vector<16x512xf32>
    %mul3A_3354 = arith.mulf %get3A_3353, %squeeze3A_3346 : vector<16x512xf32>
    %add3A_3355 = arith.addf %add3A_3317, %mul3A_3354 : vector<16x512xf32>
    %get3A_3356 = arith.constant 0 : index
    %get3A_3357 = arith.constant 17 : index
    %get3A_3358 = arith.constant 6 : index
    %get3A_3359 = arith.constant 0 : index
    %get3A_3360 = arith.constant 0 : index
    %get3A_3361 = vector.load %arg1[%get3A_3356, %get3A_3357, %get3A_3358, %get3A_3359, %get3A_3360] : memref<1x20x20x16x512xf32, #tpu.memory_space<vmem>>, vector<1x1x1x16x512xf32>
    %get3A_3362 = vector.shape_cast %get3A_3361 : vector<1x1x1x16x512xf32> to vector<16x512xf32>
    %mul3A_3363 = arith.mulf %get3A_3362, %squeeze3A_3346 : vector<16x512xf32>
    %add3A_3364 = arith.addf %add3A_3326, %mul3A_3363 : vector<16x512xf32>
    %get3A_3365 = arith.constant 0 : index
    %get3A_3366 = arith.constant 18 : index
    %get3A_3367 = arith.constant 6 : index
    %get3A_3368 = arith.constant 0 : index
    %get3A_3369 = arith.constant 0 : index
    %get3A_3370 = vector.load %arg1[%get3A_3365, %get3A_3366, %get3A_3367, %get3A_3368, %get3A_3369] : memref<1x20x20x16x512xf32, #tpu.memory_space<vmem>>, vector<1x1x1x16x512xf32>
    %get3A_3371 = vector.shape_cast %get3A_3370 : vector<1x1x1x16x512xf32> to vector<16x512xf32>
    %mul3A_3372 = arith.mulf %get3A_3371, %squeeze3A_3346 : vector<16x512xf32>
    %add3A_3373 = arith.addf %add3A_3335, %mul3A_3372 : vector<16x512xf32>
    %get3A_3374 = arith.constant 0 : index
    %get3A_3375 = arith.constant 19 : index
    %get3A_3376 = arith.constant 6 : index
    %get3A_3377 = arith.constant 0 : index
    %get3A_3378 = arith.constant 0 : index
    %get3A_3379 = vector.load %arg1[%get3A_3374, %get3A_3375, %get3A_3376, %get3A_3377, %get3A_3378] : memref<1x20x20x16x512xf32, #tpu.memory_space<vmem>>, vector<1x1x1x16x512xf32>
    %get3A_3380 = vector.shape_cast %get3A_3379 : vector<1x1x1x16x512xf32> to vector<16x512xf32>
    %mul3A_3381 = arith.mulf %get3A_3380, %squeeze3A_3346 : vector<16x512xf32>
    %add3A_3382 = arith.addf %add3A_3344, %mul3A_3381 : vector<16x512xf32>
    %slice3A_3383 = vector.extract_strided_slice %select_n3A {offsets = [7, 0, 0], sizes = [1, 16, 512], strides = [1, 1, 1]} : vector<20x16x512xf32> to vector<1x16x512xf32>
    %squeeze3A_3384 = vector.shape_cast %slice3A_3383 : vector<1x16x512xf32> to vector<16x512xf32>
    %get3A_3385 = arith.constant 0 : index
    %get3A_3386 = arith.constant 16 : index
    %get3A_3387 = arith.constant 7 : index
    %get3A_3388 = arith.constant 0 : index
    %get3A_3389 = arith.constant 0 : index
    %get3A_3390 = vector.load %arg1[%get3A_3385, %get3A_3386, %get3A_3387, %get3A_3388, %get3A_3389] : memref<1x20x20x16x512xf32, #tpu.memory_space<vmem>>, vector<1x1x1x16x512xf32>
    %get3A_3391 = vector.shape_cast %get3A_3390 : vector<1x1x1x16x512xf32> to vector<16x512xf32>
    %mul3A_3392 = arith.mulf %get3A_3391, %squeeze3A_3384 : vector<16x512xf32>
    %add3A_3393 = arith.addf %add3A_3355, %mul3A_3392 : vector<16x512xf32>
    %get3A_3394 = arith.constant 0 : index
    %get3A_3395 = arith.constant 17 : index
    %get3A_3396 = arith.constant 7 : index
    %get3A_3397 = arith.constant 0 : index
    %get3A_3398 = arith.constant 0 : index
    %get3A_3399 = vector.load %arg1[%get3A_3394, %get3A_3395, %get3A_3396, %get3A_3397, %get3A_3398] : memref<1x20x20x16x512xf32, #tpu.memory_space<vmem>>, vector<1x1x1x16x512xf32>
    %get3A_3400 = vector.shape_cast %get3A_3399 : vector<1x1x1x16x512xf32> to vector<16x512xf32>
    %mul3A_3401 = arith.mulf %get3A_3400, %squeeze3A_3384 : vector<16x512xf32>
    %add3A_3402 = arith.addf %add3A_3364, %mul3A_3401 : vector<16x512xf32>
    %get3A_3403 = arith.constant 0 : index
    %get3A_3404 = arith.constant 18 : index
    %get3A_3405 = arith.constant 7 : index
    %get3A_3406 = arith.constant 0 : index
    %get3A_3407 = arith.constant 0 : index
    %get3A_3408 = vector.load %arg1[%get3A_3403, %get3A_3404, %get3A_3405, %get3A_3406, %get3A_3407] : memref<1x20x20x16x512xf32, #tpu.memory_space<vmem>>, vector<1x1x1x16x512xf32>
    %get3A_3409 = vector.shape_cast %get3A_3408 : vector<1x1x1x16x512xf32> to vector<16x512xf32>
    %mul3A_3410 = arith.mulf %get3A_3409, %squeeze3A_3384 : vector<16x512xf32>
    %add3A_3411 = arith.addf %add3A_3373, %mul3A_3410 : vector<16x512xf32>
    %get3A_3412 = arith.constant 0 : index
    %get3A_3413 = arith.constant 19 : index
    %get3A_3414 = arith.constant 7 : index
    %get3A_3415 = arith.constant 0 : index
    %get3A_3416 = arith.constant 0 : index
    %get3A_3417 = vector.load %arg1[%get3A_3412, %get3A_3413, %get3A_3414, %get3A_3415, %get3A_3416] : memref<1x20x20x16x512xf32, #tpu.memory_space<vmem>>, vector<1x1x1x16x512xf32>
    %get3A_3418 = vector.shape_cast %get3A_3417 : vector<1x1x1x16x512xf32> to vector<16x512xf32>
    %mul3A_3419 = arith.mulf %get3A_3418, %squeeze3A_3384 : vector<16x512xf32>
    %add3A_3420 = arith.addf %add3A_3382, %mul3A_3419 : vector<16x512xf32>
    %slice3A_3421 = vector.extract_strided_slice %select_n3A {offsets = [8, 0, 0], sizes = [1, 16, 512], strides = [1, 1, 1]} : vector<20x16x512xf32> to vector<1x16x512xf32>
    %squeeze3A_3422 = vector.shape_cast %slice3A_3421 : vector<1x16x512xf32> to vector<16x512xf32>
    %get3A_3423 = arith.constant 0 : index
    %get3A_3424 = arith.constant 16 : index
    %get3A_3425 = arith.constant 8 : index
    %get3A_3426 = arith.constant 0 : index
    %get3A_3427 = arith.constant 0 : index
    %get3A_3428 = vector.load %arg1[%get3A_3423, %get3A_3424, %get3A_3425, %get3A_3426, %get3A_3427] : memref<1x20x20x16x512xf32, #tpu.memory_space<vmem>>, vector<1x1x1x16x512xf32>
    %get3A_3429 = vector.shape_cast %get3A_3428 : vector<1x1x1x16x512xf32> to vector<16x512xf32>
    %mul3A_3430 = arith.mulf %get3A_3429, %squeeze3A_3422 : vector<16x512xf32>
    %add3A_3431 = arith.addf %add3A_3393, %mul3A_3430 : vector<16x512xf32>
    %get3A_3432 = arith.constant 0 : index
    %get3A_3433 = arith.constant 17 : index
    %get3A_3434 = arith.constant 8 : index
    %get3A_3435 = arith.constant 0 : index
    %get3A_3436 = arith.constant 0 : index
    %get3A_3437 = vector.load %arg1[%get3A_3432, %get3A_3433, %get3A_3434, %get3A_3435, %get3A_3436] : memref<1x20x20x16x512xf32, #tpu.memory_space<vmem>>, vector<1x1x1x16x512xf32>
    %get3A_3438 = vector.shape_cast %get3A_3437 : vector<1x1x1x16x512xf32> to vector<16x512xf32>
    %mul3A_3439 = arith.mulf %get3A_3438, %squeeze3A_3422 : vector<16x512xf32>
    %add3A_3440 = arith.addf %add3A_3402, %mul3A_3439 : vector<16x512xf32>
    %get3A_3441 = arith.constant 0 : index
    %get3A_3442 = arith.constant 18 : index
    %get3A_3443 = arith.constant 8 : index
    %get3A_3444 = arith.constant 0 : index
    %get3A_3445 = arith.constant 0 : index
    %get3A_3446 = vector.load %arg1[%get3A_3441, %get3A_3442, %get3A_3443, %get3A_3444, %get3A_3445] : memref<1x20x20x16x512xf32, #tpu.memory_space<vmem>>, vector<1x1x1x16x512xf32>
    %get3A_3447 = vector.shape_cast %get3A_3446 : vector<1x1x1x16x512xf32> to vector<16x512xf32>
    %mul3A_3448 = arith.mulf %get3A_3447, %squeeze3A_3422 : vector<16x512xf32>
    %add3A_3449 = arith.addf %add3A_3411, %mul3A_3448 : vector<16x512xf32>
    %get3A_3450 = arith.constant 0 : index
    %get3A_3451 = arith.constant 19 : index
    %get3A_3452 = arith.constant 8 : index
    %get3A_3453 = arith.constant 0 : index
    %get3A_3454 = arith.constant 0 : index
    %get3A_3455 = vector.load %arg1[%get3A_3450, %get3A_3451, %get3A_3452, %get3A_3453, %get3A_3454] : memref<1x20x20x16x512xf32, #tpu.memory_space<vmem>>, vector<1x1x1x16x512xf32>
    %get3A_3456 = vector.shape_cast %get3A_3455 : vector<1x1x1x16x512xf32> to vector<16x512xf32>
    %mul3A_3457 = arith.mulf %get3A_3456, %squeeze3A_3422 : vector<16x512xf32>
    %add3A_3458 = arith.addf %add3A_3420, %mul3A_3457 : vector<16x512xf32>
    %slice3A_3459 = vector.extract_strided_slice %select_n3A {offsets = [9, 0, 0], sizes = [1, 16, 512], strides = [1, 1, 1]} : vector<20x16x512xf32> to vector<1x16x512xf32>
    %squeeze3A_3460 = vector.shape_cast %slice3A_3459 : vector<1x16x512xf32> to vector<16x512xf32>
    %get3A_3461 = arith.constant 0 : index
    %get3A_3462 = arith.constant 16 : index
    %get3A_3463 = arith.constant 9 : index
    %get3A_3464 = arith.constant 0 : index
    %get3A_3465 = arith.constant 0 : index
    %get3A_3466 = vector.load %arg1[%get3A_3461, %get3A_3462, %get3A_3463, %get3A_3464, %get3A_3465] : memref<1x20x20x16x512xf32, #tpu.memory_space<vmem>>, vector<1x1x1x16x512xf32>
    %get3A_3467 = vector.shape_cast %get3A_3466 : vector<1x1x1x16x512xf32> to vector<16x512xf32>
    %mul3A_3468 = arith.mulf %get3A_3467, %squeeze3A_3460 : vector<16x512xf32>
    %add3A_3469 = arith.addf %add3A_3431, %mul3A_3468 : vector<16x512xf32>
    %get3A_3470 = arith.constant 0 : index
    %get3A_3471 = arith.constant 17 : index
    %get3A_3472 = arith.constant 9 : index
    %get3A_3473 = arith.constant 0 : index
    %get3A_3474 = arith.constant 0 : index
    %get3A_3475 = vector.load %arg1[%get3A_3470, %get3A_3471, %get3A_3472, %get3A_3473, %get3A_3474] : memref<1x20x20x16x512xf32, #tpu.memory_space<vmem>>, vector<1x1x1x16x512xf32>
    %get3A_3476 = vector.shape_cast %get3A_3475 : vector<1x1x1x16x512xf32> to vector<16x512xf32>
    %mul3A_3477 = arith.mulf %get3A_3476, %squeeze3A_3460 : vector<16x512xf32>
    %add3A_3478 = arith.addf %add3A_3440, %mul3A_3477 : vector<16x512xf32>
    %get3A_3479 = arith.constant 0 : index
    %get3A_3480 = arith.constant 18 : index
    %get3A_3481 = arith.constant 9 : index
    %get3A_3482 = arith.constant 0 : index
    %get3A_3483 = arith.constant 0 : index
    %get3A_3484 = vector.load %arg1[%get3A_3479, %get3A_3480, %get3A_3481, %get3A_3482, %get3A_3483] : memref<1x20x20x16x512xf32, #tpu.memory_space<vmem>>, vector<1x1x1x16x512xf32>
    %get3A_3485 = vector.shape_cast %get3A_3484 : vector<1x1x1x16x512xf32> to vector<16x512xf32>
    %mul3A_3486 = arith.mulf %get3A_3485, %squeeze3A_3460 : vector<16x512xf32>
    %add3A_3487 = arith.addf %add3A_3449, %mul3A_3486 : vector<16x512xf32>
    %get3A_3488 = arith.constant 0 : index
    %get3A_3489 = arith.constant 19 : index
    %get3A_3490 = arith.constant 9 : index
    %get3A_3491 = arith.constant 0 : index
    %get3A_3492 = arith.constant 0 : index
    %get3A_3493 = vector.load %arg1[%get3A_3488, %get3A_3489, %get3A_3490, %get3A_3491, %get3A_3492] : memref<1x20x20x16x512xf32, #tpu.memory_space<vmem>>, vector<1x1x1x16x512xf32>
    %get3A_3494 = vector.shape_cast %get3A_3493 : vector<1x1x1x16x512xf32> to vector<16x512xf32>
    %mul3A_3495 = arith.mulf %get3A_3494, %squeeze3A_3460 : vector<16x512xf32>
    %add3A_3496 = arith.addf %add3A_3458, %mul3A_3495 : vector<16x512xf32>
    %slice3A_3497 = vector.extract_strided_slice %select_n3A {offsets = [10, 0, 0], sizes = [1, 16, 512], strides = [1, 1, 1]} : vector<20x16x512xf32> to vector<1x16x512xf32>
    %squeeze3A_3498 = vector.shape_cast %slice3A_3497 : vector<1x16x512xf32> to vector<16x512xf32>
    %get3A_3499 = arith.constant 0 : index
    %get3A_3500 = arith.constant 16 : index
    %get3A_3501 = arith.constant 10 : index
    %get3A_3502 = arith.constant 0 : index
    %get3A_3503 = arith.constant 0 : index
    %get3A_3504 = vector.load %arg1[%get3A_3499, %get3A_3500, %get3A_3501, %get3A_3502, %get3A_3503] : memref<1x20x20x16x512xf32, #tpu.memory_space<vmem>>, vector<1x1x1x16x512xf32>
    %get3A_3505 = vector.shape_cast %get3A_3504 : vector<1x1x1x16x512xf32> to vector<16x512xf32>
    %mul3A_3506 = arith.mulf %get3A_3505, %squeeze3A_3498 : vector<16x512xf32>
    %add3A_3507 = arith.addf %add3A_3469, %mul3A_3506 : vector<16x512xf32>
    %get3A_3508 = arith.constant 0 : index
    %get3A_3509 = arith.constant 17 : index
    %get3A_3510 = arith.constant 10 : index
    %get3A_3511 = arith.constant 0 : index
    %get3A_3512 = arith.constant 0 : index
    %get3A_3513 = vector.load %arg1[%get3A_3508, %get3A_3509, %get3A_3510, %get3A_3511, %get3A_3512] : memref<1x20x20x16x512xf32, #tpu.memory_space<vmem>>, vector<1x1x1x16x512xf32>
    %get3A_3514 = vector.shape_cast %get3A_3513 : vector<1x1x1x16x512xf32> to vector<16x512xf32>
    %mul3A_3515 = arith.mulf %get3A_3514, %squeeze3A_3498 : vector<16x512xf32>
    %add3A_3516 = arith.addf %add3A_3478, %mul3A_3515 : vector<16x512xf32>
    %get3A_3517 = arith.constant 0 : index
    %get3A_3518 = arith.constant 18 : index
    %get3A_3519 = arith.constant 10 : index
    %get3A_3520 = arith.constant 0 : index
    %get3A_3521 = arith.constant 0 : index
    %get3A_3522 = vector.load %arg1[%get3A_3517, %get3A_3518, %get3A_3519, %get3A_3520, %get3A_3521] : memref<1x20x20x16x512xf32, #tpu.memory_space<vmem>>, vector<1x1x1x16x512xf32>
    %get3A_3523 = vector.shape_cast %get3A_3522 : vector<1x1x1x16x512xf32> to vector<16x512xf32>
    %mul3A_3524 = arith.mulf %get3A_3523, %squeeze3A_3498 : vector<16x512xf32>
    %add3A_3525 = arith.addf %add3A_3487, %mul3A_3524 : vector<16x512xf32>
    %get3A_3526 = arith.constant 0 : index
    %get3A_3527 = arith.constant 19 : index
    %get3A_3528 = arith.constant 10 : index
    %get3A_3529 = arith.constant 0 : index
    %get3A_3530 = arith.constant 0 : index
    %get3A_3531 = vector.load %arg1[%get3A_3526, %get3A_3527, %get3A_3528, %get3A_3529, %get3A_3530] : memref<1x20x20x16x512xf32, #tpu.memory_space<vmem>>, vector<1x1x1x16x512xf32>
    %get3A_3532 = vector.shape_cast %get3A_3531 : vector<1x1x1x16x512xf32> to vector<16x512xf32>
    %mul3A_3533 = arith.mulf %get3A_3532, %squeeze3A_3498 : vector<16x512xf32>
    %add3A_3534 = arith.addf %add3A_3496, %mul3A_3533 : vector<16x512xf32>
    %slice3A_3535 = vector.extract_strided_slice %select_n3A {offsets = [11, 0, 0], sizes = [1, 16, 512], strides = [1, 1, 1]} : vector<20x16x512xf32> to vector<1x16x512xf32>
    %squeeze3A_3536 = vector.shape_cast %slice3A_3535 : vector<1x16x512xf32> to vector<16x512xf32>
    %get3A_3537 = arith.constant 0 : index
    %get3A_3538 = arith.constant 16 : index
    %get3A_3539 = arith.constant 11 : index
    %get3A_3540 = arith.constant 0 : index
    %get3A_3541 = arith.constant 0 : index
    %get3A_3542 = vector.load %arg1[%get3A_3537, %get3A_3538, %get3A_3539, %get3A_3540, %get3A_3541] : memref<1x20x20x16x512xf32, #tpu.memory_space<vmem>>, vector<1x1x1x16x512xf32>
    %get3A_3543 = vector.shape_cast %get3A_3542 : vector<1x1x1x16x512xf32> to vector<16x512xf32>
    %mul3A_3544 = arith.mulf %get3A_3543, %squeeze3A_3536 : vector<16x512xf32>
    %add3A_3545 = arith.addf %add3A_3507, %mul3A_3544 : vector<16x512xf32>
    %get3A_3546 = arith.constant 0 : index
    %get3A_3547 = arith.constant 17 : index
    %get3A_3548 = arith.constant 11 : index
    %get3A_3549 = arith.constant 0 : index
    %get3A_3550 = arith.constant 0 : index
    %get3A_3551 = vector.load %arg1[%get3A_3546, %get3A_3547, %get3A_3548, %get3A_3549, %get3A_3550] : memref<1x20x20x16x512xf32, #tpu.memory_space<vmem>>, vector<1x1x1x16x512xf32>
    %get3A_3552 = vector.shape_cast %get3A_3551 : vector<1x1x1x16x512xf32> to vector<16x512xf32>
    %mul3A_3553 = arith.mulf %get3A_3552, %squeeze3A_3536 : vector<16x512xf32>
    %add3A_3554 = arith.addf %add3A_3516, %mul3A_3553 : vector<16x512xf32>
    %get3A_3555 = arith.constant 0 : index
    %get3A_3556 = arith.constant 18 : index
    %get3A_3557 = arith.constant 11 : index
    %get3A_3558 = arith.constant 0 : index
    %get3A_3559 = arith.constant 0 : index
    %get3A_3560 = vector.load %arg1[%get3A_3555, %get3A_3556, %get3A_3557, %get3A_3558, %get3A_3559] : memref<1x20x20x16x512xf32, #tpu.memory_space<vmem>>, vector<1x1x1x16x512xf32>
    %get3A_3561 = vector.shape_cast %get3A_3560 : vector<1x1x1x16x512xf32> to vector<16x512xf32>
    %mul3A_3562 = arith.mulf %get3A_3561, %squeeze3A_3536 : vector<16x512xf32>
    %add3A_3563 = arith.addf %add3A_3525, %mul3A_3562 : vector<16x512xf32>
    %get3A_3564 = arith.constant 0 : index
    %get3A_3565 = arith.constant 19 : index
    %get3A_3566 = arith.constant 11 : index
    %get3A_3567 = arith.constant 0 : index
    %get3A_3568 = arith.constant 0 : index
    %get3A_3569 = vector.load %arg1[%get3A_3564, %get3A_3565, %get3A_3566, %get3A_3567, %get3A_3568] : memref<1x20x20x16x512xf32, #tpu.memory_space<vmem>>, vector<1x1x1x16x512xf32>
    %get3A_3570 = vector.shape_cast %get3A_3569 : vector<1x1x1x16x512xf32> to vector<16x512xf32>
    %mul3A_3571 = arith.mulf %get3A_3570, %squeeze3A_3536 : vector<16x512xf32>
    %add3A_3572 = arith.addf %add3A_3534, %mul3A_3571 : vector<16x512xf32>
    %slice3A_3573 = vector.extract_strided_slice %select_n3A {offsets = [12, 0, 0], sizes = [1, 16, 512], strides = [1, 1, 1]} : vector<20x16x512xf32> to vector<1x16x512xf32>
    %squeeze3A_3574 = vector.shape_cast %slice3A_3573 : vector<1x16x512xf32> to vector<16x512xf32>
    %get3A_3575 = arith.constant 0 : index
    %get3A_3576 = arith.constant 16 : index
    %get3A_3577 = arith.constant 12 : index
    %get3A_3578 = arith.constant 0 : index
    %get3A_3579 = arith.constant 0 : index
    %get3A_3580 = vector.load %arg1[%get3A_3575, %get3A_3576, %get3A_3577, %get3A_3578, %get3A_3579] : memref<1x20x20x16x512xf32, #tpu.memory_space<vmem>>, vector<1x1x1x16x512xf32>
    %get3A_3581 = vector.shape_cast %get3A_3580 : vector<1x1x1x16x512xf32> to vector<16x512xf32>
    %mul3A_3582 = arith.mulf %get3A_3581, %squeeze3A_3574 : vector<16x512xf32>
    %add3A_3583 = arith.addf %add3A_3545, %mul3A_3582 : vector<16x512xf32>
    %get3A_3584 = arith.constant 0 : index
    %get3A_3585 = arith.constant 17 : index
    %get3A_3586 = arith.constant 12 : index
    %get3A_3587 = arith.constant 0 : index
    %get3A_3588 = arith.constant 0 : index
    %get3A_3589 = vector.load %arg1[%get3A_3584, %get3A_3585, %get3A_3586, %get3A_3587, %get3A_3588] : memref<1x20x20x16x512xf32, #tpu.memory_space<vmem>>, vector<1x1x1x16x512xf32>
    %get3A_3590 = vector.shape_cast %get3A_3589 : vector<1x1x1x16x512xf32> to vector<16x512xf32>
    %mul3A_3591 = arith.mulf %get3A_3590, %squeeze3A_3574 : vector<16x512xf32>
    %add3A_3592 = arith.addf %add3A_3554, %mul3A_3591 : vector<16x512xf32>
    %get3A_3593 = arith.constant 0 : index
    %get3A_3594 = arith.constant 18 : index
    %get3A_3595 = arith.constant 12 : index
    %get3A_3596 = arith.constant 0 : index
    %get3A_3597 = arith.constant 0 : index
    %get3A_3598 = vector.load %arg1[%get3A_3593, %get3A_3594, %get3A_3595, %get3A_3596, %get3A_3597] : memref<1x20x20x16x512xf32, #tpu.memory_space<vmem>>, vector<1x1x1x16x512xf32>
    %get3A_3599 = vector.shape_cast %get3A_3598 : vector<1x1x1x16x512xf32> to vector<16x512xf32>
    %mul3A_3600 = arith.mulf %get3A_3599, %squeeze3A_3574 : vector<16x512xf32>
    %add3A_3601 = arith.addf %add3A_3563, %mul3A_3600 : vector<16x512xf32>
    %get3A_3602 = arith.constant 0 : index
    %get3A_3603 = arith.constant 19 : index
    %get3A_3604 = arith.constant 12 : index
    %get3A_3605 = arith.constant 0 : index
    %get3A_3606 = arith.constant 0 : index
    %get3A_3607 = vector.load %arg1[%get3A_3602, %get3A_3603, %get3A_3604, %get3A_3605, %get3A_3606] : memref<1x20x20x16x512xf32, #tpu.memory_space<vmem>>, vector<1x1x1x16x512xf32>
    %get3A_3608 = vector.shape_cast %get3A_3607 : vector<1x1x1x16x512xf32> to vector<16x512xf32>
    %mul3A_3609 = arith.mulf %get3A_3608, %squeeze3A_3574 : vector<16x512xf32>
    %add3A_3610 = arith.addf %add3A_3572, %mul3A_3609 : vector<16x512xf32>
    %slice3A_3611 = vector.extract_strided_slice %select_n3A {offsets = [13, 0, 0], sizes = [1, 16, 512], strides = [1, 1, 1]} : vector<20x16x512xf32> to vector<1x16x512xf32>
    %squeeze3A_3612 = vector.shape_cast %slice3A_3611 : vector<1x16x512xf32> to vector<16x512xf32>
    %get3A_3613 = arith.constant 0 : index
    %get3A_3614 = arith.constant 16 : index
    %get3A_3615 = arith.constant 13 : index
    %get3A_3616 = arith.constant 0 : index
    %get3A_3617 = arith.constant 0 : index
    %get3A_3618 = vector.load %arg1[%get3A_3613, %get3A_3614, %get3A_3615, %get3A_3616, %get3A_3617] : memref<1x20x20x16x512xf32, #tpu.memory_space<vmem>>, vector<1x1x1x16x512xf32>
    %get3A_3619 = vector.shape_cast %get3A_3618 : vector<1x1x1x16x512xf32> to vector<16x512xf32>
    %mul3A_3620 = arith.mulf %get3A_3619, %squeeze3A_3612 : vector<16x512xf32>
    %add3A_3621 = arith.addf %add3A_3583, %mul3A_3620 : vector<16x512xf32>
    %get3A_3622 = arith.constant 0 : index
    %get3A_3623 = arith.constant 17 : index
    %get3A_3624 = arith.constant 13 : index
    %get3A_3625 = arith.constant 0 : index
    %get3A_3626 = arith.constant 0 : index
    %get3A_3627 = vector.load %arg1[%get3A_3622, %get3A_3623, %get3A_3624, %get3A_3625, %get3A_3626] : memref<1x20x20x16x512xf32, #tpu.memory_space<vmem>>, vector<1x1x1x16x512xf32>
    %get3A_3628 = vector.shape_cast %get3A_3627 : vector<1x1x1x16x512xf32> to vector<16x512xf32>
    %mul3A_3629 = arith.mulf %get3A_3628, %squeeze3A_3612 : vector<16x512xf32>
    %add3A_3630 = arith.addf %add3A_3592, %mul3A_3629 : vector<16x512xf32>
    %get3A_3631 = arith.constant 0 : index
    %get3A_3632 = arith.constant 18 : index
    %get3A_3633 = arith.constant 13 : index
    %get3A_3634 = arith.constant 0 : index
    %get3A_3635 = arith.constant 0 : index
    %get3A_3636 = vector.load %arg1[%get3A_3631, %get3A_3632, %get3A_3633, %get3A_3634, %get3A_3635] : memref<1x20x20x16x512xf32, #tpu.memory_space<vmem>>, vector<1x1x1x16x512xf32>
    %get3A_3637 = vector.shape_cast %get3A_3636 : vector<1x1x1x16x512xf32> to vector<16x512xf32>
    %mul3A_3638 = arith.mulf %get3A_3637, %squeeze3A_3612 : vector<16x512xf32>
    %add3A_3639 = arith.addf %add3A_3601, %mul3A_3638 : vector<16x512xf32>
    %get3A_3640 = arith.constant 0 : index
    %get3A_3641 = arith.constant 19 : index
    %get3A_3642 = arith.constant 13 : index
    %get3A_3643 = arith.constant 0 : index
    %get3A_3644 = arith.constant 0 : index
    %get3A_3645 = vector.load %arg1[%get3A_3640, %get3A_3641, %get3A_3642, %get3A_3643, %get3A_3644] : memref<1x20x20x16x512xf32, #tpu.memory_space<vmem>>, vector<1x1x1x16x512xf32>
    %get3A_3646 = vector.shape_cast %get3A_3645 : vector<1x1x1x16x512xf32> to vector<16x512xf32>
    %mul3A_3647 = arith.mulf %get3A_3646, %squeeze3A_3612 : vector<16x512xf32>
    %add3A_3648 = arith.addf %add3A_3610, %mul3A_3647 : vector<16x512xf32>
    %slice3A_3649 = vector.extract_strided_slice %select_n3A {offsets = [14, 0, 0], sizes = [1, 16, 512], strides = [1, 1, 1]} : vector<20x16x512xf32> to vector<1x16x512xf32>
    %squeeze3A_3650 = vector.shape_cast %slice3A_3649 : vector<1x16x512xf32> to vector<16x512xf32>
    %get3A_3651 = arith.constant 0 : index
    %get3A_3652 = arith.constant 16 : index
    %get3A_3653 = arith.constant 14 : index
    %get3A_3654 = arith.constant 0 : index
    %get3A_3655 = arith.constant 0 : index
    %get3A_3656 = vector.load %arg1[%get3A_3651, %get3A_3652, %get3A_3653, %get3A_3654, %get3A_3655] : memref<1x20x20x16x512xf32, #tpu.memory_space<vmem>>, vector<1x1x1x16x512xf32>
    %get3A_3657 = vector.shape_cast %get3A_3656 : vector<1x1x1x16x512xf32> to vector<16x512xf32>
    %mul3A_3658 = arith.mulf %get3A_3657, %squeeze3A_3650 : vector<16x512xf32>
    %add3A_3659 = arith.addf %add3A_3621, %mul3A_3658 : vector<16x512xf32>
    %get3A_3660 = arith.constant 0 : index
    %get3A_3661 = arith.constant 17 : index
    %get3A_3662 = arith.constant 14 : index
    %get3A_3663 = arith.constant 0 : index
    %get3A_3664 = arith.constant 0 : index
    %get3A_3665 = vector.load %arg1[%get3A_3660, %get3A_3661, %get3A_3662, %get3A_3663, %get3A_3664] : memref<1x20x20x16x512xf32, #tpu.memory_space<vmem>>, vector<1x1x1x16x512xf32>
    %get3A_3666 = vector.shape_cast %get3A_3665 : vector<1x1x1x16x512xf32> to vector<16x512xf32>
    %mul3A_3667 = arith.mulf %get3A_3666, %squeeze3A_3650 : vector<16x512xf32>
    %add3A_3668 = arith.addf %add3A_3630, %mul3A_3667 : vector<16x512xf32>
    %get3A_3669 = arith.constant 0 : index
    %get3A_3670 = arith.constant 18 : index
    %get3A_3671 = arith.constant 14 : index
    %get3A_3672 = arith.constant 0 : index
    %get3A_3673 = arith.constant 0 : index
    %get3A_3674 = vector.load %arg1[%get3A_3669, %get3A_3670, %get3A_3671, %get3A_3672, %get3A_3673] : memref<1x20x20x16x512xf32, #tpu.memory_space<vmem>>, vector<1x1x1x16x512xf32>
    %get3A_3675 = vector.shape_cast %get3A_3674 : vector<1x1x1x16x512xf32> to vector<16x512xf32>
    %mul3A_3676 = arith.mulf %get3A_3675, %squeeze3A_3650 : vector<16x512xf32>
    %add3A_3677 = arith.addf %add3A_3639, %mul3A_3676 : vector<16x512xf32>
    %get3A_3678 = arith.constant 0 : index
    %get3A_3679 = arith.constant 19 : index
    %get3A_3680 = arith.constant 14 : index
    %get3A_3681 = arith.constant 0 : index
    %get3A_3682 = arith.constant 0 : index
    %get3A_3683 = vector.load %arg1[%get3A_3678, %get3A_3679, %get3A_3680, %get3A_3681, %get3A_3682] : memref<1x20x20x16x512xf32, #tpu.memory_space<vmem>>, vector<1x1x1x16x512xf32>
    %get3A_3684 = vector.shape_cast %get3A_3683 : vector<1x1x1x16x512xf32> to vector<16x512xf32>
    %mul3A_3685 = arith.mulf %get3A_3684, %squeeze3A_3650 : vector<16x512xf32>
    %add3A_3686 = arith.addf %add3A_3648, %mul3A_3685 : vector<16x512xf32>
    %slice3A_3687 = vector.extract_strided_slice %select_n3A {offsets = [15, 0, 0], sizes = [1, 16, 512], strides = [1, 1, 1]} : vector<20x16x512xf32> to vector<1x16x512xf32>
    %squeeze3A_3688 = vector.shape_cast %slice3A_3687 : vector<1x16x512xf32> to vector<16x512xf32>
    %get3A_3689 = arith.constant 0 : index
    %get3A_3690 = arith.constant 16 : index
    %get3A_3691 = arith.constant 15 : index
    %get3A_3692 = arith.constant 0 : index
    %get3A_3693 = arith.constant 0 : index
    %get3A_3694 = vector.load %arg1[%get3A_3689, %get3A_3690, %get3A_3691, %get3A_3692, %get3A_3693] : memref<1x20x20x16x512xf32, #tpu.memory_space<vmem>>, vector<1x1x1x16x512xf32>
    %get3A_3695 = vector.shape_cast %get3A_3694 : vector<1x1x1x16x512xf32> to vector<16x512xf32>
    %mul3A_3696 = arith.mulf %get3A_3695, %squeeze3A_3688 : vector<16x512xf32>
    %add3A_3697 = arith.addf %add3A_3659, %mul3A_3696 : vector<16x512xf32>
    %get3A_3698 = arith.constant 0 : index
    %get3A_3699 = arith.constant 17 : index
    %get3A_3700 = arith.constant 15 : index
    %get3A_3701 = arith.constant 0 : index
    %get3A_3702 = arith.constant 0 : index
    %get3A_3703 = vector.load %arg1[%get3A_3698, %get3A_3699, %get3A_3700, %get3A_3701, %get3A_3702] : memref<1x20x20x16x512xf32, #tpu.memory_space<vmem>>, vector<1x1x1x16x512xf32>
    %get3A_3704 = vector.shape_cast %get3A_3703 : vector<1x1x1x16x512xf32> to vector<16x512xf32>
    %mul3A_3705 = arith.mulf %get3A_3704, %squeeze3A_3688 : vector<16x512xf32>
    %add3A_3706 = arith.addf %add3A_3668, %mul3A_3705 : vector<16x512xf32>
    %get3A_3707 = arith.constant 0 : index
    %get3A_3708 = arith.constant 18 : index
    %get3A_3709 = arith.constant 15 : index
    %get3A_3710 = arith.constant 0 : index
    %get3A_3711 = arith.constant 0 : index
    %get3A_3712 = vector.load %arg1[%get3A_3707, %get3A_3708, %get3A_3709, %get3A_3710, %get3A_3711] : memref<1x20x20x16x512xf32, #tpu.memory_space<vmem>>, vector<1x1x1x16x512xf32>
    %get3A_3713 = vector.shape_cast %get3A_3712 : vector<1x1x1x16x512xf32> to vector<16x512xf32>
    %mul3A_3714 = arith.mulf %get3A_3713, %squeeze3A_3688 : vector<16x512xf32>
    %add3A_3715 = arith.addf %add3A_3677, %mul3A_3714 : vector<16x512xf32>
    %get3A_3716 = arith.constant 0 : index
    %get3A_3717 = arith.constant 19 : index
    %get3A_3718 = arith.constant 15 : index
    %get3A_3719 = arith.constant 0 : index
    %get3A_3720 = arith.constant 0 : index
    %get3A_3721 = vector.load %arg1[%get3A_3716, %get3A_3717, %get3A_3718, %get3A_3719, %get3A_3720] : memref<1x20x20x16x512xf32, #tpu.memory_space<vmem>>, vector<1x1x1x16x512xf32>
    %get3A_3722 = vector.shape_cast %get3A_3721 : vector<1x1x1x16x512xf32> to vector<16x512xf32>
    %mul3A_3723 = arith.mulf %get3A_3722, %squeeze3A_3688 : vector<16x512xf32>
    %add3A_3724 = arith.addf %add3A_3686, %mul3A_3723 : vector<16x512xf32>
    %slice3A_3725 = vector.extract_strided_slice %select_n3A {offsets = [16, 0, 0], sizes = [1, 16, 512], strides = [1, 1, 1]} : vector<20x16x512xf32> to vector<1x16x512xf32>
    %squeeze3A_3726 = vector.shape_cast %slice3A_3725 : vector<1x16x512xf32> to vector<16x512xf32>
    %get3A_3727 = arith.constant 0 : index
    %get3A_3728 = arith.constant 16 : index
    %get3A_3729 = arith.constant 16 : index
    %get3A_3730 = arith.constant 0 : index
    %get3A_3731 = arith.constant 0 : index
    %get3A_3732 = vector.load %arg1[%get3A_3727, %get3A_3728, %get3A_3729, %get3A_3730, %get3A_3731] : memref<1x20x20x16x512xf32, #tpu.memory_space<vmem>>, vector<1x1x1x16x512xf32>
    %get3A_3733 = vector.shape_cast %get3A_3732 : vector<1x1x1x16x512xf32> to vector<16x512xf32>
    %mul3A_3734 = arith.mulf %get3A_3733, %squeeze3A_3726 : vector<16x512xf32>
    %add3A_3735 = arith.addf %add3A_3697, %mul3A_3734 : vector<16x512xf32>
    %get3A_3736 = arith.constant 0 : index
    %get3A_3737 = arith.constant 17 : index
    %get3A_3738 = arith.constant 16 : index
    %get3A_3739 = arith.constant 0 : index
    %get3A_3740 = arith.constant 0 : index
    %get3A_3741 = vector.load %arg1[%get3A_3736, %get3A_3737, %get3A_3738, %get3A_3739, %get3A_3740] : memref<1x20x20x16x512xf32, #tpu.memory_space<vmem>>, vector<1x1x1x16x512xf32>
    %get3A_3742 = vector.shape_cast %get3A_3741 : vector<1x1x1x16x512xf32> to vector<16x512xf32>
    %mul3A_3743 = arith.mulf %get3A_3742, %squeeze3A_3726 : vector<16x512xf32>
    %add3A_3744 = arith.addf %add3A_3706, %mul3A_3743 : vector<16x512xf32>
    %get3A_3745 = arith.constant 0 : index
    %get3A_3746 = arith.constant 18 : index
    %get3A_3747 = arith.constant 16 : index
    %get3A_3748 = arith.constant 0 : index
    %get3A_3749 = arith.constant 0 : index
    %get3A_3750 = vector.load %arg1[%get3A_3745, %get3A_3746, %get3A_3747, %get3A_3748, %get3A_3749] : memref<1x20x20x16x512xf32, #tpu.memory_space<vmem>>, vector<1x1x1x16x512xf32>
    %get3A_3751 = vector.shape_cast %get3A_3750 : vector<1x1x1x16x512xf32> to vector<16x512xf32>
    %mul3A_3752 = arith.mulf %get3A_3751, %squeeze3A_3726 : vector<16x512xf32>
    %add3A_3753 = arith.addf %add3A_3715, %mul3A_3752 : vector<16x512xf32>
    %get3A_3754 = arith.constant 0 : index
    %get3A_3755 = arith.constant 19 : index
    %get3A_3756 = arith.constant 16 : index
    %get3A_3757 = arith.constant 0 : index
    %get3A_3758 = arith.constant 0 : index
    %get3A_3759 = vector.load %arg1[%get3A_3754, %get3A_3755, %get3A_3756, %get3A_3757, %get3A_3758] : memref<1x20x20x16x512xf32, #tpu.memory_space<vmem>>, vector<1x1x1x16x512xf32>
    %get3A_3760 = vector.shape_cast %get3A_3759 : vector<1x1x1x16x512xf32> to vector<16x512xf32>
    %mul3A_3761 = arith.mulf %get3A_3760, %squeeze3A_3726 : vector<16x512xf32>
    %add3A_3762 = arith.addf %add3A_3724, %mul3A_3761 : vector<16x512xf32>
    %slice3A_3763 = vector.extract_strided_slice %select_n3A {offsets = [17, 0, 0], sizes = [1, 16, 512], strides = [1, 1, 1]} : vector<20x16x512xf32> to vector<1x16x512xf32>
    %squeeze3A_3764 = vector.shape_cast %slice3A_3763 : vector<1x16x512xf32> to vector<16x512xf32>
    %get3A_3765 = arith.constant 0 : index
    %get3A_3766 = arith.constant 16 : index
    %get3A_3767 = arith.constant 17 : index
    %get3A_3768 = arith.constant 0 : index
    %get3A_3769 = arith.constant 0 : index
    %get3A_3770 = vector.load %arg1[%get3A_3765, %get3A_3766, %get3A_3767, %get3A_3768, %get3A_3769] : memref<1x20x20x16x512xf32, #tpu.memory_space<vmem>>, vector<1x1x1x16x512xf32>
    %get3A_3771 = vector.shape_cast %get3A_3770 : vector<1x1x1x16x512xf32> to vector<16x512xf32>
    %mul3A_3772 = arith.mulf %get3A_3771, %squeeze3A_3764 : vector<16x512xf32>
    %add3A_3773 = arith.addf %add3A_3735, %mul3A_3772 : vector<16x512xf32>
    %get3A_3774 = arith.constant 0 : index
    %get3A_3775 = arith.constant 17 : index
    %get3A_3776 = arith.constant 17 : index
    %get3A_3777 = arith.constant 0 : index
    %get3A_3778 = arith.constant 0 : index
    %get3A_3779 = vector.load %arg1[%get3A_3774, %get3A_3775, %get3A_3776, %get3A_3777, %get3A_3778] : memref<1x20x20x16x512xf32, #tpu.memory_space<vmem>>, vector<1x1x1x16x512xf32>
    %get3A_3780 = vector.shape_cast %get3A_3779 : vector<1x1x1x16x512xf32> to vector<16x512xf32>
    %mul3A_3781 = arith.mulf %get3A_3780, %squeeze3A_3764 : vector<16x512xf32>
    %add3A_3782 = arith.addf %add3A_3744, %mul3A_3781 : vector<16x512xf32>
    %get3A_3783 = arith.constant 0 : index
    %get3A_3784 = arith.constant 18 : index
    %get3A_3785 = arith.constant 17 : index
    %get3A_3786 = arith.constant 0 : index
    %get3A_3787 = arith.constant 0 : index
    %get3A_3788 = vector.load %arg1[%get3A_3783, %get3A_3784, %get3A_3785, %get3A_3786, %get3A_3787] : memref<1x20x20x16x512xf32, #tpu.memory_space<vmem>>, vector<1x1x1x16x512xf32>
    %get3A_3789 = vector.shape_cast %get3A_3788 : vector<1x1x1x16x512xf32> to vector<16x512xf32>
    %mul3A_3790 = arith.mulf %get3A_3789, %squeeze3A_3764 : vector<16x512xf32>
    %add3A_3791 = arith.addf %add3A_3753, %mul3A_3790 : vector<16x512xf32>
    %get3A_3792 = arith.constant 0 : index
    %get3A_3793 = arith.constant 19 : index
    %get3A_3794 = arith.constant 17 : index
    %get3A_3795 = arith.constant 0 : index
    %get3A_3796 = arith.constant 0 : index
    %get3A_3797 = vector.load %arg1[%get3A_3792, %get3A_3793, %get3A_3794, %get3A_3795, %get3A_3796] : memref<1x20x20x16x512xf32, #tpu.memory_space<vmem>>, vector<1x1x1x16x512xf32>
    %get3A_3798 = vector.shape_cast %get3A_3797 : vector<1x1x1x16x512xf32> to vector<16x512xf32>
    %mul3A_3799 = arith.mulf %get3A_3798, %squeeze3A_3764 : vector<16x512xf32>
    %add3A_3800 = arith.addf %add3A_3762, %mul3A_3799 : vector<16x512xf32>
    %slice3A_3801 = vector.extract_strided_slice %select_n3A {offsets = [18, 0, 0], sizes = [1, 16, 512], strides = [1, 1, 1]} : vector<20x16x512xf32> to vector<1x16x512xf32>
    %squeeze3A_3802 = vector.shape_cast %slice3A_3801 : vector<1x16x512xf32> to vector<16x512xf32>
    %get3A_3803 = arith.constant 0 : index
    %get3A_3804 = arith.constant 16 : index
    %get3A_3805 = arith.constant 18 : index
    %get3A_3806 = arith.constant 0 : index
    %get3A_3807 = arith.constant 0 : index
    %get3A_3808 = vector.load %arg1[%get3A_3803, %get3A_3804, %get3A_3805, %get3A_3806, %get3A_3807] : memref<1x20x20x16x512xf32, #tpu.memory_space<vmem>>, vector<1x1x1x16x512xf32>
    %get3A_3809 = vector.shape_cast %get3A_3808 : vector<1x1x1x16x512xf32> to vector<16x512xf32>
    %mul3A_3810 = arith.mulf %get3A_3809, %squeeze3A_3802 : vector<16x512xf32>
    %add3A_3811 = arith.addf %add3A_3773, %mul3A_3810 : vector<16x512xf32>
    %get3A_3812 = arith.constant 0 : index
    %get3A_3813 = arith.constant 17 : index
    %get3A_3814 = arith.constant 18 : index
    %get3A_3815 = arith.constant 0 : index
    %get3A_3816 = arith.constant 0 : index
    %get3A_3817 = vector.load %arg1[%get3A_3812, %get3A_3813, %get3A_3814, %get3A_3815, %get3A_3816] : memref<1x20x20x16x512xf32, #tpu.memory_space<vmem>>, vector<1x1x1x16x512xf32>
    %get3A_3818 = vector.shape_cast %get3A_3817 : vector<1x1x1x16x512xf32> to vector<16x512xf32>
    %mul3A_3819 = arith.mulf %get3A_3818, %squeeze3A_3802 : vector<16x512xf32>
    %add3A_3820 = arith.addf %add3A_3782, %mul3A_3819 : vector<16x512xf32>
    %get3A_3821 = arith.constant 0 : index
    %get3A_3822 = arith.constant 18 : index
    %get3A_3823 = arith.constant 18 : index
    %get3A_3824 = arith.constant 0 : index
    %get3A_3825 = arith.constant 0 : index
    %get3A_3826 = vector.load %arg1[%get3A_3821, %get3A_3822, %get3A_3823, %get3A_3824, %get3A_3825] : memref<1x20x20x16x512xf32, #tpu.memory_space<vmem>>, vector<1x1x1x16x512xf32>
    %get3A_3827 = vector.shape_cast %get3A_3826 : vector<1x1x1x16x512xf32> to vector<16x512xf32>
    %mul3A_3828 = arith.mulf %get3A_3827, %squeeze3A_3802 : vector<16x512xf32>
    %add3A_3829 = arith.addf %add3A_3791, %mul3A_3828 : vector<16x512xf32>
    %get3A_3830 = arith.constant 0 : index
    %get3A_3831 = arith.constant 19 : index
    %get3A_3832 = arith.constant 18 : index
    %get3A_3833 = arith.constant 0 : index
    %get3A_3834 = arith.constant 0 : index
    %get3A_3835 = vector.load %arg1[%get3A_3830, %get3A_3831, %get3A_3832, %get3A_3833, %get3A_3834] : memref<1x20x20x16x512xf32, #tpu.memory_space<vmem>>, vector<1x1x1x16x512xf32>
    %get3A_3836 = vector.shape_cast %get3A_3835 : vector<1x1x1x16x512xf32> to vector<16x512xf32>
    %mul3A_3837 = arith.mulf %get3A_3836, %squeeze3A_3802 : vector<16x512xf32>
    %add3A_3838 = arith.addf %add3A_3800, %mul3A_3837 : vector<16x512xf32>
    %slice3A_3839 = vector.extract_strided_slice %select_n3A {offsets = [19, 0, 0], sizes = [1, 16, 512], strides = [1, 1, 1]} : vector<20x16x512xf32> to vector<1x16x512xf32>
    %squeeze3A_3840 = vector.shape_cast %slice3A_3839 : vector<1x16x512xf32> to vector<16x512xf32>
    %get3A_3841 = arith.constant 0 : index
    %get3A_3842 = arith.constant 16 : index
    %get3A_3843 = arith.constant 19 : index
    %get3A_3844 = arith.constant 0 : index
    %get3A_3845 = arith.constant 0 : index
    %get3A_3846 = vector.load %arg1[%get3A_3841, %get3A_3842, %get3A_3843, %get3A_3844, %get3A_3845] : memref<1x20x20x16x512xf32, #tpu.memory_space<vmem>>, vector<1x1x1x16x512xf32>
    %get3A_3847 = vector.shape_cast %get3A_3846 : vector<1x1x1x16x512xf32> to vector<16x512xf32>
    %mul3A_3848 = arith.mulf %get3A_3847, %squeeze3A_3840 : vector<16x512xf32>
    %add3A_3849 = arith.addf %add3A_3811, %mul3A_3848 : vector<16x512xf32>
    %get3A_3850 = arith.constant 0 : index
    %get3A_3851 = arith.constant 17 : index
    %get3A_3852 = arith.constant 19 : index
    %get3A_3853 = arith.constant 0 : index
    %get3A_3854 = arith.constant 0 : index
    %get3A_3855 = vector.load %arg1[%get3A_3850, %get3A_3851, %get3A_3852, %get3A_3853, %get3A_3854] : memref<1x20x20x16x512xf32, #tpu.memory_space<vmem>>, vector<1x1x1x16x512xf32>
    %get3A_3856 = vector.shape_cast %get3A_3855 : vector<1x1x1x16x512xf32> to vector<16x512xf32>
    %mul3A_3857 = arith.mulf %get3A_3856, %squeeze3A_3840 : vector<16x512xf32>
    %add3A_3858 = arith.addf %add3A_3820, %mul3A_3857 : vector<16x512xf32>
    %get3A_3859 = arith.constant 0 : index
    %get3A_3860 = arith.constant 18 : index
    %get3A_3861 = arith.constant 19 : index
    %get3A_3862 = arith.constant 0 : index
    %get3A_3863 = arith.constant 0 : index
    %get3A_3864 = vector.load %arg1[%get3A_3859, %get3A_3860, %get3A_3861, %get3A_3862, %get3A_3863] : memref<1x20x20x16x512xf32, #tpu.memory_space<vmem>>, vector<1x1x1x16x512xf32>
    %get3A_3865 = vector.shape_cast %get3A_3864 : vector<1x1x1x16x512xf32> to vector<16x512xf32>
    %mul3A_3866 = arith.mulf %get3A_3865, %squeeze3A_3840 : vector<16x512xf32>
    %add3A_3867 = arith.addf %add3A_3829, %mul3A_3866 : vector<16x512xf32>
    %get3A_3868 = arith.constant 0 : index
    %get3A_3869 = arith.constant 19 : index
    %get3A_3870 = arith.constant 19 : index
    %get3A_3871 = arith.constant 0 : index
    %get3A_3872 = arith.constant 0 : index
    %get3A_3873 = vector.load %arg1[%get3A_3868, %get3A_3869, %get3A_3870, %get3A_3871, %get3A_3872] : memref<1x20x20x16x512xf32, #tpu.memory_space<vmem>>, vector<1x1x1x16x512xf32>
    %get3A_3874 = vector.shape_cast %get3A_3873 : vector<1x1x1x16x512xf32> to vector<16x512xf32>
    %mul3A_3875 = arith.mulf %get3A_3874, %squeeze3A_3840 : vector<16x512xf32>
    %add3A_3876 = arith.addf %add3A_3838, %mul3A_3875 : vector<16x512xf32>
    %reduce_sum3A_3877 = arith.constant dense<0.000000e+00> : vector<512xf32>
    %reduce_sum3A_3878 = vector.multi_reduction <add>, %add3A_3849, %reduce_sum3A_3877 [0] : vector<16x512xf32> to vector<512xf32>
    %reduce_sum3A_3879 = arith.constant dense<0.000000e+00> : vector<512xf32>
    %reduce_sum3A_3880 = vector.multi_reduction <add>, %add3A_3858, %reduce_sum3A_3879 [0] : vector<16x512xf32> to vector<512xf32>
    %reduce_sum3A_3881 = arith.constant dense<0.000000e+00> : vector<512xf32>
    %reduce_sum3A_3882 = vector.multi_reduction <add>, %add3A_3867, %reduce_sum3A_3881 [0] : vector<16x512xf32> to vector<512xf32>
    %reduce_sum3A_3883 = arith.constant dense<0.000000e+00> : vector<512xf32>
    %reduce_sum3A_3884 = vector.multi_reduction <add>, %add3A_3876, %reduce_sum3A_3883 [0] : vector<16x512xf32> to vector<512xf32>
    %stack3A = vector.shape_cast %reduce_sum3A_774 : vector<512xf32> to vector<1x512xf32>
    %stack3A_3885 = vector.shape_cast %reduce_sum3A_776 : vector<512xf32> to vector<1x512xf32>
    %stack3A_3886 = vector.shape_cast %reduce_sum3A_778 : vector<512xf32> to vector<1x512xf32>
    %stack3A_3887 = vector.shape_cast %reduce_sum3A_780 : vector<512xf32> to vector<1x512xf32>
    %stack3A_3888 = vector.shape_cast %reduce_sum3A_1550 : vector<512xf32> to vector<1x512xf32>
    %stack3A_3889 = vector.shape_cast %reduce_sum3A_1552 : vector<512xf32> to vector<1x512xf32>
    %stack3A_3890 = vector.shape_cast %reduce_sum3A_1554 : vector<512xf32> to vector<1x512xf32>
    %stack3A_3891 = vector.shape_cast %reduce_sum3A_1556 : vector<512xf32> to vector<1x512xf32>
    %stack3A_3892 = vector.shape_cast %reduce_sum3A_2326 : vector<512xf32> to vector<1x512xf32>
    %stack3A_3893 = vector.shape_cast %reduce_sum3A_2328 : vector<512xf32> to vector<1x512xf32>
    %stack3A_3894 = vector.shape_cast %reduce_sum3A_2330 : vector<512xf32> to vector<1x512xf32>
    %stack3A_3895 = vector.shape_cast %reduce_sum3A_2332 : vector<512xf32> to vector<1x512xf32>
    %stack3A_3896 = vector.shape_cast %reduce_sum3A_3102 : vector<512xf32> to vector<1x512xf32>
    %stack3A_3897 = vector.shape_cast %reduce_sum3A_3104 : vector<512xf32> to vector<1x512xf32>
    %stack3A_3898 = vector.shape_cast %reduce_sum3A_3106 : vector<512xf32> to vector<1x512xf32>
    %stack3A_3899 = vector.shape_cast %reduce_sum3A_3108 : vector<512xf32> to vector<1x512xf32>
    %stack3A_3900 = vector.shape_cast %reduce_sum3A_3878 : vector<512xf32> to vector<1x512xf32>
    %stack3A_3901 = vector.shape_cast %reduce_sum3A_3880 : vector<512xf32> to vector<1x512xf32>
    %stack3A_3902 = vector.shape_cast %reduce_sum3A_3882 : vector<512xf32> to vector<1x512xf32>
    %stack3A_3903 = vector.shape_cast %reduce_sum3A_3884 : vector<512xf32> to vector<1x512xf32>
    %stack3A_3904 = tpu.concatenate %stack3A, %stack3A_3885, %stack3A_3886, %stack3A_3887, %stack3A_3888, %stack3A_3889, %stack3A_3890, %stack3A_3891, %stack3A_3892, %stack3A_3893, %stack3A_3894, %stack3A_3895, %stack3A_3896, %stack3A_3897, %stack3A_3898, %stack3A_3899, %stack3A_3900, %stack3A_3901, %stack3A_3902, %stack3A_3903 in 0 : vector<1x512xf32>, vector<1x512xf32>, vector<1x512xf32>, vector<1x512xf32>, vector<1x512xf32>, vector<1x512xf32>, vector<1x512xf32>, vector<1x512xf32>, vector<1x512xf32>, vector<1x512xf32>, vector<1x512xf32>, vector<1x512xf32>, vector<1x512xf32>, vector<1x512xf32>, vector<1x512xf32>, vector<1x512xf32>, vector<1x512xf32>, vector<1x512xf32>, vector<1x512xf32>, vector<1x512xf32> -> vector<20x512xf32>
    %get3A_3905 = arith.constant 0 : index
    %get3A_3906 = arith.constant 0 : index
    %get3A_3907 = vector.load %arg5[%get3A_3905, %get3A_3906] : memref<8x512xf32, #tpu.memory_space<vmem>>, vector<1x512xf32>
    %get3A_3908 = arith.constant 0 : index
    %get3A_3909 = arith.constant 0 : index
    %get3A_3910 = vector.load %arg4[%get3A_3908, %get3A_3909] : memref<20x512xf32, #tpu.memory_space<vmem>>, vector<20x512xf32>
    %mul3A_3911 = vector.broadcast %get3A_3907 : vector<1x512xf32> to vector<20x512xf32>
    %mul3A_3912 = arith.mulf %get3A_3910, %mul3A_3911 : vector<20x512xf32>
    %add3A_3913 = arith.addf %mul3A_3912, %stack3A_3904 : vector<20x512xf32>
    %swap3A = arith.constant 0 : index
    %swap3A_3914 = arith.constant 0 : index
    %swap3A_3915 = vector.load %arg7[%swap3A, %swap3A_3914] : memref<20x512xf32, #tpu.memory_space<vmem>>, vector<20x512xf32>
    tpu.vector_store %arg7[%swap3A, %swap3A_3914], %add3A_3913 {strides = array<i32>} : memref<20x512xf32, #tpu.memory_space<vmem>>, vector<20x512xf32>,
    %get3A_3916 = arith.constant 0 : index
    %get3A_3917 = arith.constant 0 : index
    %get3A_3918 = vector.load %arg6[%get3A_3916, %get3A_3917] : memref<8x512xi32, #tpu.memory_space<vmem>>, vector<1x512xi32>
    %iota3A_3919 = tpu.iota {dimensions = array<i32: 0>} : vector<20x512xi32>
    %iota3A_3920 = tpu.iota {dimensions = array<i32: 1>} : vector<1x512xi32>
    %mul3A_3921 = arith.constant 512 : i32
    %mul3A_3922 = arith.muli %arg0, %mul3A_3921 : i32
    %add3A_3923 = vector.broadcast %mul3A_3922 : i32 to vector<1x512xi32>
    %add3A_3924 = arith.addi %iota3A_3920, %add3A_3923 : vector<1x512xi32>
    %eq3A_3925 = vector.broadcast %get3A_3918 : vector<1x512xi32> to vector<20x512xi32>
    %eq3A_3926 = arith.cmpi eq, %iota3A_3919, %eq3A_3925 : vector<20x512xi32>
    %lt3A = arith.constant 10000 : i32
    %lt3A_3927 = vector.broadcast %lt3A : i32 to vector<1x512xi32>
    %lt3A_3928 = arith.cmpi slt, %add3A_3924, %lt3A_3927 : vector<1x512xi32>
    %and3A = vector.broadcast %lt3A_3928 : vector<1x512xi1> to vector<20x512xi1>
    %and3A_3929 = arith.andi %eq3A_3926, %and3A : vector<20x512xi1>
    %mul3A_3930 = arith.constant 5.000000e-01 : f32
    %mul3A_3931 = vector.broadcast %mul3A_3930 : f32 to vector<20x512xf32>
    %mul3A_3932 = arith.mulf %mul3A_3931, %stack3A_3904 : vector<20x512xf32>
    %sub3A = arith.subf %add3A_3913, %mul3A_3932 : vector<20x512xf32>
    %jit3A_3933 = arith.constant 0.000000e+00 : f32
    %broadcast_in_dim3A_3934 = vector.broadcast %jit3A_3933 : f32 to vector<20x512xf32>
    %select_n3A_3935 = arith.select %and3A_3929, %sub3A, %broadcast_in_dim3A_3934 : vector<20x512xi1>, vector<20x512xf32>
    %reduce_sum3A_3936 = vector.shape_cast %select_n3A_3935 : vector<20x512xf32> to vector<1x20x512xf32>
    %reduce_sum3A_3937 = arith.constant dense<0.000000e+00> : vector<1xf32>
    %reduce_sum3A_3938 = vector.multi_reduction <add>, %reduce_sum3A_3936, %reduce_sum3A_3937 [1, 2] : vector<1x20x512xf32> to vector<1xf32>
    %reduce_sum3A_3939 = vector.shape_cast %reduce_sum3A_3938 : vector<1xf32> to vector<1x1x1xf32>
    %reduce_sum3A_3940 = vector.extract %reduce_sum3A_3939[0, 0, 0] : f32 from vector<1x1x1xf32>
    %eq3A_3941 = arith.constant 0 : i32
    %eq3A_3942 = arith.cmpi eq, %arg0, %eq3A_3941 : i32
    %convert_element_type3A = arith.extui %eq3A_3942 : i1 to i32
    %cond3A = arith.constant 0 : i32
    %cond3A_3943 = arith.cmpi ne, %convert_element_type3A, %cond3A : i32
    scf.if %cond3A_3943 {
      %broadcast_in_dim3A_3952 = arith.constant 0.000000e+00 : f32
      %broadcast_in_dim3A_3953 = vector.broadcast %broadcast_in_dim3A_3952 : f32 to vector<1x1xf32>
      %swap3A_3954 = arith.constant 0 : index
      %swap3A_3955 = arith.constant 0 : index
      %swap3A_3956 = vector.load %arg8[%swap3A_3954, %swap3A_3955] : memref<1x1xf32, #tpu.memory_space<vmem>>, vector<1x1xf32>
      tpu.vector_store %arg8[%swap3A_3954, %swap3A_3955], %broadcast_in_dim3A_3953 {strides = array<i32>} : memref<1x1xf32, #tpu.memory_space<vmem>>, vector<1x1xf32>,
    } else {
    }
    %get3A_3944 = arith.constant 0 : index
    %get3A_3945 = arith.constant 0 : index
    %get3A_3946 = vector.load %arg8[%get3A_3944, %get3A_3945] : memref<1x1xf32, #tpu.memory_space<vmem>>, vector<1x1xf32>
    %add3A_3947 = vector.broadcast %reduce_sum3A_3940 : f32 to vector<1x1xf32>
    %add3A_3948 = arith.addf %get3A_3946, %add3A_3947 : vector<1x1xf32>
    %swap3A_3949 = arith.constant 0 : index
    %swap3A_3950 = arith.constant 0 : index
    %swap3A_3951 = vector.load %arg8[%swap3A_3949, %swap3A_3950] : memref<1x1xf32, #tpu.memory_space<vmem>>, vector<1x1xf32>
    tpu.vector_store %arg8[%swap3A_3949, %swap3A_3950], %add3A_3948 {strides = array<i32>} : memref<1x1xf32, #tpu.memory_space<vmem>>, vector<1x1xf32>,
    return
  }
  func.func @transform_0(%arg0: i32) -> (i32, i32, i32, i32, i32) {
    %c0_i32 = arith.constant 0 : i32
    %c0_i32_0 = arith.constant 0 : i32
    %c0_i32_1 = arith.constant 0 : i32
    %c0_i32_2 = arith.constant 0 : i32
    %c0_i32_3 = arith.constant 0 : i32
    return %c0_i32, %c0_i32_0, %c0_i32_1, %c0_i32_2, %arg0 : i32, i32, i32, i32, i32
  }
  func.func @transform_1(%arg0: i32) -> (i32, i32) {
    %c0_i32 = arith.constant 0 : i32
    %c0_i32_0 = arith.constant 0 : i32
    return %c0_i32, %arg0 : i32, i32
  }
  func.func @transform_2(%arg0: i32) -> (i32, i32) {
    %c0_i32 = arith.constant 0 : i32
    %c0_i32_0 = arith.constant 0 : i32
    return %c0_i32, %arg0 : i32, i32
  }
  func.func @transform_3(%arg0: i32) -> (i32, i32) {
    %c0_i32 = arith.constant 0 : i32
    %c0_i32_0 = arith.constant 0 : i32
    return %c0_i32, %arg0 : i32, i32
  }
  func.func @transform_4(%arg0: i32) -> (i32, i32) {
    %c0_i32 = arith.constant 0 : i32
    %c0_i32_0 = arith.constant 0 : i32
    return %c0_i32, %arg0 : i32, i32
  }
  func.func @transform_5(%arg0: i32) -> (i32, i32) {
    %c0_i32 = arith.constant 0 : i32
    %c0_i32_0 = arith.constant 0 : i32
    return %c0_i32, %arg0 : i32, i32
  }
  func.func @transform_6(%arg0: i32) -> (i32, i32) {
    %c0_i32 = arith.constant 0 : i32
    %c0_i32_0 = arith.constant 0 : i32
    return %c0_i32, %arg0 : i32, i32
  }
  func.func @transform_7(%arg0: i32) -> (i32, i32) {
    %c0_i32 = arith.constant 0 : i32
    %c0_i32_0 = arith.constant 0 : i32
    %c0_i32_1 = arith.constant 0 : i32
    return %c0_i32, %c0_i32_0 : i32, i32
  }
}

</mosaic_0001>

<sc_bundles>
// kernel: kernel.4.cloned.1.call-start
scs
__scs_entry_jumppad:
0x0: {  	(pc) =	sbr.rel $0x88, $3  }
0x1: {  	(tag) =	ssettag $0x0;
	lr =	simm.s32 $0x1  }
0x2: {  	[smem:$0x3F9B] =	sst lr;
	_ =	strace $0xD0000000  }
0x3: {  	_ = 	snop  }
0x4: {  	_ = 	snop  }
0x5: {  	_ = 	snop  }
0x6: {  	_ = 	snop  }
0x7: {  	_ = 	snop  }
__scs_overlays_trampoline_lowered:
0x8: {  	[smem:$0x3FAA] =	sst s0  }
0x9: {  	[smem:$0x3FAB] =	sst s1  }
0xa: {  	[smem:$0x3FAC] =	sst s2  }
0xb: {  	[smem:$0x3FAD] =	sst s3  }
0xc: {  	[smem:$0x3FAE] =	sst s4  }
0xd: {  	[smem:$0x3FAF] =	sst s5  }
0xe: {  	[smem:$0x3FB0] =	sst s6  }
0xf: {  	[smem:$0x3FB1] =	sst s7  }
0x10: {  	[smem:$0x3FB2] =	sst s8  }
0x11: {  	[smem:$0x3FB3] =	sst s9;
	s0 =	simm.s32 @!p0 $0x0  }
0x12: {  	s1 =	sld [smem:$0x3F99];
	s0 =	simm.s32 @p0 $0x1  }
0x13: {  	[smem:$0x3FB4] =	sst s0;
	s0 =	simm.s32 @!p1 $0x0  }
0x14: {  	s2 =	sld [smem:$0x3F98];
	s0 =	simm.s32 @p1 $0x1  }
0x15: {  	[smem:$0x3FB5] =	sst s0;
	s0 =	simm.s32 @!p2 $0x0  }
0x16: {  	s3 =	sld [smem:$0x3FDB];
	s0 =	simm.s32 @p2 $0x1  }
0x17: {  	s4 =	simm.s32 $0x1BF5;
	[smem:$0x3FB7] =	sst s0  }
0x18: {  	s0 =	sld [smem:$0x3F9A];
	_ =	swait.ge [sflag:s4], $0x0  }
0x19: {  	s7 =	sld [smem:$0x3F9B]  }
0x1a: {  	s8 =	sadd.s32 $0xFFFFE003, lr  }
0x1b: {  	s9 =	sadd.s32 $0xFFFFFEF7, lr;
	s5 =	simm.s32 $0xFFFFFFFF;
	p2 =	slt.u32 s8, $0xFFFFF086  }
0x1c: {  	p1 =	slt.u32 s9, $0xF7A;
	s5 =	simm.s32 @!p2 $0x0  }
0x1d: {  	s5 =	simm.s32 @p1 $0x1;
	p0 =	seq.s32 s7, s2  }
0x1e: {  	s7 =	smul.u32 @!p0 $0xF7A, s2;
	p2 =	seq.s32 @!p0 s5, $0x0  }
0x1f: {  	s9 =	smul.u32 $0xF7A, s1;
	s8 =	simm.s32 @!p0 $0x1BF5;
	p2 =	por !p2, p0  }
0x20: {  	[sflag:s8] =	ssyncset.s32 @!p0 $0xFFFFF086;
	s6 =	sadd.s32 @!p0 s3, s7;
	s7 =	simm.s32 @!p0 $0x108  }
0x21: {  	s3 =	sadd.s32 s3, s9;
	s6 =	sadd.s32 @!p0 $0x88, s6;
	s7 =	simm.s32 @p2 $0x1082  }
0x22: {  	[simem:s7], [sflag:s8] =	dma.local @!p0 [hbm:s6], $0xF7A  }
0x23: {  	s9 =	sor.u32 $0xD0000000, s2;
	s6 =	simm.s32 $0x108;
	_ =	swait.ge @!p0 [sflag:s8], $0x0  }
0x24: {  	s3 =	sadd.s32 $0x88, s3;
	s6 =	simm.s32 @!p1 $0x1082;
	[sflag:s4] =	ssyncset.s32 $0xFFFFF086  }
0x25: {  	[simem:s6], [sflag:s4] =	dma.local [hbm:s3], $0xF7A  }
0x26: {  	[smem:$0x3F9B] =	sst s1;
	(tag) =	ssettag s2;
	_ =	strace s9  }
0x27: {  	s1 =	sld [smem:$0x3FAB]  }
0x28: {  	s2 =	sld [smem:$0x3FAC]  }
0x29: {  	s4 =	sld [smem:$0x3FAE]  }
0x2a: {  	p0 =	seq.s32 s5, $0x0;
	s5 =	sld [smem:$0x3FAF]  }
0x2b: {  	s6 =	sld [smem:$0x3FB0]  }
0x2c: {  	s7 =	sld [smem:$0x3FB1]  }
0x2d: {  	s3 =	simm.s32 $0x108;
	s8 =	sld [smem:$0x3FB2]  }
0x2e: {  	s3 =	simm.s32 @!p0 $0x1082;
	s9 =	sld [smem:$0x3FB3]  }
0x2f: {  	lr =	sadd.s32 s0, s3;
	s0 =	sld [smem:$0x3FAA]  }
0x30: {  	s3 =	sld [smem:$0x3FAD]  }
0x31: {  	[smem:$0x3FB6] =	sst s10  }
0x32: {  	s10 =	sld [smem:$0x3FB4];
	_ =	sdelay $0x3  }
0x33: {  	p0 =	seq.s32 s10, $0x1;
	s10 =	sld [smem:$0x3FB6];
	_ =	sdelay $0x3  }
0x34: {  	[smem:$0x3FB6] =	sst s10  }
0x35: {  	s10 =	sld [smem:$0x3FB5];
	_ =	sdelay $0x3  }
0x36: {  	p1 =	seq.s32 s10, $0x1;
	s10 =	sld [smem:$0x3FB6];
	_ =	sdelay $0x3  }
0x37: {  	[smem:$0x3FB6] =	sst s10  }
0x38: {  	s10 =	sld [smem:$0x3FB7]  }
0x39: {  	_ = 	snop;
	(pc) =	sbr.ind lr, $3  }
0x3a: {  	_ = 	snop  }
0x3b: {  	_ = 	snop  }
0x3c: {  	p2 =	seq.s32 s10, $0x1;
	s10 =	sld [smem:$0x3FB6]  }
0x3d: {  	_ =	shalt  }
0x3e: {  	_ =	shalt  }
0x3f: {  	_ =	shalt  }
0x40: {  	_ =	shalt  }
0x41: {  	_ =	shalt  }
0x42: {  	_ =	shalt  }
0x43: {  	_ =	shalt  }
0x44: {  	_ =	shalt  }
0x45: {  	_ =	shalt  }
0x46: {  	_ =	shalt  }
0x47: {  	_ =	shalt  }
0x48: {  	_ =	shalt  }
0x49: {  	_ =	shalt  }
0x4a: {  	_ =	shalt  }
0x4b: {  	_ =	shalt  }
0x4c: {  	_ =	shalt  }
0x4d: {  	_ =	shalt  }
0x4e: {  	_ =	shalt  }
0x4f: {  	_ =	shalt  }
0x50: {  	_ =	shalt  }
0x51: {  	_ =	shalt  }
0x52: {  	_ =	shalt  }
0x53: {  	_ =	shalt  }
0x54: {  	_ =	shalt  }
0x55: {  	_ =	shalt  }
0x56: {  	_ =	shalt  }
0x57: {  	_ =	shalt  }
0x58: {  	_ =	shalt  }
0x59: {  	_ =	shalt  }
0x5a: {  	_ =	shalt  }
0x5b: {  	_ =	shalt  }
0x5c: {  	_ =	shalt  }
0x5d: {  	_ =	shalt  }
0x5e: {  	_ =	shalt  }
0x5f: {  	_ =	shalt  }
0x60: {  	_ =	shalt  }
0x61: {  	_ =	shalt  }
0x62: {  	_ =	shalt  }
0x63: {  	_ =	shalt  }
0x64: {  	_ =	shalt  }
0x65: {  	_ =	shalt  }
0x66: {  	_ =	shalt  }
0x67: {  	_ =	shalt  }
0x68: {  	_ =	shalt  }
0x69: {  	_ =	shalt  }
0x6a: {  	_ =	shalt  }
0x6b: {  	_ =	shalt  }
0x6c: {  	_ =	shalt  }
0x6d: {  	_ =	shalt  }
0x6e: {  	_ =	shalt  }
0x6f: {  	_ =	shalt  }
0x70: {  	_ =	shalt  }
0x71: {  	_ =	shalt  }
0x72: {  	_ =	shalt  }
0x73: {  	_ =	shalt  }
0x74: {  	_ =	shalt  }
0x75: {  	_ =	shalt  }
0x76: {  	_ =	shalt  }
0x77: {  	_ =	shalt  }
0x78: {  	_ =	shalt  }
0x79: {  	_ =	shalt  }
0x7a: {  	_ =	shalt  }
0x7b: {  	_ =	shalt  }
0x7c: {  	_ =	shalt  }
0x7d: {  	_ =	shalt  }
0x7e: {  	_ =	shalt  }
0x7f: {  	_ =	shalt  }
0x80: {  	_ =	shalt  }
0x81: {  	_ =	shalt  }
0x82: {  	_ =	shalt  }
0x83: {  	_ =	shalt  }
0x84: {  	_ =	shalt  }
0x85: {  	_ =	shalt  }
0x86: {  	_ =	shalt  }
0x87: {  	_ =	shalt  }
.Lfunc_end0:
.L_simem_size_0:
called_computation_lowered:
.L_overlay_start_0:
0x88: {  	s2 =	sld [smem:$0x3FD9]  }
0x89: {  	s3 =	sld [smem:$0x3FFE];
	_ =	sdelay $0x1  }
0x8a: {  	s1 =	srdreg.scid  }
0x8b: {  	s0 =	sand.u32 $0x1, s1  }
0x8c: {  	s14 =	sshll.u32 s0, $0xA;
	s2 =	sadd.s32 s3, s2  }
0x8d: {  	s2 =	sadd.s32 s2, s14  }
0x8e: {  	[smem:$0x3FC2] =	sst s2  }
0x8f: {  	_ = 	snop  }
0x90: {  	s2 =	sld [smem:$0x3FD0];
	_ =	sdelay $0x2  }
0x91: {  	s15 =	simm.s32 $0xA;
	s4 =	simm.s32 $0x10  }
0x92: {  	[smem:s4], [sflag:s15] =	dma.local [hbm:s2], $0x1  }
0x93: {  	_ =	swait.eq [sflag:s15], $0x1  }
0x94: {  	[sflag:s15] =	ssyncset.done $0x0  }
0x95: {  	[sflag:s15] =	ssyncadd.s32 $0xFFFFFFFF  }
0x96: {  	s16 =	sld [smem:$0x11];
	(tm) =	ssettm $0x1  }
0x97: {  	s17 =	sld [smem:$0x3FFB];
	_ =	sdelay $0x3  }
0x98: {  	_ =	strace s17  }
0x99: {  	s3 =	sld [smem:$0x3FFC];
	_ =	sdelay $0x3  }
0x9a: {  	_ =	strace s3  }
0x9b: {  	s3 =	sld [smem:$0x3FFD];
	_ =	sdelay $0x3  }
0x9c: {  	_ =	strace s3  }
0x9d: {  	_ =	strace $0x8FFFFFFF  }
0x9e: {  	s18 =	sld [smem:$0x3FDB];
	_ =	sdelay $0x1  }
0x9f: {  	s19 =	simm.s32 $_scs_section_size  }
0xa0: {  	s5 =	simm.s32 $_size__tile_overlayer_lowered;
	s6 =	simm.s32 $_tile_overlayer_lowered  }
0xa1: {  	s22 =	simm.s32 $0x1BFF;
	s21 =	sshll.u32 s6, $0x1;
	s3 =	sadd.s32 s19, s18  }
0xa2: {  	s7 =	simm.s32 $0x0;
	s20 =	sshll.u32 s5, $0x1;
	s5 =	sadd.s32 s21, s3  }
0xa3: {  	[timem:s7], [sflag:s22] =	dma.local [hbm:s5], s20  }
0xa4: {  	_ =	swait.ge [sflag:s22], s20  }
0xa5: {  	s4 =	ssub.s32 $0x0, s20;
	[sflag:s22] =	ssyncset.done $0x0  }
0xa6: {  	[sflag:s22] =	ssyncadd.s32 s4;
	_ =	sdelay $0x1  }
0xa7: {  	s23 =	simm.s32 $0x1B8B  }
0xa8: {  	_ =	swait.ge [sflag:s23], $0x1  }
0xa9: {  	[sflag:s23] =	ssyncset.done $0x0  }
0xaa: {  	s25 =	simm.s32 $0x1B8E;
	s24 =	sld [smem:$0x3FFE];
	[sflag:s23] =	ssyncadd.s32 $0xFFFFFFFF  }
0xab: {  	s26 =	simm.s32 $execute0_lowered;
	[smem:$0x3FD2] =	sst s25  }
0xac: {  	s5 =	sshll.u32 s26, $0x1;
	_ =	strace $0x80000046;
	[dreg:$0x1] =	wrdreg $0xFFFFFFFF  }
0xad: {  	s28 =	simm.s32 $_size_execute0_lowered;
	s3 =	sadd.s32 s3, s5;
	[dreg:$0x0] =	wrdreg $0x0  }
0xae: {  	s5 =	sshll.u32 s28, $0x1;
	[dreg:$0x2] =	wrdreg s3  }
0xaf: {  	[dreg:$0x3] =	wrdreg s5  }
0xb0: {  	[dreg:$0x4] =	wrdreg $0xC0  }
0xb1: {  	_ =	task [dreg:s7], $0x5FFFF  }
0xb2: {  	[dreg:$0x1] =	wrdreg $0xFFFFFFFF  }
0xb3: {  	[dreg:$0x0] =	wrdreg $0x60  }
0xb4: {  	[dreg:$0x2] =	wrdreg s24  }
0xb5: {  	[dreg:$0x3] =	wrdreg s16  }
0xb6: {  	[dreg:$0x4] =	wrdreg $0x9  }
0xb7: {  	_ =	task.clear_ibuf [dreg:s7], $0x5FFFF;
	_ =	strace $0x90000046  }
0xb8: {  	s29 =	simm.s32 $0x9;
	_ =	strace $0x80000048  }
0xb9: {  	_ =	swait.ge [sflag:s29], $0x1  }
0xba: {  	[sflag:s29] =	ssyncadd.s32 $0xFFFFFFFF  }
0xbb: {  	_ =	strace $0x90000048  }
0xbc: {  	_ =	sfence  }
0xbd: {  	s30 =	sld [smem:$0x0];
	_ =	sdelay $0x2  }
0xbe: {  	s31 =	sshll.u32 s1, $0xD;
	s1 =	sshrl.u32 s1, $0x2  }
0xbf: {  	s3 =	sand.u32 $0x4000, s31;
	s1 =	sadd.s32 s1, s30  }
0xc0: {  	s0 =	sor.u32 s3, s0;
	s1 =	sshll.u32 s1, $0x11  }
0xc1: {  	s0 =	sor.u32 s1, s0  }
0xc2: {  	s0 =	sadd.s32 $0x8F2B, s0  }
0xc3: {  	[sflag:s0] =	ssyncadd.remote.s32 $0x1  }
0xc4: {  	_ =	sfence.sel $0xFFFF  }
0xc5: {  	[dreg:$0x0] =	wrdreg $0xFFFFFFFF;
	(pc) =	sbr.abs _section_cstart, $3  }
0xc6: {  	[dreg:$0x1] =	wrdreg $0xFFFFFFFF  }
0xc7: {  	_ =	task.clear_ibuf [dreg:s7], $0x2FFFF;
	_ =	strace $0x9FFFFFFF  }
0xc8: {  	(tm) =	ssettm $0x7FFFFFFF  }
0xc9: {  	_ =	shalt  }
tec
execute0_lowered:
.L_overlay_start_1:
0x0: {  	(tag) =	ssettag $0x1  }
0x1: {  	s2 =	rddreg [dreg:$0x0];
	s1 =	srdreg.scid  }
0x2: {  	s0 =	stileid.u32;
	s4 =	rddreg [dreg:$0x1];
	s3 =	simm.s32 $0x0  }
0x3: {  	s9 =	simm.s32 $0x3B80;
	s5 =	sand.u32 $0x1, s1;
	s6 =	sshll.u32 s0, $0x1  }
0x4: {  	s10 =	simm.s32 $0x0;
	s6 =	sor.u32 s5, s6;
	s5 =	ssub.s32 $0x2, s5  }
0x5: {  	[smem:$0x7FF] =	sst s3;
	s6 =	smul.u32 $0x271, s6;
	s7 =	sshrl.u32 s5, $0x1  }
0x6: {  	s1 =	rddreg [dreg:$0x2];
	_ =	strace $0x80000047;
	s7 =	ssub.s32 s5, s7  }
0x7: {  	s8 =	sadd.s32 s6, s2;
	s4 =	sadd.s32 s4, s6;
	s6 =	smax.u32 s7, $0x1  }
0x8: {  	vm0 =	vmmov $0xff;
	s7 =	simm.s32 $0x1;
	s5 =	sadd.s32 $0x600, s8;
	s8 =	simm.s32 $0x2780  }
.LBB2_1:
0x9: {  	[tilespmem:s3], [sflag:$0x1] =	stream.linear.gather [hbm4b:s2+s3], $0x2780, $0x38;
	[tilespmem:$0x4F80] =	vst v63  }
0xa: {  	_ =	swait.ge [sflag:s7], $0x2780  }
0xb: {  	[sflag:s7] =	ssyncset.done $0x0  }
0xc: {  	[sflag:s7] =	ssyncadd.s32 $0xFFFFD880  }
0xd: {  	[tilespmem:s8], [sflag:$0x1] =	stream.linear.gather [hbm4b:s4+s3], $0x1388, $0x38;
	[tilespmem:$0x4F80] =	vst v63  }
0xe: {  	_ =	swait.ge [sflag:s7], $0x1388  }
0xf: {  	[sflag:s7] =	ssyncset.done $0x0  }
0x10: {  	s11 =	simm.s32 $0x27C0;
	[sflag:s7] =	ssyncadd.s32 $0xFFFFEC78  }
0x11: {  	v0 =	vld [tilespmem:s11+$0x30]  }
0x12: {  	v1 =	vld [tilespmem:s11+$0xFFFFFFD0]  }
0x13: {  	v2 =	vld [tilespmem:s11+$0xFFFFFFE0]  }
0x14: {  	v3 =	vld [tilespmem:s11+$0xFFFFFFF0]  }
0x15: {  	v4 =	vld [tilespmem:s11+$0x0]  }
0x16: {  	v6 =	vld [tilespmem:s11+$0x10]  }
0x17: {  	v7 =	vld [tilespmem:s11+$0x20]  }
0x18: {  	v8 =	vld [tilespmem:s11+$0xFFFFFFC0]  }
0x19: {  	v9 =	vld.idx.msk [tilespmem:v0+s3+$0x0], $0xffff  }
0x1a: {  	v10 =	vld.idx.msk [tilespmem:v1+s3+$0x0], $0xffff  }
0x1b: {  	v5 =	vld.idx.msk [tilespmem:v2+s3+$0x0], $0xffff  }
0x1c: {  	v3 =	vld.idx.msk [tilespmem:v3+s3+$0x0], $0xffff  }
0x1d: {  	v0 =	vld.idx.msk [tilespmem:v4+s3+$0x0], $0xffff  }
0x1e: {  	s11 =	simm.s32 $0x3BC0;
	v1 =	vld.idx.msk [tilespmem:v6+s3+$0x0], $0xffff  }
0x1f: {  	v2 =	vld.idx.msk [tilespmem:v7+s3+$0x0], $0xffff;
	[tilespmem:s11+$0x30] =	vst v9  }
0x20: {  	s12 =	simm.s32 $0x0;
	s13 =	simm.s32 $0x2840;
	v4 =	vld.idx.msk [tilespmem:v8+s3+$0x0], $0xffff;
	[tilespmem:s11+$0xFFFFFFD0] =	vst v10  }
.LBB2_2:
0x21: {  	v6 =	vld [tilespmem:s13+$0x30];
	s12 =	sadd.s32 $0x8, s12;
	[tilespmem:s11+$0xFFFFFFE0] =	vst v5  }
0x22: {  	v5 =	vld [tilespmem:s13+$0xFFFFFFD0];
	p0 =	slt.u32 s12, $0x130;
	[tilespmem:s11+$0xFFFFFFF0] =	vst v3  }
0x23: {  	v3 =	vld [tilespmem:s13+$0xFFFFFFE0];
	[tilespmem:s11+$0x0] =	vst v0  }
0x24: {  	v0 =	vld [tilespmem:s13+$0xFFFFFFF0];
	[tilespmem:s11+$0x10] =	vst v1  }
0x25: {  	v1 =	vld [tilespmem:s13+$0x0];
	[tilespmem:s11+$0x20] =	vst v2  }
0x26: {  	v2 =	vld [tilespmem:s13+$0x10];
	[tilespmem:s11+$0xFFFFFFC0] =	vst v4  }
0x27: {  	v4 =	vld [tilespmem:s13+$0x20]  }
0x28: {  	v7 =	vld [tilespmem:s13+$0xFFFFFFC0]  }
0x29: {  	v6 =	vld.idx.msk [tilespmem:v6+s3+$0x0], $0xffff  }
0x2a: {  	v8 =	vld.idx.msk [tilespmem:v5+s3+$0x0], $0xffff  }
0x2b: {  	v5 =	vld.idx.msk [tilespmem:v3+s3+$0x0], $0xffff  }
.Ltmp0:
0x2c: {  	v3 =	vld.idx.msk [tilespmem:v0+s3+$0x0], $0xffff;
	(pc) =	sbr.rel @p0 .LBB2_2-.Ltmp0, $4  }
0x2d: {  	v0 =	vld.idx.msk [tilespmem:v1+s3+$0x0], $0xffff  }
0x2e: {  	s11 =	sadd.s32 $0x80, s11;
	v1 =	vld.idx.msk [tilespmem:v2+s3+$0x0], $0xffff  }
0x2f: {  	v2 =	vld.idx.msk [tilespmem:v4+s3+$0x0], $0xffff;
	[tilespmem:s11+$0x30] =	vst v6  }
0x30: {  	s13 =	sadd.s32 $0x80, s13;
	v4 =	vld.idx.msk [tilespmem:v7+s3+$0x0], $0xffff;
	[tilespmem:s11+$0xFFFFFFD0] =	vst v8  }
0x31: {  	[tilespmem:s11+$0xFFFFFFE0] =	vst v5  }
0x32: {  	[tilespmem:s11+$0xFFFFFFF0] =	vst v3  }
0x33: {  	[tilespmem:s11+$0x0] =	vst v0  }
0x34: {  	[tilespmem:s11+$0x10] =	vst v1  }
0x35: {  	[tilespmem:s11+$0x20] =	vst v2  }
0x36: {  	[tilespmem:s11+$0xFFFFFFC0] =	vst v4  }
0x37: {  	v0 =	vld [tilespmem:$0x3B00];
	_ =	sdelay $0x4  }
0x38: {  	v0 =	vnsel vm0, $0x0, v0;
	_ =	sdelay $0x4  }
0x39: {  	v0 =	vld.idx.msk [tilespmem:v0+s3+$0x0], $0xffff;
	_ =	sdelay $0x2  }
0x3a: {  	s10 =	sadd.s32 $0x1, s10  }
0x3b: {  	p0 =	sne.s32 s10, s6  }
.Ltmp1:
0x3c: {  	[tilespmem:$0x4F00] =	vst v0;
	(pc) =	sbr.rel @p0 .LBB2_1-.Ltmp1, $4  }
0x3d: {  	[hbm4b:s5+s3] =	stream.linear.scatter [tilespmem:s9], [sflag:$0x1], $0x1388, $0x38;
	[tilespmem:$0x4F80] =	vst v63  }
0x3e: {  	_ =	swait.ge [sflag:s7], $0x1388  }
0x3f: {  	[sflag:s7] =	ssyncset.done $0x0  }
0x40: {  	[sflag:s7] =	ssyncadd.s32 $0xFFFFEC78  }
0x41: {  	_ =	sfence.sel $0x180000  }
0x42: {  	[bflag:$0x0] =	sbarrier.arrive $0xFFFF  }
0x43: {  	p0 =	sne.s32 s0, $0x0;
	_ =	strace $0x90000047  }
0x44: {  	s0 =	sadd.s32 @!p0 $0x100000, s1;
	[bflag:$0x2] =	sbarrier.arrive $0xFFFF  }
0x45: {  	[sflag:s0] =	ssyncadd.tile.s32 @!p0 $0x1;
	_ =	shalt  }
.Lfunc_end2:
_tile_overlayer_lowered:
.L_overlay_start_2:
0x46: {  	(tag) =	ssettag $0x2  }
0x47: {  	s0 =	rddreg [dreg:$0x0];
	s2 =	stileid.u32  }
0x48: {  	s1 =	rddreg [dreg:$0x1];
	p0 =	sne.s32 s2, $0x0  }
0x49: {  	s3 =	rddreg [dreg:$0x2];
	[bflag:$0x3] =	sbarrier.arrive $0xFFFF;
	s2 =	simm.s32 @!p0 $0x1C01  }
0x4a: {  	[timem:s3], [sflag:s2] =	dma.local @!p0 [hbm:s0], s1  }
0x4b: {  	s0 =	simm.s32 @!p0 $0x1  }
0x4c: {  	_ =	swait.ge @!p0 [sflag:s0], s1  }
0x4d: {  	s1 =	ssub.s32 @!p0 $0x0, s1;
	[sflag:s0] =	ssyncset.done @!p0 $0x0  }
0x4e: {  	[sflag:s0] =	ssyncadd.s32 @!p0 s1  }
0x4f: {  	[bflag:$0x3] =	sbarrier.arrive $0xFFFF  }
0x50: {  	_ =	shalt  }

</sc_bundles>
